<compile_context>
chip_gen: v7x
topology: tpu7x:2x2x1
jax: 0.10.2.dev20260603
libtpu: 0.0.44.dev20260713+nightly
codegen_flags: <defaults>
</compile_context>

<pallas_src>
import jax
import jax.numpy as jnp
from jax import lax
from jax.experimental import pallas as pl
from jax.experimental.pallas import tpu as pltpu
from jax.experimental.pallas import tpu_sc as plsc

NC = 2
NS = 16
CH = 128
KC = 8
KL = 14
SL = 6
HALF = 32
LB = 1024
NLAYER = 3

_MESH = plsc.VectorSubcoreMesh(
    core_axis_name="c", subcore_axis_name="s", num_cores=NC, num_subcores=NS
)
_SC_PARAMS = pltpu.CompilerParams(use_tc_tiling_on_sc=False)


def _hist_sc(e_all, nr, cpt):
    stripe = nr // NS
    qrt = stripe // 8

    @pl.kernel(
        out_type=jax.ShapeDtypeStruct((NC * nr, HALF), jnp.float32),
        mesh=_MESH,
        compiler_params=_SC_PARAMS,
        scratch_types=[
            pltpu.VMEM_SHARED((nr, HALF), jnp.float32),
            pltpu.VMEM((KC, CH), jnp.int32),
            pltpu.VMEM((CH, HALF), jnp.float32),
            pltpu.VMEM((qrt, HALF), jnp.float32),
            pltpu.SemaphoreType.DMA,
        ],
    )
    def hist(e_ref, deg_ref, acc, ibuf, ones_v, stage, sem):
        c = lax.axis_index("c")
        s = lax.axis_index("s")

        @pl.loop(0, qrt)
        def _(i):
            @pl.loop(0, HALF, step=16)
            def _(q):
                stage[i, pl.ds(q, 16)] = jnp.zeros((16,), jnp.float32)

        @pl.loop(0, CH)
        def _(i):
            @pl.loop(0, HALF, step=16)
            def _(q):
                ones_v[i, pl.ds(q, 16)] = jnp.ones((16,), jnp.float32)

        @pl.loop(0, 8)
        def _(q):
            pltpu.sync_copy(stage, acc.at[pl.ds(s * stripe + q * qrt, qrt)])

        plsc.subcore_barrier()

        @pl.loop(0, cpt // KC)
        def _(j):
            pltpu.sync_copy(e_ref.at[c, s, pl.ds(j * KC, KC)], ibuf)
            descs = [
                pltpu.async_copy(ones_v, acc.at[ibuf.at[k]], sem, add=True)
                for k in range(KC)
            ]
            for d in descs:
                d.wait()

        plsc.subcore_barrier()

        @pl.loop(0, 8)
        def _(q):
            pltpu.sync_copy(acc.at[pl.ds(s * stripe + q * qrt, qrt)], stage)
            pltpu.sync_copy(
                stage, deg_ref.at[pl.ds(c * nr + s * stripe + q * qrt, qrt)]
            )

    return hist(e_all)


def _layer_sc(src2, dstp, g2, nr, cpt):
    stripe = nr // NS
    qrt = stripe // 64

    @pl.kernel(
        out_type=jax.ShapeDtypeStruct((NC * nr, HALF), jnp.float32),
        mesh=_MESH,
        compiler_params=_SC_PARAMS,
        scratch_types=[
            pltpu.VMEM_SHARED((nr, HALF), jnp.float32),
            pltpu.VMEM((SL, CH, HALF), jnp.float32),
            pltpu.VMEM((KL, CH), jnp.int32),
            pltpu.VMEM((KL, CH), jnp.int32),
            pltpu.VMEM((qrt, HALF), jnp.float32),
            pltpu.SemaphoreType.DMA,
        ],
    )
    def layer(s_ref, d_ref, g_ref, agg_ref, acc, sbuf, isrc, idst, stage, sem):
        c = lax.axis_index("c")
        s = lax.axis_index("s")

        @pl.loop(0, qrt)
        def _(i):
            @pl.loop(0, HALF, step=16)
            def _(q):
                stage[i, pl.ds(q, 16)] = jnp.zeros((16,), jnp.float32)

        @pl.loop(0, 64)
        def _(q):
            pltpu.sync_copy(stage, acc.at[pl.ds(s * stripe + q * qrt, qrt)])

        plsc.subcore_barrier()

        @pl.loop(0, cpt // KL)
        def _(j):
            pltpu.sync_copy(s_ref.at[c, s, pl.ds(j * KL, KL)], isrc)
            pltpu.sync_copy(d_ref.at[s, pl.ds(j * KL, KL)], idst)
            descs = [
                pltpu.async_copy(g_ref.at[isrc.at[t]], sbuf.at[t], sem)
                for t in range(SL)
            ]
            for k in range(KL):
                descs[k % SL].wait()
                pltpu.sync_copy(
                    sbuf.at[k % SL], acc.at[idst.at[k]], add=True
                )
                if k + SL < KL:
                    descs[k % SL] = pltpu.async_copy(
                        g_ref.at[isrc.at[k + SL]], sbuf.at[k % SL], sem
                    )

        plsc.subcore_barrier()

        @pl.loop(0, 64)
        def _(q):
            pltpu.sync_copy(acc.at[pl.ds(s * stripe + q * qrt, qrt)], stage)
            pltpu.sync_copy(
                stage, agg_ref.at[pl.ds(c * nr + s * stripe + q * qrt, qrt)]
            )

    return layer(src2, dstp, g2)


def _ew_call(body, out_shape, *args):
    rr = args[0].shape[1]
    rb = LB * HALF // 128
    specs = [
        pl.BlockSpec((NC, rb, 128), lambda b: (0, b, 0)) for _ in args
    ]
    return pl.pallas_call(
        body,
        grid=(rr // rb,),
        in_specs=specs,
        out_specs=pl.BlockSpec(
            (NC, rb, 128) if len(out_shape) == 3 else (rb, 128),
            (lambda b: (0, b, 0)) if len(out_shape) == 3 else (lambda b: (b, 0)),
        ),
        out_shape=jax.ShapeDtypeStruct(out_shape, jnp.float32),
    )(*args)


def _prep_tc(h0h, degx, rr):

    def body(h_ref, d_ref, o_ref):
        csrc = lax.rsqrt(jnp.maximum(d_ref[0], 1.0))
        o_ref[...] = h_ref[...] * csrc[None]

    return _ew_call(body, (NC, rr, 128), h0h, degx)


def _scale_tc(agg, degx, rr):

    def body(a_ref, d_ref, o_ref):
        co = lax.rsqrt(jnp.maximum(d_ref[0], 1.0)) * lax.rsqrt(
            jnp.maximum(d_ref[1], 1.0)
        )
        o_ref[...] = a_ref[...] * co[None]

    return _ew_call(body, (NC, rr, 128), agg, degx)


def _final_tc(h0h, a0, a1, a2, degx, rr):

    def body(h_ref, a0_ref, a1_ref, a2_ref, d_ref, o_ref):
        cdst = lax.rsqrt(jnp.maximum(d_ref[1], 1.0))
        ssum = a0_ref[...] + a1_ref[...] + a2_ref[...]
        o_ref[...] = (h_ref[...] + ssum * cdst[None]) * 0.25

    return _ew_call(body, (NC, rr, 128), h0h, a0, a1, a2, degx)


def kernel(edge_index, user_emb, item_emb):
    nu, d_full = user_emb.shape
    ni = item_emb.shape[0]
    n = nu + ni
    e = edge_index.shape[1]

    nr = ((n + NS + LB - 1) // LB) * LB
    ndump = nr - n
    gran = KC * KL // 2
    cpt = ((e + NS * CH - 1) // (NS * CH) + gran - 1) // gran * gran
    epad = NS * cpt * CH
    rr = nr * HALF // 128

    src = edge_index[0]
    dst = edge_index[1]
    pad_idx = n + (jnp.arange(epad - e, dtype=jnp.int32) % ndump)
    srcp = jnp.concatenate([src, pad_idx]).reshape(NS, cpt, CH)
    dstp = jnp.concatenate([dst, pad_idx]).reshape(NS, cpt, CH)
    src2 = jnp.stack([srcp, srcp + nr])
    e_all = jnp.stack([srcp, dstp])

    degx = _hist_sc(e_all, nr, cpt).reshape(NC, rr, 128)

    h0 = jnp.concatenate([user_emb, item_emb], axis=0)
    h0p = jnp.pad(h0, ((0, nr - n), (0, 0)))
    h0h = jnp.stack([h0p[:, :HALF], h0p[:, HALF:]]).reshape(NC, rr, 128)

    g = _prep_tc(h0h, degx, rr)
    aggs = []
    for layer_i in range(NLAYER):
        agg = _layer_sc(src2, dstp, g.reshape(NC * nr, HALF), nr, cpt)
        agg = agg.reshape(NC, rr, 128)
        aggs.append(agg)
        if layer_i < NLAYER - 1:
            g = _scale_tc(agg, degx, rr)

    outh = _final_tc(h0h, aggs[0], aggs[1], aggs[2], degx, rr)
    outf = jnp.transpose(outh.reshape(NC, nr, HALF), (1, 0, 2)).reshape(nr, d_full)
    return outf[:nu], outf[nu:n]

# --- scband reference (transcript-rebuilt; emitter-appended) ---
"""Pipeline reference for scband-light-gcn-86131274154844 (READ-ONLY COPY).

The authoritative reference and input builder live on the scoring server;
editing this copy changes nothing except your own understanding.
"""

import jax, jax.numpy as jnp
import numpy as np

NUM_USERS = 25000
NUM_ITEMS = 25000
N = NUM_USERS + NUM_ITEMS
E = 800000
D = 64
N_LAYERS = 3


def setup_inputs(seed: int = 0) -> dict:
    key = jax.random.key(seed)
    k1, k2, k3 = jax.random.split(key, 3)
    edge_index = jax.random.randint(k1, (2, E), 0, N, dtype=jnp.int32)
    # nn.init.normal_(std=0.1) embedding tables
    user_emb = 0.1 * jax.random.normal(k2, (NUM_USERS, D), dtype=jnp.float32)
    item_emb = 0.1 * jax.random.normal(k3, (NUM_ITEMS, D), dtype=jnp.float32)
    return {"edge_index": edge_index, "user_emb": user_emb, "item_emb": item_emb}


def _gcn_layer(h, src, dst, norm_src, norm_dst):
    # DGL GraphConv(weight=False, bias=False, norm='both'):
    # h_src scaled by out-deg^{-1/2}, sum-aggregated to dst, scaled by in-deg^{-1/2}
    m = h * norm_src[:, None]
    msg = jnp.take(m, src, axis=0)
    agg = jax.ops.segment_sum(msg, dst, num_segments=N)
    return agg * norm_dst[:, None]


def reference(edge_index, user_emb, item_emb):
    src = edge_index[0]
    dst = edge_index[1]
    deg_out = jnp.bincount(src, length=N).astype(jnp.float32)
    deg_in = jnp.bincount(dst, length=N).astype(jnp.float32)
    norm_src = jnp.maximum(deg_out, 1.0) ** -0.5
    norm_dst = jnp.maximum(deg_in, 1.0) ** -0.5

    h = jnp.concatenate([user_emb, item_emb], axis=0)
    embs = [h]
    for _ in range(N_LAYERS):
        h = _gcn_layer(h, src, dst, norm_src, norm_dst)
        embs.append(h)
    light_out = jnp.mean(jnp.stack(embs, axis=1), axis=1)
    users = light_out[:NUM_USERS]
    items = light_out[NUM_USERS:]
    return users, items

if __name__ == "__main__":
    import jax
    _d = setup_inputs()
    print(jax.jit(kernel)(*tuple(_d.values())))

</pallas_src>

<mosaic_0001>
#map = affine_map<(d0, d1) -> (0, 0, 0, 0)>
#map1 = affine_map<(d0, d1) -> (0, 0)>
module attributes {stable_mosaic.version = 14 : i64} {
  func.func @hist(%arg0: i32, %arg1: i32, %arg2: memref<2x16x392x128xi32, #tpu.memory_space<hbm>>, %arg3: memref<100352x32xf32, #tpu.memory_space<hbm>>, %arg4: memref<50176x32xf32, #tpu.memory_space<vmem_shared>>, %arg5: memref<8x128xi32, #tpu.memory_space<vmem>>, %arg6: memref<128x32xf32, #tpu.memory_space<vmem>>, %arg7: memref<392x32xf32, #tpu.memory_space<vmem>>, %arg8: memref<!tpu.dma_semaphore, #tpu.memory_space<semaphore_mem>>) attributes {dimension_semantics = [#tpu.dimension_semantics<core_parallel>, #tpu.dimension_semantics<subcore_parallel>], iteration_bounds = array<i64: 2, 16>, scalar_prefetch = 0 : i64, scratch_operands = 5 : i64, tpu.core_type = #tpu.core_type<sc_vector_subcore>, window_params = [{transform_indices = #map}, {transform_indices = #map1}]} {
    %scan3A = arith.constant 0 : i32
    %scan3A_0 = arith.constant 392 : i32
    %scan3A_1 = arith.addi %scan3A, %scan3A_0 : i32
    %scan3A_2 = arith.constant 1 : i32
    scf.for %scan3A_25 = %scan3A to %scan3A_1 step %scan3A_2  : i32 {
      %mul3A = arith.constant 1 : i32
      %mul3A_26 = arith.muli %scan3A_25, %mul3A : i32
      %add3A = arith.constant 0 : i32
      %add3A_27 = arith.addi %add3A, %mul3A_26 : i32
      %scan3A_28 = arith.constant 0 : i32
      %scan3A_29 = arith.constant 2 : i32
      %scan3A_30 = arith.addi %scan3A_28, %scan3A_29 : i32
      %scan3A_31 = arith.constant 1 : i32
      scf.for %scan3A_33 = %scan3A_28 to %scan3A_30 step %scan3A_31  : i32 {
        %mul3A_34 = arith.constant 16 : i32
        %mul3A_35 = arith.muli %scan3A_33, %mul3A_34 : i32
        %add3A_36 = arith.constant 0 : i32
        %add3A_37 = arith.addi %add3A_36, %mul3A_35 : i32
        %broadcast_in_dim3A = arith.constant 0.000000e+00 : f32
        %broadcast_in_dim3A_38 = vector.broadcast %broadcast_in_dim3A : f32 to vector<16xf32>
        %swap3A = arith.index_cast %add3A_27 : i32 to index
        %swap3A_39 = arith.index_cast %add3A_37 : i32 to index
        %swap3A_40 = tpu.vector_load %arg7[%swap3A, %swap3A_39] {strides = array<i32>} : memref<392x32xf32, #tpu.memory_space<vmem>>, vector<1x16xf32>,
        %swap3A_41 = vector.shape_cast %swap3A_40 : vector<1x16xf32> to vector<16xf32>
        %swap3A_42 = vector.shape_cast %broadcast_in_dim3A_38 : vector<16xf32> to vector<1x16xf32>
        tpu.vector_store %arg7[%swap3A, %swap3A_39], %swap3A_42 {strides = array<i32>} : memref<392x32xf32, #tpu.memory_space<vmem>>, vector<1x16xf32>,
      }
      %scan3A_32 = arith.constant 2 : i32
    }
    %scan3A_3 = arith.constant 392 : i32
    %scan3A_4 = arith.constant 0 : i32
    %scan3A_5 = arith.constant 128 : i32
    %scan3A_6 = arith.addi %scan3A_4, %scan3A_5 : i32
    %scan3A_7 = arith.constant 1 : i32
    scf.for %scan3A_25 = %scan3A_4 to %scan3A_6 step %scan3A_7  : i32 {
      %mul3A = arith.constant 1 : i32
      %mul3A_26 = arith.muli %scan3A_25, %mul3A : i32
      %add3A = arith.constant 0 : i32
      %add3A_27 = arith.addi %add3A, %mul3A_26 : i32
      %scan3A_28 = arith.constant 0 : i32
      %scan3A_29 = arith.constant 2 : i32
      %scan3A_30 = arith.addi %scan3A_28, %scan3A_29 : i32
      %scan3A_31 = arith.constant 1 : i32
      scf.for %scan3A_33 = %scan3A_28 to %scan3A_30 step %scan3A_31  : i32 {
        %mul3A_34 = arith.constant 16 : i32
        %mul3A_35 = arith.muli %scan3A_33, %mul3A_34 : i32
        %add3A_36 = arith.constant 0 : i32
        %add3A_37 = arith.addi %add3A_36, %mul3A_35 : i32
        %broadcast_in_dim3A = arith.constant 1.000000e+00 : f32
        %broadcast_in_dim3A_38 = vector.broadcast %broadcast_in_dim3A : f32 to vector<16xf32>
        %swap3A = arith.index_cast %add3A_27 : i32 to index
        %swap3A_39 = arith.index_cast %add3A_37 : i32 to index
        %swap3A_40 = tpu.vector_load %arg6[%swap3A, %swap3A_39] {strides = array<i32>} : memref<128x32xf32, #tpu.memory_space<vmem>>, vector<1x16xf32>,
        %swap3A_41 = vector.shape_cast %swap3A_40 : vector<1x16xf32> to vector<16xf32>
        %swap3A_42 = vector.shape_cast %broadcast_in_dim3A_38 : vector<16xf32> to vector<1x16xf32>
        tpu.vector_store %arg6[%swap3A, %swap3A_39], %swap3A_42 {strides = array<i32>} : memref<128x32xf32, #tpu.memory_space<vmem>>, vector<1x16xf32>,
      }
      %scan3A_32 = arith.constant 2 : i32
    }
    %scan3A_8 = arith.constant 128 : i32
    %scan3A_9 = arith.constant 0 : i32
    %scan3A_10 = arith.constant 8 : i32
    %scan3A_11 = arith.addi %scan3A_9, %scan3A_10 : i32
    %scan3A_12 = arith.constant 1 : i32
    scf.for %scan3A_25 = %scan3A_9 to %scan3A_11 step %scan3A_12  : i32 {
      %mul3A = arith.constant 1 : i32
      %mul3A_26 = arith.muli %scan3A_25, %mul3A : i32
      %add3A = arith.constant 0 : i32
      %add3A_27 = arith.addi %add3A, %mul3A_26 : i32
      %mul3A_28 = arith.constant 3136 : i32
      %mul3A_29 = arith.muli %arg1, %mul3A_28 : i32
      %mul3A_30 = arith.constant 392 : i32
      %mul3A_31 = arith.muli %add3A_27, %mul3A_30 : i32
      %add3A_32 = arith.addi %mul3A_29, %mul3A_31 : i32
      "tpu.region"() ({
        %run_scoped3A = tpu.sem_alloc : memref<!tpu.dma_semaphore, #tpu.memory_space<semaphore_mem>>
        %dma_start3A = arith.constant 0 : i32
        %dma_start3A_33 = tpu.memref_slice %arg4[%add3A_32, %dma_start3A] : memref<50176x32xf32, #tpu.memory_space<vmem_shared>> -> memref<392x32xf32, #tpu.memory_space<vmem_shared>>
        %dma_start3A_34 = arith.constant 0 : i32
        %dma_start3A_35 = tpu.memref_slice %arg4[%add3A_32, %dma_start3A_34] : memref<50176x32xf32, #tpu.memory_space<vmem_shared>> -> memref<392x32xf32, #tpu.memory_space<vmem_shared>>
        tpu.enqueue_dma source(%arg7 : memref<392x32xf32, #tpu.memory_space<vmem>>) target(%dma_start3A_35 : memref<392x32xf32, #tpu.memory_space<vmem_shared>>) target_semaphore(%run_scoped3A : memref<!tpu.dma_semaphore, #tpu.memory_space<semaphore_mem>>)
        %dma_wait3A = arith.constant 0 : i32
        %dma_wait3A_36 = tpu.memref_slice %arg4[%add3A_32, %dma_wait3A] : memref<50176x32xf32, #tpu.memory_space<vmem_shared>> -> memref<392x32xf32, #tpu.memory_space<vmem_shared>>
        %dma_wait3A_37 = arith.constant 0 : i32
        %dma_wait3A_38 = tpu.memref_slice %arg4[%add3A_32, %dma_wait3A_37] : memref<50176x32xf32, #tpu.memory_space<vmem_shared>> -> memref<392x32xf32, #tpu.memory_space<vmem_shared>>
        tpu.wait_dma2 semaphore(%run_scoped3A : memref<!tpu.dma_semaphore, #tpu.memory_space<semaphore_mem>>) src(%arg7 : memref<392x32xf32, #tpu.memory_space<vmem>>) dst(%dma_wait3A_38 : memref<392x32xf32, #tpu.memory_space<vmem_shared>>)
        tpu.yield
      }) : () -> ()
    }
    %scan3A_13 = arith.constant 8 : i32
    %barrier3A = arith.constant 0 : index
    tpu.barrier barrier_id(%barrier3A)
    %scan3A_14 = arith.constant 0 : i32
    %scan3A_15 = arith.constant 49 : i32
    %scan3A_16 = arith.addi %scan3A_14, %scan3A_15 : i32
    %scan3A_17 = arith.constant 1 : i32
    scf.for %scan3A_25 = %scan3A_14 to %scan3A_16 step %scan3A_17  : i32 {
      %mul3A = arith.constant 1 : i32
      %mul3A_26 = arith.muli %scan3A_25, %mul3A : i32
      %add3A = arith.constant 0 : i32
      %add3A_27 = arith.addi %add3A, %mul3A_26 : i32
      %mul3A_28 = arith.constant 8 : i32
      %mul3A_29 = arith.muli %add3A_27, %mul3A_28 : i32
      "tpu.region"() ({
        %run_scoped3A = tpu.sem_alloc : memref<!tpu.dma_semaphore, #tpu.memory_space<semaphore_mem>>
        %dma_start3A_140 = arith.constant 0 : i32
        %dma_start3A_141 = tpu.memref_slice %arg2[%arg0, %arg1, %mul3A_29, %dma_start3A_140] : memref<2x16x392x128xi32, #tpu.memory_space<hbm>> -> memref<1x1x8x128xi32, #tpu.memory_space<hbm>>
        %dma_start3A_142 = tpu.memref_squeeze %dma_start3A_141 : memref<1x1x8x128xi32, #tpu.memory_space<hbm>> -> memref<8x128xi32, #tpu.memory_space<hbm>>
        %dma_start3A_143 = arith.constant 0 : i32
        %dma_start3A_144 = tpu.memref_slice %arg2[%arg0, %arg1, %mul3A_29, %dma_start3A_143] : memref<2x16x392x128xi32, #tpu.memory_space<hbm>> -> memref<1x1x8x128xi32, #tpu.memory_space<hbm>>
        %dma_start3A_145 = tpu.memref_squeeze %dma_start3A_144 : memref<1x1x8x128xi32, #tpu.memory_space<hbm>> -> memref<8x128xi32, #tpu.memory_space<hbm>>
        tpu.enqueue_dma source(%dma_start3A_145 : memref<8x128xi32, #tpu.memory_space<hbm>>) target(%arg5 : memref<8x128xi32, #tpu.memory_space<vmem>>) target_semaphore(%run_scoped3A : memref<!tpu.dma_semaphore, #tpu.memory_space<semaphore_mem>>)
        %dma_wait3A_146 = arith.constant 0 : i32
        %dma_wait3A_147 = tpu.memref_slice %arg2[%arg0, %arg1, %mul3A_29, %dma_wait3A_146] : memref<2x16x392x128xi32, #tpu.memory_space<hbm>> -> memref<1x1x8x128xi32, #tpu.memory_space<hbm>>
        %dma_wait3A_148 = tpu.memref_squeeze %dma_wait3A_147 : memref<1x1x8x128xi32, #tpu.memory_space<hbm>> -> memref<8x128xi32, #tpu.memory_space<hbm>>
        %dma_wait3A_149 = arith.constant 0 : i32
        %dma_wait3A_150 = tpu.memref_slice %arg2[%arg0, %arg1, %mul3A_29, %dma_wait3A_149] : memref<2x16x392x128xi32, #tpu.memory_space<hbm>> -> memref<1x1x8x128xi32, #tpu.memory_space<hbm>>
        %dma_wait3A_151 = tpu.memref_squeeze %dma_wait3A_150 : memref<1x1x8x128xi32, #tpu.memory_space<hbm>> -> memref<8x128xi32, #tpu.memory_space<hbm>>
        tpu.wait_dma2 semaphore(%run_scoped3A : memref<!tpu.dma_semaphore, #tpu.memory_space<semaphore_mem>>) src(%dma_wait3A_151 : memref<8x128xi32, #tpu.memory_space<hbm>>) dst(%arg5 : memref<8x128xi32, #tpu.memory_space<vmem>>)
        tpu.yield
      }) : () -> ()
      %dma_start3A = arith.constant 0 : i32
      %dma_start3A_30 = arith.constant 0 : i32
      %dma_start3A_31 = tpu.memref_slice %arg5[%dma_start3A, %dma_start3A_30] : memref<8x128xi32, #tpu.memory_space<vmem>> -> memref<1x128xi32, #tpu.memory_space<vmem>>
      %dma_start3A_32 = tpu.memref_squeeze %dma_start3A_31 : memref<1x128xi32, #tpu.memory_space<vmem>> -> memref<128xi32, #tpu.memory_space<vmem>>
      %dma_start3A_33 = arith.constant 0 : i32
      %dma_start3A_34 = arith.constant 0 : i32
      %dma_start3A_35 = tpu.memref_slice %arg4[%dma_start3A_33, %dma_start3A_34] : memref<50176x32xf32, #tpu.memory_space<vmem_shared>> -> memref<50176x32xf32, #tpu.memory_space<vmem_shared>>
      tpu.enqueue_indirect_dma source(%arg6 : memref<128x32xf32, #tpu.memory_space<vmem>>) target(%dma_start3A_35 : memref<50176x32xf32, #tpu.memory_space<vmem_shared>>) offsets(%dma_start3A_32 : memref<128xi32, #tpu.memory_space<vmem>>) semaphore(%arg8 : memref<!tpu.dma_semaphore, #tpu.memory_space<semaphore_mem>>) {add = true}
      %dma_start3A_36 = arith.constant 1 : i32
      %dma_start3A_37 = arith.constant 0 : i32
      %dma_start3A_38 = tpu.memref_slice %arg5[%dma_start3A_36, %dma_start3A_37] : memref<8x128xi32, #tpu.memory_space<vmem>> -> memref<1x128xi32, #tpu.memory_space<vmem>>
      %dma_start3A_39 = tpu.memref_squeeze %dma_start3A_38 : memref<1x128xi32, #tpu.memory_space<vmem>> -> memref<128xi32, #tpu.memory_space<vmem>>
      %dma_start3A_40 = arith.constant 0 : i32
      %dma_start3A_41 = arith.constant 0 : i32
      %dma_start3A_42 = tpu.memref_slice %arg4[%dma_start3A_40, %dma_start3A_41] : memref<50176x32xf32, #tpu.memory_space<vmem_shared>> -> memref<50176x32xf32, #tpu.memory_space<vmem_shared>>
      tpu.enqueue_indirect_dma source(%arg6 : memref<128x32xf32, #tpu.memory_space<vmem>>) target(%dma_start3A_42 : memref<50176x32xf32, #tpu.memory_space<vmem_shared>>) offsets(%dma_start3A_39 : memref<128xi32, #tpu.memory_space<vmem>>) semaphore(%arg8 : memref<!tpu.dma_semaphore, #tpu.memory_space<semaphore_mem>>) {add = true}
      %dma_start3A_43 = arith.constant 2 : i32
      %dma_start3A_44 = arith.constant 0 : i32
      %dma_start3A_45 = tpu.memref_slice %arg5[%dma_start3A_43, %dma_start3A_44] : memref<8x128xi32, #tpu.memory_space<vmem>> -> memref<1x128xi32, #tpu.memory_space<vmem>>
      %dma_start3A_46 = tpu.memref_squeeze %dma_start3A_45 : memref<1x128xi32, #tpu.memory_space<vmem>> -> memref<128xi32, #tpu.memory_space<vmem>>
      %dma_start3A_47 = arith.constant 0 : i32
      %dma_start3A_48 = arith.constant 0 : i32
      %dma_start3A_49 = tpu.memref_slice %arg4[%dma_start3A_47, %dma_start3A_48] : memref<50176x32xf32, #tpu.memory_space<vmem_shared>> -> memref<50176x32xf32, #tpu.memory_space<vmem_shared>>
      tpu.enqueue_indirect_dma source(%arg6 : memref<128x32xf32, #tpu.memory_space<vmem>>) target(%dma_start3A_49 : memref<50176x32xf32, #tpu.memory_space<vmem_shared>>) offsets(%dma_start3A_46 : memref<128xi32, #tpu.memory_space<vmem>>) semaphore(%arg8 : memref<!tpu.dma_semaphore, #tpu.memory_space<semaphore_mem>>) {add = true}
      %dma_start3A_50 = arith.constant 3 : i32
      %dma_start3A_51 = arith.constant 0 : i32
      %dma_start3A_52 = tpu.memref_slice %arg5[%dma_start3A_50, %dma_start3A_51] : memref<8x128xi32, #tpu.memory_space<vmem>> -> memref<1x128xi32, #tpu.memory_space<vmem>>
      %dma_start3A_53 = tpu.memref_squeeze %dma_start3A_52 : memref<1x128xi32, #tpu.memory_space<vmem>> -> memref<128xi32, #tpu.memory_space<vmem>>
      %dma_start3A_54 = arith.constant 0 : i32
      %dma_start3A_55 = arith.constant 0 : i32
      %dma_start3A_56 = tpu.memref_slice %arg4[%dma_start3A_54, %dma_start3A_55] : memref<50176x32xf32, #tpu.memory_space<vmem_shared>> -> memref<50176x32xf32, #tpu.memory_space<vmem_shared>>
      tpu.enqueue_indirect_dma source(%arg6 : memref<128x32xf32, #tpu.memory_space<vmem>>) target(%dma_start3A_56 : memref<50176x32xf32, #tpu.memory_space<vmem_shared>>) offsets(%dma_start3A_53 : memref<128xi32, #tpu.memory_space<vmem>>) semaphore(%arg8 : memref<!tpu.dma_semaphore, #tpu.memory_space<semaphore_mem>>) {add = true}
      %dma_start3A_57 = arith.constant 4 : i32
      %dma_start3A_58 = arith.constant 0 : i32
      %dma_start3A_59 = tpu.memref_slice %arg5[%dma_start3A_57, %dma_start3A_58] : memref<8x128xi32, #tpu.memory_space<vmem>> -> memref<1x128xi32, #tpu.memory_space<vmem>>
      %dma_start3A_60 = tpu.memref_squeeze %dma_start3A_59 : memref<1x128xi32, #tpu.memory_space<vmem>> -> memref<128xi32, #tpu.memory_space<vmem>>
      %dma_start3A_61 = arith.constant 0 : i32
      %dma_start3A_62 = arith.constant 0 : i32
      %dma_start3A_63 = tpu.memref_slice %arg4[%dma_start3A_61, %dma_start3A_62] : memref<50176x32xf32, #tpu.memory_space<vmem_shared>> -> memref<50176x32xf32, #tpu.memory_space<vmem_shared>>
      tpu.enqueue_indirect_dma source(%arg6 : memref<128x32xf32, #tpu.memory_space<vmem>>) target(%dma_start3A_63 : memref<50176x32xf32, #tpu.memory_space<vmem_shared>>) offsets(%dma_start3A_60 : memref<128xi32, #tpu.memory_space<vmem>>) semaphore(%arg8 : memref<!tpu.dma_semaphore, #tpu.memory_space<semaphore_mem>>) {add = true}
      %dma_start3A_64 = arith.constant 5 : i32
      %dma_start3A_65 = arith.constant 0 : i32
      %dma_start3A_66 = tpu.memref_slice %arg5[%dma_start3A_64, %dma_start3A_65] : memref<8x128xi32, #tpu.memory_space<vmem>> -> memref<1x128xi32, #tpu.memory_space<vmem>>
      %dma_start3A_67 = tpu.memref_squeeze %dma_start3A_66 : memref<1x128xi32, #tpu.memory_space<vmem>> -> memref<128xi32, #tpu.memory_space<vmem>>
      %dma_start3A_68 = arith.constant 0 : i32
      %dma_start3A_69 = arith.constant 0 : i32
      %dma_start3A_70 = tpu.memref_slice %arg4[%dma_start3A_68, %dma_start3A_69] : memref<50176x32xf32, #tpu.memory_space<vmem_shared>> -> memref<50176x32xf32, #tpu.memory_space<vmem_shared>>
      tpu.enqueue_indirect_dma source(%arg6 : memref<128x32xf32, #tpu.memory_space<vmem>>) target(%dma_start3A_70 : memref<50176x32xf32, #tpu.memory_space<vmem_shared>>) offsets(%dma_start3A_67 : memref<128xi32, #tpu.memory_space<vmem>>) semaphore(%arg8 : memref<!tpu.dma_semaphore, #tpu.memory_space<semaphore_mem>>) {add = true}
      %dma_start3A_71 = arith.constant 6 : i32
      %dma_start3A_72 = arith.constant 0 : i32
      %dma_start3A_73 = tpu.memref_slice %arg5[%dma_start3A_71, %dma_start3A_72] : memref<8x128xi32, #tpu.memory_space<vmem>> -> memref<1x128xi32, #tpu.memory_space<vmem>>
      %dma_start3A_74 = tpu.memref_squeeze %dma_start3A_73 : memref<1x128xi32, #tpu.memory_space<vmem>> -> memref<128xi32, #tpu.memory_space<vmem>>
      %dma_start3A_75 = arith.constant 0 : i32
      %dma_start3A_76 = arith.constant 0 : i32
      %dma_start3A_77 = tpu.memref_slice %arg4[%dma_start3A_75, %dma_start3A_76] : memref<50176x32xf32, #tpu.memory_space<vmem_shared>> -> memref<50176x32xf32, #tpu.memory_space<vmem_shared>>
      tpu.enqueue_indirect_dma source(%arg6 : memref<128x32xf32, #tpu.memory_space<vmem>>) target(%dma_start3A_77 : memref<50176x32xf32, #tpu.memory_space<vmem_shared>>) offsets(%dma_start3A_74 : memref<128xi32, #tpu.memory_space<vmem>>) semaphore(%arg8 : memref<!tpu.dma_semaphore, #tpu.memory_space<semaphore_mem>>) {add = true}
      %dma_start3A_78 = arith.constant 7 : i32
      %dma_start3A_79 = arith.constant 0 : i32
      %dma_start3A_80 = tpu.memref_slice %arg5[%dma_start3A_78, %dma_start3A_79] : memref<8x128xi32, #tpu.memory_space<vmem>> -> memref<1x128xi32, #tpu.memory_space<vmem>>
      %dma_start3A_81 = tpu.memref_squeeze %dma_start3A_80 : memref<1x128xi32, #tpu.memory_space<vmem>> -> memref<128xi32, #tpu.memory_space<vmem>>
      %dma_start3A_82 = arith.constant 0 : i32
      %dma_start3A_83 = arith.constant 0 : i32
      %dma_start3A_84 = tpu.memref_slice %arg4[%dma_start3A_82, %dma_start3A_83] : memref<50176x32xf32, #tpu.memory_space<vmem_shared>> -> memref<50176x32xf32, #tpu.memory_space<vmem_shared>>
      tpu.enqueue_indirect_dma source(%arg6 : memref<128x32xf32, #tpu.memory_space<vmem>>) target(%dma_start3A_84 : memref<50176x32xf32, #tpu.memory_space<vmem_shared>>) offsets(%dma_start3A_81 : memref<128xi32, #tpu.memory_space<vmem>>) semaphore(%arg8 : memref<!tpu.dma_semaphore, #tpu.memory_space<semaphore_mem>>) {add = true}
      %dma_wait3A = arith.constant 0 : i32
      %dma_wait3A_85 = arith.constant 0 : i32
      %dma_wait3A_86 = tpu.memref_slice %arg5[%dma_wait3A, %dma_wait3A_85] : memref<8x128xi32, #tpu.memory_space<vmem>> -> memref<1x128xi32, #tpu.memory_space<vmem>>
      %dma_wait3A_87 = tpu.memref_squeeze %dma_wait3A_86 : memref<1x128xi32, #tpu.memory_space<vmem>> -> memref<128xi32, #tpu.memory_space<vmem>>
      %dma_wait3A_88 = arith.constant 0 : i32
      %dma_wait3A_89 = arith.constant 0 : i32
      %dma_wait3A_90 = tpu.memref_slice %arg4[%dma_wait3A_88, %dma_wait3A_89] : memref<50176x32xf32, #tpu.memory_space<vmem_shared>> -> memref<50176x32xf32, #tpu.memory_space<vmem_shared>>
      tpu.wait_indirect_dma semaphore(%arg8 : memref<!tpu.dma_semaphore, #tpu.memory_space<semaphore_mem>>) src(%arg6 : memref<128x32xf32, #tpu.memory_space<vmem>>) dst(%dma_wait3A_90 : memref<50176x32xf32, #tpu.memory_space<vmem_shared>>)
      %dma_wait3A_91 = arith.constant 1 : i32
      %dma_wait3A_92 = arith.constant 0 : i32
      %dma_wait3A_93 = tpu.memref_slice %arg5[%dma_wait3A_91, %dma_wait3A_92] : memref<8x128xi32, #tpu.memory_space<vmem>> -> memref<1x128xi32, #tpu.memory_space<vmem>>
      %dma_wait3A_94 = tpu.memref_squeeze %dma_wait3A_93 : memref<1x128xi32, #tpu.memory_space<vmem>> -> memref<128xi32, #tpu.memory_space<vmem>>
      %dma_wait3A_95 = arith.constant 0 : i32
      %dma_wait3A_96 = arith.constant 0 : i32
      %dma_wait3A_97 = tpu.memref_slice %arg4[%dma_wait3A_95, %dma_wait3A_96] : memref<50176x32xf32, #tpu.memory_space<vmem_shared>> -> memref<50176x32xf32, #tpu.memory_space<vmem_shared>>
      tpu.wait_indirect_dma semaphore(%arg8 : memref<!tpu.dma_semaphore, #tpu.memory_space<semaphore_mem>>) src(%arg6 : memref<128x32xf32, #tpu.memory_space<vmem>>) dst(%dma_wait3A_97 : memref<50176x32xf32, #tpu.memory_space<vmem_shared>>)
      %dma_wait3A_98 = arith.constant 2 : i32
      %dma_wait3A_99 = arith.constant 0 : i32
      %dma_wait3A_100 = tpu.memref_slice %arg5[%dma_wait3A_98, %dma_wait3A_99] : memref<8x128xi32, #tpu.memory_space<vmem>> -> memref<1x128xi32, #tpu.memory_space<vmem>>
      %dma_wait3A_101 = tpu.memref_squeeze %dma_wait3A_100 : memref<1x128xi32, #tpu.memory_space<vmem>> -> memref<128xi32, #tpu.memory_space<vmem>>
      %dma_wait3A_102 = arith.constant 0 : i32
      %dma_wait3A_103 = arith.constant 0 : i32
      %dma_wait3A_104 = tpu.memref_slice %arg4[%dma_wait3A_102, %dma_wait3A_103] : memref<50176x32xf32, #tpu.memory_space<vmem_shared>> -> memref<50176x32xf32, #tpu.memory_space<vmem_shared>>
      tpu.wait_indirect_dma semaphore(%arg8 : memref<!tpu.dma_semaphore, #tpu.memory_space<semaphore_mem>>) src(%arg6 : memref<128x32xf32, #tpu.memory_space<vmem>>) dst(%dma_wait3A_104 : memref<50176x32xf32, #tpu.memory_space<vmem_shared>>)
      %dma_wait3A_105 = arith.constant 3 : i32
      %dma_wait3A_106 = arith.constant 0 : i32
      %dma_wait3A_107 = tpu.memref_slice %arg5[%dma_wait3A_105, %dma_wait3A_106] : memref<8x128xi32, #tpu.memory_space<vmem>> -> memref<1x128xi32, #tpu.memory_space<vmem>>
      %dma_wait3A_108 = tpu.memref_squeeze %dma_wait3A_107 : memref<1x128xi32, #tpu.memory_space<vmem>> -> memref<128xi32, #tpu.memory_space<vmem>>
      %dma_wait3A_109 = arith.constant 0 : i32
      %dma_wait3A_110 = arith.constant 0 : i32
      %dma_wait3A_111 = tpu.memref_slice %arg4[%dma_wait3A_109, %dma_wait3A_110] : memref<50176x32xf32, #tpu.memory_space<vmem_shared>> -> memref<50176x32xf32, #tpu.memory_space<vmem_shared>>
      tpu.wait_indirect_dma semaphore(%arg8 : memref<!tpu.dma_semaphore, #tpu.memory_space<semaphore_mem>>) src(%arg6 : memref<128x32xf32, #tpu.memory_space<vmem>>) dst(%dma_wait3A_111 : memref<50176x32xf32, #tpu.memory_space<vmem_shared>>)
      %dma_wait3A_112 = arith.constant 4 : i32
      %dma_wait3A_113 = arith.constant 0 : i32
      %dma_wait3A_114 = tpu.memref_slice %arg5[%dma_wait3A_112, %dma_wait3A_113] : memref<8x128xi32, #tpu.memory_space<vmem>> -> memref<1x128xi32, #tpu.memory_space<vmem>>
      %dma_wait3A_115 = tpu.memref_squeeze %dma_wait3A_114 : memref<1x128xi32, #tpu.memory_space<vmem>> -> memref<128xi32, #tpu.memory_space<vmem>>
      %dma_wait3A_116 = arith.constant 0 : i32
      %dma_wait3A_117 = arith.constant 0 : i32
      %dma_wait3A_118 = tpu.memref_slice %arg4[%dma_wait3A_116, %dma_wait3A_117] : memref<50176x32xf32, #tpu.memory_space<vmem_shared>> -> memref<50176x32xf32, #tpu.memory_space<vmem_shared>>
      tpu.wait_indirect_dma semaphore(%arg8 : memref<!tpu.dma_semaphore, #tpu.memory_space<semaphore_mem>>) src(%arg6 : memref<128x32xf32, #tpu.memory_space<vmem>>) dst(%dma_wait3A_118 : memref<50176x32xf32, #tpu.memory_space<vmem_shared>>)
      %dma_wait3A_119 = arith.constant 5 : i32
      %dma_wait3A_120 = arith.constant 0 : i32
      %dma_wait3A_121 = tpu.memref_slice %arg5[%dma_wait3A_119, %dma_wait3A_120] : memref<8x128xi32, #tpu.memory_space<vmem>> -> memref<1x128xi32, #tpu.memory_space<vmem>>
      %dma_wait3A_122 = tpu.memref_squeeze %dma_wait3A_121 : memref<1x128xi32, #tpu.memory_space<vmem>> -> memref<128xi32, #tpu.memory_space<vmem>>
      %dma_wait3A_123 = arith.constant 0 : i32
      %dma_wait3A_124 = arith.constant 0 : i32
      %dma_wait3A_125 = tpu.memref_slice %arg4[%dma_wait3A_123, %dma_wait3A_124] : memref<50176x32xf32, #tpu.memory_space<vmem_shared>> -> memref<50176x32xf32, #tpu.memory_space<vmem_shared>>
      tpu.wait_indirect_dma semaphore(%arg8 : memref<!tpu.dma_semaphore, #tpu.memory_space<semaphore_mem>>) src(%arg6 : memref<128x32xf32, #tpu.memory_space<vmem>>) dst(%dma_wait3A_125 : memref<50176x32xf32, #tpu.memory_space<vmem_shared>>)
      %dma_wait3A_126 = arith.constant 6 : i32
      %dma_wait3A_127 = arith.constant 0 : i32
      %dma_wait3A_128 = tpu.memref_slice %arg5[%dma_wait3A_126, %dma_wait3A_127] : memref<8x128xi32, #tpu.memory_space<vmem>> -> memref<1x128xi32, #tpu.memory_space<vmem>>
      %dma_wait3A_129 = tpu.memref_squeeze %dma_wait3A_128 : memref<1x128xi32, #tpu.memory_space<vmem>> -> memref<128xi32, #tpu.memory_space<vmem>>
      %dma_wait3A_130 = arith.constant 0 : i32
      %dma_wait3A_131 = arith.constant 0 : i32
      %dma_wait3A_132 = tpu.memref_slice %arg4[%dma_wait3A_130, %dma_wait3A_131] : memref<50176x32xf32, #tpu.memory_space<vmem_shared>> -> memref<50176x32xf32, #tpu.memory_space<vmem_shared>>
      tpu.wait_indirect_dma semaphore(%arg8 : memref<!tpu.dma_semaphore, #tpu.memory_space<semaphore_mem>>) src(%arg6 : memref<128x32xf32, #tpu.memory_space<vmem>>) dst(%dma_wait3A_132 : memref<50176x32xf32, #tpu.memory_space<vmem_shared>>)
      %dma_wait3A_133 = arith.constant 7 : i32
      %dma_wait3A_134 = arith.constant 0 : i32
      %dma_wait3A_135 = tpu.memref_slice %arg5[%dma_wait3A_133, %dma_wait3A_134] : memref<8x128xi32, #tpu.memory_space<vmem>> -> memref<1x128xi32, #tpu.memory_space<vmem>>
      %dma_wait3A_136 = tpu.memref_squeeze %dma_wait3A_135 : memref<1x128xi32, #tpu.memory_space<vmem>> -> memref<128xi32, #tpu.memory_space<vmem>>
      %dma_wait3A_137 = arith.constant 0 : i32
      %dma_wait3A_138 = arith.constant 0 : i32
      %dma_wait3A_139 = tpu.memref_slice %arg4[%dma_wait3A_137, %dma_wait3A_138] : memref<50176x32xf32, #tpu.memory_space<vmem_shared>> -> memref<50176x32xf32, #tpu.memory_space<vmem_shared>>
      tpu.wait_indirect_dma semaphore(%arg8 : memref<!tpu.dma_semaphore, #tpu.memory_space<semaphore_mem>>) src(%arg6 : memref<128x32xf32, #tpu.memory_space<vmem>>) dst(%dma_wait3A_139 : memref<50176x32xf32, #tpu.memory_space<vmem_shared>>)
    }
    %scan3A_18 = arith.constant 49 : i32
    %barrier3A_19 = arith.constant 0 : index
    tpu.barrier barrier_id(%barrier3A_19)
    %scan3A_20 = arith.constant 0 : i32
    %scan3A_21 = arith.constant 8 : i32
    %scan3A_22 = arith.addi %scan3A_20, %scan3A_21 : i32
    %scan3A_23 = arith.constant 1 : i32
    scf.for %scan3A_25 = %scan3A_20 to %scan3A_22 step %scan3A_23  : i32 {
      %mul3A = arith.constant 1 : i32
      %mul3A_26 = arith.muli %scan3A_25, %mul3A : i32
      %add3A = arith.constant 0 : i32
      %add3A_27 = arith.addi %add3A, %mul3A_26 : i32
      %mul3A_28 = arith.constant 3136 : i32
      %mul3A_29 = arith.muli %arg1, %mul3A_28 : i32
      %mul3A_30 = arith.constant 392 : i32
      %mul3A_31 = arith.muli %add3A_27, %mul3A_30 : i32
      %add3A_32 = arith.addi %mul3A_29, %mul3A_31 : i32
      "tpu.region"() ({
        %run_scoped3A = tpu.sem_alloc : memref<!tpu.dma_semaphore, #tpu.memory_space<semaphore_mem>>
        %dma_start3A = arith.constant 0 : i32
        %dma_start3A_41 = tpu.memref_slice %arg4[%add3A_32, %dma_start3A] : memref<50176x32xf32, #tpu.memory_space<vmem_shared>> -> memref<392x32xf32, #tpu.memory_space<vmem_shared>>
        %dma_start3A_42 = arith.constant 0 : i32
        %dma_start3A_43 = tpu.memref_slice %arg4[%add3A_32, %dma_start3A_42] : memref<50176x32xf32, #tpu.memory_space<vmem_shared>> -> memref<392x32xf32, #tpu.memory_space<vmem_shared>>
        tpu.enqueue_dma source(%dma_start3A_43 : memref<392x32xf32, #tpu.memory_space<vmem_shared>>) target(%arg7 : memref<392x32xf32, #tpu.memory_space<vmem>>) target_semaphore(%run_scoped3A : memref<!tpu.dma_semaphore, #tpu.memory_space<semaphore_mem>>)
        %dma_wait3A = arith.constant 0 : i32
        %dma_wait3A_44 = tpu.memref_slice %arg4[%add3A_32, %dma_wait3A] : memref<50176x32xf32, #tpu.memory_space<vmem_shared>> -> memref<392x32xf32, #tpu.memory_space<vmem_shared>>
        %dma_wait3A_45 = arith.constant 0 : i32
        %dma_wait3A_46 = tpu.memref_slice %arg4[%add3A_32, %dma_wait3A_45] : memref<50176x32xf32, #tpu.memory_space<vmem_shared>> -> memref<392x32xf32, #tpu.memory_space<vmem_shared>>
        tpu.wait_dma2 semaphore(%run_scoped3A : memref<!tpu.dma_semaphore, #tpu.memory_space<semaphore_mem>>) src(%dma_wait3A_46 : memref<392x32xf32, #tpu.memory_space<vmem_shared>>) dst(%arg7 : memref<392x32xf32, #tpu.memory_space<vmem>>)
        tpu.yield
      }) : () -> ()
      %mul3A_33 = arith.constant 50176 : i32
      %mul3A_34 = arith.muli %arg0, %mul3A_33 : i32
      %mul3A_35 = arith.constant 3136 : i32
      %mul3A_36 = arith.muli %arg1, %mul3A_35 : i32
      %add3A_37 = arith.addi %mul3A_34, %mul3A_36 : i32
      %mul3A_38 = arith.constant 392 : i32
      %mul3A_39 = arith.muli %add3A_27, %mul3A_38 : i32
      %add3A_40 = arith.addi %add3A_37, %mul3A_39 : i32
      "tpu.region"() ({
        %run_scoped3A = tpu.sem_alloc : memref<!tpu.dma_semaphore, #tpu.memory_space<semaphore_mem>>
        %dma_start3A = arith.constant 0 : i32
        %dma_start3A_41 = tpu.memref_slice %arg3[%add3A_40, %dma_start3A] : memref<100352x32xf32, #tpu.memory_space<hbm>> -> memref<392x32xf32, #tpu.memory_space<hbm>>
        %dma_start3A_42 = arith.constant 0 : i32
        %dma_start3A_43 = tpu.memref_slice %arg3[%add3A_40, %dma_start3A_42] : memref<100352x32xf32, #tpu.memory_space<hbm>> -> memref<392x32xf32, #tpu.memory_space<hbm>>
        tpu.enqueue_dma source(%arg7 : memref<392x32xf32, #tpu.memory_space<vmem>>) target(%dma_start3A_43 : memref<392x32xf32, #tpu.memory_space<hbm>>) target_semaphore(%run_scoped3A : memref<!tpu.dma_semaphore, #tpu.memory_space<semaphore_mem>>)
        %dma_wait3A = arith.constant 0 : i32
        %dma_wait3A_44 = tpu.memref_slice %arg3[%add3A_40, %dma_wait3A] : memref<100352x32xf32, #tpu.memory_space<hbm>> -> memref<392x32xf32, #tpu.memory_space<hbm>>
        %dma_wait3A_45 = arith.constant 0 : i32
        %dma_wait3A_46 = tpu.memref_slice %arg3[%add3A_40, %dma_wait3A_45] : memref<100352x32xf32, #tpu.memory_space<hbm>> -> memref<392x32xf32, #tpu.memory_space<hbm>>
        tpu.wait_dma2 semaphore(%run_scoped3A : memref<!tpu.dma_semaphore, #tpu.memory_space<semaphore_mem>>) src(%arg7 : memref<392x32xf32, #tpu.memory_space<vmem>>) dst(%dma_wait3A_46 : memref<392x32xf32, #tpu.memory_space<hbm>>)
        tpu.yield
      }) : () -> ()
    }
    %scan3A_24 = arith.constant 8 : i32
    return
  }
}

#map = affine_map<(d0, d1) -> (0, 0, 0, 0)>
#map1 = affine_map<(d0, d1) -> (0, 0, 0)>
#map2 = affine_map<(d0, d1) -> (0, 0)>
module attributes {stable_mosaic.version = 14 : i64} {
  func.func @layer(%arg0: i32, %arg1: i32, %arg2: memref<2x16x392x128xi32, #tpu.memory_space<hbm>>, %arg3: memref<16x392x128xi32, #tpu.memory_space<hbm>>, %arg4: memref<100352x32xf32, #tpu.memory_space<hbm>>, %arg5: memref<100352x32xf32, #tpu.memory_space<hbm>>, %arg6: memref<50176x32xf32, #tpu.memory_space<vmem_shared>>, %arg7: memref<6x128x32xf32, #tpu.memory_space<vmem>>, %arg8: memref<14x128xi32, #tpu.memory_space<vmem>>, %arg9: memref<14x128xi32, #tpu.memory_space<vmem>>, %arg10: memref<49x32xf32, #tpu.memory_space<vmem>>, %arg11: memref<!tpu.dma_semaphore, #tpu.memory_space<semaphore_mem>>) attributes {dimension_semantics = [#tpu.dimension_semantics<core_parallel>, #tpu.dimension_semantics<subcore_parallel>], iteration_bounds = array<i64: 2, 16>, scalar_prefetch = 0 : i64, scratch_operands = 6 : i64, tpu.core_type = #tpu.core_type<sc_vector_subcore>, window_params = [{transform_indices = #map}, {transform_indices = #map1}, {transform_indices = #map2}, {transform_indices = #map2}]} {
    %scan3A = arith.constant 0 : i32
    %scan3A_0 = arith.constant 49 : i32
    %scan3A_1 = arith.addi %scan3A, %scan3A_0 : i32
    %scan3A_2 = arith.constant 1 : i32
    scf.for %scan3A_20 = %scan3A to %scan3A_1 step %scan3A_2  : i32 {
      %mul3A = arith.constant 1 : i32
      %mul3A_21 = arith.muli %scan3A_20, %mul3A : i32
      %add3A = arith.constant 0 : i32
      %add3A_22 = arith.addi %add3A, %mul3A_21 : i32
      %scan3A_23 = arith.constant 0 : i32
      %scan3A_24 = arith.constant 2 : i32
      %scan3A_25 = arith.addi %scan3A_23, %scan3A_24 : i32
      %scan3A_26 = arith.constant 1 : i32
      scf.for %scan3A_28 = %scan3A_23 to %scan3A_25 step %scan3A_26  : i32 {
        %mul3A_29 = arith.constant 16 : i32
        %mul3A_30 = arith.muli %scan3A_28, %mul3A_29 : i32
        %add3A_31 = arith.constant 0 : i32
        %add3A_32 = arith.addi %add3A_31, %mul3A_30 : i32
        %broadcast_in_dim3A = arith.constant 0.000000e+00 : f32
        %broadcast_in_dim3A_33 = vector.broadcast %broadcast_in_dim3A : f32 to vector<16xf32>
        %swap3A = arith.index_cast %add3A_22 : i32 to index
        %swap3A_34 = arith.index_cast %add3A_32 : i32 to index
        %swap3A_35 = tpu.vector_load %arg10[%swap3A, %swap3A_34] {strides = array<i32>} : memref<49x32xf32, #tpu.memory_space<vmem>>, vector<1x16xf32>,
        %swap3A_36 = vector.shape_cast %swap3A_35 : vector<1x16xf32> to vector<16xf32>
        %swap3A_37 = vector.shape_cast %broadcast_in_dim3A_33 : vector<16xf32> to vector<1x16xf32>
        tpu.vector_store %arg10[%swap3A, %swap3A_34], %swap3A_37 {strides = array<i32>} : memref<49x32xf32, #tpu.memory_space<vmem>>, vector<1x16xf32>,
      }
      %scan3A_27 = arith.constant 2 : i32
    }
    %scan3A_3 = arith.constant 49 : i32
    %scan3A_4 = arith.constant 0 : i32
    %scan3A_5 = arith.constant 64 : i32
    %scan3A_6 = arith.addi %scan3A_4, %scan3A_5 : i32
    %scan3A_7 = arith.constant 1 : i32
    scf.for %scan3A_20 = %scan3A_4 to %scan3A_6 step %scan3A_7  : i32 {
      %mul3A = arith.constant 1 : i32
      %mul3A_21 = arith.muli %scan3A_20, %mul3A : i32
      %add3A = arith.constant 0 : i32
      %add3A_22 = arith.addi %add3A, %mul3A_21 : i32
      %mul3A_23 = arith.constant 3136 : i32
      %mul3A_24 = arith.muli %arg1, %mul3A_23 : i32
      %mul3A_25 = arith.constant 49 : i32
      %mul3A_26 = arith.muli %add3A_22, %mul3A_25 : i32
      %add3A_27 = arith.addi %mul3A_24, %mul3A_26 : i32
      "tpu.region"() ({
        %run_scoped3A = tpu.sem_alloc : memref<!tpu.dma_semaphore, #tpu.memory_space<semaphore_mem>>
        %dma_start3A = arith.constant 0 : i32
        %dma_start3A_28 = tpu.memref_slice %arg6[%add3A_27, %dma_start3A] : memref<50176x32xf32, #tpu.memory_space<vmem_shared>> -> memref<49x32xf32, #tpu.memory_space<vmem_shared>>
        %dma_start3A_29 = arith.constant 0 : i32
        %dma_start3A_30 = tpu.memref_slice %arg6[%add3A_27, %dma_start3A_29] : memref<50176x32xf32, #tpu.memory_space<vmem_shared>> -> memref<49x32xf32, #tpu.memory_space<vmem_shared>>
        tpu.enqueue_dma source(%arg10 : memref<49x32xf32, #tpu.memory_space<vmem>>) target(%dma_start3A_30 : memref<49x32xf32, #tpu.memory_space<vmem_shared>>) target_semaphore(%run_scoped3A : memref<!tpu.dma_semaphore, #tpu.memory_space<semaphore_mem>>)
        %dma_wait3A = arith.constant 0 : i32
        %dma_wait3A_31 = tpu.memref_slice %arg6[%add3A_27, %dma_wait3A] : memref<50176x32xf32, #tpu.memory_space<vmem_shared>> -> memref<49x32xf32, #tpu.memory_space<vmem_shared>>
        %dma_wait3A_32 = arith.constant 0 : i32
        %dma_wait3A_33 = tpu.memref_slice %arg6[%add3A_27, %dma_wait3A_32] : memref<50176x32xf32, #tpu.memory_space<vmem_shared>> -> memref<49x32xf32, #tpu.memory_space<vmem_shared>>
        tpu.wait_dma2 semaphore(%run_scoped3A : memref<!tpu.dma_semaphore, #tpu.memory_space<semaphore_mem>>) src(%arg10 : memref<49x32xf32, #tpu.memory_space<vmem>>) dst(%dma_wait3A_33 : memref<49x32xf32, #tpu.memory_space<vmem_shared>>)
        tpu.yield
      }) : () -> ()
    }
    %scan3A_8 = arith.constant 64 : i32
    %barrier3A = arith.constant 0 : index
    tpu.barrier barrier_id(%barrier3A)
    %scan3A_9 = arith.constant 0 : i32
    %scan3A_10 = arith.constant 28 : i32
    %scan3A_11 = arith.addi %scan3A_9, %scan3A_10 : i32
    %scan3A_12 = arith.constant 1 : i32
    scf.for %scan3A_20 = %scan3A_9 to %scan3A_11 step %scan3A_12  : i32 {
      %mul3A = arith.constant 1 : i32
      %mul3A_21 = arith.muli %scan3A_20, %mul3A : i32
      %add3A = arith.constant 0 : i32
      %add3A_22 = arith.addi %add3A, %mul3A_21 : i32
      %mul3A_23 = arith.constant 14 : i32
      %mul3A_24 = arith.muli %add3A_22, %mul3A_23 : i32
      "tpu.region"() ({
        %run_scoped3A_388 = tpu.sem_alloc : memref<!tpu.dma_semaphore, #tpu.memory_space<semaphore_mem>>
        %dma_start3A_389 = arith.constant 0 : i32
        %dma_start3A_390 = tpu.memref_slice %arg2[%arg0, %arg1, %mul3A_24, %dma_start3A_389] : memref<2x16x392x128xi32, #tpu.memory_space<hbm>> -> memref<1x1x14x128xi32, #tpu.memory_space<hbm>>
        %dma_start3A_391 = tpu.memref_squeeze %dma_start3A_390 : memref<1x1x14x128xi32, #tpu.memory_space<hbm>> -> memref<14x128xi32, #tpu.memory_space<hbm>>
        %dma_start3A_392 = arith.constant 0 : i32
        %dma_start3A_393 = tpu.memref_slice %arg2[%arg0, %arg1, %mul3A_24, %dma_start3A_392] : memref<2x16x392x128xi32, #tpu.memory_space<hbm>> -> memref<1x1x14x128xi32, #tpu.memory_space<hbm>>
        %dma_start3A_394 = tpu.memref_squeeze %dma_start3A_393 : memref<1x1x14x128xi32, #tpu.memory_space<hbm>> -> memref<14x128xi32, #tpu.memory_space<hbm>>
        tpu.enqueue_dma source(%dma_start3A_394 : memref<14x128xi32, #tpu.memory_space<hbm>>) target(%arg8 : memref<14x128xi32, #tpu.memory_space<vmem>>) target_semaphore(%run_scoped3A_388 : memref<!tpu.dma_semaphore, #tpu.memory_space<semaphore_mem>>)
        %dma_wait3A_395 = arith.constant 0 : i32
        %dma_wait3A_396 = tpu.memref_slice %arg2[%arg0, %arg1, %mul3A_24, %dma_wait3A_395] : memref<2x16x392x128xi32, #tpu.memory_space<hbm>> -> memref<1x1x14x128xi32, #tpu.memory_space<hbm>>
        %dma_wait3A_397 = tpu.memref_squeeze %dma_wait3A_396 : memref<1x1x14x128xi32, #tpu.memory_space<hbm>> -> memref<14x128xi32, #tpu.memory_space<hbm>>
        %dma_wait3A_398 = arith.constant 0 : i32
        %dma_wait3A_399 = tpu.memref_slice %arg2[%arg0, %arg1, %mul3A_24, %dma_wait3A_398] : memref<2x16x392x128xi32, #tpu.memory_space<hbm>> -> memref<1x1x14x128xi32, #tpu.memory_space<hbm>>
        %dma_wait3A_400 = tpu.memref_squeeze %dma_wait3A_399 : memref<1x1x14x128xi32, #tpu.memory_space<hbm>> -> memref<14x128xi32, #tpu.memory_space<hbm>>
        tpu.wait_dma2 semaphore(%run_scoped3A_388 : memref<!tpu.dma_semaphore, #tpu.memory_space<semaphore_mem>>) src(%dma_wait3A_400 : memref<14x128xi32, #tpu.memory_space<hbm>>) dst(%arg8 : memref<14x128xi32, #tpu.memory_space<vmem>>)
        tpu.yield
      }) : () -> ()
      %mul3A_25 = arith.constant 14 : i32
      %mul3A_26 = arith.muli %add3A_22, %mul3A_25 : i32
      "tpu.region"() ({
        %run_scoped3A_388 = tpu.sem_alloc : memref<!tpu.dma_semaphore, #tpu.memory_space<semaphore_mem>>
        %dma_start3A_389 = arith.constant 0 : i32
        %dma_start3A_390 = tpu.memref_slice %arg3[%arg1, %mul3A_26, %dma_start3A_389] : memref<16x392x128xi32, #tpu.memory_space<hbm>> -> memref<1x14x128xi32, #tpu.memory_space<hbm>>
        %dma_start3A_391 = tpu.memref_squeeze %dma_start3A_390 : memref<1x14x128xi32, #tpu.memory_space<hbm>> -> memref<14x128xi32, #tpu.memory_space<hbm>>
        %dma_start3A_392 = arith.constant 0 : i32
        %dma_start3A_393 = tpu.memref_slice %arg3[%arg1, %mul3A_26, %dma_start3A_392] : memref<16x392x128xi32, #tpu.memory_space<hbm>> -> memref<1x14x128xi32, #tpu.memory_space<hbm>>
        %dma_start3A_394 = tpu.memref_squeeze %dma_start3A_393 : memref<1x14x128xi32, #tpu.memory_space<hbm>> -> memref<14x128xi32, #tpu.memory_space<hbm>>
        tpu.enqueue_dma source(%dma_start3A_394 : memref<14x128xi32, #tpu.memory_space<hbm>>) target(%arg9 : memref<14x128xi32, #tpu.memory_space<vmem>>) target_semaphore(%run_scoped3A_388 : memref<!tpu.dma_semaphore, #tpu.memory_space<semaphore_mem>>)
        %dma_wait3A_395 = arith.constant 0 : i32
        %dma_wait3A_396 = tpu.memref_slice %arg3[%arg1, %mul3A_26, %dma_wait3A_395] : memref<16x392x128xi32, #tpu.memory_space<hbm>> -> memref<1x14x128xi32, #tpu.memory_space<hbm>>
        %dma_wait3A_397 = tpu.memref_squeeze %dma_wait3A_396 : memref<1x14x128xi32, #tpu.memory_space<hbm>> -> memref<14x128xi32, #tpu.memory_space<hbm>>
        %dma_wait3A_398 = arith.constant 0 : i32
        %dma_wait3A_399 = tpu.memref_slice %arg3[%arg1, %mul3A_26, %dma_wait3A_398] : memref<16x392x128xi32, #tpu.memory_space<hbm>> -> memref<1x14x128xi32, #tpu.memory_space<hbm>>
        %dma_wait3A_400 = tpu.memref_squeeze %dma_wait3A_399 : memref<1x14x128xi32, #tpu.memory_space<hbm>> -> memref<14x128xi32, #tpu.memory_space<hbm>>
        tpu.wait_dma2 semaphore(%run_scoped3A_388 : memref<!tpu.dma_semaphore, #tpu.memory_space<semaphore_mem>>) src(%dma_wait3A_400 : memref<14x128xi32, #tpu.memory_space<hbm>>) dst(%arg9 : memref<14x128xi32, #tpu.memory_space<vmem>>)
        tpu.yield
      }) : () -> ()
      %dma_start3A = arith.constant 0 : i32
      %dma_start3A_27 = arith.constant 0 : i32
      %dma_start3A_28 = arith.constant 0 : i32
      %dma_start3A_29 = arith.constant 0 : i32
      %dma_start3A_30 = tpu.memref_slice %arg7[%dma_start3A_27, %dma_start3A_28, %dma_start3A_29] : memref<6x128x32xf32, #tpu.memory_space<vmem>> -> memref<1x128x32xf32, #tpu.memory_space<vmem>>
      %dma_start3A_31 = tpu.memref_squeeze %dma_start3A_30 : memref<1x128x32xf32, #tpu.memory_space<vmem>> -> memref<128x32xf32, #tpu.memory_space<vmem>>
      %dma_start3A_32 = arith.constant 0 : i32
      %dma_start3A_33 = tpu.memref_slice %arg8[%dma_start3A, %dma_start3A_32] : memref<14x128xi32, #tpu.memory_space<vmem>> -> memref<1x128xi32, #tpu.memory_space<vmem>>
      %dma_start3A_34 = tpu.memref_squeeze %dma_start3A_33 : memref<1x128xi32, #tpu.memory_space<vmem>> -> memref<128xi32, #tpu.memory_space<vmem>>
      %dma_start3A_35 = arith.constant 0 : i32
      %dma_start3A_36 = arith.constant 0 : i32
      %dma_start3A_37 = tpu.memref_slice %arg4[%dma_start3A_35, %dma_start3A_36] : memref<100352x32xf32, #tpu.memory_space<hbm>> -> memref<100352x32xf32, #tpu.memory_space<hbm>>
      tpu.enqueue_indirect_dma source(%dma_start3A_37 : memref<100352x32xf32, #tpu.memory_space<hbm>>) target(%dma_start3A_31 : memref<128x32xf32, #tpu.memory_space<vmem>>) offsets(%dma_start3A_34 : memref<128xi32, #tpu.memory_space<vmem>>) semaphore(%arg11 : memref<!tpu.dma_semaphore, #tpu.memory_space<semaphore_mem>>)
      %dma_start3A_38 = arith.constant 1 : i32
      %dma_start3A_39 = arith.constant 1 : i32
      %dma_start3A_40 = arith.constant 0 : i32
      %dma_start3A_41 = arith.constant 0 : i32
      %dma_start3A_42 = tpu.memref_slice %arg7[%dma_start3A_39, %dma_start3A_40, %dma_start3A_41] : memref<6x128x32xf32, #tpu.memory_space<vmem>> -> memref<1x128x32xf32, #tpu.memory_space<vmem>>
      %dma_start3A_43 = tpu.memref_squeeze %dma_start3A_42 : memref<1x128x32xf32, #tpu.memory_space<vmem>> -> memref<128x32xf32, #tpu.memory_space<vmem>>
      %dma_start3A_44 = arith.constant 0 : i32
      %dma_start3A_45 = tpu.memref_slice %arg8[%dma_start3A_38, %dma_start3A_44] : memref<14x128xi32, #tpu.memory_space<vmem>> -> memref<1x128xi32, #tpu.memory_space<vmem>>
      %dma_start3A_46 = tpu.memref_squeeze %dma_start3A_45 : memref<1x128xi32, #tpu.memory_space<vmem>> -> memref<128xi32, #tpu.memory_space<vmem>>
      %dma_start3A_47 = arith.constant 0 : i32
      %dma_start3A_48 = arith.constant 0 : i32
      %dma_start3A_49 = tpu.memref_slice %arg4[%dma_start3A_47, %dma_start3A_48] : memref<100352x32xf32, #tpu.memory_space<hbm>> -> memref<100352x32xf32, #tpu.memory_space<hbm>>
      tpu.enqueue_indirect_dma source(%dma_start3A_49 : memref<100352x32xf32, #tpu.memory_space<hbm>>) target(%dma_start3A_43 : memref<128x32xf32, #tpu.memory_space<vmem>>) offsets(%dma_start3A_46 : memref<128xi32, #tpu.memory_space<vmem>>) semaphore(%arg11 : memref<!tpu.dma_semaphore, #tpu.memory_space<semaphore_mem>>)
      %dma_start3A_50 = arith.constant 2 : i32
      %dma_start3A_51 = arith.constant 2 : i32
      %dma_start3A_52 = arith.constant 0 : i32
      %dma_start3A_53 = arith.constant 0 : i32
      %dma_start3A_54 = tpu.memref_slice %arg7[%dma_start3A_51, %dma_start3A_52, %dma_start3A_53] : memref<6x128x32xf32, #tpu.memory_space<vmem>> -> memref<1x128x32xf32, #tpu.memory_space<vmem>>
      %dma_start3A_55 = tpu.memref_squeeze %dma_start3A_54 : memref<1x128x32xf32, #tpu.memory_space<vmem>> -> memref<128x32xf32, #tpu.memory_space<vmem>>
      %dma_start3A_56 = arith.constant 0 : i32
      %dma_start3A_57 = tpu.memref_slice %arg8[%dma_start3A_50, %dma_start3A_56] : memref<14x128xi32, #tpu.memory_space<vmem>> -> memref<1x128xi32, #tpu.memory_space<vmem>>
      %dma_start3A_58 = tpu.memref_squeeze %dma_start3A_57 : memref<1x128xi32, #tpu.memory_space<vmem>> -> memref<128xi32, #tpu.memory_space<vmem>>
      %dma_start3A_59 = arith.constant 0 : i32
      %dma_start3A_60 = arith.constant 0 : i32
      %dma_start3A_61 = tpu.memref_slice %arg4[%dma_start3A_59, %dma_start3A_60] : memref<100352x32xf32, #tpu.memory_space<hbm>> -> memref<100352x32xf32, #tpu.memory_space<hbm>>
      tpu.enqueue_indirect_dma source(%dma_start3A_61 : memref<100352x32xf32, #tpu.memory_space<hbm>>) target(%dma_start3A_55 : memref<128x32xf32, #tpu.memory_space<vmem>>) offsets(%dma_start3A_58 : memref<128xi32, #tpu.memory_space<vmem>>) semaphore(%arg11 : memref<!tpu.dma_semaphore, #tpu.memory_space<semaphore_mem>>)
      %dma_start3A_62 = arith.constant 3 : i32
      %dma_start3A_63 = arith.constant 3 : i32
      %dma_start3A_64 = arith.constant 0 : i32
      %dma_start3A_65 = arith.constant 0 : i32
      %dma_start3A_66 = tpu.memref_slice %arg7[%dma_start3A_63, %dma_start3A_64, %dma_start3A_65] : memref<6x128x32xf32, #tpu.memory_space<vmem>> -> memref<1x128x32xf32, #tpu.memory_space<vmem>>
      %dma_start3A_67 = tpu.memref_squeeze %dma_start3A_66 : memref<1x128x32xf32, #tpu.memory_space<vmem>> -> memref<128x32xf32, #tpu.memory_space<vmem>>
      %dma_start3A_68 = arith.constant 0 : i32
      %dma_start3A_69 = tpu.memref_slice %arg8[%dma_start3A_62, %dma_start3A_68] : memref<14x128xi32, #tpu.memory_space<vmem>> -> memref<1x128xi32, #tpu.memory_space<vmem>>
      %dma_start3A_70 = tpu.memref_squeeze %dma_start3A_69 : memref<1x128xi32, #tpu.memory_space<vmem>> -> memref<128xi32, #tpu.memory_space<vmem>>
      %dma_start3A_71 = arith.constant 0 : i32
      %dma_start3A_72 = arith.constant 0 : i32
      %dma_start3A_73 = tpu.memref_slice %arg4[%dma_start3A_71, %dma_start3A_72] : memref<100352x32xf32, #tpu.memory_space<hbm>> -> memref<100352x32xf32, #tpu.memory_space<hbm>>
      tpu.enqueue_indirect_dma source(%dma_start3A_73 : memref<100352x32xf32, #tpu.memory_space<hbm>>) target(%dma_start3A_67 : memref<128x32xf32, #tpu.memory_space<vmem>>) offsets(%dma_start3A_70 : memref<128xi32, #tpu.memory_space<vmem>>) semaphore(%arg11 : memref<!tpu.dma_semaphore, #tpu.memory_space<semaphore_mem>>)
      %dma_start3A_74 = arith.constant 4 : i32
      %dma_start3A_75 = arith.constant 4 : i32
      %dma_start3A_76 = arith.constant 0 : i32
      %dma_start3A_77 = arith.constant 0 : i32
      %dma_start3A_78 = tpu.memref_slice %arg7[%dma_start3A_75, %dma_start3A_76, %dma_start3A_77] : memref<6x128x32xf32, #tpu.memory_space<vmem>> -> memref<1x128x32xf32, #tpu.memory_space<vmem>>
      %dma_start3A_79 = tpu.memref_squeeze %dma_start3A_78 : memref<1x128x32xf32, #tpu.memory_space<vmem>> -> memref<128x32xf32, #tpu.memory_space<vmem>>
      %dma_start3A_80 = arith.constant 0 : i32
      %dma_start3A_81 = tpu.memref_slice %arg8[%dma_start3A_74, %dma_start3A_80] : memref<14x128xi32, #tpu.memory_space<vmem>> -> memref<1x128xi32, #tpu.memory_space<vmem>>
      %dma_start3A_82 = tpu.memref_squeeze %dma_start3A_81 : memref<1x128xi32, #tpu.memory_space<vmem>> -> memref<128xi32, #tpu.memory_space<vmem>>
      %dma_start3A_83 = arith.constant 0 : i32
      %dma_start3A_84 = arith.constant 0 : i32
      %dma_start3A_85 = tpu.memref_slice %arg4[%dma_start3A_83, %dma_start3A_84] : memref<100352x32xf32, #tpu.memory_space<hbm>> -> memref<100352x32xf32, #tpu.memory_space<hbm>>
      tpu.enqueue_indirect_dma source(%dma_start3A_85 : memref<100352x32xf32, #tpu.memory_space<hbm>>) target(%dma_start3A_79 : memref<128x32xf32, #tpu.memory_space<vmem>>) offsets(%dma_start3A_82 : memref<128xi32, #tpu.memory_space<vmem>>) semaphore(%arg11 : memref<!tpu.dma_semaphore, #tpu.memory_space<semaphore_mem>>)
      %dma_start3A_86 = arith.constant 5 : i32
      %dma_start3A_87 = arith.constant 5 : i32
      %dma_start3A_88 = arith.constant 0 : i32
      %dma_start3A_89 = arith.constant 0 : i32
      %dma_start3A_90 = tpu.memref_slice %arg7[%dma_start3A_87, %dma_start3A_88, %dma_start3A_89] : memref<6x128x32xf32, #tpu.memory_space<vmem>> -> memref<1x128x32xf32, #tpu.memory_space<vmem>>
      %dma_start3A_91 = tpu.memref_squeeze %dma_start3A_90 : memref<1x128x32xf32, #tpu.memory_space<vmem>> -> memref<128x32xf32, #tpu.memory_space<vmem>>
      %dma_start3A_92 = arith.constant 0 : i32
      %dma_start3A_93 = tpu.memref_slice %arg8[%dma_start3A_86, %dma_start3A_92] : memref<14x128xi32, #tpu.memory_space<vmem>> -> memref<1x128xi32, #tpu.memory_space<vmem>>
      %dma_start3A_94 = tpu.memref_squeeze %dma_start3A_93 : memref<1x128xi32, #tpu.memory_space<vmem>> -> memref<128xi32, #tpu.memory_space<vmem>>
      %dma_start3A_95 = arith.constant 0 : i32
      %dma_start3A_96 = arith.constant 0 : i32
      %dma_start3A_97 = tpu.memref_slice %arg4[%dma_start3A_95, %dma_start3A_96] : memref<100352x32xf32, #tpu.memory_space<hbm>> -> memref<100352x32xf32, #tpu.memory_space<hbm>>
      tpu.enqueue_indirect_dma source(%dma_start3A_97 : memref<100352x32xf32, #tpu.memory_space<hbm>>) target(%dma_start3A_91 : memref<128x32xf32, #tpu.memory_space<vmem>>) offsets(%dma_start3A_94 : memref<128xi32, #tpu.memory_space<vmem>>) semaphore(%arg11 : memref<!tpu.dma_semaphore, #tpu.memory_space<semaphore_mem>>)
      %dma_wait3A = arith.constant 0 : i32
      %dma_wait3A_98 = arith.constant 0 : i32
      %dma_wait3A_99 = arith.constant 0 : i32
      %dma_wait3A_100 = arith.constant 0 : i32
      %dma_wait3A_101 = tpu.memref_slice %arg7[%dma_wait3A_98, %dma_wait3A_99, %dma_wait3A_100] : memref<6x128x32xf32, #tpu.memory_space<vmem>> -> memref<1x128x32xf32, #tpu.memory_space<vmem>>
      %dma_wait3A_102 = tpu.memref_squeeze %dma_wait3A_101 : memref<1x128x32xf32, #tpu.memory_space<vmem>> -> memref<128x32xf32, #tpu.memory_space<vmem>>
      %dma_wait3A_103 = arith.constant 0 : i32
      %dma_wait3A_104 = tpu.memref_slice %arg8[%dma_wait3A, %dma_wait3A_103] : memref<14x128xi32, #tpu.memory_space<vmem>> -> memref<1x128xi32, #tpu.memory_space<vmem>>
      %dma_wait3A_105 = tpu.memref_squeeze %dma_wait3A_104 : memref<1x128xi32, #tpu.memory_space<vmem>> -> memref<128xi32, #tpu.memory_space<vmem>>
      %dma_wait3A_106 = arith.constant 0 : i32
      %dma_wait3A_107 = arith.constant 0 : i32
      %dma_wait3A_108 = tpu.memref_slice %arg4[%dma_wait3A_106, %dma_wait3A_107] : memref<100352x32xf32, #tpu.memory_space<hbm>> -> memref<100352x32xf32, #tpu.memory_space<hbm>>
      tpu.wait_indirect_dma semaphore(%arg11 : memref<!tpu.dma_semaphore, #tpu.memory_space<semaphore_mem>>) src(%dma_wait3A_108 : memref<100352x32xf32, #tpu.memory_space<hbm>>) dst(%dma_wait3A_102 : memref<128x32xf32, #tpu.memory_space<vmem>>)
      %run_scoped3A = arith.constant 0 : i32
      %run_scoped3A_109 = arith.constant 0 : i32
      "tpu.region"() ({
        %run_scoped3A_388 = tpu.sem_alloc : memref<!tpu.dma_semaphore, #tpu.memory_space<semaphore_mem>>
        %dma_start3A_389 = arith.constant 0 : i32
        %dma_start3A_390 = arith.constant 0 : i32
        %dma_start3A_391 = tpu.memref_slice %arg7[%run_scoped3A, %dma_start3A_389, %dma_start3A_390] : memref<6x128x32xf32, #tpu.memory_space<vmem>> -> memref<1x128x32xf32, #tpu.memory_space<vmem>>
        %dma_start3A_392 = tpu.memref_squeeze %dma_start3A_391 : memref<1x128x32xf32, #tpu.memory_space<vmem>> -> memref<128x32xf32, #tpu.memory_space<vmem>>
        %dma_start3A_393 = arith.constant 0 : i32
        %dma_start3A_394 = tpu.memref_slice %arg9[%run_scoped3A_109, %dma_start3A_393] : memref<14x128xi32, #tpu.memory_space<vmem>> -> memref<1x128xi32, #tpu.memory_space<vmem>>
        %dma_start3A_395 = tpu.memref_squeeze %dma_start3A_394 : memref<1x128xi32, #tpu.memory_space<vmem>> -> memref<128xi32, #tpu.memory_space<vmem>>
        %dma_start3A_396 = arith.constant 0 : i32
        %dma_start3A_397 = arith.constant 0 : i32
        %dma_start3A_398 = tpu.memref_slice %arg6[%dma_start3A_396, %dma_start3A_397] : memref<50176x32xf32, #tpu.memory_space<vmem_shared>> -> memref<50176x32xf32, #tpu.memory_space<vmem_shared>>
        tpu.enqueue_indirect_dma source(%dma_start3A_392 : memref<128x32xf32, #tpu.memory_space<vmem>>) target(%dma_start3A_398 : memref<50176x32xf32, #tpu.memory_space<vmem_shared>>) offsets(%dma_start3A_395 : memref<128xi32, #tpu.memory_space<vmem>>) semaphore(%run_scoped3A_388 : memref<!tpu.dma_semaphore, #tpu.memory_space<semaphore_mem>>) {add = true}
        %dma_wait3A_399 = arith.constant 0 : i32
        %dma_wait3A_400 = arith.constant 0 : i32
        %dma_wait3A_401 = tpu.memref_slice %arg7[%run_scoped3A, %dma_wait3A_399, %dma_wait3A_400] : memref<6x128x32xf32, #tpu.memory_space<vmem>> -> memref<1x128x32xf32, #tpu.memory_space<vmem>>
        %dma_wait3A_402 = tpu.memref_squeeze %dma_wait3A_401 : memref<1x128x32xf32, #tpu.memory_space<vmem>> -> memref<128x32xf32, #tpu.memory_space<vmem>>
        %dma_wait3A_403 = arith.constant 0 : i32
        %dma_wait3A_404 = tpu.memref_slice %arg9[%run_scoped3A_109, %dma_wait3A_403] : memref<14x128xi32, #tpu.memory_space<vmem>> -> memref<1x128xi32, #tpu.memory_space<vmem>>
        %dma_wait3A_405 = tpu.memref_squeeze %dma_wait3A_404 : memref<1x128xi32, #tpu.memory_space<vmem>> -> memref<128xi32, #tpu.memory_space<vmem>>
        %dma_wait3A_406 = arith.constant 0 : i32
        %dma_wait3A_407 = arith.constant 0 : i32
        %dma_wait3A_408 = tpu.memref_slice %arg6[%dma_wait3A_406, %dma_wait3A_407] : memref<50176x32xf32, #tpu.memory_space<vmem_shared>> -> memref<50176x32xf32, #tpu.memory_space<vmem_shared>>
        tpu.wait_indirect_dma semaphore(%run_scoped3A_388 : memref<!tpu.dma_semaphore, #tpu.memory_space<semaphore_mem>>) src(%dma_wait3A_402 : memref<128x32xf32, #tpu.memory_space<vmem>>) dst(%dma_wait3A_408 : memref<50176x32xf32, #tpu.memory_space<vmem_shared>>)
        tpu.yield
      }) : () -> ()
      %dma_start3A_110 = arith.constant 6 : i32
      %dma_start3A_111 = arith.constant 0 : i32
      %dma_start3A_112 = arith.constant 0 : i32
      %dma_start3A_113 = arith.constant 0 : i32
      %dma_start3A_114 = tpu.memref_slice %arg7[%dma_start3A_111, %dma_start3A_112, %dma_start3A_113] : memref<6x128x32xf32, #tpu.memory_space<vmem>> -> memref<1x128x32xf32, #tpu.memory_space<vmem>>
      %dma_start3A_115 = tpu.memref_squeeze %dma_start3A_114 : memref<1x128x32xf32, #tpu.memory_space<vmem>> -> memref<128x32xf32, #tpu.memory_space<vmem>>
      %dma_start3A_116 = arith.constant 0 : i32
      %dma_start3A_117 = tpu.memref_slice %arg8[%dma_start3A_110, %dma_start3A_116] : memref<14x128xi32, #tpu.memory_space<vmem>> -> memref<1x128xi32, #tpu.memory_space<vmem>>
      %dma_start3A_118 = tpu.memref_squeeze %dma_start3A_117 : memref<1x128xi32, #tpu.memory_space<vmem>> -> memref<128xi32, #tpu.memory_space<vmem>>
      %dma_start3A_119 = arith.constant 0 : i32
      %dma_start3A_120 = arith.constant 0 : i32
      %dma_start3A_121 = tpu.memref_slice %arg4[%dma_start3A_119, %dma_start3A_120] : memref<100352x32xf32, #tpu.memory_space<hbm>> -> memref<100352x32xf32, #tpu.memory_space<hbm>>
      tpu.enqueue_indirect_dma source(%dma_start3A_121 : memref<100352x32xf32, #tpu.memory_space<hbm>>) target(%dma_start3A_115 : memref<128x32xf32, #tpu.memory_space<vmem>>) offsets(%dma_start3A_118 : memref<128xi32, #tpu.memory_space<vmem>>) semaphore(%arg11 : memref<!tpu.dma_semaphore, #tpu.memory_space<semaphore_mem>>)
      %dma_wait3A_122 = arith.constant 1 : i32
      %dma_wait3A_123 = arith.constant 1 : i32
      %dma_wait3A_124 = arith.constant 0 : i32
      %dma_wait3A_125 = arith.constant 0 : i32
      %dma_wait3A_126 = tpu.memref_slice %arg7[%dma_wait3A_123, %dma_wait3A_124, %dma_wait3A_125] : memref<6x128x32xf32, #tpu.memory_space<vmem>> -> memref<1x128x32xf32, #tpu.memory_space<vmem>>
      %dma_wait3A_127 = tpu.memref_squeeze %dma_wait3A_126 : memref<1x128x32xf32, #tpu.memory_space<vmem>> -> memref<128x32xf32, #tpu.memory_space<vmem>>
      %dma_wait3A_128 = arith.constant 0 : i32
      %dma_wait3A_129 = tpu.memref_slice %arg8[%dma_wait3A_122, %dma_wait3A_128] : memref<14x128xi32, #tpu.memory_space<vmem>> -> memref<1x128xi32, #tpu.memory_space<vmem>>
      %dma_wait3A_130 = tpu.memref_squeeze %dma_wait3A_129 : memref<1x128xi32, #tpu.memory_space<vmem>> -> memref<128xi32, #tpu.memory_space<vmem>>
      %dma_wait3A_131 = arith.constant 0 : i32
      %dma_wait3A_132 = arith.constant 0 : i32
      %dma_wait3A_133 = tpu.memref_slice %arg4[%dma_wait3A_131, %dma_wait3A_132] : memref<100352x32xf32, #tpu.memory_space<hbm>> -> memref<100352x32xf32, #tpu.memory_space<hbm>>
      tpu.wait_indirect_dma semaphore(%arg11 : memref<!tpu.dma_semaphore, #tpu.memory_space<semaphore_mem>>) src(%dma_wait3A_133 : memref<100352x32xf32, #tpu.memory_space<hbm>>) dst(%dma_wait3A_127 : memref<128x32xf32, #tpu.memory_space<vmem>>)
      %run_scoped3A_134 = arith.constant 1 : i32
      %run_scoped3A_135 = arith.constant 1 : i32
      "tpu.region"() ({
        %run_scoped3A_388 = tpu.sem_alloc : memref<!tpu.dma_semaphore, #tpu.memory_space<semaphore_mem>>
        %dma_start3A_389 = arith.constant 0 : i32
        %dma_start3A_390 = arith.constant 0 : i32
        %dma_start3A_391 = tpu.memref_slice %arg7[%run_scoped3A_134, %dma_start3A_389, %dma_start3A_390] : memref<6x128x32xf32, #tpu.memory_space<vmem>> -> memref<1x128x32xf32, #tpu.memory_space<vmem>>
        %dma_start3A_392 = tpu.memref_squeeze %dma_start3A_391 : memref<1x128x32xf32, #tpu.memory_space<vmem>> -> memref<128x32xf32, #tpu.memory_space<vmem>>
        %dma_start3A_393 = arith.constant 0 : i32
        %dma_start3A_394 = tpu.memref_slice %arg9[%run_scoped3A_135, %dma_start3A_393] : memref<14x128xi32, #tpu.memory_space<vmem>> -> memref<1x128xi32, #tpu.memory_space<vmem>>
        %dma_start3A_395 = tpu.memref_squeeze %dma_start3A_394 : memref<1x128xi32, #tpu.memory_space<vmem>> -> memref<128xi32, #tpu.memory_space<vmem>>
        %dma_start3A_396 = arith.constant 0 : i32
        %dma_start3A_397 = arith.constant 0 : i32
        %dma_start3A_398 = tpu.memref_slice %arg6[%dma_start3A_396, %dma_start3A_397] : memref<50176x32xf32, #tpu.memory_space<vmem_shared>> -> memref<50176x32xf32, #tpu.memory_space<vmem_shared>>
        tpu.enqueue_indirect_dma source(%dma_start3A_392 : memref<128x32xf32, #tpu.memory_space<vmem>>) target(%dma_start3A_398 : memref<50176x32xf32, #tpu.memory_space<vmem_shared>>) offsets(%dma_start3A_395 : memref<128xi32, #tpu.memory_space<vmem>>) semaphore(%run_scoped3A_388 : memref<!tpu.dma_semaphore, #tpu.memory_space<semaphore_mem>>) {add = true}
        %dma_wait3A_399 = arith.constant 0 : i32
        %dma_wait3A_400 = arith.constant 0 : i32
        %dma_wait3A_401 = tpu.memref_slice %arg7[%run_scoped3A_134, %dma_wait3A_399, %dma_wait3A_400] : memref<6x128x32xf32, #tpu.memory_space<vmem>> -> memref<1x128x32xf32, #tpu.memory_space<vmem>>
        %dma_wait3A_402 = tpu.memref_squeeze %dma_wait3A_401 : memref<1x128x32xf32, #tpu.memory_space<vmem>> -> memref<128x32xf32, #tpu.memory_space<vmem>>
        %dma_wait3A_403 = arith.constant 0 : i32
        %dma_wait3A_404 = tpu.memref_slice %arg9[%run_scoped3A_135, %dma_wait3A_403] : memref<14x128xi32, #tpu.memory_space<vmem>> -> memref<1x128xi32, #tpu.memory_space<vmem>>
        %dma_wait3A_405 = tpu.memref_squeeze %dma_wait3A_404 : memref<1x128xi32, #tpu.memory_space<vmem>> -> memref<128xi32, #tpu.memory_space<vmem>>
        %dma_wait3A_406 = arith.constant 0 : i32
        %dma_wait3A_407 = arith.constant 0 : i32
        %dma_wait3A_408 = tpu.memref_slice %arg6[%dma_wait3A_406, %dma_wait3A_407] : memref<50176x32xf32, #tpu.memory_space<vmem_shared>> -> memref<50176x32xf32, #tpu.memory_space<vmem_shared>>
        tpu.wait_indirect_dma semaphore(%run_scoped3A_388 : memref<!tpu.dma_semaphore, #tpu.memory_space<semaphore_mem>>) src(%dma_wait3A_402 : memref<128x32xf32, #tpu.memory_space<vmem>>) dst(%dma_wait3A_408 : memref<50176x32xf32, #tpu.memory_space<vmem_shared>>)
        tpu.yield
      }) : () -> ()
      %dma_start3A_136 = arith.constant 7 : i32
      %dma_start3A_137 = arith.constant 1 : i32
      %dma_start3A_138 = arith.constant 0 : i32
      %dma_start3A_139 = arith.constant 0 : i32
      %dma_start3A_140 = tpu.memref_slice %arg7[%dma_start3A_137, %dma_start3A_138, %dma_start3A_139] : memref<6x128x32xf32, #tpu.memory_space<vmem>> -> memref<1x128x32xf32, #tpu.memory_space<vmem>>
      %dma_start3A_141 = tpu.memref_squeeze %dma_start3A_140 : memref<1x128x32xf32, #tpu.memory_space<vmem>> -> memref<128x32xf32, #tpu.memory_space<vmem>>
      %dma_start3A_142 = arith.constant 0 : i32
      %dma_start3A_143 = tpu.memref_slice %arg8[%dma_start3A_136, %dma_start3A_142] : memref<14x128xi32, #tpu.memory_space<vmem>> -> memref<1x128xi32, #tpu.memory_space<vmem>>
      %dma_start3A_144 = tpu.memref_squeeze %dma_start3A_143 : memref<1x128xi32, #tpu.memory_space<vmem>> -> memref<128xi32, #tpu.memory_space<vmem>>
      %dma_start3A_145 = arith.constant 0 : i32
      %dma_start3A_146 = arith.constant 0 : i32
      %dma_start3A_147 = tpu.memref_slice %arg4[%dma_start3A_145, %dma_start3A_146] : memref<100352x32xf32, #tpu.memory_space<hbm>> -> memref<100352x32xf32, #tpu.memory_space<hbm>>
      tpu.enqueue_indirect_dma source(%dma_start3A_147 : memref<100352x32xf32, #tpu.memory_space<hbm>>) target(%dma_start3A_141 : memref<128x32xf32, #tpu.memory_space<vmem>>) offsets(%dma_start3A_144 : memref<128xi32, #tpu.memory_space<vmem>>) semaphore(%arg11 : memref<!tpu.dma_semaphore, #tpu.memory_space<semaphore_mem>>)
      %dma_wait3A_148 = arith.constant 2 : i32
      %dma_wait3A_149 = arith.constant 2 : i32
      %dma_wait3A_150 = arith.constant 0 : i32
      %dma_wait3A_151 = arith.constant 0 : i32
      %dma_wait3A_152 = tpu.memref_slice %arg7[%dma_wait3A_149, %dma_wait3A_150, %dma_wait3A_151] : memref<6x128x32xf32, #tpu.memory_space<vmem>> -> memref<1x128x32xf32, #tpu.memory_space<vmem>>
      %dma_wait3A_153 = tpu.memref_squeeze %dma_wait3A_152 : memref<1x128x32xf32, #tpu.memory_space<vmem>> -> memref<128x32xf32, #tpu.memory_space<vmem>>
      %dma_wait3A_154 = arith.constant 0 : i32
      %dma_wait3A_155 = tpu.memref_slice %arg8[%dma_wait3A_148, %dma_wait3A_154] : memref<14x128xi32, #tpu.memory_space<vmem>> -> memref<1x128xi32, #tpu.memory_space<vmem>>
      %dma_wait3A_156 = tpu.memref_squeeze %dma_wait3A_155 : memref<1x128xi32, #tpu.memory_space<vmem>> -> memref<128xi32, #tpu.memory_space<vmem>>
      %dma_wait3A_157 = arith.constant 0 : i32
      %dma_wait3A_158 = arith.constant 0 : i32
      %dma_wait3A_159 = tpu.memref_slice %arg4[%dma_wait3A_157, %dma_wait3A_158] : memref<100352x32xf32, #tpu.memory_space<hbm>> -> memref<100352x32xf32, #tpu.memory_space<hbm>>
      tpu.wait_indirect_dma semaphore(%arg11 : memref<!tpu.dma_semaphore, #tpu.memory_space<semaphore_mem>>) src(%dma_wait3A_159 : memref<100352x32xf32, #tpu.memory_space<hbm>>) dst(%dma_wait3A_153 : memref<128x32xf32, #tpu.memory_space<vmem>>)
      %run_scoped3A_160 = arith.constant 2 : i32
      %run_scoped3A_161 = arith.constant 2 : i32
      "tpu.region"() ({
        %run_scoped3A_388 = tpu.sem_alloc : memref<!tpu.dma_semaphore, #tpu.memory_space<semaphore_mem>>
        %dma_start3A_389 = arith.constant 0 : i32
        %dma_start3A_390 = arith.constant 0 : i32
        %dma_start3A_391 = tpu.memref_slice %arg7[%run_scoped3A_160, %dma_start3A_389, %dma_start3A_390] : memref<6x128x32xf32, #tpu.memory_space<vmem>> -> memref<1x128x32xf32, #tpu.memory_space<vmem>>
        %dma_start3A_392 = tpu.memref_squeeze %dma_start3A_391 : memref<1x128x32xf32, #tpu.memory_space<vmem>> -> memref<128x32xf32, #tpu.memory_space<vmem>>
        %dma_start3A_393 = arith.constant 0 : i32
        %dma_start3A_394 = tpu.memref_slice %arg9[%run_scoped3A_161, %dma_start3A_393] : memref<14x128xi32, #tpu.memory_space<vmem>> -> memref<1x128xi32, #tpu.memory_space<vmem>>
        %dma_start3A_395 = tpu.memref_squeeze %dma_start3A_394 : memref<1x128xi32, #tpu.memory_space<vmem>> -> memref<128xi32, #tpu.memory_space<vmem>>
        %dma_start3A_396 = arith.constant 0 : i32
        %dma_start3A_397 = arith.constant 0 : i32
        %dma_start3A_398 = tpu.memref_slice %arg6[%dma_start3A_396, %dma_start3A_397] : memref<50176x32xf32, #tpu.memory_space<vmem_shared>> -> memref<50176x32xf32, #tpu.memory_space<vmem_shared>>
        tpu.enqueue_indirect_dma source(%dma_start3A_392 : memref<128x32xf32, #tpu.memory_space<vmem>>) target(%dma_start3A_398 : memref<50176x32xf32, #tpu.memory_space<vmem_shared>>) offsets(%dma_start3A_395 : memref<128xi32, #tpu.memory_space<vmem>>) semaphore(%run_scoped3A_388 : memref<!tpu.dma_semaphore, #tpu.memory_space<semaphore_mem>>) {add = true}
        %dma_wait3A_399 = arith.constant 0 : i32
        %dma_wait3A_400 = arith.constant 0 : i32
        %dma_wait3A_401 = tpu.memref_slice %arg7[%run_scoped3A_160, %dma_wait3A_399, %dma_wait3A_400] : memref<6x128x32xf32, #tpu.memory_space<vmem>> -> memref<1x128x32xf32, #tpu.memory_space<vmem>>
        %dma_wait3A_402 = tpu.memref_squeeze %dma_wait3A_401 : memref<1x128x32xf32, #tpu.memory_space<vmem>> -> memref<128x32xf32, #tpu.memory_space<vmem>>
        %dma_wait3A_403 = arith.constant 0 : i32
        %dma_wait3A_404 = tpu.memref_slice %arg9[%run_scoped3A_161, %dma_wait3A_403] : memref<14x128xi32, #tpu.memory_space<vmem>> -> memref<1x128xi32, #tpu.memory_space<vmem>>
        %dma_wait3A_405 = tpu.memref_squeeze %dma_wait3A_404 : memref<1x128xi32, #tpu.memory_space<vmem>> -> memref<128xi32, #tpu.memory_space<vmem>>
        %dma_wait3A_406 = arith.constant 0 : i32
        %dma_wait3A_407 = arith.constant 0 : i32
        %dma_wait3A_408 = tpu.memref_slice %arg6[%dma_wait3A_406, %dma_wait3A_407] : memref<50176x32xf32, #tpu.memory_space<vmem_shared>> -> memref<50176x32xf32, #tpu.memory_space<vmem_shared>>
        tpu.wait_indirect_dma semaphore(%run_scoped3A_388 : memref<!tpu.dma_semaphore, #tpu.memory_space<semaphore_mem>>) src(%dma_wait3A_402 : memref<128x32xf32, #tpu.memory_space<vmem>>) dst(%dma_wait3A_408 : memref<50176x32xf32, #tpu.memory_space<vmem_shared>>)
        tpu.yield
      }) : () -> ()
      %dma_start3A_162 = arith.constant 8 : i32
      %dma_start3A_163 = arith.constant 2 : i32
      %dma_start3A_164 = arith.constant 0 : i32
      %dma_start3A_165 = arith.constant 0 : i32
      %dma_start3A_166 = tpu.memref_slice %arg7[%dma_start3A_163, %dma_start3A_164, %dma_start3A_165] : memref<6x128x32xf32, #tpu.memory_space<vmem>> -> memref<1x128x32xf32, #tpu.memory_space<vmem>>
      %dma_start3A_167 = tpu.memref_squeeze %dma_start3A_166 : memref<1x128x32xf32, #tpu.memory_space<vmem>> -> memref<128x32xf32, #tpu.memory_space<vmem>>
      %dma_start3A_168 = arith.constant 0 : i32
      %dma_start3A_169 = tpu.memref_slice %arg8[%dma_start3A_162, %dma_start3A_168] : memref<14x128xi32, #tpu.memory_space<vmem>> -> memref<1x128xi32, #tpu.memory_space<vmem>>
      %dma_start3A_170 = tpu.memref_squeeze %dma_start3A_169 : memref<1x128xi32, #tpu.memory_space<vmem>> -> memref<128xi32, #tpu.memory_space<vmem>>
      %dma_start3A_171 = arith.constant 0 : i32
      %dma_start3A_172 = arith.constant 0 : i32
      %dma_start3A_173 = tpu.memref_slice %arg4[%dma_start3A_171, %dma_start3A_172] : memref<100352x32xf32, #tpu.memory_space<hbm>> -> memref<100352x32xf32, #tpu.memory_space<hbm>>
      tpu.enqueue_indirect_dma source(%dma_start3A_173 : memref<100352x32xf32, #tpu.memory_space<hbm>>) target(%dma_start3A_167 : memref<128x32xf32, #tpu.memory_space<vmem>>) offsets(%dma_start3A_170 : memref<128xi32, #tpu.memory_space<vmem>>) semaphore(%arg11 : memref<!tpu.dma_semaphore, #tpu.memory_space<semaphore_mem>>)
      %dma_wait3A_174 = arith.constant 3 : i32
      %dma_wait3A_175 = arith.constant 3 : i32
      %dma_wait3A_176 = arith.constant 0 : i32
      %dma_wait3A_177 = arith.constant 0 : i32
      %dma_wait3A_178 = tpu.memref_slice %arg7[%dma_wait3A_175, %dma_wait3A_176, %dma_wait3A_177] : memref<6x128x32xf32, #tpu.memory_space<vmem>> -> memref<1x128x32xf32, #tpu.memory_space<vmem>>
      %dma_wait3A_179 = tpu.memref_squeeze %dma_wait3A_178 : memref<1x128x32xf32, #tpu.memory_space<vmem>> -> memref<128x32xf32, #tpu.memory_space<vmem>>
      %dma_wait3A_180 = arith.constant 0 : i32
      %dma_wait3A_181 = tpu.memref_slice %arg8[%dma_wait3A_174, %dma_wait3A_180] : memref<14x128xi32, #tpu.memory_space<vmem>> -> memref<1x128xi32, #tpu.memory_space<vmem>>
      %dma_wait3A_182 = tpu.memref_squeeze %dma_wait3A_181 : memref<1x128xi32, #tpu.memory_space<vmem>> -> memref<128xi32, #tpu.memory_space<vmem>>
      %dma_wait3A_183 = arith.constant 0 : i32
      %dma_wait3A_184 = arith.constant 0 : i32
      %dma_wait3A_185 = tpu.memref_slice %arg4[%dma_wait3A_183, %dma_wait3A_184] : memref<100352x32xf32, #tpu.memory_space<hbm>> -> memref<100352x32xf32, #tpu.memory_space<hbm>>
      tpu.wait_indirect_dma semaphore(%arg11 : memref<!tpu.dma_semaphore, #tpu.memory_space<semaphore_mem>>) src(%dma_wait3A_185 : memref<100352x32xf32, #tpu.memory_space<hbm>>) dst(%dma_wait3A_179 : memref<128x32xf32, #tpu.memory_space<vmem>>)
      %run_scoped3A_186 = arith.constant 3 : i32
      %run_scoped3A_187 = arith.constant 3 : i32
      "tpu.region"() ({
        %run_scoped3A_388 = tpu.sem_alloc : memref<!tpu.dma_semaphore, #tpu.memory_space<semaphore_mem>>
        %dma_start3A_389 = arith.constant 0 : i32
        %dma_start3A_390 = arith.constant 0 : i32
        %dma_start3A_391 = tpu.memref_slice %arg7[%run_scoped3A_186, %dma_start3A_389, %dma_start3A_390] : memref<6x128x32xf32, #tpu.memory_space<vmem>> -> memref<1x128x32xf32, #tpu.memory_space<vmem>>
        %dma_start3A_392 = tpu.memref_squeeze %dma_start3A_391 : memref<1x128x32xf32, #tpu.memory_space<vmem>> -> memref<128x32xf32, #tpu.memory_space<vmem>>
        %dma_start3A_393 = arith.constant 0 : i32
        %dma_start3A_394 = tpu.memref_slice %arg9[%run_scoped3A_187, %dma_start3A_393] : memref<14x128xi32, #tpu.memory_space<vmem>> -> memref<1x128xi32, #tpu.memory_space<vmem>>
        %dma_start3A_395 = tpu.memref_squeeze %dma_start3A_394 : memref<1x128xi32, #tpu.memory_space<vmem>> -> memref<128xi32, #tpu.memory_space<vmem>>
        %dma_start3A_396 = arith.constant 0 : i32
        %dma_start3A_397 = arith.constant 0 : i32
        %dma_start3A_398 = tpu.memref_slice %arg6[%dma_start3A_396, %dma_start3A_397] : memref<50176x32xf32, #tpu.memory_space<vmem_shared>> -> memref<50176x32xf32, #tpu.memory_space<vmem_shared>>
        tpu.enqueue_indirect_dma source(%dma_start3A_392 : memref<128x32xf32, #tpu.memory_space<vmem>>) target(%dma_start3A_398 : memref<50176x32xf32, #tpu.memory_space<vmem_shared>>) offsets(%dma_start3A_395 : memref<128xi32, #tpu.memory_space<vmem>>) semaphore(%run_scoped3A_388 : memref<!tpu.dma_semaphore, #tpu.memory_space<semaphore_mem>>) {add = true}
        %dma_wait3A_399 = arith.constant 0 : i32
        %dma_wait3A_400 = arith.constant 0 : i32
        %dma_wait3A_401 = tpu.memref_slice %arg7[%run_scoped3A_186, %dma_wait3A_399, %dma_wait3A_400] : memref<6x128x32xf32, #tpu.memory_space<vmem>> -> memref<1x128x32xf32, #tpu.memory_space<vmem>>
        %dma_wait3A_402 = tpu.memref_squeeze %dma_wait3A_401 : memref<1x128x32xf32, #tpu.memory_space<vmem>> -> memref<128x32xf32, #tpu.memory_space<vmem>>
        %dma_wait3A_403 = arith.constant 0 : i32
        %dma_wait3A_404 = tpu.memref_slice %arg9[%run_scoped3A_187, %dma_wait3A_403] : memref<14x128xi32, #tpu.memory_space<vmem>> -> memref<1x128xi32, #tpu.memory_space<vmem>>
        %dma_wait3A_405 = tpu.memref_squeeze %dma_wait3A_404 : memref<1x128xi32, #tpu.memory_space<vmem>> -> memref<128xi32, #tpu.memory_space<vmem>>
        %dma_wait3A_406 = arith.constant 0 : i32
        %dma_wait3A_407 = arith.constant 0 : i32
        %dma_wait3A_408 = tpu.memref_slice %arg6[%dma_wait3A_406, %dma_wait3A_407] : memref<50176x32xf32, #tpu.memory_space<vmem_shared>> -> memref<50176x32xf32, #tpu.memory_space<vmem_shared>>
        tpu.wait_indirect_dma semaphore(%run_scoped3A_388 : memref<!tpu.dma_semaphore, #tpu.memory_space<semaphore_mem>>) src(%dma_wait3A_402 : memref<128x32xf32, #tpu.memory_space<vmem>>) dst(%dma_wait3A_408 : memref<50176x32xf32, #tpu.memory_space<vmem_shared>>)
        tpu.yield
      }) : () -> ()
      %dma_start3A_188 = arith.constant 9 : i32
      %dma_start3A_189 = arith.constant 3 : i32
      %dma_start3A_190 = arith.constant 0 : i32
      %dma_start3A_191 = arith.constant 0 : i32
      %dma_start3A_192 = tpu.memref_slice %arg7[%dma_start3A_189, %dma_start3A_190, %dma_start3A_191] : memref<6x128x32xf32, #tpu.memory_space<vmem>> -> memref<1x128x32xf32, #tpu.memory_space<vmem>>
      %dma_start3A_193 = tpu.memref_squeeze %dma_start3A_192 : memref<1x128x32xf32, #tpu.memory_space<vmem>> -> memref<128x32xf32, #tpu.memory_space<vmem>>
      %dma_start3A_194 = arith.constant 0 : i32
      %dma_start3A_195 = tpu.memref_slice %arg8[%dma_start3A_188, %dma_start3A_194] : memref<14x128xi32, #tpu.memory_space<vmem>> -> memref<1x128xi32, #tpu.memory_space<vmem>>
      %dma_start3A_196 = tpu.memref_squeeze %dma_start3A_195 : memref<1x128xi32, #tpu.memory_space<vmem>> -> memref<128xi32, #tpu.memory_space<vmem>>
      %dma_start3A_197 = arith.constant 0 : i32
      %dma_start3A_198 = arith.constant 0 : i32
      %dma_start3A_199 = tpu.memref_slice %arg4[%dma_start3A_197, %dma_start3A_198] : memref<100352x32xf32, #tpu.memory_space<hbm>> -> memref<100352x32xf32, #tpu.memory_space<hbm>>
      tpu.enqueue_indirect_dma source(%dma_start3A_199 : memref<100352x32xf32, #tpu.memory_space<hbm>>) target(%dma_start3A_193 : memref<128x32xf32, #tpu.memory_space<vmem>>) offsets(%dma_start3A_196 : memref<128xi32, #tpu.memory_space<vmem>>) semaphore(%arg11 : memref<!tpu.dma_semaphore, #tpu.memory_space<semaphore_mem>>)
      %dma_wait3A_200 = arith.constant 4 : i32
      %dma_wait3A_201 = arith.constant 4 : i32
      %dma_wait3A_202 = arith.constant 0 : i32
      %dma_wait3A_203 = arith.constant 0 : i32
      %dma_wait3A_204 = tpu.memref_slice %arg7[%dma_wait3A_201, %dma_wait3A_202, %dma_wait3A_203] : memref<6x128x32xf32, #tpu.memory_space<vmem>> -> memref<1x128x32xf32, #tpu.memory_space<vmem>>
      %dma_wait3A_205 = tpu.memref_squeeze %dma_wait3A_204 : memref<1x128x32xf32, #tpu.memory_space<vmem>> -> memref<128x32xf32, #tpu.memory_space<vmem>>
      %dma_wait3A_206 = arith.constant 0 : i32
      %dma_wait3A_207 = tpu.memref_slice %arg8[%dma_wait3A_200, %dma_wait3A_206] : memref<14x128xi32, #tpu.memory_space<vmem>> -> memref<1x128xi32, #tpu.memory_space<vmem>>
      %dma_wait3A_208 = tpu.memref_squeeze %dma_wait3A_207 : memref<1x128xi32, #tpu.memory_space<vmem>> -> memref<128xi32, #tpu.memory_space<vmem>>
      %dma_wait3A_209 = arith.constant 0 : i32
      %dma_wait3A_210 = arith.constant 0 : i32
      %dma_wait3A_211 = tpu.memref_slice %arg4[%dma_wait3A_209, %dma_wait3A_210] : memref<100352x32xf32, #tpu.memory_space<hbm>> -> memref<100352x32xf32, #tpu.memory_space<hbm>>
      tpu.wait_indirect_dma semaphore(%arg11 : memref<!tpu.dma_semaphore, #tpu.memory_space<semaphore_mem>>) src(%dma_wait3A_211 : memref<100352x32xf32, #tpu.memory_space<hbm>>) dst(%dma_wait3A_205 : memref<128x32xf32, #tpu.memory_space<vmem>>)
      %run_scoped3A_212 = arith.constant 4 : i32
      %run_scoped3A_213 = arith.constant 4 : i32
      "tpu.region"() ({
        %run_scoped3A_388 = tpu.sem_alloc : memref<!tpu.dma_semaphore, #tpu.memory_space<semaphore_mem>>
        %dma_start3A_389 = arith.constant 0 : i32
        %dma_start3A_390 = arith.constant 0 : i32
        %dma_start3A_391 = tpu.memref_slice %arg7[%run_scoped3A_212, %dma_start3A_389, %dma_start3A_390] : memref<6x128x32xf32, #tpu.memory_space<vmem>> -> memref<1x128x32xf32, #tpu.memory_space<vmem>>
        %dma_start3A_392 = tpu.memref_squeeze %dma_start3A_391 : memref<1x128x32xf32, #tpu.memory_space<vmem>> -> memref<128x32xf32, #tpu.memory_space<vmem>>
        %dma_start3A_393 = arith.constant 0 : i32
        %dma_start3A_394 = tpu.memref_slice %arg9[%run_scoped3A_213, %dma_start3A_393] : memref<14x128xi32, #tpu.memory_space<vmem>> -> memref<1x128xi32, #tpu.memory_space<vmem>>
        %dma_start3A_395 = tpu.memref_squeeze %dma_start3A_394 : memref<1x128xi32, #tpu.memory_space<vmem>> -> memref<128xi32, #tpu.memory_space<vmem>>
        %dma_start3A_396 = arith.constant 0 : i32
        %dma_start3A_397 = arith.constant 0 : i32
        %dma_start3A_398 = tpu.memref_slice %arg6[%dma_start3A_396, %dma_start3A_397] : memref<50176x32xf32, #tpu.memory_space<vmem_shared>> -> memref<50176x32xf32, #tpu.memory_space<vmem_shared>>
        tpu.enqueue_indirect_dma source(%dma_start3A_392 : memref<128x32xf32, #tpu.memory_space<vmem>>) target(%dma_start3A_398 : memref<50176x32xf32, #tpu.memory_space<vmem_shared>>) offsets(%dma_start3A_395 : memref<128xi32, #tpu.memory_space<vmem>>) semaphore(%run_scoped3A_388 : memref<!tpu.dma_semaphore, #tpu.memory_space<semaphore_mem>>) {add = true}
        %dma_wait3A_399 = arith.constant 0 : i32
        %dma_wait3A_400 = arith.constant 0 : i32
        %dma_wait3A_401 = tpu.memref_slice %arg7[%run_scoped3A_212, %dma_wait3A_399, %dma_wait3A_400] : memref<6x128x32xf32, #tpu.memory_space<vmem>> -> memref<1x128x32xf32, #tpu.memory_space<vmem>>
        %dma_wait3A_402 = tpu.memref_squeeze %dma_wait3A_401 : memref<1x128x32xf32, #tpu.memory_space<vmem>> -> memref<128x32xf32, #tpu.memory_space<vmem>>
        %dma_wait3A_403 = arith.constant 0 : i32
        %dma_wait3A_404 = tpu.memref_slice %arg9[%run_scoped3A_213, %dma_wait3A_403] : memref<14x128xi32, #tpu.memory_space<vmem>> -> memref<1x128xi32, #tpu.memory_space<vmem>>
        %dma_wait3A_405 = tpu.memref_squeeze %dma_wait3A_404 : memref<1x128xi32, #tpu.memory_space<vmem>> -> memref<128xi32, #tpu.memory_space<vmem>>
        %dma_wait3A_406 = arith.constant 0 : i32
        %dma_wait3A_407 = arith.constant 0 : i32
        %dma_wait3A_408 = tpu.memref_slice %arg6[%dma_wait3A_406, %dma_wait3A_407] : memref<50176x32xf32, #tpu.memory_space<vmem_shared>> -> memref<50176x32xf32, #tpu.memory_space<vmem_shared>>
        tpu.wait_indirect_dma semaphore(%run_scoped3A_388 : memref<!tpu.dma_semaphore, #tpu.memory_space<semaphore_mem>>) src(%dma_wait3A_402 : memref<128x32xf32, #tpu.memory_space<vmem>>) dst(%dma_wait3A_408 : memref<50176x32xf32, #tpu.memory_space<vmem_shared>>)
        tpu.yield
      }) : () -> ()
      %dma_start3A_214 = arith.constant 10 : i32
      %dma_start3A_215 = arith.constant 4 : i32
      %dma_start3A_216 = arith.constant 0 : i32
      %dma_start3A_217 = arith.constant 0 : i32
      %dma_start3A_218 = tpu.memref_slice %arg7[%dma_start3A_215, %dma_start3A_216, %dma_start3A_217] : memref<6x128x32xf32, #tpu.memory_space<vmem>> -> memref<1x128x32xf32, #tpu.memory_space<vmem>>
      %dma_start3A_219 = tpu.memref_squeeze %dma_start3A_218 : memref<1x128x32xf32, #tpu.memory_space<vmem>> -> memref<128x32xf32, #tpu.memory_space<vmem>>
      %dma_start3A_220 = arith.constant 0 : i32
      %dma_start3A_221 = tpu.memref_slice %arg8[%dma_start3A_214, %dma_start3A_220] : memref<14x128xi32, #tpu.memory_space<vmem>> -> memref<1x128xi32, #tpu.memory_space<vmem>>
      %dma_start3A_222 = tpu.memref_squeeze %dma_start3A_221 : memref<1x128xi32, #tpu.memory_space<vmem>> -> memref<128xi32, #tpu.memory_space<vmem>>
      %dma_start3A_223 = arith.constant 0 : i32
      %dma_start3A_224 = arith.constant 0 : i32
      %dma_start3A_225 = tpu.memref_slice %arg4[%dma_start3A_223, %dma_start3A_224] : memref<100352x32xf32, #tpu.memory_space<hbm>> -> memref<100352x32xf32, #tpu.memory_space<hbm>>
      tpu.enqueue_indirect_dma source(%dma_start3A_225 : memref<100352x32xf32, #tpu.memory_space<hbm>>) target(%dma_start3A_219 : memref<128x32xf32, #tpu.memory_space<vmem>>) offsets(%dma_start3A_222 : memref<128xi32, #tpu.memory_space<vmem>>) semaphore(%arg11 : memref<!tpu.dma_semaphore, #tpu.memory_space<semaphore_mem>>)
      %dma_wait3A_226 = arith.constant 5 : i32
      %dma_wait3A_227 = arith.constant 5 : i32
      %dma_wait3A_228 = arith.constant 0 : i32
      %dma_wait3A_229 = arith.constant 0 : i32
      %dma_wait3A_230 = tpu.memref_slice %arg7[%dma_wait3A_227, %dma_wait3A_228, %dma_wait3A_229] : memref<6x128x32xf32, #tpu.memory_space<vmem>> -> memref<1x128x32xf32, #tpu.memory_space<vmem>>
      %dma_wait3A_231 = tpu.memref_squeeze %dma_wait3A_230 : memref<1x128x32xf32, #tpu.memory_space<vmem>> -> memref<128x32xf32, #tpu.memory_space<vmem>>
      %dma_wait3A_232 = arith.constant 0 : i32
      %dma_wait3A_233 = tpu.memref_slice %arg8[%dma_wait3A_226, %dma_wait3A_232] : memref<14x128xi32, #tpu.memory_space<vmem>> -> memref<1x128xi32, #tpu.memory_space<vmem>>
      %dma_wait3A_234 = tpu.memref_squeeze %dma_wait3A_233 : memref<1x128xi32, #tpu.memory_space<vmem>> -> memref<128xi32, #tpu.memory_space<vmem>>
      %dma_wait3A_235 = arith.constant 0 : i32
      %dma_wait3A_236 = arith.constant 0 : i32
      %dma_wait3A_237 = tpu.memref_slice %arg4[%dma_wait3A_235, %dma_wait3A_236] : memref<100352x32xf32, #tpu.memory_space<hbm>> -> memref<100352x32xf32, #tpu.memory_space<hbm>>
      tpu.wait_indirect_dma semaphore(%arg11 : memref<!tpu.dma_semaphore, #tpu.memory_space<semaphore_mem>>) src(%dma_wait3A_237 : memref<100352x32xf32, #tpu.memory_space<hbm>>) dst(%dma_wait3A_231 : memref<128x32xf32, #tpu.memory_space<vmem>>)
      %run_scoped3A_238 = arith.constant 5 : i32
      %run_scoped3A_239 = arith.constant 5 : i32
      "tpu.region"() ({
        %run_scoped3A_388 = tpu.sem_alloc : memref<!tpu.dma_semaphore, #tpu.memory_space<semaphore_mem>>
        %dma_start3A_389 = arith.constant 0 : i32
        %dma_start3A_390 = arith.constant 0 : i32
        %dma_start3A_391 = tpu.memref_slice %arg7[%run_scoped3A_238, %dma_start3A_389, %dma_start3A_390] : memref<6x128x32xf32, #tpu.memory_space<vmem>> -> memref<1x128x32xf32, #tpu.memory_space<vmem>>
        %dma_start3A_392 = tpu.memref_squeeze %dma_start3A_391 : memref<1x128x32xf32, #tpu.memory_space<vmem>> -> memref<128x32xf32, #tpu.memory_space<vmem>>
        %dma_start3A_393 = arith.constant 0 : i32
        %dma_start3A_394 = tpu.memref_slice %arg9[%run_scoped3A_239, %dma_start3A_393] : memref<14x128xi32, #tpu.memory_space<vmem>> -> memref<1x128xi32, #tpu.memory_space<vmem>>
        %dma_start3A_395 = tpu.memref_squeeze %dma_start3A_394 : memref<1x128xi32, #tpu.memory_space<vmem>> -> memref<128xi32, #tpu.memory_space<vmem>>
        %dma_start3A_396 = arith.constant 0 : i32
        %dma_start3A_397 = arith.constant 0 : i32
        %dma_start3A_398 = tpu.memref_slice %arg6[%dma_start3A_396, %dma_start3A_397] : memref<50176x32xf32, #tpu.memory_space<vmem_shared>> -> memref<50176x32xf32, #tpu.memory_space<vmem_shared>>
        tpu.enqueue_indirect_dma source(%dma_start3A_392 : memref<128x32xf32, #tpu.memory_space<vmem>>) target(%dma_start3A_398 : memref<50176x32xf32, #tpu.memory_space<vmem_shared>>) offsets(%dma_start3A_395 : memref<128xi32, #tpu.memory_space<vmem>>) semaphore(%run_scoped3A_388 : memref<!tpu.dma_semaphore, #tpu.memory_space<semaphore_mem>>) {add = true}
        %dma_wait3A_399 = arith.constant 0 : i32
        %dma_wait3A_400 = arith.constant 0 : i32
        %dma_wait3A_401 = tpu.memref_slice %arg7[%run_scoped3A_238, %dma_wait3A_399, %dma_wait3A_400] : memref<6x128x32xf32, #tpu.memory_space<vmem>> -> memref<1x128x32xf32, #tpu.memory_space<vmem>>
        %dma_wait3A_402 = tpu.memref_squeeze %dma_wait3A_401 : memref<1x128x32xf32, #tpu.memory_space<vmem>> -> memref<128x32xf32, #tpu.memory_space<vmem>>
        %dma_wait3A_403 = arith.constant 0 : i32
        %dma_wait3A_404 = tpu.memref_slice %arg9[%run_scoped3A_239, %dma_wait3A_403] : memref<14x128xi32, #tpu.memory_space<vmem>> -> memref<1x128xi32, #tpu.memory_space<vmem>>
        %dma_wait3A_405 = tpu.memref_squeeze %dma_wait3A_404 : memref<1x128xi32, #tpu.memory_space<vmem>> -> memref<128xi32, #tpu.memory_space<vmem>>
        %dma_wait3A_406 = arith.constant 0 : i32
        %dma_wait3A_407 = arith.constant 0 : i32
        %dma_wait3A_408 = tpu.memref_slice %arg6[%dma_wait3A_406, %dma_wait3A_407] : memref<50176x32xf32, #tpu.memory_space<vmem_shared>> -> memref<50176x32xf32, #tpu.memory_space<vmem_shared>>
        tpu.wait_indirect_dma semaphore(%run_scoped3A_388 : memref<!tpu.dma_semaphore, #tpu.memory_space<semaphore_mem>>) src(%dma_wait3A_402 : memref<128x32xf32, #tpu.memory_space<vmem>>) dst(%dma_wait3A_408 : memref<50176x32xf32, #tpu.memory_space<vmem_shared>>)
        tpu.yield
      }) : () -> ()
      %dma_start3A_240 = arith.constant 11 : i32
      %dma_start3A_241 = arith.constant 5 : i32
      %dma_start3A_242 = arith.constant 0 : i32
      %dma_start3A_243 = arith.constant 0 : i32
      %dma_start3A_244 = tpu.memref_slice %arg7[%dma_start3A_241, %dma_start3A_242, %dma_start3A_243] : memref<6x128x32xf32, #tpu.memory_space<vmem>> -> memref<1x128x32xf32, #tpu.memory_space<vmem>>
      %dma_start3A_245 = tpu.memref_squeeze %dma_start3A_244 : memref<1x128x32xf32, #tpu.memory_space<vmem>> -> memref<128x32xf32, #tpu.memory_space<vmem>>
      %dma_start3A_246 = arith.constant 0 : i32
      %dma_start3A_247 = tpu.memref_slice %arg8[%dma_start3A_240, %dma_start3A_246] : memref<14x128xi32, #tpu.memory_space<vmem>> -> memref<1x128xi32, #tpu.memory_space<vmem>>
      %dma_start3A_248 = tpu.memref_squeeze %dma_start3A_247 : memref<1x128xi32, #tpu.memory_space<vmem>> -> memref<128xi32, #tpu.memory_space<vmem>>
      %dma_start3A_249 = arith.constant 0 : i32
      %dma_start3A_250 = arith.constant 0 : i32
      %dma_start3A_251 = tpu.memref_slice %arg4[%dma_start3A_249, %dma_start3A_250] : memref<100352x32xf32, #tpu.memory_space<hbm>> -> memref<100352x32xf32, #tpu.memory_space<hbm>>
      tpu.enqueue_indirect_dma source(%dma_start3A_251 : memref<100352x32xf32, #tpu.memory_space<hbm>>) target(%dma_start3A_245 : memref<128x32xf32, #tpu.memory_space<vmem>>) offsets(%dma_start3A_248 : memref<128xi32, #tpu.memory_space<vmem>>) semaphore(%arg11 : memref<!tpu.dma_semaphore, #tpu.memory_space<semaphore_mem>>)
      %dma_wait3A_252 = arith.constant 6 : i32
      %dma_wait3A_253 = arith.constant 0 : i32
      %dma_wait3A_254 = arith.constant 0 : i32
      %dma_wait3A_255 = arith.constant 0 : i32
      %dma_wait3A_256 = tpu.memref_slice %arg7[%dma_wait3A_253, %dma_wait3A_254, %dma_wait3A_255] : memref<6x128x32xf32, #tpu.memory_space<vmem>> -> memref<1x128x32xf32, #tpu.memory_space<vmem>>
      %dma_wait3A_257 = tpu.memref_squeeze %dma_wait3A_256 : memref<1x128x32xf32, #tpu.memory_space<vmem>> -> memref<128x32xf32, #tpu.memory_space<vmem>>
      %dma_wait3A_258 = arith.constant 0 : i32
      %dma_wait3A_259 = tpu.memref_slice %arg8[%dma_wait3A_252, %dma_wait3A_258] : memref<14x128xi32, #tpu.memory_space<vmem>> -> memref<1x128xi32, #tpu.memory_space<vmem>>
      %dma_wait3A_260 = tpu.memref_squeeze %dma_wait3A_259 : memref<1x128xi32, #tpu.memory_space<vmem>> -> memref<128xi32, #tpu.memory_space<vmem>>
      %dma_wait3A_261 = arith.constant 0 : i32
      %dma_wait3A_262 = arith.constant 0 : i32
      %dma_wait3A_263 = tpu.memref_slice %arg4[%dma_wait3A_261, %dma_wait3A_262] : memref<100352x32xf32, #tpu.memory_space<hbm>> -> memref<100352x32xf32, #tpu.memory_space<hbm>>
      tpu.wait_indirect_dma semaphore(%arg11 : memref<!tpu.dma_semaphore, #tpu.memory_space<semaphore_mem>>) src(%dma_wait3A_263 : memref<100352x32xf32, #tpu.memory_space<hbm>>) dst(%dma_wait3A_257 : memref<128x32xf32, #tpu.memory_space<vmem>>)
      %run_scoped3A_264 = arith.constant 0 : i32
      %run_scoped3A_265 = arith.constant 6 : i32
      "tpu.region"() ({
        %run_scoped3A_388 = tpu.sem_alloc : memref<!tpu.dma_semaphore, #tpu.memory_space<semaphore_mem>>
        %dma_start3A_389 = arith.constant 0 : i32
        %dma_start3A_390 = arith.constant 0 : i32
        %dma_start3A_391 = tpu.memref_slice %arg7[%run_scoped3A_264, %dma_start3A_389, %dma_start3A_390] : memref<6x128x32xf32, #tpu.memory_space<vmem>> -> memref<1x128x32xf32, #tpu.memory_space<vmem>>
        %dma_start3A_392 = tpu.memref_squeeze %dma_start3A_391 : memref<1x128x32xf32, #tpu.memory_space<vmem>> -> memref<128x32xf32, #tpu.memory_space<vmem>>
        %dma_start3A_393 = arith.constant 0 : i32
        %dma_start3A_394 = tpu.memref_slice %arg9[%run_scoped3A_265, %dma_start3A_393] : memref<14x128xi32, #tpu.memory_space<vmem>> -> memref<1x128xi32, #tpu.memory_space<vmem>>
        %dma_start3A_395 = tpu.memref_squeeze %dma_start3A_394 : memref<1x128xi32, #tpu.memory_space<vmem>> -> memref<128xi32, #tpu.memory_space<vmem>>
        %dma_start3A_396 = arith.constant 0 : i32
        %dma_start3A_397 = arith.constant 0 : i32
        %dma_start3A_398 = tpu.memref_slice %arg6[%dma_start3A_396, %dma_start3A_397] : memref<50176x32xf32, #tpu.memory_space<vmem_shared>> -> memref<50176x32xf32, #tpu.memory_space<vmem_shared>>
        tpu.enqueue_indirect_dma source(%dma_start3A_392 : memref<128x32xf32, #tpu.memory_space<vmem>>) target(%dma_start3A_398 : memref<50176x32xf32, #tpu.memory_space<vmem_shared>>) offsets(%dma_start3A_395 : memref<128xi32, #tpu.memory_space<vmem>>) semaphore(%run_scoped3A_388 : memref<!tpu.dma_semaphore, #tpu.memory_space<semaphore_mem>>) {add = true}
        %dma_wait3A_399 = arith.constant 0 : i32
        %dma_wait3A_400 = arith.constant 0 : i32
        %dma_wait3A_401 = tpu.memref_slice %arg7[%run_scoped3A_264, %dma_wait3A_399, %dma_wait3A_400] : memref<6x128x32xf32, #tpu.memory_space<vmem>> -> memref<1x128x32xf32, #tpu.memory_space<vmem>>
        %dma_wait3A_402 = tpu.memref_squeeze %dma_wait3A_401 : memref<1x128x32xf32, #tpu.memory_space<vmem>> -> memref<128x32xf32, #tpu.memory_space<vmem>>
        %dma_wait3A_403 = arith.constant 0 : i32
        %dma_wait3A_404 = tpu.memref_slice %arg9[%run_scoped3A_265, %dma_wait3A_403] : memref<14x128xi32, #tpu.memory_space<vmem>> -> memref<1x128xi32, #tpu.memory_space<vmem>>
        %dma_wait3A_405 = tpu.memref_squeeze %dma_wait3A_404 : memref<1x128xi32, #tpu.memory_space<vmem>> -> memref<128xi32, #tpu.memory_space<vmem>>
        %dma_wait3A_406 = arith.constant 0 : i32
        %dma_wait3A_407 = arith.constant 0 : i32
        %dma_wait3A_408 = tpu.memref_slice %arg6[%dma_wait3A_406, %dma_wait3A_407] : memref<50176x32xf32, #tpu.memory_space<vmem_shared>> -> memref<50176x32xf32, #tpu.memory_space<vmem_shared>>
        tpu.wait_indirect_dma semaphore(%run_scoped3A_388 : memref<!tpu.dma_semaphore, #tpu.memory_space<semaphore_mem>>) src(%dma_wait3A_402 : memref<128x32xf32, #tpu.memory_space<vmem>>) dst(%dma_wait3A_408 : memref<50176x32xf32, #tpu.memory_space<vmem_shared>>)
        tpu.yield
      }) : () -> ()
      %dma_start3A_266 = arith.constant 12 : i32
      %dma_start3A_267 = arith.constant 0 : i32
      %dma_start3A_268 = arith.constant 0 : i32
      %dma_start3A_269 = arith.constant 0 : i32
      %dma_start3A_270 = tpu.memref_slice %arg7[%dma_start3A_267, %dma_start3A_268, %dma_start3A_269] : memref<6x128x32xf32, #tpu.memory_space<vmem>> -> memref<1x128x32xf32, #tpu.memory_space<vmem>>
      %dma_start3A_271 = tpu.memref_squeeze %dma_start3A_270 : memref<1x128x32xf32, #tpu.memory_space<vmem>> -> memref<128x32xf32, #tpu.memory_space<vmem>>
      %dma_start3A_272 = arith.constant 0 : i32
      %dma_start3A_273 = tpu.memref_slice %arg8[%dma_start3A_266, %dma_start3A_272] : memref<14x128xi32, #tpu.memory_space<vmem>> -> memref<1x128xi32, #tpu.memory_space<vmem>>
      %dma_start3A_274 = tpu.memref_squeeze %dma_start3A_273 : memref<1x128xi32, #tpu.memory_space<vmem>> -> memref<128xi32, #tpu.memory_space<vmem>>
      %dma_start3A_275 = arith.constant 0 : i32
      %dma_start3A_276 = arith.constant 0 : i32
      %dma_start3A_277 = tpu.memref_slice %arg4[%dma_start3A_275, %dma_start3A_276] : memref<100352x32xf32, #tpu.memory_space<hbm>> -> memref<100352x32xf32, #tpu.memory_space<hbm>>
      tpu.enqueue_indirect_dma source(%dma_start3A_277 : memref<100352x32xf32, #tpu.memory_space<hbm>>) target(%dma_start3A_271 : memref<128x32xf32, #tpu.memory_space<vmem>>) offsets(%dma_start3A_274 : memref<128xi32, #tpu.memory_space<vmem>>) semaphore(%arg11 : memref<!tpu.dma_semaphore, #tpu.memory_space<semaphore_mem>>)
      %dma_wait3A_278 = arith.constant 7 : i32
      %dma_wait3A_279 = arith.constant 1 : i32
      %dma_wait3A_280 = arith.constant 0 : i32
      %dma_wait3A_281 = arith.constant 0 : i32
      %dma_wait3A_282 = tpu.memref_slice %arg7[%dma_wait3A_279, %dma_wait3A_280, %dma_wait3A_281] : memref<6x128x32xf32, #tpu.memory_space<vmem>> -> memref<1x128x32xf32, #tpu.memory_space<vmem>>
      %dma_wait3A_283 = tpu.memref_squeeze %dma_wait3A_282 : memref<1x128x32xf32, #tpu.memory_space<vmem>> -> memref<128x32xf32, #tpu.memory_space<vmem>>
      %dma_wait3A_284 = arith.constant 0 : i32
      %dma_wait3A_285 = tpu.memref_slice %arg8[%dma_wait3A_278, %dma_wait3A_284] : memref<14x128xi32, #tpu.memory_space<vmem>> -> memref<1x128xi32, #tpu.memory_space<vmem>>
      %dma_wait3A_286 = tpu.memref_squeeze %dma_wait3A_285 : memref<1x128xi32, #tpu.memory_space<vmem>> -> memref<128xi32, #tpu.memory_space<vmem>>
      %dma_wait3A_287 = arith.constant 0 : i32
      %dma_wait3A_288 = arith.constant 0 : i32
      %dma_wait3A_289 = tpu.memref_slice %arg4[%dma_wait3A_287, %dma_wait3A_288] : memref<100352x32xf32, #tpu.memory_space<hbm>> -> memref<100352x32xf32, #tpu.memory_space<hbm>>
      tpu.wait_indirect_dma semaphore(%arg11 : memref<!tpu.dma_semaphore, #tpu.memory_space<semaphore_mem>>) src(%dma_wait3A_289 : memref<100352x32xf32, #tpu.memory_space<hbm>>) dst(%dma_wait3A_283 : memref<128x32xf32, #tpu.memory_space<vmem>>)
      %run_scoped3A_290 = arith.constant 1 : i32
      %run_scoped3A_291 = arith.constant 7 : i32
      "tpu.region"() ({
        %run_scoped3A_388 = tpu.sem_alloc : memref<!tpu.dma_semaphore, #tpu.memory_space<semaphore_mem>>
        %dma_start3A_389 = arith.constant 0 : i32
        %dma_start3A_390 = arith.constant 0 : i32
        %dma_start3A_391 = tpu.memref_slice %arg7[%run_scoped3A_290, %dma_start3A_389, %dma_start3A_390] : memref<6x128x32xf32, #tpu.memory_space<vmem>> -> memref<1x128x32xf32, #tpu.memory_space<vmem>>
        %dma_start3A_392 = tpu.memref_squeeze %dma_start3A_391 : memref<1x128x32xf32, #tpu.memory_space<vmem>> -> memref<128x32xf32, #tpu.memory_space<vmem>>
        %dma_start3A_393 = arith.constant 0 : i32
        %dma_start3A_394 = tpu.memref_slice %arg9[%run_scoped3A_291, %dma_start3A_393] : memref<14x128xi32, #tpu.memory_space<vmem>> -> memref<1x128xi32, #tpu.memory_space<vmem>>
        %dma_start3A_395 = tpu.memref_squeeze %dma_start3A_394 : memref<1x128xi32, #tpu.memory_space<vmem>> -> memref<128xi32, #tpu.memory_space<vmem>>
        %dma_start3A_396 = arith.constant 0 : i32
        %dma_start3A_397 = arith.constant 0 : i32
        %dma_start3A_398 = tpu.memref_slice %arg6[%dma_start3A_396, %dma_start3A_397] : memref<50176x32xf32, #tpu.memory_space<vmem_shared>> -> memref<50176x32xf32, #tpu.memory_space<vmem_shared>>
        tpu.enqueue_indirect_dma source(%dma_start3A_392 : memref<128x32xf32, #tpu.memory_space<vmem>>) target(%dma_start3A_398 : memref<50176x32xf32, #tpu.memory_space<vmem_shared>>) offsets(%dma_start3A_395 : memref<128xi32, #tpu.memory_space<vmem>>) semaphore(%run_scoped3A_388 : memref<!tpu.dma_semaphore, #tpu.memory_space<semaphore_mem>>) {add = true}
        %dma_wait3A_399 = arith.constant 0 : i32
        %dma_wait3A_400 = arith.constant 0 : i32
        %dma_wait3A_401 = tpu.memref_slice %arg7[%run_scoped3A_290, %dma_wait3A_399, %dma_wait3A_400] : memref<6x128x32xf32, #tpu.memory_space<vmem>> -> memref<1x128x32xf32, #tpu.memory_space<vmem>>
        %dma_wait3A_402 = tpu.memref_squeeze %dma_wait3A_401 : memref<1x128x32xf32, #tpu.memory_space<vmem>> -> memref<128x32xf32, #tpu.memory_space<vmem>>
        %dma_wait3A_403 = arith.constant 0 : i32
        %dma_wait3A_404 = tpu.memref_slice %arg9[%run_scoped3A_291, %dma_wait3A_403] : memref<14x128xi32, #tpu.memory_space<vmem>> -> memref<1x128xi32, #tpu.memory_space<vmem>>
        %dma_wait3A_405 = tpu.memref_squeeze %dma_wait3A_404 : memref<1x128xi32, #tpu.memory_space<vmem>> -> memref<128xi32, #tpu.memory_space<vmem>>
        %dma_wait3A_406 = arith.constant 0 : i32
        %dma_wait3A_407 = arith.constant 0 : i32
        %dma_wait3A_408 = tpu.memref_slice %arg6[%dma_wait3A_406, %dma_wait3A_407] : memref<50176x32xf32, #tpu.memory_space<vmem_shared>> -> memref<50176x32xf32, #tpu.memory_space<vmem_shared>>
        tpu.wait_indirect_dma semaphore(%run_scoped3A_388 : memref<!tpu.dma_semaphore, #tpu.memory_space<semaphore_mem>>) src(%dma_wait3A_402 : memref<128x32xf32, #tpu.memory_space<vmem>>) dst(%dma_wait3A_408 : memref<50176x32xf32, #tpu.memory_space<vmem_shared>>)
        tpu.yield
      }) : () -> ()
      %dma_start3A_292 = arith.constant 13 : i32
      %dma_start3A_293 = arith.constant 1 : i32
      %dma_start3A_294 = arith.constant 0 : i32
      %dma_start3A_295 = arith.constant 0 : i32
      %dma_start3A_296 = tpu.memref_slice %arg7[%dma_start3A_293, %dma_start3A_294, %dma_start3A_295] : memref<6x128x32xf32, #tpu.memory_space<vmem>> -> memref<1x128x32xf32, #tpu.memory_space<vmem>>
      %dma_start3A_297 = tpu.memref_squeeze %dma_start3A_296 : memref<1x128x32xf32, #tpu.memory_space<vmem>> -> memref<128x32xf32, #tpu.memory_space<vmem>>
      %dma_start3A_298 = arith.constant 0 : i32
      %dma_start3A_299 = tpu.memref_slice %arg8[%dma_start3A_292, %dma_start3A_298] : memref<14x128xi32, #tpu.memory_space<vmem>> -> memref<1x128xi32, #tpu.memory_space<vmem>>
      %dma_start3A_300 = tpu.memref_squeeze %dma_start3A_299 : memref<1x128xi32, #tpu.memory_space<vmem>> -> memref<128xi32, #tpu.memory_space<vmem>>
      %dma_start3A_301 = arith.constant 0 : i32
      %dma_start3A_302 = arith.constant 0 : i32
      %dma_start3A_303 = tpu.memref_slice %arg4[%dma_start3A_301, %dma_start3A_302] : memref<100352x32xf32, #tpu.memory_space<hbm>> -> memref<100352x32xf32, #tpu.memory_space<hbm>>
      tpu.enqueue_indirect_dma source(%dma_start3A_303 : memref<100352x32xf32, #tpu.memory_space<hbm>>) target(%dma_start3A_297 : memref<128x32xf32, #tpu.memory_space<vmem>>) offsets(%dma_start3A_300 : memref<128xi32, #tpu.memory_space<vmem>>) semaphore(%arg11 : memref<!tpu.dma_semaphore, #tpu.memory_space<semaphore_mem>>)
      %dma_wait3A_304 = arith.constant 8 : i32
      %dma_wait3A_305 = arith.constant 2 : i32
      %dma_wait3A_306 = arith.constant 0 : i32
      %dma_wait3A_307 = arith.constant 0 : i32
      %dma_wait3A_308 = tpu.memref_slice %arg7[%dma_wait3A_305, %dma_wait3A_306, %dma_wait3A_307] : memref<6x128x32xf32, #tpu.memory_space<vmem>> -> memref<1x128x32xf32, #tpu.memory_space<vmem>>
      %dma_wait3A_309 = tpu.memref_squeeze %dma_wait3A_308 : memref<1x128x32xf32, #tpu.memory_space<vmem>> -> memref<128x32xf32, #tpu.memory_space<vmem>>
      %dma_wait3A_310 = arith.constant 0 : i32
      %dma_wait3A_311 = tpu.memref_slice %arg8[%dma_wait3A_304, %dma_wait3A_310] : memref<14x128xi32, #tpu.memory_space<vmem>> -> memref<1x128xi32, #tpu.memory_space<vmem>>
      %dma_wait3A_312 = tpu.memref_squeeze %dma_wait3A_311 : memref<1x128xi32, #tpu.memory_space<vmem>> -> memref<128xi32, #tpu.memory_space<vmem>>
      %dma_wait3A_313 = arith.constant 0 : i32
      %dma_wait3A_314 = arith.constant 0 : i32
      %dma_wait3A_315 = tpu.memref_slice %arg4[%dma_wait3A_313, %dma_wait3A_314] : memref<100352x32xf32, #tpu.memory_space<hbm>> -> memref<100352x32xf32, #tpu.memory_space<hbm>>
      tpu.wait_indirect_dma semaphore(%arg11 : memref<!tpu.dma_semaphore, #tpu.memory_space<semaphore_mem>>) src(%dma_wait3A_315 : memref<100352x32xf32, #tpu.memory_space<hbm>>) dst(%dma_wait3A_309 : memref<128x32xf32, #tpu.memory_space<vmem>>)
      %run_scoped3A_316 = arith.constant 2 : i32
      %run_scoped3A_317 = arith.constant 8 : i32
      "tpu.region"() ({
        %run_scoped3A_388 = tpu.sem_alloc : memref<!tpu.dma_semaphore, #tpu.memory_space<semaphore_mem>>
        %dma_start3A_389 = arith.constant 0 : i32
        %dma_start3A_390 = arith.constant 0 : i32
        %dma_start3A_391 = tpu.memref_slice %arg7[%run_scoped3A_316, %dma_start3A_389, %dma_start3A_390] : memref<6x128x32xf32, #tpu.memory_space<vmem>> -> memref<1x128x32xf32, #tpu.memory_space<vmem>>
        %dma_start3A_392 = tpu.memref_squeeze %dma_start3A_391 : memref<1x128x32xf32, #tpu.memory_space<vmem>> -> memref<128x32xf32, #tpu.memory_space<vmem>>
        %dma_start3A_393 = arith.constant 0 : i32
        %dma_start3A_394 = tpu.memref_slice %arg9[%run_scoped3A_317, %dma_start3A_393] : memref<14x128xi32, #tpu.memory_space<vmem>> -> memref<1x128xi32, #tpu.memory_space<vmem>>
        %dma_start3A_395 = tpu.memref_squeeze %dma_start3A_394 : memref<1x128xi32, #tpu.memory_space<vmem>> -> memref<128xi32, #tpu.memory_space<vmem>>
        %dma_start3A_396 = arith.constant 0 : i32
        %dma_start3A_397 = arith.constant 0 : i32
        %dma_start3A_398 = tpu.memref_slice %arg6[%dma_start3A_396, %dma_start3A_397] : memref<50176x32xf32, #tpu.memory_space<vmem_shared>> -> memref<50176x32xf32, #tpu.memory_space<vmem_shared>>
        tpu.enqueue_indirect_dma source(%dma_start3A_392 : memref<128x32xf32, #tpu.memory_space<vmem>>) target(%dma_start3A_398 : memref<50176x32xf32, #tpu.memory_space<vmem_shared>>) offsets(%dma_start3A_395 : memref<128xi32, #tpu.memory_space<vmem>>) semaphore(%run_scoped3A_388 : memref<!tpu.dma_semaphore, #tpu.memory_space<semaphore_mem>>) {add = true}
        %dma_wait3A_399 = arith.constant 0 : i32
        %dma_wait3A_400 = arith.constant 0 : i32
        %dma_wait3A_401 = tpu.memref_slice %arg7[%run_scoped3A_316, %dma_wait3A_399, %dma_wait3A_400] : memref<6x128x32xf32, #tpu.memory_space<vmem>> -> memref<1x128x32xf32, #tpu.memory_space<vmem>>
        %dma_wait3A_402 = tpu.memref_squeeze %dma_wait3A_401 : memref<1x128x32xf32, #tpu.memory_space<vmem>> -> memref<128x32xf32, #tpu.memory_space<vmem>>
        %dma_wait3A_403 = arith.constant 0 : i32
        %dma_wait3A_404 = tpu.memref_slice %arg9[%run_scoped3A_317, %dma_wait3A_403] : memref<14x128xi32, #tpu.memory_space<vmem>> -> memref<1x128xi32, #tpu.memory_space<vmem>>
        %dma_wait3A_405 = tpu.memref_squeeze %dma_wait3A_404 : memref<1x128xi32, #tpu.memory_space<vmem>> -> memref<128xi32, #tpu.memory_space<vmem>>
        %dma_wait3A_406 = arith.constant 0 : i32
        %dma_wait3A_407 = arith.constant 0 : i32
        %dma_wait3A_408 = tpu.memref_slice %arg6[%dma_wait3A_406, %dma_wait3A_407] : memref<50176x32xf32, #tpu.memory_space<vmem_shared>> -> memref<50176x32xf32, #tpu.memory_space<vmem_shared>>
        tpu.wait_indirect_dma semaphore(%run_scoped3A_388 : memref<!tpu.dma_semaphore, #tpu.memory_space<semaphore_mem>>) src(%dma_wait3A_402 : memref<128x32xf32, #tpu.memory_space<vmem>>) dst(%dma_wait3A_408 : memref<50176x32xf32, #tpu.memory_space<vmem_shared>>)
        tpu.yield
      }) : () -> ()
      %dma_wait3A_318 = arith.constant 9 : i32
      %dma_wait3A_319 = arith.constant 3 : i32
      %dma_wait3A_320 = arith.constant 0 : i32
      %dma_wait3A_321 = arith.constant 0 : i32
      %dma_wait3A_322 = tpu.memref_slice %arg7[%dma_wait3A_319, %dma_wait3A_320, %dma_wait3A_321] : memref<6x128x32xf32, #tpu.memory_space<vmem>> -> memref<1x128x32xf32, #tpu.memory_space<vmem>>
      %dma_wait3A_323 = tpu.memref_squeeze %dma_wait3A_322 : memref<1x128x32xf32, #tpu.memory_space<vmem>> -> memref<128x32xf32, #tpu.memory_space<vmem>>
      %dma_wait3A_324 = arith.constant 0 : i32
      %dma_wait3A_325 = tpu.memref_slice %arg8[%dma_wait3A_318, %dma_wait3A_324] : memref<14x128xi32, #tpu.memory_space<vmem>> -> memref<1x128xi32, #tpu.memory_space<vmem>>
      %dma_wait3A_326 = tpu.memref_squeeze %dma_wait3A_325 : memref<1x128xi32, #tpu.memory_space<vmem>> -> memref<128xi32, #tpu.memory_space<vmem>>
      %dma_wait3A_327 = arith.constant 0 : i32
      %dma_wait3A_328 = arith.constant 0 : i32
      %dma_wait3A_329 = tpu.memref_slice %arg4[%dma_wait3A_327, %dma_wait3A_328] : memref<100352x32xf32, #tpu.memory_space<hbm>> -> memref<100352x32xf32, #tpu.memory_space<hbm>>
      tpu.wait_indirect_dma semaphore(%arg11 : memref<!tpu.dma_semaphore, #tpu.memory_space<semaphore_mem>>) src(%dma_wait3A_329 : memref<100352x32xf32, #tpu.memory_space<hbm>>) dst(%dma_wait3A_323 : memref<128x32xf32, #tpu.memory_space<vmem>>)
      %run_scoped3A_330 = arith.constant 3 : i32
      %run_scoped3A_331 = arith.constant 9 : i32
      "tpu.region"() ({
        %run_scoped3A_388 = tpu.sem_alloc : memref<!tpu.dma_semaphore, #tpu.memory_space<semaphore_mem>>
        %dma_start3A_389 = arith.constant 0 : i32
        %dma_start3A_390 = arith.constant 0 : i32
        %dma_start3A_391 = tpu.memref_slice %arg7[%run_scoped3A_330, %dma_start3A_389, %dma_start3A_390] : memref<6x128x32xf32, #tpu.memory_space<vmem>> -> memref<1x128x32xf32, #tpu.memory_space<vmem>>
        %dma_start3A_392 = tpu.memref_squeeze %dma_start3A_391 : memref<1x128x32xf32, #tpu.memory_space<vmem>> -> memref<128x32xf32, #tpu.memory_space<vmem>>
        %dma_start3A_393 = arith.constant 0 : i32
        %dma_start3A_394 = tpu.memref_slice %arg9[%run_scoped3A_331, %dma_start3A_393] : memref<14x128xi32, #tpu.memory_space<vmem>> -> memref<1x128xi32, #tpu.memory_space<vmem>>
        %dma_start3A_395 = tpu.memref_squeeze %dma_start3A_394 : memref<1x128xi32, #tpu.memory_space<vmem>> -> memref<128xi32, #tpu.memory_space<vmem>>
        %dma_start3A_396 = arith.constant 0 : i32
        %dma_start3A_397 = arith.constant 0 : i32
        %dma_start3A_398 = tpu.memref_slice %arg6[%dma_start3A_396, %dma_start3A_397] : memref<50176x32xf32, #tpu.memory_space<vmem_shared>> -> memref<50176x32xf32, #tpu.memory_space<vmem_shared>>
        tpu.enqueue_indirect_dma source(%dma_start3A_392 : memref<128x32xf32, #tpu.memory_space<vmem>>) target(%dma_start3A_398 : memref<50176x32xf32, #tpu.memory_space<vmem_shared>>) offsets(%dma_start3A_395 : memref<128xi32, #tpu.memory_space<vmem>>) semaphore(%run_scoped3A_388 : memref<!tpu.dma_semaphore, #tpu.memory_space<semaphore_mem>>) {add = true}
        %dma_wait3A_399 = arith.constant 0 : i32
        %dma_wait3A_400 = arith.constant 0 : i32
        %dma_wait3A_401 = tpu.memref_slice %arg7[%run_scoped3A_330, %dma_wait3A_399, %dma_wait3A_400] : memref<6x128x32xf32, #tpu.memory_space<vmem>> -> memref<1x128x32xf32, #tpu.memory_space<vmem>>
        %dma_wait3A_402 = tpu.memref_squeeze %dma_wait3A_401 : memref<1x128x32xf32, #tpu.memory_space<vmem>> -> memref<128x32xf32, #tpu.memory_space<vmem>>
        %dma_wait3A_403 = arith.constant 0 : i32
        %dma_wait3A_404 = tpu.memref_slice %arg9[%run_scoped3A_331, %dma_wait3A_403] : memref<14x128xi32, #tpu.memory_space<vmem>> -> memref<1x128xi32, #tpu.memory_space<vmem>>
        %dma_wait3A_405 = tpu.memref_squeeze %dma_wait3A_404 : memref<1x128xi32, #tpu.memory_space<vmem>> -> memref<128xi32, #tpu.memory_space<vmem>>
        %dma_wait3A_406 = arith.constant 0 : i32
        %dma_wait3A_407 = arith.constant 0 : i32
        %dma_wait3A_408 = tpu.memref_slice %arg6[%dma_wait3A_406, %dma_wait3A_407] : memref<50176x32xf32, #tpu.memory_space<vmem_shared>> -> memref<50176x32xf32, #tpu.memory_space<vmem_shared>>
        tpu.wait_indirect_dma semaphore(%run_scoped3A_388 : memref<!tpu.dma_semaphore, #tpu.memory_space<semaphore_mem>>) src(%dma_wait3A_402 : memref<128x32xf32, #tpu.memory_space<vmem>>) dst(%dma_wait3A_408 : memref<50176x32xf32, #tpu.memory_space<vmem_shared>>)
        tpu.yield
      }) : () -> ()
      %dma_wait3A_332 = arith.constant 10 : i32
      %dma_wait3A_333 = arith.constant 4 : i32
      %dma_wait3A_334 = arith.constant 0 : i32
      %dma_wait3A_335 = arith.constant 0 : i32
      %dma_wait3A_336 = tpu.memref_slice %arg7[%dma_wait3A_333, %dma_wait3A_334, %dma_wait3A_335] : memref<6x128x32xf32, #tpu.memory_space<vmem>> -> memref<1x128x32xf32, #tpu.memory_space<vmem>>
      %dma_wait3A_337 = tpu.memref_squeeze %dma_wait3A_336 : memref<1x128x32xf32, #tpu.memory_space<vmem>> -> memref<128x32xf32, #tpu.memory_space<vmem>>
      %dma_wait3A_338 = arith.constant 0 : i32
      %dma_wait3A_339 = tpu.memref_slice %arg8[%dma_wait3A_332, %dma_wait3A_338] : memref<14x128xi32, #tpu.memory_space<vmem>> -> memref<1x128xi32, #tpu.memory_space<vmem>>
      %dma_wait3A_340 = tpu.memref_squeeze %dma_wait3A_339 : memref<1x128xi32, #tpu.memory_space<vmem>> -> memref<128xi32, #tpu.memory_space<vmem>>
      %dma_wait3A_341 = arith.constant 0 : i32
      %dma_wait3A_342 = arith.constant 0 : i32
      %dma_wait3A_343 = tpu.memref_slice %arg4[%dma_wait3A_341, %dma_wait3A_342] : memref<100352x32xf32, #tpu.memory_space<hbm>> -> memref<100352x32xf32, #tpu.memory_space<hbm>>
      tpu.wait_indirect_dma semaphore(%arg11 : memref<!tpu.dma_semaphore, #tpu.memory_space<semaphore_mem>>) src(%dma_wait3A_343 : memref<100352x32xf32, #tpu.memory_space<hbm>>) dst(%dma_wait3A_337 : memref<128x32xf32, #tpu.memory_space<vmem>>)
      %run_scoped3A_344 = arith.constant 4 : i32
      %run_scoped3A_345 = arith.constant 10 : i32
      "tpu.region"() ({
        %run_scoped3A_388 = tpu.sem_alloc : memref<!tpu.dma_semaphore, #tpu.memory_space<semaphore_mem>>
        %dma_start3A_389 = arith.constant 0 : i32
        %dma_start3A_390 = arith.constant 0 : i32
        %dma_start3A_391 = tpu.memref_slice %arg7[%run_scoped3A_344, %dma_start3A_389, %dma_start3A_390] : memref<6x128x32xf32, #tpu.memory_space<vmem>> -> memref<1x128x32xf32, #tpu.memory_space<vmem>>
        %dma_start3A_392 = tpu.memref_squeeze %dma_start3A_391 : memref<1x128x32xf32, #tpu.memory_space<vmem>> -> memref<128x32xf32, #tpu.memory_space<vmem>>
        %dma_start3A_393 = arith.constant 0 : i32
        %dma_start3A_394 = tpu.memref_slice %arg9[%run_scoped3A_345, %dma_start3A_393] : memref<14x128xi32, #tpu.memory_space<vmem>> -> memref<1x128xi32, #tpu.memory_space<vmem>>
        %dma_start3A_395 = tpu.memref_squeeze %dma_start3A_394 : memref<1x128xi32, #tpu.memory_space<vmem>> -> memref<128xi32, #tpu.memory_space<vmem>>
        %dma_start3A_396 = arith.constant 0 : i32
        %dma_start3A_397 = arith.constant 0 : i32
        %dma_start3A_398 = tpu.memref_slice %arg6[%dma_start3A_396, %dma_start3A_397] : memref<50176x32xf32, #tpu.memory_space<vmem_shared>> -> memref<50176x32xf32, #tpu.memory_space<vmem_shared>>
        tpu.enqueue_indirect_dma source(%dma_start3A_392 : memref<128x32xf32, #tpu.memory_space<vmem>>) target(%dma_start3A_398 : memref<50176x32xf32, #tpu.memory_space<vmem_shared>>) offsets(%dma_start3A_395 : memref<128xi32, #tpu.memory_space<vmem>>) semaphore(%run_scoped3A_388 : memref<!tpu.dma_semaphore, #tpu.memory_space<semaphore_mem>>) {add = true}
        %dma_wait3A_399 = arith.constant 0 : i32
        %dma_wait3A_400 = arith.constant 0 : i32
        %dma_wait3A_401 = tpu.memref_slice %arg7[%run_scoped3A_344, %dma_wait3A_399, %dma_wait3A_400] : memref<6x128x32xf32, #tpu.memory_space<vmem>> -> memref<1x128x32xf32, #tpu.memory_space<vmem>>
        %dma_wait3A_402 = tpu.memref_squeeze %dma_wait3A_401 : memref<1x128x32xf32, #tpu.memory_space<vmem>> -> memref<128x32xf32, #tpu.memory_space<vmem>>
        %dma_wait3A_403 = arith.constant 0 : i32
        %dma_wait3A_404 = tpu.memref_slice %arg9[%run_scoped3A_345, %dma_wait3A_403] : memref<14x128xi32, #tpu.memory_space<vmem>> -> memref<1x128xi32, #tpu.memory_space<vmem>>
        %dma_wait3A_405 = tpu.memref_squeeze %dma_wait3A_404 : memref<1x128xi32, #tpu.memory_space<vmem>> -> memref<128xi32, #tpu.memory_space<vmem>>
        %dma_wait3A_406 = arith.constant 0 : i32
        %dma_wait3A_407 = arith.constant 0 : i32
        %dma_wait3A_408 = tpu.memref_slice %arg6[%dma_wait3A_406, %dma_wait3A_407] : memref<50176x32xf32, #tpu.memory_space<vmem_shared>> -> memref<50176x32xf32, #tpu.memory_space<vmem_shared>>
        tpu.wait_indirect_dma semaphore(%run_scoped3A_388 : memref<!tpu.dma_semaphore, #tpu.memory_space<semaphore_mem>>) src(%dma_wait3A_402 : memref<128x32xf32, #tpu.memory_space<vmem>>) dst(%dma_wait3A_408 : memref<50176x32xf32, #tpu.memory_space<vmem_shared>>)
        tpu.yield
      }) : () -> ()
      %dma_wait3A_346 = arith.constant 11 : i32
      %dma_wait3A_347 = arith.constant 5 : i32
      %dma_wait3A_348 = arith.constant 0 : i32
      %dma_wait3A_349 = arith.constant 0 : i32
      %dma_wait3A_350 = tpu.memref_slice %arg7[%dma_wait3A_347, %dma_wait3A_348, %dma_wait3A_349] : memref<6x128x32xf32, #tpu.memory_space<vmem>> -> memref<1x128x32xf32, #tpu.memory_space<vmem>>
      %dma_wait3A_351 = tpu.memref_squeeze %dma_wait3A_350 : memref<1x128x32xf32, #tpu.memory_space<vmem>> -> memref<128x32xf32, #tpu.memory_space<vmem>>
      %dma_wait3A_352 = arith.constant 0 : i32
      %dma_wait3A_353 = tpu.memref_slice %arg8[%dma_wait3A_346, %dma_wait3A_352] : memref<14x128xi32, #tpu.memory_space<vmem>> -> memref<1x128xi32, #tpu.memory_space<vmem>>
      %dma_wait3A_354 = tpu.memref_squeeze %dma_wait3A_353 : memref<1x128xi32, #tpu.memory_space<vmem>> -> memref<128xi32, #tpu.memory_space<vmem>>
      %dma_wait3A_355 = arith.constant 0 : i32
      %dma_wait3A_356 = arith.constant 0 : i32
      %dma_wait3A_357 = tpu.memref_slice %arg4[%dma_wait3A_355, %dma_wait3A_356] : memref<100352x32xf32, #tpu.memory_space<hbm>> -> memref<100352x32xf32, #tpu.memory_space<hbm>>
      tpu.wait_indirect_dma semaphore(%arg11 : memref<!tpu.dma_semaphore, #tpu.memory_space<semaphore_mem>>) src(%dma_wait3A_357 : memref<100352x32xf32, #tpu.memory_space<hbm>>) dst(%dma_wait3A_351 : memref<128x32xf32, #tpu.memory_space<vmem>>)
      %run_scoped3A_358 = arith.constant 5 : i32
      %run_scoped3A_359 = arith.constant 11 : i32
      "tpu.region"() ({
        %run_scoped3A_388 = tpu.sem_alloc : memref<!tpu.dma_semaphore, #tpu.memory_space<semaphore_mem>>
        %dma_start3A_389 = arith.constant 0 : i32
        %dma_start3A_390 = arith.constant 0 : i32
        %dma_start3A_391 = tpu.memref_slice %arg7[%run_scoped3A_358, %dma_start3A_389, %dma_start3A_390] : memref<6x128x32xf32, #tpu.memory_space<vmem>> -> memref<1x128x32xf32, #tpu.memory_space<vmem>>
        %dma_start3A_392 = tpu.memref_squeeze %dma_start3A_391 : memref<1x128x32xf32, #tpu.memory_space<vmem>> -> memref<128x32xf32, #tpu.memory_space<vmem>>
        %dma_start3A_393 = arith.constant 0 : i32
        %dma_start3A_394 = tpu.memref_slice %arg9[%run_scoped3A_359, %dma_start3A_393] : memref<14x128xi32, #tpu.memory_space<vmem>> -> memref<1x128xi32, #tpu.memory_space<vmem>>
        %dma_start3A_395 = tpu.memref_squeeze %dma_start3A_394 : memref<1x128xi32, #tpu.memory_space<vmem>> -> memref<128xi32, #tpu.memory_space<vmem>>
        %dma_start3A_396 = arith.constant 0 : i32
        %dma_start3A_397 = arith.constant 0 : i32
        %dma_start3A_398 = tpu.memref_slice %arg6[%dma_start3A_396, %dma_start3A_397] : memref<50176x32xf32, #tpu.memory_space<vmem_shared>> -> memref<50176x32xf32, #tpu.memory_space<vmem_shared>>
        tpu.enqueue_indirect_dma source(%dma_start3A_392 : memref<128x32xf32, #tpu.memory_space<vmem>>) target(%dma_start3A_398 : memref<50176x32xf32, #tpu.memory_space<vmem_shared>>) offsets(%dma_start3A_395 : memref<128xi32, #tpu.memory_space<vmem>>) semaphore(%run_scoped3A_388 : memref<!tpu.dma_semaphore, #tpu.memory_space<semaphore_mem>>) {add = true}
        %dma_wait3A_399 = arith.constant 0 : i32
        %dma_wait3A_400 = arith.constant 0 : i32
        %dma_wait3A_401 = tpu.memref_slice %arg7[%run_scoped3A_358, %dma_wait3A_399, %dma_wait3A_400] : memref<6x128x32xf32, #tpu.memory_space<vmem>> -> memref<1x128x32xf32, #tpu.memory_space<vmem>>
        %dma_wait3A_402 = tpu.memref_squeeze %dma_wait3A_401 : memref<1x128x32xf32, #tpu.memory_space<vmem>> -> memref<128x32xf32, #tpu.memory_space<vmem>>
        %dma_wait3A_403 = arith.constant 0 : i32
        %dma_wait3A_404 = tpu.memref_slice %arg9[%run_scoped3A_359, %dma_wait3A_403] : memref<14x128xi32, #tpu.memory_space<vmem>> -> memref<1x128xi32, #tpu.memory_space<vmem>>
        %dma_wait3A_405 = tpu.memref_squeeze %dma_wait3A_404 : memref<1x128xi32, #tpu.memory_space<vmem>> -> memref<128xi32, #tpu.memory_space<vmem>>
        %dma_wait3A_406 = arith.constant 0 : i32
        %dma_wait3A_407 = arith.constant 0 : i32
        %dma_wait3A_408 = tpu.memref_slice %arg6[%dma_wait3A_406, %dma_wait3A_407] : memref<50176x32xf32, #tpu.memory_space<vmem_shared>> -> memref<50176x32xf32, #tpu.memory_space<vmem_shared>>
        tpu.wait_indirect_dma semaphore(%run_scoped3A_388 : memref<!tpu.dma_semaphore, #tpu.memory_space<semaphore_mem>>) src(%dma_wait3A_402 : memref<128x32xf32, #tpu.memory_space<vmem>>) dst(%dma_wait3A_408 : memref<50176x32xf32, #tpu.memory_space<vmem_shared>>)
        tpu.yield
      }) : () -> ()
      %dma_wait3A_360 = arith.constant 12 : i32
      %dma_wait3A_361 = arith.constant 0 : i32
      %dma_wait3A_362 = arith.constant 0 : i32
      %dma_wait3A_363 = arith.constant 0 : i32
      %dma_wait3A_364 = tpu.memref_slice %arg7[%dma_wait3A_361, %dma_wait3A_362, %dma_wait3A_363] : memref<6x128x32xf32, #tpu.memory_space<vmem>> -> memref<1x128x32xf32, #tpu.memory_space<vmem>>
      %dma_wait3A_365 = tpu.memref_squeeze %dma_wait3A_364 : memref<1x128x32xf32, #tpu.memory_space<vmem>> -> memref<128x32xf32, #tpu.memory_space<vmem>>
      %dma_wait3A_366 = arith.constant 0 : i32
      %dma_wait3A_367 = tpu.memref_slice %arg8[%dma_wait3A_360, %dma_wait3A_366] : memref<14x128xi32, #tpu.memory_space<vmem>> -> memref<1x128xi32, #tpu.memory_space<vmem>>
      %dma_wait3A_368 = tpu.memref_squeeze %dma_wait3A_367 : memref<1x128xi32, #tpu.memory_space<vmem>> -> memref<128xi32, #tpu.memory_space<vmem>>
      %dma_wait3A_369 = arith.constant 0 : i32
      %dma_wait3A_370 = arith.constant 0 : i32
      %dma_wait3A_371 = tpu.memref_slice %arg4[%dma_wait3A_369, %dma_wait3A_370] : memref<100352x32xf32, #tpu.memory_space<hbm>> -> memref<100352x32xf32, #tpu.memory_space<hbm>>
      tpu.wait_indirect_dma semaphore(%arg11 : memref<!tpu.dma_semaphore, #tpu.memory_space<semaphore_mem>>) src(%dma_wait3A_371 : memref<100352x32xf32, #tpu.memory_space<hbm>>) dst(%dma_wait3A_365 : memref<128x32xf32, #tpu.memory_space<vmem>>)
      %run_scoped3A_372 = arith.constant 0 : i32
      %run_scoped3A_373 = arith.constant 12 : i32
      "tpu.region"() ({
        %run_scoped3A_388 = tpu.sem_alloc : memref<!tpu.dma_semaphore, #tpu.memory_space<semaphore_mem>>
        %dma_start3A_389 = arith.constant 0 : i32
        %dma_start3A_390 = arith.constant 0 : i32
        %dma_start3A_391 = tpu.memref_slice %arg7[%run_scoped3A_372, %dma_start3A_389, %dma_start3A_390] : memref<6x128x32xf32, #tpu.memory_space<vmem>> -> memref<1x128x32xf32, #tpu.memory_space<vmem>>
        %dma_start3A_392 = tpu.memref_squeeze %dma_start3A_391 : memref<1x128x32xf32, #tpu.memory_space<vmem>> -> memref<128x32xf32, #tpu.memory_space<vmem>>
        %dma_start3A_393 = arith.constant 0 : i32
        %dma_start3A_394 = tpu.memref_slice %arg9[%run_scoped3A_373, %dma_start3A_393] : memref<14x128xi32, #tpu.memory_space<vmem>> -> memref<1x128xi32, #tpu.memory_space<vmem>>
        %dma_start3A_395 = tpu.memref_squeeze %dma_start3A_394 : memref<1x128xi32, #tpu.memory_space<vmem>> -> memref<128xi32, #tpu.memory_space<vmem>>
        %dma_start3A_396 = arith.constant 0 : i32
        %dma_start3A_397 = arith.constant 0 : i32
        %dma_start3A_398 = tpu.memref_slice %arg6[%dma_start3A_396, %dma_start3A_397] : memref<50176x32xf32, #tpu.memory_space<vmem_shared>> -> memref<50176x32xf32, #tpu.memory_space<vmem_shared>>
        tpu.enqueue_indirect_dma source(%dma_start3A_392 : memref<128x32xf32, #tpu.memory_space<vmem>>) target(%dma_start3A_398 : memref<50176x32xf32, #tpu.memory_space<vmem_shared>>) offsets(%dma_start3A_395 : memref<128xi32, #tpu.memory_space<vmem>>) semaphore(%run_scoped3A_388 : memref<!tpu.dma_semaphore, #tpu.memory_space<semaphore_mem>>) {add = true}
        %dma_wait3A_399 = arith.constant 0 : i32
        %dma_wait3A_400 = arith.constant 0 : i32
        %dma_wait3A_401 = tpu.memref_slice %arg7[%run_scoped3A_372, %dma_wait3A_399, %dma_wait3A_400] : memref<6x128x32xf32, #tpu.memory_space<vmem>> -> memref<1x128x32xf32, #tpu.memory_space<vmem>>
        %dma_wait3A_402 = tpu.memref_squeeze %dma_wait3A_401 : memref<1x128x32xf32, #tpu.memory_space<vmem>> -> memref<128x32xf32, #tpu.memory_space<vmem>>
        %dma_wait3A_403 = arith.constant 0 : i32
        %dma_wait3A_404 = tpu.memref_slice %arg9[%run_scoped3A_373, %dma_wait3A_403] : memref<14x128xi32, #tpu.memory_space<vmem>> -> memref<1x128xi32, #tpu.memory_space<vmem>>
        %dma_wait3A_405 = tpu.memref_squeeze %dma_wait3A_404 : memref<1x128xi32, #tpu.memory_space<vmem>> -> memref<128xi32, #tpu.memory_space<vmem>>
        %dma_wait3A_406 = arith.constant 0 : i32
        %dma_wait3A_407 = arith.constant 0 : i32
        %dma_wait3A_408 = tpu.memref_slice %arg6[%dma_wait3A_406, %dma_wait3A_407] : memref<50176x32xf32, #tpu.memory_space<vmem_shared>> -> memref<50176x32xf32, #tpu.memory_space<vmem_shared>>
        tpu.wait_indirect_dma semaphore(%run_scoped3A_388 : memref<!tpu.dma_semaphore, #tpu.memory_space<semaphore_mem>>) src(%dma_wait3A_402 : memref<128x32xf32, #tpu.memory_space<vmem>>) dst(%dma_wait3A_408 : memref<50176x32xf32, #tpu.memory_space<vmem_shared>>)
        tpu.yield
      }) : () -> ()
      %dma_wait3A_374 = arith.constant 13 : i32
      %dma_wait3A_375 = arith.constant 1 : i32
      %dma_wait3A_376 = arith.constant 0 : i32
      %dma_wait3A_377 = arith.constant 0 : i32
      %dma_wait3A_378 = tpu.memref_slice %arg7[%dma_wait3A_375, %dma_wait3A_376, %dma_wait3A_377] : memref<6x128x32xf32, #tpu.memory_space<vmem>> -> memref<1x128x32xf32, #tpu.memory_space<vmem>>
      %dma_wait3A_379 = tpu.memref_squeeze %dma_wait3A_378 : memref<1x128x32xf32, #tpu.memory_space<vmem>> -> memref<128x32xf32, #tpu.memory_space<vmem>>
      %dma_wait3A_380 = arith.constant 0 : i32
      %dma_wait3A_381 = tpu.memref_slice %arg8[%dma_wait3A_374, %dma_wait3A_380] : memref<14x128xi32, #tpu.memory_space<vmem>> -> memref<1x128xi32, #tpu.memory_space<vmem>>
      %dma_wait3A_382 = tpu.memref_squeeze %dma_wait3A_381 : memref<1x128xi32, #tpu.memory_space<vmem>> -> memref<128xi32, #tpu.memory_space<vmem>>
      %dma_wait3A_383 = arith.constant 0 : i32
      %dma_wait3A_384 = arith.constant 0 : i32
      %dma_wait3A_385 = tpu.memref_slice %arg4[%dma_wait3A_383, %dma_wait3A_384] : memref<100352x32xf32, #tpu.memory_space<hbm>> -> memref<100352x32xf32, #tpu.memory_space<hbm>>
      tpu.wait_indirect_dma semaphore(%arg11 : memref<!tpu.dma_semaphore, #tpu.memory_space<semaphore_mem>>) src(%dma_wait3A_385 : memref<100352x32xf32, #tpu.memory_space<hbm>>) dst(%dma_wait3A_379 : memref<128x32xf32, #tpu.memory_space<vmem>>)
      %run_scoped3A_386 = arith.constant 1 : i32
      %run_scoped3A_387 = arith.constant 13 : i32
      "tpu.region"() ({
        %run_scoped3A_388 = tpu.sem_alloc : memref<!tpu.dma_semaphore, #tpu.memory_space<semaphore_mem>>
        %dma_start3A_389 = arith.constant 0 : i32
        %dma_start3A_390 = arith.constant 0 : i32
        %dma_start3A_391 = tpu.memref_slice %arg7[%run_scoped3A_386, %dma_start3A_389, %dma_start3A_390] : memref<6x128x32xf32, #tpu.memory_space<vmem>> -> memref<1x128x32xf32, #tpu.memory_space<vmem>>
        %dma_start3A_392 = tpu.memref_squeeze %dma_start3A_391 : memref<1x128x32xf32, #tpu.memory_space<vmem>> -> memref<128x32xf32, #tpu.memory_space<vmem>>
        %dma_start3A_393 = arith.constant 0 : i32
        %dma_start3A_394 = tpu.memref_slice %arg9[%run_scoped3A_387, %dma_start3A_393] : memref<14x128xi32, #tpu.memory_space<vmem>> -> memref<1x128xi32, #tpu.memory_space<vmem>>
        %dma_start3A_395 = tpu.memref_squeeze %dma_start3A_394 : memref<1x128xi32, #tpu.memory_space<vmem>> -> memref<128xi32, #tpu.memory_space<vmem>>
        %dma_start3A_396 = arith.constant 0 : i32
        %dma_start3A_397 = arith.constant 0 : i32
        %dma_start3A_398 = tpu.memref_slice %arg6[%dma_start3A_396, %dma_start3A_397] : memref<50176x32xf32, #tpu.memory_space<vmem_shared>> -> memref<50176x32xf32, #tpu.memory_space<vmem_shared>>
        tpu.enqueue_indirect_dma source(%dma_start3A_392 : memref<128x32xf32, #tpu.memory_space<vmem>>) target(%dma_start3A_398 : memref<50176x32xf32, #tpu.memory_space<vmem_shared>>) offsets(%dma_start3A_395 : memref<128xi32, #tpu.memory_space<vmem>>) semaphore(%run_scoped3A_388 : memref<!tpu.dma_semaphore, #tpu.memory_space<semaphore_mem>>) {add = true}
        %dma_wait3A_399 = arith.constant 0 : i32
        %dma_wait3A_400 = arith.constant 0 : i32
        %dma_wait3A_401 = tpu.memref_slice %arg7[%run_scoped3A_386, %dma_wait3A_399, %dma_wait3A_400] : memref<6x128x32xf32, #tpu.memory_space<vmem>> -> memref<1x128x32xf32, #tpu.memory_space<vmem>>
        %dma_wait3A_402 = tpu.memref_squeeze %dma_wait3A_401 : memref<1x128x32xf32, #tpu.memory_space<vmem>> -> memref<128x32xf32, #tpu.memory_space<vmem>>
        %dma_wait3A_403 = arith.constant 0 : i32
        %dma_wait3A_404 = tpu.memref_slice %arg9[%run_scoped3A_387, %dma_wait3A_403] : memref<14x128xi32, #tpu.memory_space<vmem>> -> memref<1x128xi32, #tpu.memory_space<vmem>>
        %dma_wait3A_405 = tpu.memref_squeeze %dma_wait3A_404 : memref<1x128xi32, #tpu.memory_space<vmem>> -> memref<128xi32, #tpu.memory_space<vmem>>
        %dma_wait3A_406 = arith.constant 0 : i32
        %dma_wait3A_407 = arith.constant 0 : i32
        %dma_wait3A_408 = tpu.memref_slice %arg6[%dma_wait3A_406, %dma_wait3A_407] : memref<50176x32xf32, #tpu.memory_space<vmem_shared>> -> memref<50176x32xf32, #tpu.memory_space<vmem_shared>>
        tpu.wait_indirect_dma semaphore(%run_scoped3A_388 : memref<!tpu.dma_semaphore, #tpu.memory_space<semaphore_mem>>) src(%dma_wait3A_402 : memref<128x32xf32, #tpu.memory_space<vmem>>) dst(%dma_wait3A_408 : memref<50176x32xf32, #tpu.memory_space<vmem_shared>>)
        tpu.yield
      }) : () -> ()
    }
    %scan3A_13 = arith.constant 28 : i32
    %barrier3A_14 = arith.constant 0 : index
    tpu.barrier barrier_id(%barrier3A_14)
    %scan3A_15 = arith.constant 0 : i32
    %scan3A_16 = arith.constant 64 : i32
    %scan3A_17 = arith.addi %scan3A_15, %scan3A_16 : i32
    %scan3A_18 = arith.constant 1 : i32
    scf.for %scan3A_20 = %scan3A_15 to %scan3A_17 step %scan3A_18  : i32 {
      %mul3A = arith.constant 1 : i32
      %mul3A_21 = arith.muli %scan3A_20, %mul3A : i32
      %add3A = arith.constant 0 : i32
      %add3A_22 = arith.addi %add3A, %mul3A_21 : i32
      %mul3A_23 = arith.constant 3136 : i32
      %mul3A_24 = arith.muli %arg1, %mul3A_23 : i32
      %mul3A_25 = arith.constant 49 : i32
      %mul3A_26 = arith.muli %add3A_22, %mul3A_25 : i32
      %add3A_27 = arith.addi %mul3A_24, %mul3A_26 : i32
      "tpu.region"() ({
        %run_scoped3A = tpu.sem_alloc : memref<!tpu.dma_semaphore, #tpu.memory_space<semaphore_mem>>
        %dma_start3A = arith.constant 0 : i32
        %dma_start3A_36 = tpu.memref_slice %arg6[%add3A_27, %dma_start3A] : memref<50176x32xf32, #tpu.memory_space<vmem_shared>> -> memref<49x32xf32, #tpu.memory_space<vmem_shared>>
        %dma_start3A_37 = arith.constant 0 : i32
        %dma_start3A_38 = tpu.memref_slice %arg6[%add3A_27, %dma_start3A_37] : memref<50176x32xf32, #tpu.memory_space<vmem_shared>> -> memref<49x32xf32, #tpu.memory_space<vmem_shared>>
        tpu.enqueue_dma source(%dma_start3A_38 : memref<49x32xf32, #tpu.memory_space<vmem_shared>>) target(%arg10 : memref<49x32xf32, #tpu.memory_space<vmem>>) target_semaphore(%run_scoped3A : memref<!tpu.dma_semaphore, #tpu.memory_space<semaphore_mem>>)
        %dma_wait3A = arith.constant 0 : i32
        %dma_wait3A_39 = tpu.memref_slice %arg6[%add3A_27, %dma_wait3A] : memref<50176x32xf32, #tpu.memory_space<vmem_shared>> -> memref<49x32xf32, #tpu.memory_space<vmem_shared>>
        %dma_wait3A_40 = arith.constant 0 : i32
        %dma_wait3A_41 = tpu.memref_slice %arg6[%add3A_27, %dma_wait3A_40] : memref<50176x32xf32, #tpu.memory_space<vmem_shared>> -> memref<49x32xf32, #tpu.memory_space<vmem_shared>>
        tpu.wait_dma2 semaphore(%run_scoped3A : memref<!tpu.dma_semaphore, #tpu.memory_space<semaphore_mem>>) src(%dma_wait3A_41 : memref<49x32xf32, #tpu.memory_space<vmem_shared>>) dst(%arg10 : memref<49x32xf32, #tpu.memory_space<vmem>>)
        tpu.yield
      }) : () -> ()
      %mul3A_28 = arith.constant 50176 : i32
      %mul3A_29 = arith.muli %arg0, %mul3A_28 : i32
      %mul3A_30 = arith.constant 3136 : i32
      %mul3A_31 = arith.muli %arg1, %mul3A_30 : i32
      %add3A_32 = arith.addi %mul3A_29, %mul3A_31 : i32
      %mul3A_33 = arith.constant 49 : i32
      %mul3A_34 = arith.muli %add3A_22, %mul3A_33 : i32
      %add3A_35 = arith.addi %add3A_32, %mul3A_34 : i32
      "tpu.region"() ({
        %run_scoped3A = tpu.sem_alloc : memref<!tpu.dma_semaphore, #tpu.memory_space<semaphore_mem>>
        %dma_start3A = arith.constant 0 : i32
        %dma_start3A_36 = tpu.memref_slice %arg5[%add3A_35, %dma_start3A] : memref<100352x32xf32, #tpu.memory_space<hbm>> -> memref<49x32xf32, #tpu.memory_space<hbm>>
        %dma_start3A_37 = arith.constant 0 : i32
        %dma_start3A_38 = tpu.memref_slice %arg5[%add3A_35, %dma_start3A_37] : memref<100352x32xf32, #tpu.memory_space<hbm>> -> memref<49x32xf32, #tpu.memory_space<hbm>>
        tpu.enqueue_dma source(%arg10 : memref<49x32xf32, #tpu.memory_space<vmem>>) target(%dma_start3A_38 : memref<49x32xf32, #tpu.memory_space<hbm>>) target_semaphore(%run_scoped3A : memref<!tpu.dma_semaphore, #tpu.memory_space<semaphore_mem>>)
        %dma_wait3A = arith.constant 0 : i32
        %dma_wait3A_39 = tpu.memref_slice %arg5[%add3A_35, %dma_wait3A] : memref<100352x32xf32, #tpu.memory_space<hbm>> -> memref<49x32xf32, #tpu.memory_space<hbm>>
        %dma_wait3A_40 = arith.constant 0 : i32
        %dma_wait3A_41 = tpu.memref_slice %arg5[%add3A_35, %dma_wait3A_40] : memref<100352x32xf32, #tpu.memory_space<hbm>> -> memref<49x32xf32, #tpu.memory_space<hbm>>
        tpu.wait_dma2 semaphore(%run_scoped3A : memref<!tpu.dma_semaphore, #tpu.memory_space<semaphore_mem>>) src(%arg10 : memref<49x32xf32, #tpu.memory_space<vmem>>) dst(%dma_wait3A_41 : memref<49x32xf32, #tpu.memory_space<hbm>>)
        tpu.yield
      }) : () -> ()
    }
    %scan3A_19 = arith.constant 64 : i32
    return
  }
}

#map = affine_map<(d0, d1) -> (0, 0, 0, 0)>
#map1 = affine_map<(d0, d1) -> (0, 0, 0)>
#map2 = affine_map<(d0, d1) -> (0, 0)>
module attributes {stable_mosaic.version = 14 : i64} {
  func.func @layer(%arg0: i32, %arg1: i32, %arg2: memref<2x16x392x128xi32, #tpu.memory_space<hbm>>, %arg3: memref<16x392x128xi32, #tpu.memory_space<hbm>>, %arg4: memref<100352x32xf32, #tpu.memory_space<hbm>>, %arg5: memref<100352x32xf32, #tpu.memory_space<hbm>>, %arg6: memref<50176x32xf32, #tpu.memory_space<vmem_shared>>, %arg7: memref<6x128x32xf32, #tpu.memory_space<vmem>>, %arg8: memref<14x128xi32, #tpu.memory_space<vmem>>, %arg9: memref<14x128xi32, #tpu.memory_space<vmem>>, %arg10: memref<49x32xf32, #tpu.memory_space<vmem>>, %arg11: memref<!tpu.dma_semaphore, #tpu.memory_space<semaphore_mem>>) attributes {dimension_semantics = [#tpu.dimension_semantics<core_parallel>, #tpu.dimension_semantics<subcore_parallel>], iteration_bounds = array<i64: 2, 16>, scalar_prefetch = 0 : i64, scratch_operands = 6 : i64, tpu.core_type = #tpu.core_type<sc_vector_subcore>, window_params = [{transform_indices = #map}, {transform_indices = #map1}, {transform_indices = #map2}, {transform_indices = #map2}]} {
    %scan3A = arith.constant 0 : i32
    %scan3A_0 = arith.constant 49 : i32
    %scan3A_1 = arith.addi %scan3A, %scan3A_0 : i32
    %scan3A_2 = arith.constant 1 : i32
    scf.for %scan3A_20 = %scan3A to %scan3A_1 step %scan3A_2  : i32 {
      %mul3A = arith.constant 1 : i32
      %mul3A_21 = arith.muli %scan3A_20, %mul3A : i32
      %add3A = arith.constant 0 : i32
      %add3A_22 = arith.addi %add3A, %mul3A_21 : i32
      %scan3A_23 = arith.constant 0 : i32
      %scan3A_24 = arith.constant 2 : i32
      %scan3A_25 = arith.addi %scan3A_23, %scan3A_24 : i32
      %scan3A_26 = arith.constant 1 : i32
      scf.for %scan3A_28 = %scan3A_23 to %scan3A_25 step %scan3A_26  : i32 {
        %mul3A_29 = arith.constant 16 : i32
        %mul3A_30 = arith.muli %scan3A_28, %mul3A_29 : i32
        %add3A_31 = arith.constant 0 : i32
        %add3A_32 = arith.addi %add3A_31, %mul3A_30 : i32
        %broadcast_in_dim3A = arith.constant 0.000000e+00 : f32
        %broadcast_in_dim3A_33 = vector.broadcast %broadcast_in_dim3A : f32 to vector<16xf32>
        %swap3A = arith.index_cast %add3A_22 : i32 to index
        %swap3A_34 = arith.index_cast %add3A_32 : i32 to index
        %swap3A_35 = tpu.vector_load %arg10[%swap3A, %swap3A_34] {strides = array<i32>} : memref<49x32xf32, #tpu.memory_space<vmem>>, vector<1x16xf32>,
        %swap3A_36 = vector.shape_cast %swap3A_35 : vector<1x16xf32> to vector<16xf32>
        %swap3A_37 = vector.shape_cast %broadcast_in_dim3A_33 : vector<16xf32> to vector<1x16xf32>
        tpu.vector_store %arg10[%swap3A, %swap3A_34], %swap3A_37 {strides = array<i32>} : memref<49x32xf32, #tpu.memory_space<vmem>>, vector<1x16xf32>,
      }
      %scan3A_27 = arith.constant 2 : i32
    }
    %scan3A_3 = arith.constant 49 : i32
    %scan3A_4 = arith.constant 0 : i32
    %scan3A_5 = arith.constant 64 : i32
    %scan3A_6 = arith.addi %scan3A_4, %scan3A_5 : i32
    %scan3A_7 = arith.constant 1 : i32
    scf.for %scan3A_20 = %scan3A_4 to %scan3A_6 step %scan3A_7  : i32 {
      %mul3A = arith.constant 1 : i32
      %mul3A_21 = arith.muli %scan3A_20, %mul3A : i32
      %add3A = arith.constant 0 : i32
      %add3A_22 = arith.addi %add3A, %mul3A_21 : i32
      %mul3A_23 = arith.constant 3136 : i32
      %mul3A_24 = arith.muli %arg1, %mul3A_23 : i32
      %mul3A_25 = arith.constant 49 : i32
      %mul3A_26 = arith.muli %add3A_22, %mul3A_25 : i32
      %add3A_27 = arith.addi %mul3A_24, %mul3A_26 : i32
      "tpu.region"() ({
        %run_scoped3A = tpu.sem_alloc : memref<!tpu.dma_semaphore, #tpu.memory_space<semaphore_mem>>
        %dma_start3A = arith.constant 0 : i32
        %dma_start3A_28 = tpu.memref_slice %arg6[%add3A_27, %dma_start3A] : memref<50176x32xf32, #tpu.memory_space<vmem_shared>> -> memref<49x32xf32, #tpu.memory_space<vmem_shared>>
        %dma_start3A_29 = arith.constant 0 : i32
        %dma_start3A_30 = tpu.memref_slice %arg6[%add3A_27, %dma_start3A_29] : memref<50176x32xf32, #tpu.memory_space<vmem_shared>> -> memref<49x32xf32, #tpu.memory_space<vmem_shared>>
        tpu.enqueue_dma source(%arg10 : memref<49x32xf32, #tpu.memory_space<vmem>>) target(%dma_start3A_30 : memref<49x32xf32, #tpu.memory_space<vmem_shared>>) target_semaphore(%run_scoped3A : memref<!tpu.dma_semaphore, #tpu.memory_space<semaphore_mem>>)
        %dma_wait3A = arith.constant 0 : i32
        %dma_wait3A_31 = tpu.memref_slice %arg6[%add3A_27, %dma_wait3A] : memref<50176x32xf32, #tpu.memory_space<vmem_shared>> -> memref<49x32xf32, #tpu.memory_space<vmem_shared>>
        %dma_wait3A_32 = arith.constant 0 : i32
        %dma_wait3A_33 = tpu.memref_slice %arg6[%add3A_27, %dma_wait3A_32] : memref<50176x32xf32, #tpu.memory_space<vmem_shared>> -> memref<49x32xf32, #tpu.memory_space<vmem_shared>>
        tpu.wait_dma2 semaphore(%run_scoped3A : memref<!tpu.dma_semaphore, #tpu.memory_space<semaphore_mem>>) src(%arg10 : memref<49x32xf32, #tpu.memory_space<vmem>>) dst(%dma_wait3A_33 : memref<49x32xf32, #tpu.memory_space<vmem_shared>>)
        tpu.yield
      }) : () -> ()
    }
    %scan3A_8 = arith.constant 64 : i32
    %barrier3A = arith.constant 0 : index
    tpu.barrier barrier_id(%barrier3A)
    %scan3A_9 = arith.constant 0 : i32
    %scan3A_10 = arith.constant 28 : i32
    %scan3A_11 = arith.addi %scan3A_9, %scan3A_10 : i32
    %scan3A_12 = arith.constant 1 : i32
    scf.for %scan3A_20 = %scan3A_9 to %scan3A_11 step %scan3A_12  : i32 {
      %mul3A = arith.constant 1 : i32
      %mul3A_21 = arith.muli %scan3A_20, %mul3A : i32
      %add3A = arith.constant 0 : i32
      %add3A_22 = arith.addi %add3A, %mul3A_21 : i32
      %mul3A_23 = arith.constant 14 : i32
      %mul3A_24 = arith.muli %add3A_22, %mul3A_23 : i32
      "tpu.region"() ({
        %run_scoped3A_388 = tpu.sem_alloc : memref<!tpu.dma_semaphore, #tpu.memory_space<semaphore_mem>>
        %dma_start3A_389 = arith.constant 0 : i32
        %dma_start3A_390 = tpu.memref_slice %arg2[%arg0, %arg1, %mul3A_24, %dma_start3A_389] : memref<2x16x392x128xi32, #tpu.memory_space<hbm>> -> memref<1x1x14x128xi32, #tpu.memory_space<hbm>>
        %dma_start3A_391 = tpu.memref_squeeze %dma_start3A_390 : memref<1x1x14x128xi32, #tpu.memory_space<hbm>> -> memref<14x128xi32, #tpu.memory_space<hbm>>
        %dma_start3A_392 = arith.constant 0 : i32
        %dma_start3A_393 = tpu.memref_slice %arg2[%arg0, %arg1, %mul3A_24, %dma_start3A_392] : memref<2x16x392x128xi32, #tpu.memory_space<hbm>> -> memref<1x1x14x128xi32, #tpu.memory_space<hbm>>
        %dma_start3A_394 = tpu.memref_squeeze %dma_start3A_393 : memref<1x1x14x128xi32, #tpu.memory_space<hbm>> -> memref<14x128xi32, #tpu.memory_space<hbm>>
        tpu.enqueue_dma source(%dma_start3A_394 : memref<14x128xi32, #tpu.memory_space<hbm>>) target(%arg8 : memref<14x128xi32, #tpu.memory_space<vmem>>) target_semaphore(%run_scoped3A_388 : memref<!tpu.dma_semaphore, #tpu.memory_space<semaphore_mem>>)
        %dma_wait3A_395 = arith.constant 0 : i32
        %dma_wait3A_396 = tpu.memref_slice %arg2[%arg0, %arg1, %mul3A_24, %dma_wait3A_395] : memref<2x16x392x128xi32, #tpu.memory_space<hbm>> -> memref<1x1x14x128xi32, #tpu.memory_space<hbm>>
        %dma_wait3A_397 = tpu.memref_squeeze %dma_wait3A_396 : memref<1x1x14x128xi32, #tpu.memory_space<hbm>> -> memref<14x128xi32, #tpu.memory_space<hbm>>
        %dma_wait3A_398 = arith.constant 0 : i32
        %dma_wait3A_399 = tpu.memref_slice %arg2[%arg0, %arg1, %mul3A_24, %dma_wait3A_398] : memref<2x16x392x128xi32, #tpu.memory_space<hbm>> -> memref<1x1x14x128xi32, #tpu.memory_space<hbm>>
        %dma_wait3A_400 = tpu.memref_squeeze %dma_wait3A_399 : memref<1x1x14x128xi32, #tpu.memory_space<hbm>> -> memref<14x128xi32, #tpu.memory_space<hbm>>
        tpu.wait_dma2 semaphore(%run_scoped3A_388 : memref<!tpu.dma_semaphore, #tpu.memory_space<semaphore_mem>>) src(%dma_wait3A_400 : memref<14x128xi32, #tpu.memory_space<hbm>>) dst(%arg8 : memref<14x128xi32, #tpu.memory_space<vmem>>)
        tpu.yield
      }) : () -> ()
      %mul3A_25 = arith.constant 14 : i32
      %mul3A_26 = arith.muli %add3A_22, %mul3A_25 : i32
      "tpu.region"() ({
        %run_scoped3A_388 = tpu.sem_alloc : memref<!tpu.dma_semaphore, #tpu.memory_space<semaphore_mem>>
        %dma_start3A_389 = arith.constant 0 : i32
        %dma_start3A_390 = tpu.memref_slice %arg3[%arg1, %mul3A_26, %dma_start3A_389] : memref<16x392x128xi32, #tpu.memory_space<hbm>> -> memref<1x14x128xi32, #tpu.memory_space<hbm>>
        %dma_start3A_391 = tpu.memref_squeeze %dma_start3A_390 : memref<1x14x128xi32, #tpu.memory_space<hbm>> -> memref<14x128xi32, #tpu.memory_space<hbm>>
        %dma_start3A_392 = arith.constant 0 : i32
        %dma_start3A_393 = tpu.memref_slice %arg3[%arg1, %mul3A_26, %dma_start3A_392] : memref<16x392x128xi32, #tpu.memory_space<hbm>> -> memref<1x14x128xi32, #tpu.memory_space<hbm>>
        %dma_start3A_394 = tpu.memref_squeeze %dma_start3A_393 : memref<1x14x128xi32, #tpu.memory_space<hbm>> -> memref<14x128xi32, #tpu.memory_space<hbm>>
        tpu.enqueue_dma source(%dma_start3A_394 : memref<14x128xi32, #tpu.memory_space<hbm>>) target(%arg9 : memref<14x128xi32, #tpu.memory_space<vmem>>) target_semaphore(%run_scoped3A_388 : memref<!tpu.dma_semaphore, #tpu.memory_space<semaphore_mem>>)
        %dma_wait3A_395 = arith.constant 0 : i32
        %dma_wait3A_396 = tpu.memref_slice %arg3[%arg1, %mul3A_26, %dma_wait3A_395] : memref<16x392x128xi32, #tpu.memory_space<hbm>> -> memref<1x14x128xi32, #tpu.memory_space<hbm>>
        %dma_wait3A_397 = tpu.memref_squeeze %dma_wait3A_396 : memref<1x14x128xi32, #tpu.memory_space<hbm>> -> memref<14x128xi32, #tpu.memory_space<hbm>>
        %dma_wait3A_398 = arith.constant 0 : i32
        %dma_wait3A_399 = tpu.memref_slice %arg3[%arg1, %mul3A_26, %dma_wait3A_398] : memref<16x392x128xi32, #tpu.memory_space<hbm>> -> memref<1x14x128xi32, #tpu.memory_space<hbm>>
        %dma_wait3A_400 = tpu.memref_squeeze %dma_wait3A_399 : memref<1x14x128xi32, #tpu.memory_space<hbm>> -> memref<14x128xi32, #tpu.memory_space<hbm>>
        tpu.wait_dma2 semaphore(%run_scoped3A_388 : memref<!tpu.dma_semaphore, #tpu.memory_space<semaphore_mem>>) src(%dma_wait3A_400 : memref<14x128xi32, #tpu.memory_space<hbm>>) dst(%arg9 : memref<14x128xi32, #tpu.memory_space<vmem>>)
        tpu.yield
      }) : () -> ()
      %dma_start3A = arith.constant 0 : i32
      %dma_start3A_27 = arith.constant 0 : i32
      %dma_start3A_28 = arith.constant 0 : i32
      %dma_start3A_29 = arith.constant 0 : i32
      %dma_start3A_30 = tpu.memref_slice %arg7[%dma_start3A_27, %dma_start3A_28, %dma_start3A_29] : memref<6x128x32xf32, #tpu.memory_space<vmem>> -> memref<1x128x32xf32, #tpu.memory_space<vmem>>
      %dma_start3A_31 = tpu.memref_squeeze %dma_start3A_30 : memref<1x128x32xf32, #tpu.memory_space<vmem>> -> memref<128x32xf32, #tpu.memory_space<vmem>>
      %dma_start3A_32 = arith.constant 0 : i32
      %dma_start3A_33 = tpu.memref_slice %arg8[%dma_start3A, %dma_start3A_32] : memref<14x128xi32, #tpu.memory_space<vmem>> -> memref<1x128xi32, #tpu.memory_space<vmem>>
      %dma_start3A_34 = tpu.memref_squeeze %dma_start3A_33 : memref<1x128xi32, #tpu.memory_space<vmem>> -> memref<128xi32, #tpu.memory_space<vmem>>
      %dma_start3A_35 = arith.constant 0 : i32
      %dma_start3A_36 = arith.constant 0 : i32
      %dma_start3A_37 = tpu.memref_slice %arg4[%dma_start3A_35, %dma_start3A_36] : memref<100352x32xf32, #tpu.memory_space<hbm>> -> memref<100352x32xf32, #tpu.memory_space<hbm>>
      tpu.enqueue_indirect_dma source(%dma_start3A_37 : memref<100352x32xf32, #tpu.memory_space<hbm>>) target(%dma_start3A_31 : memref<128x32xf32, #tpu.memory_space<vmem>>) offsets(%dma_start3A_34 : memref<128xi32, #tpu.memory_space<vmem>>) semaphore(%arg11 : memref<!tpu.dma_semaphore, #tpu.memory_space<semaphore_mem>>)
      %dma_start3A_38 = arith.constant 1 : i32
      %dma_start3A_39 = arith.constant 1 : i32
      %dma_start3A_40 = arith.constant 0 : i32
      %dma_start3A_41 = arith.constant 0 : i32
      %dma_start3A_42 = tpu.memref_slice %arg7[%dma_start3A_39, %dma_start3A_40, %dma_start3A_41] : memref<6x128x32xf32, #tpu.memory_space<vmem>> -> memref<1x128x32xf32, #tpu.memory_space<vmem>>
      %dma_start3A_43 = tpu.memref_squeeze %dma_start3A_42 : memref<1x128x32xf32, #tpu.memory_space<vmem>> -> memref<128x32xf32, #tpu.memory_space<vmem>>
      %dma_start3A_44 = arith.constant 0 : i32
      %dma_start3A_45 = tpu.memref_slice %arg8[%dma_start3A_38, %dma_start3A_44] : memref<14x128xi32, #tpu.memory_space<vmem>> -> memref<1x128xi32, #tpu.memory_space<vmem>>
      %dma_start3A_46 = tpu.memref_squeeze %dma_start3A_45 : memref<1x128xi32, #tpu.memory_space<vmem>> -> memref<128xi32, #tpu.memory_space<vmem>>
      %dma_start3A_47 = arith.constant 0 : i32
      %dma_start3A_48 = arith.constant 0 : i32
      %dma_start3A_49 = tpu.memref_slice %arg4[%dma_start3A_47, %dma_start3A_48] : memref<100352x32xf32, #tpu.memory_space<hbm>> -> memref<100352x32xf32, #tpu.memory_space<hbm>>
      tpu.enqueue_indirect_dma source(%dma_start3A_49 : memref<100352x32xf32, #tpu.memory_space<hbm>>) target(%dma_start3A_43 : memref<128x32xf32, #tpu.memory_space<vmem>>) offsets(%dma_start3A_46 : memref<128xi32, #tpu.memory_space<vmem>>) semaphore(%arg11 : memref<!tpu.dma_semaphore, #tpu.memory_space<semaphore_mem>>)
      %dma_start3A_50 = arith.constant 2 : i32
      %dma_start3A_51 = arith.constant 2 : i32
      %dma_start3A_52 = arith.constant 0 : i32
      %dma_start3A_53 = arith.constant 0 : i32
      %dma_start3A_54 = tpu.memref_slice %arg7[%dma_start3A_51, %dma_start3A_52, %dma_start3A_53] : memref<6x128x32xf32, #tpu.memory_space<vmem>> -> memref<1x128x32xf32, #tpu.memory_space<vmem>>
      %dma_start3A_55 = tpu.memref_squeeze %dma_start3A_54 : memref<1x128x32xf32, #tpu.memory_space<vmem>> -> memref<128x32xf32, #tpu.memory_space<vmem>>
      %dma_start3A_56 = arith.constant 0 : i32
      %dma_start3A_57 = tpu.memref_slice %arg8[%dma_start3A_50, %dma_start3A_56] : memref<14x128xi32, #tpu.memory_space<vmem>> -> memref<1x128xi32, #tpu.memory_space<vmem>>
      %dma_start3A_58 = tpu.memref_squeeze %dma_start3A_57 : memref<1x128xi32, #tpu.memory_space<vmem>> -> memref<128xi32, #tpu.memory_space<vmem>>
      %dma_start3A_59 = arith.constant 0 : i32
      %dma_start3A_60 = arith.constant 0 : i32
      %dma_start3A_61 = tpu.memref_slice %arg4[%dma_start3A_59, %dma_start3A_60] : memref<100352x32xf32, #tpu.memory_space<hbm>> -> memref<100352x32xf32, #tpu.memory_space<hbm>>
      tpu.enqueue_indirect_dma source(%dma_start3A_61 : memref<100352x32xf32, #tpu.memory_space<hbm>>) target(%dma_start3A_55 : memref<128x32xf32, #tpu.memory_space<vmem>>) offsets(%dma_start3A_58 : memref<128xi32, #tpu.memory_space<vmem>>) semaphore(%arg11 : memref<!tpu.dma_semaphore, #tpu.memory_space<semaphore_mem>>)
      %dma_start3A_62 = arith.constant 3 : i32
      %dma_start3A_63 = arith.constant 3 : i32
      %dma_start3A_64 = arith.constant 0 : i32
      %dma_start3A_65 = arith.constant 0 : i32
      %dma_start3A_66 = tpu.memref_slice %arg7[%dma_start3A_63, %dma_start3A_64, %dma_start3A_65] : memref<6x128x32xf32, #tpu.memory_space<vmem>> -> memref<1x128x32xf32, #tpu.memory_space<vmem>>
      %dma_start3A_67 = tpu.memref_squeeze %dma_start3A_66 : memref<1x128x32xf32, #tpu.memory_space<vmem>> -> memref<128x32xf32, #tpu.memory_space<vmem>>
      %dma_start3A_68 = arith.constant 0 : i32
      %dma_start3A_69 = tpu.memref_slice %arg8[%dma_start3A_62, %dma_start3A_68] : memref<14x128xi32, #tpu.memory_space<vmem>> -> memref<1x128xi32, #tpu.memory_space<vmem>>
      %dma_start3A_70 = tpu.memref_squeeze %dma_start3A_69 : memref<1x128xi32, #tpu.memory_space<vmem>> -> memref<128xi32, #tpu.memory_space<vmem>>
      %dma_start3A_71 = arith.constant 0 : i32
      %dma_start3A_72 = arith.constant 0 : i32
      %dma_start3A_73 = tpu.memref_slice %arg4[%dma_start3A_71, %dma_start3A_72] : memref<100352x32xf32, #tpu.memory_space<hbm>> -> memref<100352x32xf32, #tpu.memory_space<hbm>>
      tpu.enqueue_indirect_dma source(%dma_start3A_73 : memref<100352x32xf32, #tpu.memory_space<hbm>>) target(%dma_start3A_67 : memref<128x32xf32, #tpu.memory_space<vmem>>) offsets(%dma_start3A_70 : memref<128xi32, #tpu.memory_space<vmem>>) semaphore(%arg11 : memref<!tpu.dma_semaphore, #tpu.memory_space<semaphore_mem>>)
      %dma_start3A_74 = arith.constant 4 : i32
      %dma_start3A_75 = arith.constant 4 : i32
      %dma_start3A_76 = arith.constant 0 : i32
      %dma_start3A_77 = arith.constant 0 : i32
      %dma_start3A_78 = tpu.memref_slice %arg7[%dma_start3A_75, %dma_start3A_76, %dma_start3A_77] : memref<6x128x32xf32, #tpu.memory_space<vmem>> -> memref<1x128x32xf32, #tpu.memory_space<vmem>>
      %dma_start3A_79 = tpu.memref_squeeze %dma_start3A_78 : memref<1x128x32xf32, #tpu.memory_space<vmem>> -> memref<128x32xf32, #tpu.memory_space<vmem>>
      %dma_start3A_80 = arith.constant 0 : i32
      %dma_start3A_81 = tpu.memref_slice %arg8[%dma_start3A_74, %dma_start3A_80] : memref<14x128xi32, #tpu.memory_space<vmem>> -> memref<1x128xi32, #tpu.memory_space<vmem>>
      %dma_start3A_82 = tpu.memref_squeeze %dma_start3A_81 : memref<1x128xi32, #tpu.memory_space<vmem>> -> memref<128xi32, #tpu.memory_space<vmem>>
      %dma_start3A_83 = arith.constant 0 : i32
      %dma_start3A_84 = arith.constant 0 : i32
      %dma_start3A_85 = tpu.memref_slice %arg4[%dma_start3A_83, %dma_start3A_84] : memref<100352x32xf32, #tpu.memory_space<hbm>> -> memref<100352x32xf32, #tpu.memory_space<hbm>>
      tpu.enqueue_indirect_dma source(%dma_start3A_85 : memref<100352x32xf32, #tpu.memory_space<hbm>>) target(%dma_start3A_79 : memref<128x32xf32, #tpu.memory_space<vmem>>) offsets(%dma_start3A_82 : memref<128xi32, #tpu.memory_space<vmem>>) semaphore(%arg11 : memref<!tpu.dma_semaphore, #tpu.memory_space<semaphore_mem>>)
      %dma_start3A_86 = arith.constant 5 : i32
      %dma_start3A_87 = arith.constant 5 : i32
      %dma_start3A_88 = arith.constant 0 : i32
      %dma_start3A_89 = arith.constant 0 : i32
      %dma_start3A_90 = tpu.memref_slice %arg7[%dma_start3A_87, %dma_start3A_88, %dma_start3A_89] : memref<6x128x32xf32, #tpu.memory_space<vmem>> -> memref<1x128x32xf32, #tpu.memory_space<vmem>>
      %dma_start3A_91 = tpu.memref_squeeze %dma_start3A_90 : memref<1x128x32xf32, #tpu.memory_space<vmem>> -> memref<128x32xf32, #tpu.memory_space<vmem>>
      %dma_start3A_92 = arith.constant 0 : i32
      %dma_start3A_93 = tpu.memref_slice %arg8[%dma_start3A_86, %dma_start3A_92] : memref<14x128xi32, #tpu.memory_space<vmem>> -> memref<1x128xi32, #tpu.memory_space<vmem>>
      %dma_start3A_94 = tpu.memref_squeeze %dma_start3A_93 : memref<1x128xi32, #tpu.memory_space<vmem>> -> memref<128xi32, #tpu.memory_space<vmem>>
      %dma_start3A_95 = arith.constant 0 : i32
      %dma_start3A_96 = arith.constant 0 : i32
      %dma_start3A_97 = tpu.memref_slice %arg4[%dma_start3A_95, %dma_start3A_96] : memref<100352x32xf32, #tpu.memory_space<hbm>> -> memref<100352x32xf32, #tpu.memory_space<hbm>>
      tpu.enqueue_indirect_dma source(%dma_start3A_97 : memref<100352x32xf32, #tpu.memory_space<hbm>>) target(%dma_start3A_91 : memref<128x32xf32, #tpu.memory_space<vmem>>) offsets(%dma_start3A_94 : memref<128xi32, #tpu.memory_space<vmem>>) semaphore(%arg11 : memref<!tpu.dma_semaphore, #tpu.memory_space<semaphore_mem>>)
      %dma_wait3A = arith.constant 0 : i32
      %dma_wait3A_98 = arith.constant 0 : i32
      %dma_wait3A_99 = arith.constant 0 : i32
      %dma_wait3A_100 = arith.constant 0 : i32
      %dma_wait3A_101 = tpu.memref_slice %arg7[%dma_wait3A_98, %dma_wait3A_99, %dma_wait3A_100] : memref<6x128x32xf32, #tpu.memory_space<vmem>> -> memref<1x128x32xf32, #tpu.memory_space<vmem>>
      %dma_wait3A_102 = tpu.memref_squeeze %dma_wait3A_101 : memref<1x128x32xf32, #tpu.memory_space<vmem>> -> memref<128x32xf32, #tpu.memory_space<vmem>>
      %dma_wait3A_103 = arith.constant 0 : i32
      %dma_wait3A_104 = tpu.memref_slice %arg8[%dma_wait3A, %dma_wait3A_103] : memref<14x128xi32, #tpu.memory_space<vmem>> -> memref<1x128xi32, #tpu.memory_space<vmem>>
      %dma_wait3A_105 = tpu.memref_squeeze %dma_wait3A_104 : memref<1x128xi32, #tpu.memory_space<vmem>> -> memref<128xi32, #tpu.memory_space<vmem>>
      %dma_wait3A_106 = arith.constant 0 : i32
      %dma_wait3A_107 = arith.constant 0 : i32
      %dma_wait3A_108 = tpu.memref_slice %arg4[%dma_wait3A_106, %dma_wait3A_107] : memref<100352x32xf32, #tpu.memory_space<hbm>> -> memref<100352x32xf32, #tpu.memory_space<hbm>>
      tpu.wait_indirect_dma semaphore(%arg11 : memref<!tpu.dma_semaphore, #tpu.memory_space<semaphore_mem>>) src(%dma_wait3A_108 : memref<100352x32xf32, #tpu.memory_space<hbm>>) dst(%dma_wait3A_102 : memref<128x32xf32, #tpu.memory_space<vmem>>)
      %run_scoped3A = arith.constant 0 : i32
      %run_scoped3A_109 = arith.constant 0 : i32
      "tpu.region"() ({
        %run_scoped3A_388 = tpu.sem_alloc : memref<!tpu.dma_semaphore, #tpu.memory_space<semaphore_mem>>
        %dma_start3A_389 = arith.constant 0 : i32
        %dma_start3A_390 = arith.constant 0 : i32
        %dma_start3A_391 = tpu.memref_slice %arg7[%run_scoped3A, %dma_start3A_389, %dma_start3A_390] : memref<6x128x32xf32, #tpu.memory_space<vmem>> -> memref<1x128x32xf32, #tpu.memory_space<vmem>>
        %dma_start3A_392 = tpu.memref_squeeze %dma_start3A_391 : memref<1x128x32xf32, #tpu.memory_space<vmem>> -> memref<128x32xf32, #tpu.memory_space<vmem>>
        %dma_start3A_393 = arith.constant 0 : i32
        %dma_start3A_394 = tpu.memref_slice %arg9[%run_scoped3A_109, %dma_start3A_393] : memref<14x128xi32, #tpu.memory_space<vmem>> -> memref<1x128xi32, #tpu.memory_space<vmem>>
        %dma_start3A_395 = tpu.memref_squeeze %dma_start3A_394 : memref<1x128xi32, #tpu.memory_space<vmem>> -> memref<128xi32, #tpu.memory_space<vmem>>
        %dma_start3A_396 = arith.constant 0 : i32
        %dma_start3A_397 = arith.constant 0 : i32
        %dma_start3A_398 = tpu.memref_slice %arg6[%dma_start3A_396, %dma_start3A_397] : memref<50176x32xf32, #tpu.memory_space<vmem_shared>> -> memref<50176x32xf32, #tpu.memory_space<vmem_shared>>
        tpu.enqueue_indirect_dma source(%dma_start3A_392 : memref<128x32xf32, #tpu.memory_space<vmem>>) target(%dma_start3A_398 : memref<50176x32xf32, #tpu.memory_space<vmem_shared>>) offsets(%dma_start3A_395 : memref<128xi32, #tpu.memory_space<vmem>>) semaphore(%run_scoped3A_388 : memref<!tpu.dma_semaphore, #tpu.memory_space<semaphore_mem>>) {add = true}
        %dma_wait3A_399 = arith.constant 0 : i32
        %dma_wait3A_400 = arith.constant 0 : i32
        %dma_wait3A_401 = tpu.memref_slice %arg7[%run_scoped3A, %dma_wait3A_399, %dma_wait3A_400] : memref<6x128x32xf32, #tpu.memory_space<vmem>> -> memref<1x128x32xf32, #tpu.memory_space<vmem>>
        %dma_wait3A_402 = tpu.memref_squeeze %dma_wait3A_401 : memref<1x128x32xf32, #tpu.memory_space<vmem>> -> memref<128x32xf32, #tpu.memory_space<vmem>>
        %dma_wait3A_403 = arith.constant 0 : i32
        %dma_wait3A_404 = tpu.memref_slice %arg9[%run_scoped3A_109, %dma_wait3A_403] : memref<14x128xi32, #tpu.memory_space<vmem>> -> memref<1x128xi32, #tpu.memory_space<vmem>>
        %dma_wait3A_405 = tpu.memref_squeeze %dma_wait3A_404 : memref<1x128xi32, #tpu.memory_space<vmem>> -> memref<128xi32, #tpu.memory_space<vmem>>
        %dma_wait3A_406 = arith.constant 0 : i32
        %dma_wait3A_407 = arith.constant 0 : i32
        %dma_wait3A_408 = tpu.memref_slice %arg6[%dma_wait3A_406, %dma_wait3A_407] : memref<50176x32xf32, #tpu.memory_space<vmem_shared>> -> memref<50176x32xf32, #tpu.memory_space<vmem_shared>>
        tpu.wait_indirect_dma semaphore(%run_scoped3A_388 : memref<!tpu.dma_semaphore, #tpu.memory_space<semaphore_mem>>) src(%dma_wait3A_402 : memref<128x32xf32, #tpu.memory_space<vmem>>) dst(%dma_wait3A_408 : memref<50176x32xf32, #tpu.memory_space<vmem_shared>>)
        tpu.yield
      }) : () -> ()
      %dma_start3A_110 = arith.constant 6 : i32
      %dma_start3A_111 = arith.constant 0 : i32
      %dma_start3A_112 = arith.constant 0 : i32
      %dma_start3A_113 = arith.constant 0 : i32
      %dma_start3A_114 = tpu.memref_slice %arg7[%dma_start3A_111, %dma_start3A_112, %dma_start3A_113] : memref<6x128x32xf32, #tpu.memory_space<vmem>> -> memref<1x128x32xf32, #tpu.memory_space<vmem>>
      %dma_start3A_115 = tpu.memref_squeeze %dma_start3A_114 : memref<1x128x32xf32, #tpu.memory_space<vmem>> -> memref<128x32xf32, #tpu.memory_space<vmem>>
      %dma_start3A_116 = arith.constant 0 : i32
      %dma_start3A_117 = tpu.memref_slice %arg8[%dma_start3A_110, %dma_start3A_116] : memref<14x128xi32, #tpu.memory_space<vmem>> -> memref<1x128xi32, #tpu.memory_space<vmem>>
      %dma_start3A_118 = tpu.memref_squeeze %dma_start3A_117 : memref<1x128xi32, #tpu.memory_space<vmem>> -> memref<128xi32, #tpu.memory_space<vmem>>
      %dma_start3A_119 = arith.constant 0 : i32
      %dma_start3A_120 = arith.constant 0 : i32
      %dma_start3A_121 = tpu.memref_slice %arg4[%dma_start3A_119, %dma_start3A_120] : memref<100352x32xf32, #tpu.memory_space<hbm>> -> memref<100352x32xf32, #tpu.memory_space<hbm>>
      tpu.enqueue_indirect_dma source(%dma_start3A_121 : memref<100352x32xf32, #tpu.memory_space<hbm>>) target(%dma_start3A_115 : memref<128x32xf32, #tpu.memory_space<vmem>>) offsets(%dma_start3A_118 : memref<128xi32, #tpu.memory_space<vmem>>) semaphore(%arg11 : memref<!tpu.dma_semaphore, #tpu.memory_space<semaphore_mem>>)
      %dma_wait3A_122 = arith.constant 1 : i32
      %dma_wait3A_123 = arith.constant 1 : i32
      %dma_wait3A_124 = arith.constant 0 : i32
      %dma_wait3A_125 = arith.constant 0 : i32
      %dma_wait3A_126 = tpu.memref_slice %arg7[%dma_wait3A_123, %dma_wait3A_124, %dma_wait3A_125] : memref<6x128x32xf32, #tpu.memory_space<vmem>> -> memref<1x128x32xf32, #tpu.memory_space<vmem>>
      %dma_wait3A_127 = tpu.memref_squeeze %dma_wait3A_126 : memref<1x128x32xf32, #tpu.memory_space<vmem>> -> memref<128x32xf32, #tpu.memory_space<vmem>>
      %dma_wait3A_128 = arith.constant 0 : i32
      %dma_wait3A_129 = tpu.memref_slice %arg8[%dma_wait3A_122, %dma_wait3A_128] : memref<14x128xi32, #tpu.memory_space<vmem>> -> memref<1x128xi32, #tpu.memory_space<vmem>>
      %dma_wait3A_130 = tpu.memref_squeeze %dma_wait3A_129 : memref<1x128xi32, #tpu.memory_space<vmem>> -> memref<128xi32, #tpu.memory_space<vmem>>
      %dma_wait3A_131 = arith.constant 0 : i32
      %dma_wait3A_132 = arith.constant 0 : i32
      %dma_wait3A_133 = tpu.memref_slice %arg4[%dma_wait3A_131, %dma_wait3A_132] : memref<100352x32xf32, #tpu.memory_space<hbm>> -> memref<100352x32xf32, #tpu.memory_space<hbm>>
      tpu.wait_indirect_dma semaphore(%arg11 : memref<!tpu.dma_semaphore, #tpu.memory_space<semaphore_mem>>) src(%dma_wait3A_133 : memref<100352x32xf32, #tpu.memory_space<hbm>>) dst(%dma_wait3A_127 : memref<128x32xf32, #tpu.memory_space<vmem>>)
      %run_scoped3A_134 = arith.constant 1 : i32
      %run_scoped3A_135 = arith.constant 1 : i32
      "tpu.region"() ({
        %run_scoped3A_388 = tpu.sem_alloc : memref<!tpu.dma_semaphore, #tpu.memory_space<semaphore_mem>>
        %dma_start3A_389 = arith.constant 0 : i32
        %dma_start3A_390 = arith.constant 0 : i32
        %dma_start3A_391 = tpu.memref_slice %arg7[%run_scoped3A_134, %dma_start3A_389, %dma_start3A_390] : memref<6x128x32xf32, #tpu.memory_space<vmem>> -> memref<1x128x32xf32, #tpu.memory_space<vmem>>
        %dma_start3A_392 = tpu.memref_squeeze %dma_start3A_391 : memref<1x128x32xf32, #tpu.memory_space<vmem>> -> memref<128x32xf32, #tpu.memory_space<vmem>>
        %dma_start3A_393 = arith.constant 0 : i32
        %dma_start3A_394 = tpu.memref_slice %arg9[%run_scoped3A_135, %dma_start3A_393] : memref<14x128xi32, #tpu.memory_space<vmem>> -> memref<1x128xi32, #tpu.memory_space<vmem>>
        %dma_start3A_395 = tpu.memref_squeeze %dma_start3A_394 : memref<1x128xi32, #tpu.memory_space<vmem>> -> memref<128xi32, #tpu.memory_space<vmem>>
        %dma_start3A_396 = arith.constant 0 : i32
        %dma_start3A_397 = arith.constant 0 : i32
        %dma_start3A_398 = tpu.memref_slice %arg6[%dma_start3A_396, %dma_start3A_397] : memref<50176x32xf32, #tpu.memory_space<vmem_shared>> -> memref<50176x32xf32, #tpu.memory_space<vmem_shared>>
        tpu.enqueue_indirect_dma source(%dma_start3A_392 : memref<128x32xf32, #tpu.memory_space<vmem>>) target(%dma_start3A_398 : memref<50176x32xf32, #tpu.memory_space<vmem_shared>>) offsets(%dma_start3A_395 : memref<128xi32, #tpu.memory_space<vmem>>) semaphore(%run_scoped3A_388 : memref<!tpu.dma_semaphore, #tpu.memory_space<semaphore_mem>>) {add = true}
        %dma_wait3A_399 = arith.constant 0 : i32
        %dma_wait3A_400 = arith.constant 0 : i32
        %dma_wait3A_401 = tpu.memref_slice %arg7[%run_scoped3A_134, %dma_wait3A_399, %dma_wait3A_400] : memref<6x128x32xf32, #tpu.memory_space<vmem>> -> memref<1x128x32xf32, #tpu.memory_space<vmem>>
        %dma_wait3A_402 = tpu.memref_squeeze %dma_wait3A_401 : memref<1x128x32xf32, #tpu.memory_space<vmem>> -> memref<128x32xf32, #tpu.memory_space<vmem>>
        %dma_wait3A_403 = arith.constant 0 : i32
        %dma_wait3A_404 = tpu.memref_slice %arg9[%run_scoped3A_135, %dma_wait3A_403] : memref<14x128xi32, #tpu.memory_space<vmem>> -> memref<1x128xi32, #tpu.memory_space<vmem>>
        %dma_wait3A_405 = tpu.memref_squeeze %dma_wait3A_404 : memref<1x128xi32, #tpu.memory_space<vmem>> -> memref<128xi32, #tpu.memory_space<vmem>>
        %dma_wait3A_406 = arith.constant 0 : i32
        %dma_wait3A_407 = arith.constant 0 : i32
        %dma_wait3A_408 = tpu.memref_slice %arg6[%dma_wait3A_406, %dma_wait3A_407] : memref<50176x32xf32, #tpu.memory_space<vmem_shared>> -> memref<50176x32xf32, #tpu.memory_space<vmem_shared>>
        tpu.wait_indirect_dma semaphore(%run_scoped3A_388 : memref<!tpu.dma_semaphore, #tpu.memory_space<semaphore_mem>>) src(%dma_wait3A_402 : memref<128x32xf32, #tpu.memory_space<vmem>>) dst(%dma_wait3A_408 : memref<50176x32xf32, #tpu.memory_space<vmem_shared>>)
        tpu.yield
      }) : () -> ()
      %dma_start3A_136 = arith.constant 7 : i32
      %dma_start3A_137 = arith.constant 1 : i32
      %dma_start3A_138 = arith.constant 0 : i32
      %dma_start3A_139 = arith.constant 0 : i32
      %dma_start3A_140 = tpu.memref_slice %arg7[%dma_start3A_137, %dma_start3A_138, %dma_start3A_139] : memref<6x128x32xf32, #tpu.memory_space<vmem>> -> memref<1x128x32xf32, #tpu.memory_space<vmem>>
      %dma_start3A_141 = tpu.memref_squeeze %dma_start3A_140 : memref<1x128x32xf32, #tpu.memory_space<vmem>> -> memref<128x32xf32, #tpu.memory_space<vmem>>
      %dma_start3A_142 = arith.constant 0 : i32
      %dma_start3A_143 = tpu.memref_slice %arg8[%dma_start3A_136, %dma_start3A_142] : memref<14x128xi32, #tpu.memory_space<vmem>> -> memref<1x128xi32, #tpu.memory_space<vmem>>
      %dma_start3A_144 = tpu.memref_squeeze %dma_start3A_143 : memref<1x128xi32, #tpu.memory_space<vmem>> -> memref<128xi32, #tpu.memory_space<vmem>>
      %dma_start3A_145 = arith.constant 0 : i32
      %dma_start3A_146 = arith.constant 0 : i32
      %dma_start3A_147 = tpu.memref_slice %arg4[%dma_start3A_145, %dma_start3A_146] : memref<100352x32xf32, #tpu.memory_space<hbm>> -> memref<100352x32xf32, #tpu.memory_space<hbm>>
      tpu.enqueue_indirect_dma source(%dma_start3A_147 : memref<100352x32xf32, #tpu.memory_space<hbm>>) target(%dma_start3A_141 : memref<128x32xf32, #tpu.memory_space<vmem>>) offsets(%dma_start3A_144 : memref<128xi32, #tpu.memory_space<vmem>>) semaphore(%arg11 : memref<!tpu.dma_semaphore, #tpu.memory_space<semaphore_mem>>)
      %dma_wait3A_148 = arith.constant 2 : i32
      %dma_wait3A_149 = arith.constant 2 : i32
      %dma_wait3A_150 = arith.constant 0 : i32
      %dma_wait3A_151 = arith.constant 0 : i32
      %dma_wait3A_152 = tpu.memref_slice %arg7[%dma_wait3A_149, %dma_wait3A_150, %dma_wait3A_151] : memref<6x128x32xf32, #tpu.memory_space<vmem>> -> memref<1x128x32xf32, #tpu.memory_space<vmem>>
      %dma_wait3A_153 = tpu.memref_squeeze %dma_wait3A_152 : memref<1x128x32xf32, #tpu.memory_space<vmem>> -> memref<128x32xf32, #tpu.memory_space<vmem>>
      %dma_wait3A_154 = arith.constant 0 : i32
      %dma_wait3A_155 = tpu.memref_slice %arg8[%dma_wait3A_148, %dma_wait3A_154] : memref<14x128xi32, #tpu.memory_space<vmem>> -> memref<1x128xi32, #tpu.memory_space<vmem>>
      %dma_wait3A_156 = tpu.memref_squeeze %dma_wait3A_155 : memref<1x128xi32, #tpu.memory_space<vmem>> -> memref<128xi32, #tpu.memory_space<vmem>>
      %dma_wait3A_157 = arith.constant 0 : i32
      %dma_wait3A_158 = arith.constant 0 : i32
      %dma_wait3A_159 = tpu.memref_slice %arg4[%dma_wait3A_157, %dma_wait3A_158] : memref<100352x32xf32, #tpu.memory_space<hbm>> -> memref<100352x32xf32, #tpu.memory_space<hbm>>
      tpu.wait_indirect_dma semaphore(%arg11 : memref<!tpu.dma_semaphore, #tpu.memory_space<semaphore_mem>>) src(%dma_wait3A_159 : memref<100352x32xf32, #tpu.memory_space<hbm>>) dst(%dma_wait3A_153 : memref<128x32xf32, #tpu.memory_space<vmem>>)
      %run_scoped3A_160 = arith.constant 2 : i32
      %run_scoped3A_161 = arith.constant 2 : i32
      "tpu.region"() ({
        %run_scoped3A_388 = tpu.sem_alloc : memref<!tpu.dma_semaphore, #tpu.memory_space<semaphore_mem>>
        %dma_start3A_389 = arith.constant 0 : i32
        %dma_start3A_390 = arith.constant 0 : i32
        %dma_start3A_391 = tpu.memref_slice %arg7[%run_scoped3A_160, %dma_start3A_389, %dma_start3A_390] : memref<6x128x32xf32, #tpu.memory_space<vmem>> -> memref<1x128x32xf32, #tpu.memory_space<vmem>>
        %dma_start3A_392 = tpu.memref_squeeze %dma_start3A_391 : memref<1x128x32xf32, #tpu.memory_space<vmem>> -> memref<128x32xf32, #tpu.memory_space<vmem>>
        %dma_start3A_393 = arith.constant 0 : i32
        %dma_start3A_394 = tpu.memref_slice %arg9[%run_scoped3A_161, %dma_start3A_393] : memref<14x128xi32, #tpu.memory_space<vmem>> -> memref<1x128xi32, #tpu.memory_space<vmem>>
        %dma_start3A_395 = tpu.memref_squeeze %dma_start3A_394 : memref<1x128xi32, #tpu.memory_space<vmem>> -> memref<128xi32, #tpu.memory_space<vmem>>
        %dma_start3A_396 = arith.constant 0 : i32
        %dma_start3A_397 = arith.constant 0 : i32
        %dma_start3A_398 = tpu.memref_slice %arg6[%dma_start3A_396, %dma_start3A_397] : memref<50176x32xf32, #tpu.memory_space<vmem_shared>> -> memref<50176x32xf32, #tpu.memory_space<vmem_shared>>
        tpu.enqueue_indirect_dma source(%dma_start3A_392 : memref<128x32xf32, #tpu.memory_space<vmem>>) target(%dma_start3A_398 : memref<50176x32xf32, #tpu.memory_space<vmem_shared>>) offsets(%dma_start3A_395 : memref<128xi32, #tpu.memory_space<vmem>>) semaphore(%run_scoped3A_388 : memref<!tpu.dma_semaphore, #tpu.memory_space<semaphore_mem>>) {add = true}
        %dma_wait3A_399 = arith.constant 0 : i32
        %dma_wait3A_400 = arith.constant 0 : i32
        %dma_wait3A_401 = tpu.memref_slice %arg7[%run_scoped3A_160, %dma_wait3A_399, %dma_wait3A_400] : memref<6x128x32xf32, #tpu.memory_space<vmem>> -> memref<1x128x32xf32, #tpu.memory_space<vmem>>
        %dma_wait3A_402 = tpu.memref_squeeze %dma_wait3A_401 : memref<1x128x32xf32, #tpu.memory_space<vmem>> -> memref<128x32xf32, #tpu.memory_space<vmem>>
        %dma_wait3A_403 = arith.constant 0 : i32
        %dma_wait3A_404 = tpu.memref_slice %arg9[%run_scoped3A_161, %dma_wait3A_403] : memref<14x128xi32, #tpu.memory_space<vmem>> -> memref<1x128xi32, #tpu.memory_space<vmem>>
        %dma_wait3A_405 = tpu.memref_squeeze %dma_wait3A_404 : memref<1x128xi32, #tpu.memory_space<vmem>> -> memref<128xi32, #tpu.memory_space<vmem>>
        %dma_wait3A_406 = arith.constant 0 : i32
        %dma_wait3A_407 = arith.constant 0 : i32
        %dma_wait3A_408 = tpu.memref_slice %arg6[%dma_wait3A_406, %dma_wait3A_407] : memref<50176x32xf32, #tpu.memory_space<vmem_shared>> -> memref<50176x32xf32, #tpu.memory_space<vmem_shared>>
        tpu.wait_indirect_dma semaphore(%run_scoped3A_388 : memref<!tpu.dma_semaphore, #tpu.memory_space<semaphore_mem>>) src(%dma_wait3A_402 : memref<128x32xf32, #tpu.memory_space<vmem>>) dst(%dma_wait3A_408 : memref<50176x32xf32, #tpu.memory_space<vmem_shared>>)
        tpu.yield
      }) : () -> ()
      %dma_start3A_162 = arith.constant 8 : i32
      %dma_start3A_163 = arith.constant 2 : i32
      %dma_start3A_164 = arith.constant 0 : i32
      %dma_start3A_165 = arith.constant 0 : i32
      %dma_start3A_166 = tpu.memref_slice %arg7[%dma_start3A_163, %dma_start3A_164, %dma_start3A_165] : memref<6x128x32xf32, #tpu.memory_space<vmem>> -> memref<1x128x32xf32, #tpu.memory_space<vmem>>
      %dma_start3A_167 = tpu.memref_squeeze %dma_start3A_166 : memref<1x128x32xf32, #tpu.memory_space<vmem>> -> memref<128x32xf32, #tpu.memory_space<vmem>>
      %dma_start3A_168 = arith.constant 0 : i32
      %dma_start3A_169 = tpu.memref_slice %arg8[%dma_start3A_162, %dma_start3A_168] : memref<14x128xi32, #tpu.memory_space<vmem>> -> memref<1x128xi32, #tpu.memory_space<vmem>>
      %dma_start3A_170 = tpu.memref_squeeze %dma_start3A_169 : memref<1x128xi32, #tpu.memory_space<vmem>> -> memref<128xi32, #tpu.memory_space<vmem>>
      %dma_start3A_171 = arith.constant 0 : i32
      %dma_start3A_172 = arith.constant 0 : i32
      %dma_start3A_173 = tpu.memref_slice %arg4[%dma_start3A_171, %dma_start3A_172] : memref<100352x32xf32, #tpu.memory_space<hbm>> -> memref<100352x32xf32, #tpu.memory_space<hbm>>
      tpu.enqueue_indirect_dma source(%dma_start3A_173 : memref<100352x32xf32, #tpu.memory_space<hbm>>) target(%dma_start3A_167 : memref<128x32xf32, #tpu.memory_space<vmem>>) offsets(%dma_start3A_170 : memref<128xi32, #tpu.memory_space<vmem>>) semaphore(%arg11 : memref<!tpu.dma_semaphore, #tpu.memory_space<semaphore_mem>>)
      %dma_wait3A_174 = arith.constant 3 : i32
      %dma_wait3A_175 = arith.constant 3 : i32
      %dma_wait3A_176 = arith.constant 0 : i32
      %dma_wait3A_177 = arith.constant 0 : i32
      %dma_wait3A_178 = tpu.memref_slice %arg7[%dma_wait3A_175, %dma_wait3A_176, %dma_wait3A_177] : memref<6x128x32xf32, #tpu.memory_space<vmem>> -> memref<1x128x32xf32, #tpu.memory_space<vmem>>
      %dma_wait3A_179 = tpu.memref_squeeze %dma_wait3A_178 : memref<1x128x32xf32, #tpu.memory_space<vmem>> -> memref<128x32xf32, #tpu.memory_space<vmem>>
      %dma_wait3A_180 = arith.constant 0 : i32
      %dma_wait3A_181 = tpu.memref_slice %arg8[%dma_wait3A_174, %dma_wait3A_180] : memref<14x128xi32, #tpu.memory_space<vmem>> -> memref<1x128xi32, #tpu.memory_space<vmem>>
      %dma_wait3A_182 = tpu.memref_squeeze %dma_wait3A_181 : memref<1x128xi32, #tpu.memory_space<vmem>> -> memref<128xi32, #tpu.memory_space<vmem>>
      %dma_wait3A_183 = arith.constant 0 : i32
      %dma_wait3A_184 = arith.constant 0 : i32
      %dma_wait3A_185 = tpu.memref_slice %arg4[%dma_wait3A_183, %dma_wait3A_184] : memref<100352x32xf32, #tpu.memory_space<hbm>> -> memref<100352x32xf32, #tpu.memory_space<hbm>>
      tpu.wait_indirect_dma semaphore(%arg11 : memref<!tpu.dma_semaphore, #tpu.memory_space<semaphore_mem>>) src(%dma_wait3A_185 : memref<100352x32xf32, #tpu.memory_space<hbm>>) dst(%dma_wait3A_179 : memref<128x32xf32, #tpu.memory_space<vmem>>)
      %run_scoped3A_186 = arith.constant 3 : i32
      %run_scoped3A_187 = arith.constant 3 : i32
      "tpu.region"() ({
        %run_scoped3A_388 = tpu.sem_alloc : memref<!tpu.dma_semaphore, #tpu.memory_space<semaphore_mem>>
        %dma_start3A_389 = arith.constant 0 : i32
        %dma_start3A_390 = arith.constant 0 : i32
        %dma_start3A_391 = tpu.memref_slice %arg7[%run_scoped3A_186, %dma_start3A_389, %dma_start3A_390] : memref<6x128x32xf32, #tpu.memory_space<vmem>> -> memref<1x128x32xf32, #tpu.memory_space<vmem>>
        %dma_start3A_392 = tpu.memref_squeeze %dma_start3A_391 : memref<1x128x32xf32, #tpu.memory_space<vmem>> -> memref<128x32xf32, #tpu.memory_space<vmem>>
        %dma_start3A_393 = arith.constant 0 : i32
        %dma_start3A_394 = tpu.memref_slice %arg9[%run_scoped3A_187, %dma_start3A_393] : memref<14x128xi32, #tpu.memory_space<vmem>> -> memref<1x128xi32, #tpu.memory_space<vmem>>
        %dma_start3A_395 = tpu.memref_squeeze %dma_start3A_394 : memref<1x128xi32, #tpu.memory_space<vmem>> -> memref<128xi32, #tpu.memory_space<vmem>>
        %dma_start3A_396 = arith.constant 0 : i32
        %dma_start3A_397 = arith.constant 0 : i32
        %dma_start3A_398 = tpu.memref_slice %arg6[%dma_start3A_396, %dma_start3A_397] : memref<50176x32xf32, #tpu.memory_space<vmem_shared>> -> memref<50176x32xf32, #tpu.memory_space<vmem_shared>>
        tpu.enqueue_indirect_dma source(%dma_start3A_392 : memref<128x32xf32, #tpu.memory_space<vmem>>) target(%dma_start3A_398 : memref<50176x32xf32, #tpu.memory_space<vmem_shared>>) offsets(%dma_start3A_395 : memref<128xi32, #tpu.memory_space<vmem>>) semaphore(%run_scoped3A_388 : memref<!tpu.dma_semaphore, #tpu.memory_space<semaphore_mem>>) {add = true}
        %dma_wait3A_399 = arith.constant 0 : i32
        %dma_wait3A_400 = arith.constant 0 : i32
        %dma_wait3A_401 = tpu.memref_slice %arg7[%run_scoped3A_186, %dma_wait3A_399, %dma_wait3A_400] : memref<6x128x32xf32, #tpu.memory_space<vmem>> -> memref<1x128x32xf32, #tpu.memory_space<vmem>>
        %dma_wait3A_402 = tpu.memref_squeeze %dma_wait3A_401 : memref<1x128x32xf32, #tpu.memory_space<vmem>> -> memref<128x32xf32, #tpu.memory_space<vmem>>
        %dma_wait3A_403 = arith.constant 0 : i32
        %dma_wait3A_404 = tpu.memref_slice %arg9[%run_scoped3A_187, %dma_wait3A_403] : memref<14x128xi32, #tpu.memory_space<vmem>> -> memref<1x128xi32, #tpu.memory_space<vmem>>
        %dma_wait3A_405 = tpu.memref_squeeze %dma_wait3A_404 : memref<1x128xi32, #tpu.memory_space<vmem>> -> memref<128xi32, #tpu.memory_space<vmem>>
        %dma_wait3A_406 = arith.constant 0 : i32
        %dma_wait3A_407 = arith.constant 0 : i32
        %dma_wait3A_408 = tpu.memref_slice %arg6[%dma_wait3A_406, %dma_wait3A_407] : memref<50176x32xf32, #tpu.memory_space<vmem_shared>> -> memref<50176x32xf32, #tpu.memory_space<vmem_shared>>
        tpu.wait_indirect_dma semaphore(%run_scoped3A_388 : memref<!tpu.dma_semaphore, #tpu.memory_space<semaphore_mem>>) src(%dma_wait3A_402 : memref<128x32xf32, #tpu.memory_space<vmem>>) dst(%dma_wait3A_408 : memref<50176x32xf32, #tpu.memory_space<vmem_shared>>)
        tpu.yield
      }) : () -> ()
      %dma_start3A_188 = arith.constant 9 : i32
      %dma_start3A_189 = arith.constant 3 : i32
      %dma_start3A_190 = arith.constant 0 : i32
      %dma_start3A_191 = arith.constant 0 : i32
      %dma_start3A_192 = tpu.memref_slice %arg7[%dma_start3A_189, %dma_start3A_190, %dma_start3A_191] : memref<6x128x32xf32, #tpu.memory_space<vmem>> -> memref<1x128x32xf32, #tpu.memory_space<vmem>>
      %dma_start3A_193 = tpu.memref_squeeze %dma_start3A_192 : memref<1x128x32xf32, #tpu.memory_space<vmem>> -> memref<128x32xf32, #tpu.memory_space<vmem>>
      %dma_start3A_194 = arith.constant 0 : i32
      %dma_start3A_195 = tpu.memref_slice %arg8[%dma_start3A_188, %dma_start3A_194] : memref<14x128xi32, #tpu.memory_space<vmem>> -> memref<1x128xi32, #tpu.memory_space<vmem>>
      %dma_start3A_196 = tpu.memref_squeeze %dma_start3A_195 : memref<1x128xi32, #tpu.memory_space<vmem>> -> memref<128xi32, #tpu.memory_space<vmem>>
      %dma_start3A_197 = arith.constant 0 : i32
      %dma_start3A_198 = arith.constant 0 : i32
      %dma_start3A_199 = tpu.memref_slice %arg4[%dma_start3A_197, %dma_start3A_198] : memref<100352x32xf32, #tpu.memory_space<hbm>> -> memref<100352x32xf32, #tpu.memory_space<hbm>>
      tpu.enqueue_indirect_dma source(%dma_start3A_199 : memref<100352x32xf32, #tpu.memory_space<hbm>>) target(%dma_start3A_193 : memref<128x32xf32, #tpu.memory_space<vmem>>) offsets(%dma_start3A_196 : memref<128xi32, #tpu.memory_space<vmem>>) semaphore(%arg11 : memref<!tpu.dma_semaphore, #tpu.memory_space<semaphore_mem>>)
      %dma_wait3A_200 = arith.constant 4 : i32
      %dma_wait3A_201 = arith.constant 4 : i32
      %dma_wait3A_202 = arith.constant 0 : i32
      %dma_wait3A_203 = arith.constant 0 : i32
      %dma_wait3A_204 = tpu.memref_slice %arg7[%dma_wait3A_201, %dma_wait3A_202, %dma_wait3A_203] : memref<6x128x32xf32, #tpu.memory_space<vmem>> -> memref<1x128x32xf32, #tpu.memory_space<vmem>>
      %dma_wait3A_205 = tpu.memref_squeeze %dma_wait3A_204 : memref<1x128x32xf32, #tpu.memory_space<vmem>> -> memref<128x32xf32, #tpu.memory_space<vmem>>
      %dma_wait3A_206 = arith.constant 0 : i32
      %dma_wait3A_207 = tpu.memref_slice %arg8[%dma_wait3A_200, %dma_wait3A_206] : memref<14x128xi32, #tpu.memory_space<vmem>> -> memref<1x128xi32, #tpu.memory_space<vmem>>
      %dma_wait3A_208 = tpu.memref_squeeze %dma_wait3A_207 : memref<1x128xi32, #tpu.memory_space<vmem>> -> memref<128xi32, #tpu.memory_space<vmem>>
      %dma_wait3A_209 = arith.constant 0 : i32
      %dma_wait3A_210 = arith.constant 0 : i32
      %dma_wait3A_211 = tpu.memref_slice %arg4[%dma_wait3A_209, %dma_wait3A_210] : memref<100352x32xf32, #tpu.memory_space<hbm>> -> memref<100352x32xf32, #tpu.memory_space<hbm>>
      tpu.wait_indirect_dma semaphore(%arg11 : memref<!tpu.dma_semaphore, #tpu.memory_space<semaphore_mem>>) src(%dma_wait3A_211 : memref<100352x32xf32, #tpu.memory_space<hbm>>) dst(%dma_wait3A_205 : memref<128x32xf32, #tpu.memory_space<vmem>>)
      %run_scoped3A_212 = arith.constant 4 : i32
      %run_scoped3A_213 = arith.constant 4 : i32
      "tpu.region"() ({
        %run_scoped3A_388 = tpu.sem_alloc : memref<!tpu.dma_semaphore, #tpu.memory_space<semaphore_mem>>
        %dma_start3A_389 = arith.constant 0 : i32
        %dma_start3A_390 = arith.constant 0 : i32
        %dma_start3A_391 = tpu.memref_slice %arg7[%run_scoped3A_212, %dma_start3A_389, %dma_start3A_390] : memref<6x128x32xf32, #tpu.memory_space<vmem>> -> memref<1x128x32xf32, #tpu.memory_space<vmem>>
        %dma_start3A_392 = tpu.memref_squeeze %dma_start3A_391 : memref<1x128x32xf32, #tpu.memory_space<vmem>> -> memref<128x32xf32, #tpu.memory_space<vmem>>
        %dma_start3A_393 = arith.constant 0 : i32
        %dma_start3A_394 = tpu.memref_slice %arg9[%run_scoped3A_213, %dma_start3A_393] : memref<14x128xi32, #tpu.memory_space<vmem>> -> memref<1x128xi32, #tpu.memory_space<vmem>>
        %dma_start3A_395 = tpu.memref_squeeze %dma_start3A_394 : memref<1x128xi32, #tpu.memory_space<vmem>> -> memref<128xi32, #tpu.memory_space<vmem>>
        %dma_start3A_396 = arith.constant 0 : i32
        %dma_start3A_397 = arith.constant 0 : i32
        %dma_start3A_398 = tpu.memref_slice %arg6[%dma_start3A_396, %dma_start3A_397] : memref<50176x32xf32, #tpu.memory_space<vmem_shared>> -> memref<50176x32xf32, #tpu.memory_space<vmem_shared>>
        tpu.enqueue_indirect_dma source(%dma_start3A_392 : memref<128x32xf32, #tpu.memory_space<vmem>>) target(%dma_start3A_398 : memref<50176x32xf32, #tpu.memory_space<vmem_shared>>) offsets(%dma_start3A_395 : memref<128xi32, #tpu.memory_space<vmem>>) semaphore(%run_scoped3A_388 : memref<!tpu.dma_semaphore, #tpu.memory_space<semaphore_mem>>) {add = true}
        %dma_wait3A_399 = arith.constant 0 : i32
        %dma_wait3A_400 = arith.constant 0 : i32
        %dma_wait3A_401 = tpu.memref_slice %arg7[%run_scoped3A_212, %dma_wait3A_399, %dma_wait3A_400] : memref<6x128x32xf32, #tpu.memory_space<vmem>> -> memref<1x128x32xf32, #tpu.memory_space<vmem>>
        %dma_wait3A_402 = tpu.memref_squeeze %dma_wait3A_401 : memref<1x128x32xf32, #tpu.memory_space<vmem>> -> memref<128x32xf32, #tpu.memory_space<vmem>>
        %dma_wait3A_403 = arith.constant 0 : i32
        %dma_wait3A_404 = tpu.memref_slice %arg9[%run_scoped3A_213, %dma_wait3A_403] : memref<14x128xi32, #tpu.memory_space<vmem>> -> memref<1x128xi32, #tpu.memory_space<vmem>>
        %dma_wait3A_405 = tpu.memref_squeeze %dma_wait3A_404 : memref<1x128xi32, #tpu.memory_space<vmem>> -> memref<128xi32, #tpu.memory_space<vmem>>
        %dma_wait3A_406 = arith.constant 0 : i32
        %dma_wait3A_407 = arith.constant 0 : i32
        %dma_wait3A_408 = tpu.memref_slice %arg6[%dma_wait3A_406, %dma_wait3A_407] : memref<50176x32xf32, #tpu.memory_space<vmem_shared>> -> memref<50176x32xf32, #tpu.memory_space<vmem_shared>>
        tpu.wait_indirect_dma semaphore(%run_scoped3A_388 : memref<!tpu.dma_semaphore, #tpu.memory_space<semaphore_mem>>) src(%dma_wait3A_402 : memref<128x32xf32, #tpu.memory_space<vmem>>) dst(%dma_wait3A_408 : memref<50176x32xf32, #tpu.memory_space<vmem_shared>>)
        tpu.yield
      }) : () -> ()
      %dma_start3A_214 = arith.constant 10 : i32
      %dma_start3A_215 = arith.constant 4 : i32
      %dma_start3A_216 = arith.constant 0 : i32
      %dma_start3A_217 = arith.constant 0 : i32
      %dma_start3A_218 = tpu.memref_slice %arg7[%dma_start3A_215, %dma_start3A_216, %dma_start3A_217] : memref<6x128x32xf32, #tpu.memory_space<vmem>> -> memref<1x128x32xf32, #tpu.memory_space<vmem>>
      %dma_start3A_219 = tpu.memref_squeeze %dma_start3A_218 : memref<1x128x32xf32, #tpu.memory_space<vmem>> -> memref<128x32xf32, #tpu.memory_space<vmem>>
      %dma_start3A_220 = arith.constant 0 : i32
      %dma_start3A_221 = tpu.memref_slice %arg8[%dma_start3A_214, %dma_start3A_220] : memref<14x128xi32, #tpu.memory_space<vmem>> -> memref<1x128xi32, #tpu.memory_space<vmem>>
      %dma_start3A_222 = tpu.memref_squeeze %dma_start3A_221 : memref<1x128xi32, #tpu.memory_space<vmem>> -> memref<128xi32, #tpu.memory_space<vmem>>
      %dma_start3A_223 = arith.constant 0 : i32
      %dma_start3A_224 = arith.constant 0 : i32
      %dma_start3A_225 = tpu.memref_slice %arg4[%dma_start3A_223, %dma_start3A_224] : memref<100352x32xf32, #tpu.memory_space<hbm>> -> memref<100352x32xf32, #tpu.memory_space<hbm>>
      tpu.enqueue_indirect_dma source(%dma_start3A_225 : memref<100352x32xf32, #tpu.memory_space<hbm>>) target(%dma_start3A_219 : memref<128x32xf32, #tpu.memory_space<vmem>>) offsets(%dma_start3A_222 : memref<128xi32, #tpu.memory_space<vmem>>) semaphore(%arg11 : memref<!tpu.dma_semaphore, #tpu.memory_space<semaphore_mem>>)
      %dma_wait3A_226 = arith.constant 5 : i32
      %dma_wait3A_227 = arith.constant 5 : i32
      %dma_wait3A_228 = arith.constant 0 : i32
      %dma_wait3A_229 = arith.constant 0 : i32
      %dma_wait3A_230 = tpu.memref_slice %arg7[%dma_wait3A_227, %dma_wait3A_228, %dma_wait3A_229] : memref<6x128x32xf32, #tpu.memory_space<vmem>> -> memref<1x128x32xf32, #tpu.memory_space<vmem>>
      %dma_wait3A_231 = tpu.memref_squeeze %dma_wait3A_230 : memref<1x128x32xf32, #tpu.memory_space<vmem>> -> memref<128x32xf32, #tpu.memory_space<vmem>>
      %dma_wait3A_232 = arith.constant 0 : i32
      %dma_wait3A_233 = tpu.memref_slice %arg8[%dma_wait3A_226, %dma_wait3A_232] : memref<14x128xi32, #tpu.memory_space<vmem>> -> memref<1x128xi32, #tpu.memory_space<vmem>>
      %dma_wait3A_234 = tpu.memref_squeeze %dma_wait3A_233 : memref<1x128xi32, #tpu.memory_space<vmem>> -> memref<128xi32, #tpu.memory_space<vmem>>
      %dma_wait3A_235 = arith.constant 0 : i32
      %dma_wait3A_236 = arith.constant 0 : i32
      %dma_wait3A_237 = tpu.memref_slice %arg4[%dma_wait3A_235, %dma_wait3A_236] : memref<100352x32xf32, #tpu.memory_space<hbm>> -> memref<100352x32xf32, #tpu.memory_space<hbm>>
      tpu.wait_indirect_dma semaphore(%arg11 : memref<!tpu.dma_semaphore, #tpu.memory_space<semaphore_mem>>) src(%dma_wait3A_237 : memref<100352x32xf32, #tpu.memory_space<hbm>>) dst(%dma_wait3A_231 : memref<128x32xf32, #tpu.memory_space<vmem>>)
      %run_scoped3A_238 = arith.constant 5 : i32
      %run_scoped3A_239 = arith.constant 5 : i32
      "tpu.region"() ({
        %run_scoped3A_388 = tpu.sem_alloc : memref<!tpu.dma_semaphore, #tpu.memory_space<semaphore_mem>>
        %dma_start3A_389 = arith.constant 0 : i32
        %dma_start3A_390 = arith.constant 0 : i32
        %dma_start3A_391 = tpu.memref_slice %arg7[%run_scoped3A_238, %dma_start3A_389, %dma_start3A_390] : memref<6x128x32xf32, #tpu.memory_space<vmem>> -> memref<1x128x32xf32, #tpu.memory_space<vmem>>
        %dma_start3A_392 = tpu.memref_squeeze %dma_start3A_391 : memref<1x128x32xf32, #tpu.memory_space<vmem>> -> memref<128x32xf32, #tpu.memory_space<vmem>>
        %dma_start3A_393 = arith.constant 0 : i32
        %dma_start3A_394 = tpu.memref_slice %arg9[%run_scoped3A_239, %dma_start3A_393] : memref<14x128xi32, #tpu.memory_space<vmem>> -> memref<1x128xi32, #tpu.memory_space<vmem>>
        %dma_start3A_395 = tpu.memref_squeeze %dma_start3A_394 : memref<1x128xi32, #tpu.memory_space<vmem>> -> memref<128xi32, #tpu.memory_space<vmem>>
        %dma_start3A_396 = arith.constant 0 : i32
        %dma_start3A_397 = arith.constant 0 : i32
        %dma_start3A_398 = tpu.memref_slice %arg6[%dma_start3A_396, %dma_start3A_397] : memref<50176x32xf32, #tpu.memory_space<vmem_shared>> -> memref<50176x32xf32, #tpu.memory_space<vmem_shared>>
        tpu.enqueue_indirect_dma source(%dma_start3A_392 : memref<128x32xf32, #tpu.memory_space<vmem>>) target(%dma_start3A_398 : memref<50176x32xf32, #tpu.memory_space<vmem_shared>>) offsets(%dma_start3A_395 : memref<128xi32, #tpu.memory_space<vmem>>) semaphore(%run_scoped3A_388 : memref<!tpu.dma_semaphore, #tpu.memory_space<semaphore_mem>>) {add = true}
        %dma_wait3A_399 = arith.constant 0 : i32
        %dma_wait3A_400 = arith.constant 0 : i32
        %dma_wait3A_401 = tpu.memref_slice %arg7[%run_scoped3A_238, %dma_wait3A_399, %dma_wait3A_400] : memref<6x128x32xf32, #tpu.memory_space<vmem>> -> memref<1x128x32xf32, #tpu.memory_space<vmem>>
        %dma_wait3A_402 = tpu.memref_squeeze %dma_wait3A_401 : memref<1x128x32xf32, #tpu.memory_space<vmem>> -> memref<128x32xf32, #tpu.memory_space<vmem>>
        %dma_wait3A_403 = arith.constant 0 : i32
        %dma_wait3A_404 = tpu.memref_slice %arg9[%run_scoped3A_239, %dma_wait3A_403] : memref<14x128xi32, #tpu.memory_space<vmem>> -> memref<1x128xi32, #tpu.memory_space<vmem>>
        %dma_wait3A_405 = tpu.memref_squeeze %dma_wait3A_404 : memref<1x128xi32, #tpu.memory_space<vmem>> -> memref<128xi32, #tpu.memory_space<vmem>>
        %dma_wait3A_406 = arith.constant 0 : i32
        %dma_wait3A_407 = arith.constant 0 : i32
        %dma_wait3A_408 = tpu.memref_slice %arg6[%dma_wait3A_406, %dma_wait3A_407] : memref<50176x32xf32, #tpu.memory_space<vmem_shared>> -> memref<50176x32xf32, #tpu.memory_space<vmem_shared>>
        tpu.wait_indirect_dma semaphore(%run_scoped3A_388 : memref<!tpu.dma_semaphore, #tpu.memory_space<semaphore_mem>>) src(%dma_wait3A_402 : memref<128x32xf32, #tpu.memory_space<vmem>>) dst(%dma_wait3A_408 : memref<50176x32xf32, #tpu.memory_space<vmem_shared>>)
        tpu.yield
      }) : () -> ()
      %dma_start3A_240 = arith.constant 11 : i32
      %dma_start3A_241 = arith.constant 5 : i32
      %dma_start3A_242 = arith.constant 0 : i32
      %dma_start3A_243 = arith.constant 0 : i32
      %dma_start3A_244 = tpu.memref_slice %arg7[%dma_start3A_241, %dma_start3A_242, %dma_start3A_243] : memref<6x128x32xf32, #tpu.memory_space<vmem>> -> memref<1x128x32xf32, #tpu.memory_space<vmem>>
      %dma_start3A_245 = tpu.memref_squeeze %dma_start3A_244 : memref<1x128x32xf32, #tpu.memory_space<vmem>> -> memref<128x32xf32, #tpu.memory_space<vmem>>
      %dma_start3A_246 = arith.constant 0 : i32
      %dma_start3A_247 = tpu.memref_slice %arg8[%dma_start3A_240, %dma_start3A_246] : memref<14x128xi32, #tpu.memory_space<vmem>> -> memref<1x128xi32, #tpu.memory_space<vmem>>
      %dma_start3A_248 = tpu.memref_squeeze %dma_start3A_247 : memref<1x128xi32, #tpu.memory_space<vmem>> -> memref<128xi32, #tpu.memory_space<vmem>>
      %dma_start3A_249 = arith.constant 0 : i32
      %dma_start3A_250 = arith.constant 0 : i32
      %dma_start3A_251 = tpu.memref_slice %arg4[%dma_start3A_249, %dma_start3A_250] : memref<100352x32xf32, #tpu.memory_space<hbm>> -> memref<100352x32xf32, #tpu.memory_space<hbm>>
      tpu.enqueue_indirect_dma source(%dma_start3A_251 : memref<100352x32xf32, #tpu.memory_space<hbm>>) target(%dma_start3A_245 : memref<128x32xf32, #tpu.memory_space<vmem>>) offsets(%dma_start3A_248 : memref<128xi32, #tpu.memory_space<vmem>>) semaphore(%arg11 : memref<!tpu.dma_semaphore, #tpu.memory_space<semaphore_mem>>)
      %dma_wait3A_252 = arith.constant 6 : i32
      %dma_wait3A_253 = arith.constant 0 : i32
      %dma_wait3A_254 = arith.constant 0 : i32
      %dma_wait3A_255 = arith.constant 0 : i32
      %dma_wait3A_256 = tpu.memref_slice %arg7[%dma_wait3A_253, %dma_wait3A_254, %dma_wait3A_255] : memref<6x128x32xf32, #tpu.memory_space<vmem>> -> memref<1x128x32xf32, #tpu.memory_space<vmem>>
      %dma_wait3A_257 = tpu.memref_squeeze %dma_wait3A_256 : memref<1x128x32xf32, #tpu.memory_space<vmem>> -> memref<128x32xf32, #tpu.memory_space<vmem>>
      %dma_wait3A_258 = arith.constant 0 : i32
      %dma_wait3A_259 = tpu.memref_slice %arg8[%dma_wait3A_252, %dma_wait3A_258] : memref<14x128xi32, #tpu.memory_space<vmem>> -> memref<1x128xi32, #tpu.memory_space<vmem>>
      %dma_wait3A_260 = tpu.memref_squeeze %dma_wait3A_259 : memref<1x128xi32, #tpu.memory_space<vmem>> -> memref<128xi32, #tpu.memory_space<vmem>>
      %dma_wait3A_261 = arith.constant 0 : i32
      %dma_wait3A_262 = arith.constant 0 : i32
      %dma_wait3A_263 = tpu.memref_slice %arg4[%dma_wait3A_261, %dma_wait3A_262] : memref<100352x32xf32, #tpu.memory_space<hbm>> -> memref<100352x32xf32, #tpu.memory_space<hbm>>
      tpu.wait_indirect_dma semaphore(%arg11 : memref<!tpu.dma_semaphore, #tpu.memory_space<semaphore_mem>>) src(%dma_wait3A_263 : memref<100352x32xf32, #tpu.memory_space<hbm>>) dst(%dma_wait3A_257 : memref<128x32xf32, #tpu.memory_space<vmem>>)
      %run_scoped3A_264 = arith.constant 0 : i32
      %run_scoped3A_265 = arith.constant 6 : i32
      "tpu.region"() ({
        %run_scoped3A_388 = tpu.sem_alloc : memref<!tpu.dma_semaphore, #tpu.memory_space<semaphore_mem>>
        %dma_start3A_389 = arith.constant 0 : i32
        %dma_start3A_390 = arith.constant 0 : i32
        %dma_start3A_391 = tpu.memref_slice %arg7[%run_scoped3A_264, %dma_start3A_389, %dma_start3A_390] : memref<6x128x32xf32, #tpu.memory_space<vmem>> -> memref<1x128x32xf32, #tpu.memory_space<vmem>>
        %dma_start3A_392 = tpu.memref_squeeze %dma_start3A_391 : memref<1x128x32xf32, #tpu.memory_space<vmem>> -> memref<128x32xf32, #tpu.memory_space<vmem>>
        %dma_start3A_393 = arith.constant 0 : i32
        %dma_start3A_394 = tpu.memref_slice %arg9[%run_scoped3A_265, %dma_start3A_393] : memref<14x128xi32, #tpu.memory_space<vmem>> -> memref<1x128xi32, #tpu.memory_space<vmem>>
        %dma_start3A_395 = tpu.memref_squeeze %dma_start3A_394 : memref<1x128xi32, #tpu.memory_space<vmem>> -> memref<128xi32, #tpu.memory_space<vmem>>
        %dma_start3A_396 = arith.constant 0 : i32
        %dma_start3A_397 = arith.constant 0 : i32
        %dma_start3A_398 = tpu.memref_slice %arg6[%dma_start3A_396, %dma_start3A_397] : memref<50176x32xf32, #tpu.memory_space<vmem_shared>> -> memref<50176x32xf32, #tpu.memory_space<vmem_shared>>
        tpu.enqueue_indirect_dma source(%dma_start3A_392 : memref<128x32xf32, #tpu.memory_space<vmem>>) target(%dma_start3A_398 : memref<50176x32xf32, #tpu.memory_space<vmem_shared>>) offsets(%dma_start3A_395 : memref<128xi32, #tpu.memory_space<vmem>>) semaphore(%run_scoped3A_388 : memref<!tpu.dma_semaphore, #tpu.memory_space<semaphore_mem>>) {add = true}
        %dma_wait3A_399 = arith.constant 0 : i32
        %dma_wait3A_400 = arith.constant 0 : i32
        %dma_wait3A_401 = tpu.memref_slice %arg7[%run_scoped3A_264, %dma_wait3A_399, %dma_wait3A_400] : memref<6x128x32xf32, #tpu.memory_space<vmem>> -> memref<1x128x32xf32, #tpu.memory_space<vmem>>
        %dma_wait3A_402 = tpu.memref_squeeze %dma_wait3A_401 : memref<1x128x32xf32, #tpu.memory_space<vmem>> -> memref<128x32xf32, #tpu.memory_space<vmem>>
        %dma_wait3A_403 = arith.constant 0 : i32
        %dma_wait3A_404 = tpu.memref_slice %arg9[%run_scoped3A_265, %dma_wait3A_403] : memref<14x128xi32, #tpu.memory_space<vmem>> -> memref<1x128xi32, #tpu.memory_space<vmem>>
        %dma_wait3A_405 = tpu.memref_squeeze %dma_wait3A_404 : memref<1x128xi32, #tpu.memory_space<vmem>> -> memref<128xi32, #tpu.memory_space<vmem>>
        %dma_wait3A_406 = arith.constant 0 : i32
        %dma_wait3A_407 = arith.constant 0 : i32
        %dma_wait3A_408 = tpu.memref_slice %arg6[%dma_wait3A_406, %dma_wait3A_407] : memref<50176x32xf32, #tpu.memory_space<vmem_shared>> -> memref<50176x32xf32, #tpu.memory_space<vmem_shared>>
        tpu.wait_indirect_dma semaphore(%run_scoped3A_388 : memref<!tpu.dma_semaphore, #tpu.memory_space<semaphore_mem>>) src(%dma_wait3A_402 : memref<128x32xf32, #tpu.memory_space<vmem>>) dst(%dma_wait3A_408 : memref<50176x32xf32, #tpu.memory_space<vmem_shared>>)
        tpu.yield
      }) : () -> ()
      %dma_start3A_266 = arith.constant 12 : i32
      %dma_start3A_267 = arith.constant 0 : i32
      %dma_start3A_268 = arith.constant 0 : i32
      %dma_start3A_269 = arith.constant 0 : i32
      %dma_start3A_270 = tpu.memref_slice %arg7[%dma_start3A_267, %dma_start3A_268, %dma_start3A_269] : memref<6x128x32xf32, #tpu.memory_space<vmem>> -> memref<1x128x32xf32, #tpu.memory_space<vmem>>
      %dma_start3A_271 = tpu.memref_squeeze %dma_start3A_270 : memref<1x128x32xf32, #tpu.memory_space<vmem>> -> memref<128x32xf32, #tpu.memory_space<vmem>>
      %dma_start3A_272 = arith.constant 0 : i32
      %dma_start3A_273 = tpu.memref_slice %arg8[%dma_start3A_266, %dma_start3A_272] : memref<14x128xi32, #tpu.memory_space<vmem>> -> memref<1x128xi32, #tpu.memory_space<vmem>>
      %dma_start3A_274 = tpu.memref_squeeze %dma_start3A_273 : memref<1x128xi32, #tpu.memory_space<vmem>> -> memref<128xi32, #tpu.memory_space<vmem>>
      %dma_start3A_275 = arith.constant 0 : i32
      %dma_start3A_276 = arith.constant 0 : i32
      %dma_start3A_277 = tpu.memref_slice %arg4[%dma_start3A_275, %dma_start3A_276] : memref<100352x32xf32, #tpu.memory_space<hbm>> -> memref<100352x32xf32, #tpu.memory_space<hbm>>
      tpu.enqueue_indirect_dma source(%dma_start3A_277 : memref<100352x32xf32, #tpu.memory_space<hbm>>) target(%dma_start3A_271 : memref<128x32xf32, #tpu.memory_space<vmem>>) offsets(%dma_start3A_274 : memref<128xi32, #tpu.memory_space<vmem>>) semaphore(%arg11 : memref<!tpu.dma_semaphore, #tpu.memory_space<semaphore_mem>>)
      %dma_wait3A_278 = arith.constant 7 : i32
      %dma_wait3A_279 = arith.constant 1 : i32
      %dma_wait3A_280 = arith.constant 0 : i32
      %dma_wait3A_281 = arith.constant 0 : i32
      %dma_wait3A_282 = tpu.memref_slice %arg7[%dma_wait3A_279, %dma_wait3A_280, %dma_wait3A_281] : memref<6x128x32xf32, #tpu.memory_space<vmem>> -> memref<1x128x32xf32, #tpu.memory_space<vmem>>
      %dma_wait3A_283 = tpu.memref_squeeze %dma_wait3A_282 : memref<1x128x32xf32, #tpu.memory_space<vmem>> -> memref<128x32xf32, #tpu.memory_space<vmem>>
      %dma_wait3A_284 = arith.constant 0 : i32
      %dma_wait3A_285 = tpu.memref_slice %arg8[%dma_wait3A_278, %dma_wait3A_284] : memref<14x128xi32, #tpu.memory_space<vmem>> -> memref<1x128xi32, #tpu.memory_space<vmem>>
      %dma_wait3A_286 = tpu.memref_squeeze %dma_wait3A_285 : memref<1x128xi32, #tpu.memory_space<vmem>> -> memref<128xi32, #tpu.memory_space<vmem>>
      %dma_wait3A_287 = arith.constant 0 : i32
      %dma_wait3A_288 = arith.constant 0 : i32
      %dma_wait3A_289 = tpu.memref_slice %arg4[%dma_wait3A_287, %dma_wait3A_288] : memref<100352x32xf32, #tpu.memory_space<hbm>> -> memref<100352x32xf32, #tpu.memory_space<hbm>>
      tpu.wait_indirect_dma semaphore(%arg11 : memref<!tpu.dma_semaphore, #tpu.memory_space<semaphore_mem>>) src(%dma_wait3A_289 : memref<100352x32xf32, #tpu.memory_space<hbm>>) dst(%dma_wait3A_283 : memref<128x32xf32, #tpu.memory_space<vmem>>)
      %run_scoped3A_290 = arith.constant 1 : i32
      %run_scoped3A_291 = arith.constant 7 : i32
      "tpu.region"() ({
        %run_scoped3A_388 = tpu.sem_alloc : memref<!tpu.dma_semaphore, #tpu.memory_space<semaphore_mem>>
        %dma_start3A_389 = arith.constant 0 : i32
        %dma_start3A_390 = arith.constant 0 : i32
        %dma_start3A_391 = tpu.memref_slice %arg7[%run_scoped3A_290, %dma_start3A_389, %dma_start3A_390] : memref<6x128x32xf32, #tpu.memory_space<vmem>> -> memref<1x128x32xf32, #tpu.memory_space<vmem>>
        %dma_start3A_392 = tpu.memref_squeeze %dma_start3A_391 : memref<1x128x32xf32, #tpu.memory_space<vmem>> -> memref<128x32xf32, #tpu.memory_space<vmem>>
        %dma_start3A_393 = arith.constant 0 : i32
        %dma_start3A_394 = tpu.memref_slice %arg9[%run_scoped3A_291, %dma_start3A_393] : memref<14x128xi32, #tpu.memory_space<vmem>> -> memref<1x128xi32, #tpu.memory_space<vmem>>
        %dma_start3A_395 = tpu.memref_squeeze %dma_start3A_394 : memref<1x128xi32, #tpu.memory_space<vmem>> -> memref<128xi32, #tpu.memory_space<vmem>>
        %dma_start3A_396 = arith.constant 0 : i32
        %dma_start3A_397 = arith.constant 0 : i32
        %dma_start3A_398 = tpu.memref_slice %arg6[%dma_start3A_396, %dma_start3A_397] : memref<50176x32xf32, #tpu.memory_space<vmem_shared>> -> memref<50176x32xf32, #tpu.memory_space<vmem_shared>>
        tpu.enqueue_indirect_dma source(%dma_start3A_392 : memref<128x32xf32, #tpu.memory_space<vmem>>) target(%dma_start3A_398 : memref<50176x32xf32, #tpu.memory_space<vmem_shared>>) offsets(%dma_start3A_395 : memref<128xi32, #tpu.memory_space<vmem>>) semaphore(%run_scoped3A_388 : memref<!tpu.dma_semaphore, #tpu.memory_space<semaphore_mem>>) {add = true}
        %dma_wait3A_399 = arith.constant 0 : i32
        %dma_wait3A_400 = arith.constant 0 : i32
        %dma_wait3A_401 = tpu.memref_slice %arg7[%run_scoped3A_290, %dma_wait3A_399, %dma_wait3A_400] : memref<6x128x32xf32, #tpu.memory_space<vmem>> -> memref<1x128x32xf32, #tpu.memory_space<vmem>>
        %dma_wait3A_402 = tpu.memref_squeeze %dma_wait3A_401 : memref<1x128x32xf32, #tpu.memory_space<vmem>> -> memref<128x32xf32, #tpu.memory_space<vmem>>
        %dma_wait3A_403 = arith.constant 0 : i32
        %dma_wait3A_404 = tpu.memref_slice %arg9[%run_scoped3A_291, %dma_wait3A_403] : memref<14x128xi32, #tpu.memory_space<vmem>> -> memref<1x128xi32, #tpu.memory_space<vmem>>
        %dma_wait3A_405 = tpu.memref_squeeze %dma_wait3A_404 : memref<1x128xi32, #tpu.memory_space<vmem>> -> memref<128xi32, #tpu.memory_space<vmem>>
        %dma_wait3A_406 = arith.constant 0 : i32
        %dma_wait3A_407 = arith.constant 0 : i32
        %dma_wait3A_408 = tpu.memref_slice %arg6[%dma_wait3A_406, %dma_wait3A_407] : memref<50176x32xf32, #tpu.memory_space<vmem_shared>> -> memref<50176x32xf32, #tpu.memory_space<vmem_shared>>
        tpu.wait_indirect_dma semaphore(%run_scoped3A_388 : memref<!tpu.dma_semaphore, #tpu.memory_space<semaphore_mem>>) src(%dma_wait3A_402 : memref<128x32xf32, #tpu.memory_space<vmem>>) dst(%dma_wait3A_408 : memref<50176x32xf32, #tpu.memory_space<vmem_shared>>)
        tpu.yield
      }) : () -> ()
      %dma_start3A_292 = arith.constant 13 : i32
      %dma_start3A_293 = arith.constant 1 : i32
      %dma_start3A_294 = arith.constant 0 : i32
      %dma_start3A_295 = arith.constant 0 : i32
      %dma_start3A_296 = tpu.memref_slice %arg7[%dma_start3A_293, %dma_start3A_294, %dma_start3A_295] : memref<6x128x32xf32, #tpu.memory_space<vmem>> -> memref<1x128x32xf32, #tpu.memory_space<vmem>>
      %dma_start3A_297 = tpu.memref_squeeze %dma_start3A_296 : memref<1x128x32xf32, #tpu.memory_space<vmem>> -> memref<128x32xf32, #tpu.memory_space<vmem>>
      %dma_start3A_298 = arith.constant 0 : i32
      %dma_start3A_299 = tpu.memref_slice %arg8[%dma_start3A_292, %dma_start3A_298] : memref<14x128xi32, #tpu.memory_space<vmem>> -> memref<1x128xi32, #tpu.memory_space<vmem>>
      %dma_start3A_300 = tpu.memref_squeeze %dma_start3A_299 : memref<1x128xi32, #tpu.memory_space<vmem>> -> memref<128xi32, #tpu.memory_space<vmem>>
      %dma_start3A_301 = arith.constant 0 : i32
      %dma_start3A_302 = arith.constant 0 : i32
      %dma_start3A_303 = tpu.memref_slice %arg4[%dma_start3A_301, %dma_start3A_302] : memref<100352x32xf32, #tpu.memory_space<hbm>> -> memref<100352x32xf32, #tpu.memory_space<hbm>>
      tpu.enqueue_indirect_dma source(%dma_start3A_303 : memref<100352x32xf32, #tpu.memory_space<hbm>>) target(%dma_start3A_297 : memref<128x32xf32, #tpu.memory_space<vmem>>) offsets(%dma_start3A_300 : memref<128xi32, #tpu.memory_space<vmem>>) semaphore(%arg11 : memref<!tpu.dma_semaphore, #tpu.memory_space<semaphore_mem>>)
      %dma_wait3A_304 = arith.constant 8 : i32
      %dma_wait3A_305 = arith.constant 2 : i32
      %dma_wait3A_306 = arith.constant 0 : i32
      %dma_wait3A_307 = arith.constant 0 : i32
      %dma_wait3A_308 = tpu.memref_slice %arg7[%dma_wait3A_305, %dma_wait3A_306, %dma_wait3A_307] : memref<6x128x32xf32, #tpu.memory_space<vmem>> -> memref<1x128x32xf32, #tpu.memory_space<vmem>>
      %dma_wait3A_309 = tpu.memref_squeeze %dma_wait3A_308 : memref<1x128x32xf32, #tpu.memory_space<vmem>> -> memref<128x32xf32, #tpu.memory_space<vmem>>
      %dma_wait3A_310 = arith.constant 0 : i32
      %dma_wait3A_311 = tpu.memref_slice %arg8[%dma_wait3A_304, %dma_wait3A_310] : memref<14x128xi32, #tpu.memory_space<vmem>> -> memref<1x128xi32, #tpu.memory_space<vmem>>
      %dma_wait3A_312 = tpu.memref_squeeze %dma_wait3A_311 : memref<1x128xi32, #tpu.memory_space<vmem>> -> memref<128xi32, #tpu.memory_space<vmem>>
      %dma_wait3A_313 = arith.constant 0 : i32
      %dma_wait3A_314 = arith.constant 0 : i32
      %dma_wait3A_315 = tpu.memref_slice %arg4[%dma_wait3A_313, %dma_wait3A_314] : memref<100352x32xf32, #tpu.memory_space<hbm>> -> memref<100352x32xf32, #tpu.memory_space<hbm>>
      tpu.wait_indirect_dma semaphore(%arg11 : memref<!tpu.dma_semaphore, #tpu.memory_space<semaphore_mem>>) src(%dma_wait3A_315 : memref<100352x32xf32, #tpu.memory_space<hbm>>) dst(%dma_wait3A_309 : memref<128x32xf32, #tpu.memory_space<vmem>>)
      %run_scoped3A_316 = arith.constant 2 : i32
      %run_scoped3A_317 = arith.constant 8 : i32
      "tpu.region"() ({
        %run_scoped3A_388 = tpu.sem_alloc : memref<!tpu.dma_semaphore, #tpu.memory_space<semaphore_mem>>
        %dma_start3A_389 = arith.constant 0 : i32
        %dma_start3A_390 = arith.constant 0 : i32
        %dma_start3A_391 = tpu.memref_slice %arg7[%run_scoped3A_316, %dma_start3A_389, %dma_start3A_390] : memref<6x128x32xf32, #tpu.memory_space<vmem>> -> memref<1x128x32xf32, #tpu.memory_space<vmem>>
        %dma_start3A_392 = tpu.memref_squeeze %dma_start3A_391 : memref<1x128x32xf32, #tpu.memory_space<vmem>> -> memref<128x32xf32, #tpu.memory_space<vmem>>
        %dma_start3A_393 = arith.constant 0 : i32
        %dma_start3A_394 = tpu.memref_slice %arg9[%run_scoped3A_317, %dma_start3A_393] : memref<14x128xi32, #tpu.memory_space<vmem>> -> memref<1x128xi32, #tpu.memory_space<vmem>>
        %dma_start3A_395 = tpu.memref_squeeze %dma_start3A_394 : memref<1x128xi32, #tpu.memory_space<vmem>> -> memref<128xi32, #tpu.memory_space<vmem>>
        %dma_start3A_396 = arith.constant 0 : i32
        %dma_start3A_397 = arith.constant 0 : i32
        %dma_start3A_398 = tpu.memref_slice %arg6[%dma_start3A_396, %dma_start3A_397] : memref<50176x32xf32, #tpu.memory_space<vmem_shared>> -> memref<50176x32xf32, #tpu.memory_space<vmem_shared>>
        tpu.enqueue_indirect_dma source(%dma_start3A_392 : memref<128x32xf32, #tpu.memory_space<vmem>>) target(%dma_start3A_398 : memref<50176x32xf32, #tpu.memory_space<vmem_shared>>) offsets(%dma_start3A_395 : memref<128xi32, #tpu.memory_space<vmem>>) semaphore(%run_scoped3A_388 : memref<!tpu.dma_semaphore, #tpu.memory_space<semaphore_mem>>) {add = true}
        %dma_wait3A_399 = arith.constant 0 : i32
        %dma_wait3A_400 = arith.constant 0 : i32
        %dma_wait3A_401 = tpu.memref_slice %arg7[%run_scoped3A_316, %dma_wait3A_399, %dma_wait3A_400] : memref<6x128x32xf32, #tpu.memory_space<vmem>> -> memref<1x128x32xf32, #tpu.memory_space<vmem>>
        %dma_wait3A_402 = tpu.memref_squeeze %dma_wait3A_401 : memref<1x128x32xf32, #tpu.memory_space<vmem>> -> memref<128x32xf32, #tpu.memory_space<vmem>>
        %dma_wait3A_403 = arith.constant 0 : i32
        %dma_wait3A_404 = tpu.memref_slice %arg9[%run_scoped3A_317, %dma_wait3A_403] : memref<14x128xi32, #tpu.memory_space<vmem>> -> memref<1x128xi32, #tpu.memory_space<vmem>>
        %dma_wait3A_405 = tpu.memref_squeeze %dma_wait3A_404 : memref<1x128xi32, #tpu.memory_space<vmem>> -> memref<128xi32, #tpu.memory_space<vmem>>
        %dma_wait3A_406 = arith.constant 0 : i32
        %dma_wait3A_407 = arith.constant 0 : i32
        %dma_wait3A_408 = tpu.memref_slice %arg6[%dma_wait3A_406, %dma_wait3A_407] : memref<50176x32xf32, #tpu.memory_space<vmem_shared>> -> memref<50176x32xf32, #tpu.memory_space<vmem_shared>>
        tpu.wait_indirect_dma semaphore(%run_scoped3A_388 : memref<!tpu.dma_semaphore, #tpu.memory_space<semaphore_mem>>) src(%dma_wait3A_402 : memref<128x32xf32, #tpu.memory_space<vmem>>) dst(%dma_wait3A_408 : memref<50176x32xf32, #tpu.memory_space<vmem_shared>>)
        tpu.yield
      }) : () -> ()
      %dma_wait3A_318 = arith.constant 9 : i32
      %dma_wait3A_319 = arith.constant 3 : i32
      %dma_wait3A_320 = arith.constant 0 : i32
      %dma_wait3A_321 = arith.constant 0 : i32
      %dma_wait3A_322 = tpu.memref_slice %arg7[%dma_wait3A_319, %dma_wait3A_320, %dma_wait3A_321] : memref<6x128x32xf32, #tpu.memory_space<vmem>> -> memref<1x128x32xf32, #tpu.memory_space<vmem>>
      %dma_wait3A_323 = tpu.memref_squeeze %dma_wait3A_322 : memref<1x128x32xf32, #tpu.memory_space<vmem>> -> memref<128x32xf32, #tpu.memory_space<vmem>>
      %dma_wait3A_324 = arith.constant 0 : i32
      %dma_wait3A_325 = tpu.memref_slice %arg8[%dma_wait3A_318, %dma_wait3A_324] : memref<14x128xi32, #tpu.memory_space<vmem>> -> memref<1x128xi32, #tpu.memory_space<vmem>>
      %dma_wait3A_326 = tpu.memref_squeeze %dma_wait3A_325 : memref<1x128xi32, #tpu.memory_space<vmem>> -> memref<128xi32, #tpu.memory_space<vmem>>
      %dma_wait3A_327 = arith.constant 0 : i32
      %dma_wait3A_328 = arith.constant 0 : i32
      %dma_wait3A_329 = tpu.memref_slice %arg4[%dma_wait3A_327, %dma_wait3A_328] : memref<100352x32xf32, #tpu.memory_space<hbm>> -> memref<100352x32xf32, #tpu.memory_space<hbm>>
      tpu.wait_indirect_dma semaphore(%arg11 : memref<!tpu.dma_semaphore, #tpu.memory_space<semaphore_mem>>) src(%dma_wait3A_329 : memref<100352x32xf32, #tpu.memory_space<hbm>>) dst(%dma_wait3A_323 : memref<128x32xf32, #tpu.memory_space<vmem>>)
      %run_scoped3A_330 = arith.constant 3 : i32
      %run_scoped3A_331 = arith.constant 9 : i32
      "tpu.region"() ({
        %run_scoped3A_388 = tpu.sem_alloc : memref<!tpu.dma_semaphore, #tpu.memory_space<semaphore_mem>>
        %dma_start3A_389 = arith.constant 0 : i32
        %dma_start3A_390 = arith.constant 0 : i32
        %dma_start3A_391 = tpu.memref_slice %arg7[%run_scoped3A_330, %dma_start3A_389, %dma_start3A_390] : memref<6x128x32xf32, #tpu.memory_space<vmem>> -> memref<1x128x32xf32, #tpu.memory_space<vmem>>
        %dma_start3A_392 = tpu.memref_squeeze %dma_start3A_391 : memref<1x128x32xf32, #tpu.memory_space<vmem>> -> memref<128x32xf32, #tpu.memory_space<vmem>>
        %dma_start3A_393 = arith.constant 0 : i32
        %dma_start3A_394 = tpu.memref_slice %arg9[%run_scoped3A_331, %dma_start3A_393] : memref<14x128xi32, #tpu.memory_space<vmem>> -> memref<1x128xi32, #tpu.memory_space<vmem>>
        %dma_start3A_395 = tpu.memref_squeeze %dma_start3A_394 : memref<1x128xi32, #tpu.memory_space<vmem>> -> memref<128xi32, #tpu.memory_space<vmem>>
        %dma_start3A_396 = arith.constant 0 : i32
        %dma_start3A_397 = arith.constant 0 : i32
        %dma_start3A_398 = tpu.memref_slice %arg6[%dma_start3A_396, %dma_start3A_397] : memref<50176x32xf32, #tpu.memory_space<vmem_shared>> -> memref<50176x32xf32, #tpu.memory_space<vmem_shared>>
        tpu.enqueue_indirect_dma source(%dma_start3A_392 : memref<128x32xf32, #tpu.memory_space<vmem>>) target(%dma_start3A_398 : memref<50176x32xf32, #tpu.memory_space<vmem_shared>>) offsets(%dma_start3A_395 : memref<128xi32, #tpu.memory_space<vmem>>) semaphore(%run_scoped3A_388 : memref<!tpu.dma_semaphore, #tpu.memory_space<semaphore_mem>>) {add = true}
        %dma_wait3A_399 = arith.constant 0 : i32
        %dma_wait3A_400 = arith.constant 0 : i32
        %dma_wait3A_401 = tpu.memref_slice %arg7[%run_scoped3A_330, %dma_wait3A_399, %dma_wait3A_400] : memref<6x128x32xf32, #tpu.memory_space<vmem>> -> memref<1x128x32xf32, #tpu.memory_space<vmem>>
        %dma_wait3A_402 = tpu.memref_squeeze %dma_wait3A_401 : memref<1x128x32xf32, #tpu.memory_space<vmem>> -> memref<128x32xf32, #tpu.memory_space<vmem>>
        %dma_wait3A_403 = arith.constant 0 : i32
        %dma_wait3A_404 = tpu.memref_slice %arg9[%run_scoped3A_331, %dma_wait3A_403] : memref<14x128xi32, #tpu.memory_space<vmem>> -> memref<1x128xi32, #tpu.memory_space<vmem>>
        %dma_wait3A_405 = tpu.memref_squeeze %dma_wait3A_404 : memref<1x128xi32, #tpu.memory_space<vmem>> -> memref<128xi32, #tpu.memory_space<vmem>>
        %dma_wait3A_406 = arith.constant 0 : i32
        %dma_wait3A_407 = arith.constant 0 : i32
        %dma_wait3A_408 = tpu.memref_slice %arg6[%dma_wait3A_406, %dma_wait3A_407] : memref<50176x32xf32, #tpu.memory_space<vmem_shared>> -> memref<50176x32xf32, #tpu.memory_space<vmem_shared>>
        tpu.wait_indirect_dma semaphore(%run_scoped3A_388 : memref<!tpu.dma_semaphore, #tpu.memory_space<semaphore_mem>>) src(%dma_wait3A_402 : memref<128x32xf32, #tpu.memory_space<vmem>>) dst(%dma_wait3A_408 : memref<50176x32xf32, #tpu.memory_space<vmem_shared>>)
        tpu.yield
      }) : () -> ()
      %dma_wait3A_332 = arith.constant 10 : i32
      %dma_wait3A_333 = arith.constant 4 : i32
      %dma_wait3A_334 = arith.constant 0 : i32
      %dma_wait3A_335 = arith.constant 0 : i32
      %dma_wait3A_336 = tpu.memref_slice %arg7[%dma_wait3A_333, %dma_wait3A_334, %dma_wait3A_335] : memref<6x128x32xf32, #tpu.memory_space<vmem>> -> memref<1x128x32xf32, #tpu.memory_space<vmem>>
      %dma_wait3A_337 = tpu.memref_squeeze %dma_wait3A_336 : memref<1x128x32xf32, #tpu.memory_space<vmem>> -> memref<128x32xf32, #tpu.memory_space<vmem>>
      %dma_wait3A_338 = arith.constant 0 : i32
      %dma_wait3A_339 = tpu.memref_slice %arg8[%dma_wait3A_332, %dma_wait3A_338] : memref<14x128xi32, #tpu.memory_space<vmem>> -> memref<1x128xi32, #tpu.memory_space<vmem>>
      %dma_wait3A_340 = tpu.memref_squeeze %dma_wait3A_339 : memref<1x128xi32, #tpu.memory_space<vmem>> -> memref<128xi32, #tpu.memory_space<vmem>>
      %dma_wait3A_341 = arith.constant 0 : i32
      %dma_wait3A_342 = arith.constant 0 : i32
      %dma_wait3A_343 = tpu.memref_slice %arg4[%dma_wait3A_341, %dma_wait3A_342] : memref<100352x32xf32, #tpu.memory_space<hbm>> -> memref<100352x32xf32, #tpu.memory_space<hbm>>
      tpu.wait_indirect_dma semaphore(%arg11 : memref<!tpu.dma_semaphore, #tpu.memory_space<semaphore_mem>>) src(%dma_wait3A_343 : memref<100352x32xf32, #tpu.memory_space<hbm>>) dst(%dma_wait3A_337 : memref<128x32xf32, #tpu.memory_space<vmem>>)
      %run_scoped3A_344 = arith.constant 4 : i32
      %run_scoped3A_345 = arith.constant 10 : i32
      "tpu.region"() ({
        %run_scoped3A_388 = tpu.sem_alloc : memref<!tpu.dma_semaphore, #tpu.memory_space<semaphore_mem>>
        %dma_start3A_389 = arith.constant 0 : i32
        %dma_start3A_390 = arith.constant 0 : i32
        %dma_start3A_391 = tpu.memref_slice %arg7[%run_scoped3A_344, %dma_start3A_389, %dma_start3A_390] : memref<6x128x32xf32, #tpu.memory_space<vmem>> -> memref<1x128x32xf32, #tpu.memory_space<vmem>>
        %dma_start3A_392 = tpu.memref_squeeze %dma_start3A_391 : memref<1x128x32xf32, #tpu.memory_space<vmem>> -> memref<128x32xf32, #tpu.memory_space<vmem>>
        %dma_start3A_393 = arith.constant 0 : i32
        %dma_start3A_394 = tpu.memref_slice %arg9[%run_scoped3A_345, %dma_start3A_393] : memref<14x128xi32, #tpu.memory_space<vmem>> -> memref<1x128xi32, #tpu.memory_space<vmem>>
        %dma_start3A_395 = tpu.memref_squeeze %dma_start3A_394 : memref<1x128xi32, #tpu.memory_space<vmem>> -> memref<128xi32, #tpu.memory_space<vmem>>
        %dma_start3A_396 = arith.constant 0 : i32
        %dma_start3A_397 = arith.constant 0 : i32
        %dma_start3A_398 = tpu.memref_slice %arg6[%dma_start3A_396, %dma_start3A_397] : memref<50176x32xf32, #tpu.memory_space<vmem_shared>> -> memref<50176x32xf32, #tpu.memory_space<vmem_shared>>
        tpu.enqueue_indirect_dma source(%dma_start3A_392 : memref<128x32xf32, #tpu.memory_space<vmem>>) target(%dma_start3A_398 : memref<50176x32xf32, #tpu.memory_space<vmem_shared>>) offsets(%dma_start3A_395 : memref<128xi32, #tpu.memory_space<vmem>>) semaphore(%run_scoped3A_388 : memref<!tpu.dma_semaphore, #tpu.memory_space<semaphore_mem>>) {add = true}
        %dma_wait3A_399 = arith.constant 0 : i32
        %dma_wait3A_400 = arith.constant 0 : i32
        %dma_wait3A_401 = tpu.memref_slice %arg7[%run_scoped3A_344, %dma_wait3A_399, %dma_wait3A_400] : memref<6x128x32xf32, #tpu.memory_space<vmem>> -> memref<1x128x32xf32, #tpu.memory_space<vmem>>
        %dma_wait3A_402 = tpu.memref_squeeze %dma_wait3A_401 : memref<1x128x32xf32, #tpu.memory_space<vmem>> -> memref<128x32xf32, #tpu.memory_space<vmem>>
        %dma_wait3A_403 = arith.constant 0 : i32
        %dma_wait3A_404 = tpu.memref_slice %arg9[%run_scoped3A_345, %dma_wait3A_403] : memref<14x128xi32, #tpu.memory_space<vmem>> -> memref<1x128xi32, #tpu.memory_space<vmem>>
        %dma_wait3A_405 = tpu.memref_squeeze %dma_wait3A_404 : memref<1x128xi32, #tpu.memory_space<vmem>> -> memref<128xi32, #tpu.memory_space<vmem>>
        %dma_wait3A_406 = arith.constant 0 : i32
        %dma_wait3A_407 = arith.constant 0 : i32
        %dma_wait3A_408 = tpu.memref_slice %arg6[%dma_wait3A_406, %dma_wait3A_407] : memref<50176x32xf32, #tpu.memory_space<vmem_shared>> -> memref<50176x32xf32, #tpu.memory_space<vmem_shared>>
        tpu.wait_indirect_dma semaphore(%run_scoped3A_388 : memref<!tpu.dma_semaphore, #tpu.memory_space<semaphore_mem>>) src(%dma_wait3A_402 : memref<128x32xf32, #tpu.memory_space<vmem>>) dst(%dma_wait3A_408 : memref<50176x32xf32, #tpu.memory_space<vmem_shared>>)
        tpu.yield
      }) : () -> ()
      %dma_wait3A_346 = arith.constant 11 : i32
      %dma_wait3A_347 = arith.constant 5 : i32
      %dma_wait3A_348 = arith.constant 0 : i32
      %dma_wait3A_349 = arith.constant 0 : i32
      %dma_wait3A_350 = tpu.memref_slice %arg7[%dma_wait3A_347, %dma_wait3A_348, %dma_wait3A_349] : memref<6x128x32xf32, #tpu.memory_space<vmem>> -> memref<1x128x32xf32, #tpu.memory_space<vmem>>
      %dma_wait3A_351 = tpu.memref_squeeze %dma_wait3A_350 : memref<1x128x32xf32, #tpu.memory_space<vmem>> -> memref<128x32xf32, #tpu.memory_space<vmem>>
      %dma_wait3A_352 = arith.constant 0 : i32
      %dma_wait3A_353 = tpu.memref_slice %arg8[%dma_wait3A_346, %dma_wait3A_352] : memref<14x128xi32, #tpu.memory_space<vmem>> -> memref<1x128xi32, #tpu.memory_space<vmem>>
      %dma_wait3A_354 = tpu.memref_squeeze %dma_wait3A_353 : memref<1x128xi32, #tpu.memory_space<vmem>> -> memref<128xi32, #tpu.memory_space<vmem>>
      %dma_wait3A_355 = arith.constant 0 : i32
      %dma_wait3A_356 = arith.constant 0 : i32
      %dma_wait3A_357 = tpu.memref_slice %arg4[%dma_wait3A_355, %dma_wait3A_356] : memref<100352x32xf32, #tpu.memory_space<hbm>> -> memref<100352x32xf32, #tpu.memory_space<hbm>>
      tpu.wait_indirect_dma semaphore(%arg11 : memref<!tpu.dma_semaphore, #tpu.memory_space<semaphore_mem>>) src(%dma_wait3A_357 : memref<100352x32xf32, #tpu.memory_space<hbm>>) dst(%dma_wait3A_351 : memref<128x32xf32, #tpu.memory_space<vmem>>)
      %run_scoped3A_358 = arith.constant 5 : i32
      %run_scoped3A_359 = arith.constant 11 : i32
      "tpu.region"() ({
        %run_scoped3A_388 = tpu.sem_alloc : memref<!tpu.dma_semaphore, #tpu.memory_space<semaphore_mem>>
        %dma_start3A_389 = arith.constant 0 : i32
        %dma_start3A_390 = arith.constant 0 : i32
        %dma_start3A_391 = tpu.memref_slice %arg7[%run_scoped3A_358, %dma_start3A_389, %dma_start3A_390] : memref<6x128x32xf32, #tpu.memory_space<vmem>> -> memref<1x128x32xf32, #tpu.memory_space<vmem>>
        %dma_start3A_392 = tpu.memref_squeeze %dma_start3A_391 : memref<1x128x32xf32, #tpu.memory_space<vmem>> -> memref<128x32xf32, #tpu.memory_space<vmem>>
        %dma_start3A_393 = arith.constant 0 : i32
        %dma_start3A_394 = tpu.memref_slice %arg9[%run_scoped3A_359, %dma_start3A_393] : memref<14x128xi32, #tpu.memory_space<vmem>> -> memref<1x128xi32, #tpu.memory_space<vmem>>
        %dma_start3A_395 = tpu.memref_squeeze %dma_start3A_394 : memref<1x128xi32, #tpu.memory_space<vmem>> -> memref<128xi32, #tpu.memory_space<vmem>>
        %dma_start3A_396 = arith.constant 0 : i32
        %dma_start3A_397 = arith.constant 0 : i32
        %dma_start3A_398 = tpu.memref_slice %arg6[%dma_start3A_396, %dma_start3A_397] : memref<50176x32xf32, #tpu.memory_space<vmem_shared>> -> memref<50176x32xf32, #tpu.memory_space<vmem_shared>>
        tpu.enqueue_indirect_dma source(%dma_start3A_392 : memref<128x32xf32, #tpu.memory_space<vmem>>) target(%dma_start3A_398 : memref<50176x32xf32, #tpu.memory_space<vmem_shared>>) offsets(%dma_start3A_395 : memref<128xi32, #tpu.memory_space<vmem>>) semaphore(%run_scoped3A_388 : memref<!tpu.dma_semaphore, #tpu.memory_space<semaphore_mem>>) {add = true}
        %dma_wait3A_399 = arith.constant 0 : i32
        %dma_wait3A_400 = arith.constant 0 : i32
        %dma_wait3A_401 = tpu.memref_slice %arg7[%run_scoped3A_358, %dma_wait3A_399, %dma_wait3A_400] : memref<6x128x32xf32, #tpu.memory_space<vmem>> -> memref<1x128x32xf32, #tpu.memory_space<vmem>>
        %dma_wait3A_402 = tpu.memref_squeeze %dma_wait3A_401 : memref<1x128x32xf32, #tpu.memory_space<vmem>> -> memref<128x32xf32, #tpu.memory_space<vmem>>
        %dma_wait3A_403 = arith.constant 0 : i32
        %dma_wait3A_404 = tpu.memref_slice %arg9[%run_scoped3A_359, %dma_wait3A_403] : memref<14x128xi32, #tpu.memory_space<vmem>> -> memref<1x128xi32, #tpu.memory_space<vmem>>
        %dma_wait3A_405 = tpu.memref_squeeze %dma_wait3A_404 : memref<1x128xi32, #tpu.memory_space<vmem>> -> memref<128xi32, #tpu.memory_space<vmem>>
        %dma_wait3A_406 = arith.constant 0 : i32
        %dma_wait3A_407 = arith.constant 0 : i32
        %dma_wait3A_408 = tpu.memref_slice %arg6[%dma_wait3A_406, %dma_wait3A_407] : memref<50176x32xf32, #tpu.memory_space<vmem_shared>> -> memref<50176x32xf32, #tpu.memory_space<vmem_shared>>
        tpu.wait_indirect_dma semaphore(%run_scoped3A_388 : memref<!tpu.dma_semaphore, #tpu.memory_space<semaphore_mem>>) src(%dma_wait3A_402 : memref<128x32xf32, #tpu.memory_space<vmem>>) dst(%dma_wait3A_408 : memref<50176x32xf32, #tpu.memory_space<vmem_shared>>)
        tpu.yield
      }) : () -> ()
      %dma_wait3A_360 = arith.constant 12 : i32
      %dma_wait3A_361 = arith.constant 0 : i32
      %dma_wait3A_362 = arith.constant 0 : i32
      %dma_wait3A_363 = arith.constant 0 : i32
      %dma_wait3A_364 = tpu.memref_slice %arg7[%dma_wait3A_361, %dma_wait3A_362, %dma_wait3A_363] : memref<6x128x32xf32, #tpu.memory_space<vmem>> -> memref<1x128x32xf32, #tpu.memory_space<vmem>>
      %dma_wait3A_365 = tpu.memref_squeeze %dma_wait3A_364 : memref<1x128x32xf32, #tpu.memory_space<vmem>> -> memref<128x32xf32, #tpu.memory_space<vmem>>
      %dma_wait3A_366 = arith.constant 0 : i32
      %dma_wait3A_367 = tpu.memref_slice %arg8[%dma_wait3A_360, %dma_wait3A_366] : memref<14x128xi32, #tpu.memory_space<vmem>> -> memref<1x128xi32, #tpu.memory_space<vmem>>
      %dma_wait3A_368 = tpu.memref_squeeze %dma_wait3A_367 : memref<1x128xi32, #tpu.memory_space<vmem>> -> memref<128xi32, #tpu.memory_space<vmem>>
      %dma_wait3A_369 = arith.constant 0 : i32
      %dma_wait3A_370 = arith.constant 0 : i32
      %dma_wait3A_371 = tpu.memref_slice %arg4[%dma_wait3A_369, %dma_wait3A_370] : memref<100352x32xf32, #tpu.memory_space<hbm>> -> memref<100352x32xf32, #tpu.memory_space<hbm>>
      tpu.wait_indirect_dma semaphore(%arg11 : memref<!tpu.dma_semaphore, #tpu.memory_space<semaphore_mem>>) src(%dma_wait3A_371 : memref<100352x32xf32, #tpu.memory_space<hbm>>) dst(%dma_wait3A_365 : memref<128x32xf32, #tpu.memory_space<vmem>>)
      %run_scoped3A_372 = arith.constant 0 : i32
      %run_scoped3A_373 = arith.constant 12 : i32
      "tpu.region"() ({
        %run_scoped3A_388 = tpu.sem_alloc : memref<!tpu.dma_semaphore, #tpu.memory_space<semaphore_mem>>
        %dma_start3A_389 = arith.constant 0 : i32
        %dma_start3A_390 = arith.constant 0 : i32
        %dma_start3A_391 = tpu.memref_slice %arg7[%run_scoped3A_372, %dma_start3A_389, %dma_start3A_390] : memref<6x128x32xf32, #tpu.memory_space<vmem>> -> memref<1x128x32xf32, #tpu.memory_space<vmem>>
        %dma_start3A_392 = tpu.memref_squeeze %dma_start3A_391 : memref<1x128x32xf32, #tpu.memory_space<vmem>> -> memref<128x32xf32, #tpu.memory_space<vmem>>
        %dma_start3A_393 = arith.constant 0 : i32
        %dma_start3A_394 = tpu.memref_slice %arg9[%run_scoped3A_373, %dma_start3A_393] : memref<14x128xi32, #tpu.memory_space<vmem>> -> memref<1x128xi32, #tpu.memory_space<vmem>>
        %dma_start3A_395 = tpu.memref_squeeze %dma_start3A_394 : memref<1x128xi32, #tpu.memory_space<vmem>> -> memref<128xi32, #tpu.memory_space<vmem>>
        %dma_start3A_396 = arith.constant 0 : i32
        %dma_start3A_397 = arith.constant 0 : i32
        %dma_start3A_398 = tpu.memref_slice %arg6[%dma_start3A_396, %dma_start3A_397] : memref<50176x32xf32, #tpu.memory_space<vmem_shared>> -> memref<50176x32xf32, #tpu.memory_space<vmem_shared>>
        tpu.enqueue_indirect_dma source(%dma_start3A_392 : memref<128x32xf32, #tpu.memory_space<vmem>>) target(%dma_start3A_398 : memref<50176x32xf32, #tpu.memory_space<vmem_shared>>) offsets(%dma_start3A_395 : memref<128xi32, #tpu.memory_space<vmem>>) semaphore(%run_scoped3A_388 : memref<!tpu.dma_semaphore, #tpu.memory_space<semaphore_mem>>) {add = true}
        %dma_wait3A_399 = arith.constant 0 : i32
        %dma_wait3A_400 = arith.constant 0 : i32
        %dma_wait3A_401 = tpu.memref_slice %arg7[%run_scoped3A_372, %dma_wait3A_399, %dma_wait3A_400] : memref<6x128x32xf32, #tpu.memory_space<vmem>> -> memref<1x128x32xf32, #tpu.memory_space<vmem>>
        %dma_wait3A_402 = tpu.memref_squeeze %dma_wait3A_401 : memref<1x128x32xf32, #tpu.memory_space<vmem>> -> memref<128x32xf32, #tpu.memory_space<vmem>>
        %dma_wait3A_403 = arith.constant 0 : i32
        %dma_wait3A_404 = tpu.memref_slice %arg9[%run_scoped3A_373, %dma_wait3A_403] : memref<14x128xi32, #tpu.memory_space<vmem>> -> memref<1x128xi32, #tpu.memory_space<vmem>>
        %dma_wait3A_405 = tpu.memref_squeeze %dma_wait3A_404 : memref<1x128xi32, #tpu.memory_space<vmem>> -> memref<128xi32, #tpu.memory_space<vmem>>
        %dma_wait3A_406 = arith.constant 0 : i32
        %dma_wait3A_407 = arith.constant 0 : i32
        %dma_wait3A_408 = tpu.memref_slice %arg6[%dma_wait3A_406, %dma_wait3A_407] : memref<50176x32xf32, #tpu.memory_space<vmem_shared>> -> memref<50176x32xf32, #tpu.memory_space<vmem_shared>>
        tpu.wait_indirect_dma semaphore(%run_scoped3A_388 : memref<!tpu.dma_semaphore, #tpu.memory_space<semaphore_mem>>) src(%dma_wait3A_402 : memref<128x32xf32, #tpu.memory_space<vmem>>) dst(%dma_wait3A_408 : memref<50176x32xf32, #tpu.memory_space<vmem_shared>>)
        tpu.yield
      }) : () -> ()
      %dma_wait3A_374 = arith.constant 13 : i32
      %dma_wait3A_375 = arith.constant 1 : i32
      %dma_wait3A_376 = arith.constant 0 : i32
      %dma_wait3A_377 = arith.constant 0 : i32
      %dma_wait3A_378 = tpu.memref_slice %arg7[%dma_wait3A_375, %dma_wait3A_376, %dma_wait3A_377] : memref<6x128x32xf32, #tpu.memory_space<vmem>> -> memref<1x128x32xf32, #tpu.memory_space<vmem>>
      %dma_wait3A_379 = tpu.memref_squeeze %dma_wait3A_378 : memref<1x128x32xf32, #tpu.memory_space<vmem>> -> memref<128x32xf32, #tpu.memory_space<vmem>>
      %dma_wait3A_380 = arith.constant 0 : i32
      %dma_wait3A_381 = tpu.memref_slice %arg8[%dma_wait3A_374, %dma_wait3A_380] : memref<14x128xi32, #tpu.memory_space<vmem>> -> memref<1x128xi32, #tpu.memory_space<vmem>>
      %dma_wait3A_382 = tpu.memref_squeeze %dma_wait3A_381 : memref<1x128xi32, #tpu.memory_space<vmem>> -> memref<128xi32, #tpu.memory_space<vmem>>
      %dma_wait3A_383 = arith.constant 0 : i32
      %dma_wait3A_384 = arith.constant 0 : i32
      %dma_wait3A_385 = tpu.memref_slice %arg4[%dma_wait3A_383, %dma_wait3A_384] : memref<100352x32xf32, #tpu.memory_space<hbm>> -> memref<100352x32xf32, #tpu.memory_space<hbm>>
      tpu.wait_indirect_dma semaphore(%arg11 : memref<!tpu.dma_semaphore, #tpu.memory_space<semaphore_mem>>) src(%dma_wait3A_385 : memref<100352x32xf32, #tpu.memory_space<hbm>>) dst(%dma_wait3A_379 : memref<128x32xf32, #tpu.memory_space<vmem>>)
      %run_scoped3A_386 = arith.constant 1 : i32
      %run_scoped3A_387 = arith.constant 13 : i32
      "tpu.region"() ({
        %run_scoped3A_388 = tpu.sem_alloc : memref<!tpu.dma_semaphore, #tpu.memory_space<semaphore_mem>>
        %dma_start3A_389 = arith.constant 0 : i32
        %dma_start3A_390 = arith.constant 0 : i32
        %dma_start3A_391 = tpu.memref_slice %arg7[%run_scoped3A_386, %dma_start3A_389, %dma_start3A_390] : memref<6x128x32xf32, #tpu.memory_space<vmem>> -> memref<1x128x32xf32, #tpu.memory_space<vmem>>
        %dma_start3A_392 = tpu.memref_squeeze %dma_start3A_391 : memref<1x128x32xf32, #tpu.memory_space<vmem>> -> memref<128x32xf32, #tpu.memory_space<vmem>>
        %dma_start3A_393 = arith.constant 0 : i32
        %dma_start3A_394 = tpu.memref_slice %arg9[%run_scoped3A_387, %dma_start3A_393] : memref<14x128xi32, #tpu.memory_space<vmem>> -> memref<1x128xi32, #tpu.memory_space<vmem>>
        %dma_start3A_395 = tpu.memref_squeeze %dma_start3A_394 : memref<1x128xi32, #tpu.memory_space<vmem>> -> memref<128xi32, #tpu.memory_space<vmem>>
        %dma_start3A_396 = arith.constant 0 : i32
        %dma_start3A_397 = arith.constant 0 : i32
        %dma_start3A_398 = tpu.memref_slice %arg6[%dma_start3A_396, %dma_start3A_397] : memref<50176x32xf32, #tpu.memory_space<vmem_shared>> -> memref<50176x32xf32, #tpu.memory_space<vmem_shared>>
        tpu.enqueue_indirect_dma source(%dma_start3A_392 : memref<128x32xf32, #tpu.memory_space<vmem>>) target(%dma_start3A_398 : memref<50176x32xf32, #tpu.memory_space<vmem_shared>>) offsets(%dma_start3A_395 : memref<128xi32, #tpu.memory_space<vmem>>) semaphore(%run_scoped3A_388 : memref<!tpu.dma_semaphore, #tpu.memory_space<semaphore_mem>>) {add = true}
        %dma_wait3A_399 = arith.constant 0 : i32
        %dma_wait3A_400 = arith.constant 0 : i32
        %dma_wait3A_401 = tpu.memref_slice %arg7[%run_scoped3A_386, %dma_wait3A_399, %dma_wait3A_400] : memref<6x128x32xf32, #tpu.memory_space<vmem>> -> memref<1x128x32xf32, #tpu.memory_space<vmem>>
        %dma_wait3A_402 = tpu.memref_squeeze %dma_wait3A_401 : memref<1x128x32xf32, #tpu.memory_space<vmem>> -> memref<128x32xf32, #tpu.memory_space<vmem>>
        %dma_wait3A_403 = arith.constant 0 : i32
        %dma_wait3A_404 = tpu.memref_slice %arg9[%run_scoped3A_387, %dma_wait3A_403] : memref<14x128xi32, #tpu.memory_space<vmem>> -> memref<1x128xi32, #tpu.memory_space<vmem>>
        %dma_wait3A_405 = tpu.memref_squeeze %dma_wait3A_404 : memref<1x128xi32, #tpu.memory_space<vmem>> -> memref<128xi32, #tpu.memory_space<vmem>>
        %dma_wait3A_406 = arith.constant 0 : i32
        %dma_wait3A_407 = arith.constant 0 : i32
        %dma_wait3A_408 = tpu.memref_slice %arg6[%dma_wait3A_406, %dma_wait3A_407] : memref<50176x32xf32, #tpu.memory_space<vmem_shared>> -> memref<50176x32xf32, #tpu.memory_space<vmem_shared>>
        tpu.wait_indirect_dma semaphore(%run_scoped3A_388 : memref<!tpu.dma_semaphore, #tpu.memory_space<semaphore_mem>>) src(%dma_wait3A_402 : memref<128x32xf32, #tpu.memory_space<vmem>>) dst(%dma_wait3A_408 : memref<50176x32xf32, #tpu.memory_space<vmem_shared>>)
        tpu.yield
      }) : () -> ()
    }
    %scan3A_13 = arith.constant 28 : i32
    %barrier3A_14 = arith.constant 0 : index
    tpu.barrier barrier_id(%barrier3A_14)
    %scan3A_15 = arith.constant 0 : i32
    %scan3A_16 = arith.constant 64 : i32
    %scan3A_17 = arith.addi %scan3A_15, %scan3A_16 : i32
    %scan3A_18 = arith.constant 1 : i32
    scf.for %scan3A_20 = %scan3A_15 to %scan3A_17 step %scan3A_18  : i32 {
      %mul3A = arith.constant 1 : i32
      %mul3A_21 = arith.muli %scan3A_20, %mul3A : i32
      %add3A = arith.constant 0 : i32
      %add3A_22 = arith.addi %add3A, %mul3A_21 : i32
      %mul3A_23 = arith.constant 3136 : i32
      %mul3A_24 = arith.muli %arg1, %mul3A_23 : i32
      %mul3A_25 = arith.constant 49 : i32
      %mul3A_26 = arith.muli %add3A_22, %mul3A_25 : i32
      %add3A_27 = arith.addi %mul3A_24, %mul3A_26 : i32
      "tpu.region"() ({
        %run_scoped3A = tpu.sem_alloc : memref<!tpu.dma_semaphore, #tpu.memory_space<semaphore_mem>>
        %dma_start3A = arith.constant 0 : i32
        %dma_start3A_36 = tpu.memref_slice %arg6[%add3A_27, %dma_start3A] : memref<50176x32xf32, #tpu.memory_space<vmem_shared>> -> memref<49x32xf32, #tpu.memory_space<vmem_shared>>
        %dma_start3A_37 = arith.constant 0 : i32
        %dma_start3A_38 = tpu.memref_slice %arg6[%add3A_27, %dma_start3A_37] : memref<50176x32xf32, #tpu.memory_space<vmem_shared>> -> memref<49x32xf32, #tpu.memory_space<vmem_shared>>
        tpu.enqueue_dma source(%dma_start3A_38 : memref<49x32xf32, #tpu.memory_space<vmem_shared>>) target(%arg10 : memref<49x32xf32, #tpu.memory_space<vmem>>) target_semaphore(%run_scoped3A : memref<!tpu.dma_semaphore, #tpu.memory_space<semaphore_mem>>)
        %dma_wait3A = arith.constant 0 : i32
        %dma_wait3A_39 = tpu.memref_slice %arg6[%add3A_27, %dma_wait3A] : memref<50176x32xf32, #tpu.memory_space<vmem_shared>> -> memref<49x32xf32, #tpu.memory_space<vmem_shared>>
        %dma_wait3A_40 = arith.constant 0 : i32
        %dma_wait3A_41 = tpu.memref_slice %arg6[%add3A_27, %dma_wait3A_40] : memref<50176x32xf32, #tpu.memory_space<vmem_shared>> -> memref<49x32xf32, #tpu.memory_space<vmem_shared>>
        tpu.wait_dma2 semaphore(%run_scoped3A : memref<!tpu.dma_semaphore, #tpu.memory_space<semaphore_mem>>) src(%dma_wait3A_41 : memref<49x32xf32, #tpu.memory_space<vmem_shared>>) dst(%arg10 : memref<49x32xf32, #tpu.memory_space<vmem>>)
        tpu.yield
      }) : () -> ()
      %mul3A_28 = arith.constant 50176 : i32
      %mul3A_29 = arith.muli %arg0, %mul3A_28 : i32
      %mul3A_30 = arith.constant 3136 : i32
      %mul3A_31 = arith.muli %arg1, %mul3A_30 : i32
      %add3A_32 = arith.addi %mul3A_29, %mul3A_31 : i32
      %mul3A_33 = arith.constant 49 : i32
      %mul3A_34 = arith.muli %add3A_22, %mul3A_33 : i32
      %add3A_35 = arith.addi %add3A_32, %mul3A_34 : i32
      "tpu.region"() ({
        %run_scoped3A = tpu.sem_alloc : memref<!tpu.dma_semaphore, #tpu.memory_space<semaphore_mem>>
        %dma_start3A = arith.constant 0 : i32
        %dma_start3A_36 = tpu.memref_slice %arg5[%add3A_35, %dma_start3A] : memref<100352x32xf32, #tpu.memory_space<hbm>> -> memref<49x32xf32, #tpu.memory_space<hbm>>
        %dma_start3A_37 = arith.constant 0 : i32
        %dma_start3A_38 = tpu.memref_slice %arg5[%add3A_35, %dma_start3A_37] : memref<100352x32xf32, #tpu.memory_space<hbm>> -> memref<49x32xf32, #tpu.memory_space<hbm>>
        tpu.enqueue_dma source(%arg10 : memref<49x32xf32, #tpu.memory_space<vmem>>) target(%dma_start3A_38 : memref<49x32xf32, #tpu.memory_space<hbm>>) target_semaphore(%run_scoped3A : memref<!tpu.dma_semaphore, #tpu.memory_space<semaphore_mem>>)
        %dma_wait3A = arith.constant 0 : i32
        %dma_wait3A_39 = tpu.memref_slice %arg5[%add3A_35, %dma_wait3A] : memref<100352x32xf32, #tpu.memory_space<hbm>> -> memref<49x32xf32, #tpu.memory_space<hbm>>
        %dma_wait3A_40 = arith.constant 0 : i32
        %dma_wait3A_41 = tpu.memref_slice %arg5[%add3A_35, %dma_wait3A_40] : memref<100352x32xf32, #tpu.memory_space<hbm>> -> memref<49x32xf32, #tpu.memory_space<hbm>>
        tpu.wait_dma2 semaphore(%run_scoped3A : memref<!tpu.dma_semaphore, #tpu.memory_space<semaphore_mem>>) src(%arg10 : memref<49x32xf32, #tpu.memory_space<vmem>>) dst(%dma_wait3A_41 : memref<49x32xf32, #tpu.memory_space<hbm>>)
        tpu.yield
      }) : () -> ()
    }
    %scan3A_19 = arith.constant 64 : i32
    return
  }
}

#map = affine_map<(d0, d1) -> (0, 0, 0, 0)>
#map1 = affine_map<(d0, d1) -> (0, 0, 0)>
#map2 = affine_map<(d0, d1) -> (0, 0)>
module attributes {stable_mosaic.version = 14 : i64} {
  func.func @layer(%arg0: i32, %arg1: i32, %arg2: memref<2x16x392x128xi32, #tpu.memory_space<hbm>>, %arg3: memref<16x392x128xi32, #tpu.memory_space<hbm>>, %arg4: memref<100352x32xf32, #tpu.memory_space<hbm>>, %arg5: memref<100352x32xf32, #tpu.memory_space<hbm>>, %arg6: memref<50176x32xf32, #tpu.memory_space<vmem_shared>>, %arg7: memref<6x128x32xf32, #tpu.memory_space<vmem>>, %arg8: memref<14x128xi32, #tpu.memory_space<vmem>>, %arg9: memref<14x128xi32, #tpu.memory_space<vmem>>, %arg10: memref<49x32xf32, #tpu.memory_space<vmem>>, %arg11: memref<!tpu.dma_semaphore, #tpu.memory_space<semaphore_mem>>) attributes {dimension_semantics = [#tpu.dimension_semantics<core_parallel>, #tpu.dimension_semantics<subcore_parallel>], iteration_bounds = array<i64: 2, 16>, scalar_prefetch = 0 : i64, scratch_operands = 6 : i64, tpu.core_type = #tpu.core_type<sc_vector_subcore>, window_params = [{transform_indices = #map}, {transform_indices = #map1}, {transform_indices = #map2}, {transform_indices = #map2}]} {
    %scan3A = arith.constant 0 : i32
    %scan3A_0 = arith.constant 49 : i32
    %scan3A_1 = arith.addi %scan3A, %scan3A_0 : i32
    %scan3A_2 = arith.constant 1 : i32
    scf.for %scan3A_20 = %scan3A to %scan3A_1 step %scan3A_2  : i32 {
      %mul3A = arith.constant 1 : i32
      %mul3A_21 = arith.muli %scan3A_20, %mul3A : i32
      %add3A = arith.constant 0 : i32
      %add3A_22 = arith.addi %add3A, %mul3A_21 : i32
      %scan3A_23 = arith.constant 0 : i32
      %scan3A_24 = arith.constant 2 : i32
      %scan3A_25 = arith.addi %scan3A_23, %scan3A_24 : i32
      %scan3A_26 = arith.constant 1 : i32
      scf.for %scan3A_28 = %scan3A_23 to %scan3A_25 step %scan3A_26  : i32 {
        %mul3A_29 = arith.constant 16 : i32
        %mul3A_30 = arith.muli %scan3A_28, %mul3A_29 : i32
        %add3A_31 = arith.constant 0 : i32
        %add3A_32 = arith.addi %add3A_31, %mul3A_30 : i32
        %broadcast_in_dim3A = arith.constant 0.000000e+00 : f32
        %broadcast_in_dim3A_33 = vector.broadcast %broadcast_in_dim3A : f32 to vector<16xf32>
        %swap3A = arith.index_cast %add3A_22 : i32 to index
        %swap3A_34 = arith.index_cast %add3A_32 : i32 to index
        %swap3A_35 = tpu.vector_load %arg10[%swap3A, %swap3A_34] {strides = array<i32>} : memref<49x32xf32, #tpu.memory_space<vmem>>, vector<1x16xf32>,
        %swap3A_36 = vector.shape_cast %swap3A_35 : vector<1x16xf32> to vector<16xf32>
        %swap3A_37 = vector.shape_cast %broadcast_in_dim3A_33 : vector<16xf32> to vector<1x16xf32>
        tpu.vector_store %arg10[%swap3A, %swap3A_34], %swap3A_37 {strides = array<i32>} : memref<49x32xf32, #tpu.memory_space<vmem>>, vector<1x16xf32>,
      }
      %scan3A_27 = arith.constant 2 : i32
    }
    %scan3A_3 = arith.constant 49 : i32
    %scan3A_4 = arith.constant 0 : i32
    %scan3A_5 = arith.constant 64 : i32
    %scan3A_6 = arith.addi %scan3A_4, %scan3A_5 : i32
    %scan3A_7 = arith.constant 1 : i32
    scf.for %scan3A_20 = %scan3A_4 to %scan3A_6 step %scan3A_7  : i32 {
      %mul3A = arith.constant 1 : i32
      %mul3A_21 = arith.muli %scan3A_20, %mul3A : i32
      %add3A = arith.constant 0 : i32
      %add3A_22 = arith.addi %add3A, %mul3A_21 : i32
      %mul3A_23 = arith.constant 3136 : i32
      %mul3A_24 = arith.muli %arg1, %mul3A_23 : i32
      %mul3A_25 = arith.constant 49 : i32
      %mul3A_26 = arith.muli %add3A_22, %mul3A_25 : i32
      %add3A_27 = arith.addi %mul3A_24, %mul3A_26 : i32
      "tpu.region"() ({
        %run_scoped3A = tpu.sem_alloc : memref<!tpu.dma_semaphore, #tpu.memory_space<semaphore_mem>>
        %dma_start3A = arith.constant 0 : i32
        %dma_start3A_28 = tpu.memref_slice %arg6[%add3A_27, %dma_start3A] : memref<50176x32xf32, #tpu.memory_space<vmem_shared>> -> memref<49x32xf32, #tpu.memory_space<vmem_shared>>
        %dma_start3A_29 = arith.constant 0 : i32
        %dma_start3A_30 = tpu.memref_slice %arg6[%add3A_27, %dma_start3A_29] : memref<50176x32xf32, #tpu.memory_space<vmem_shared>> -> memref<49x32xf32, #tpu.memory_space<vmem_shared>>
        tpu.enqueue_dma source(%arg10 : memref<49x32xf32, #tpu.memory_space<vmem>>) target(%dma_start3A_30 : memref<49x32xf32, #tpu.memory_space<vmem_shared>>) target_semaphore(%run_scoped3A : memref<!tpu.dma_semaphore, #tpu.memory_space<semaphore_mem>>)
        %dma_wait3A = arith.constant 0 : i32
        %dma_wait3A_31 = tpu.memref_slice %arg6[%add3A_27, %dma_wait3A] : memref<50176x32xf32, #tpu.memory_space<vmem_shared>> -> memref<49x32xf32, #tpu.memory_space<vmem_shared>>
        %dma_wait3A_32 = arith.constant 0 : i32
        %dma_wait3A_33 = tpu.memref_slice %arg6[%add3A_27, %dma_wait3A_32] : memref<50176x32xf32, #tpu.memory_space<vmem_shared>> -> memref<49x32xf32, #tpu.memory_space<vmem_shared>>
        tpu.wait_dma2 semaphore(%run_scoped3A : memref<!tpu.dma_semaphore, #tpu.memory_space<semaphore_mem>>) src(%arg10 : memref<49x32xf32, #tpu.memory_space<vmem>>) dst(%dma_wait3A_33 : memref<49x32xf32, #tpu.memory_space<vmem_shared>>)
        tpu.yield
      }) : () -> ()
    }
    %scan3A_8 = arith.constant 64 : i32
    %barrier3A = arith.constant 0 : index
    tpu.barrier barrier_id(%barrier3A)
    %scan3A_9 = arith.constant 0 : i32
    %scan3A_10 = arith.constant 28 : i32
    %scan3A_11 = arith.addi %scan3A_9, %scan3A_10 : i32
    %scan3A_12 = arith.constant 1 : i32
    scf.for %scan3A_20 = %scan3A_9 to %scan3A_11 step %scan3A_12  : i32 {
      %mul3A = arith.constant 1 : i32
      %mul3A_21 = arith.muli %scan3A_20, %mul3A : i32
      %add3A = arith.constant 0 : i32
      %add3A_22 = arith.addi %add3A, %mul3A_21 : i32
      %mul3A_23 = arith.constant 14 : i32
      %mul3A_24 = arith.muli %add3A_22, %mul3A_23 : i32
      "tpu.region"() ({
        %run_scoped3A_388 = tpu.sem_alloc : memref<!tpu.dma_semaphore, #tpu.memory_space<semaphore_mem>>
        %dma_start3A_389 = arith.constant 0 : i32
        %dma_start3A_390 = tpu.memref_slice %arg2[%arg0, %arg1, %mul3A_24, %dma_start3A_389] : memref<2x16x392x128xi32, #tpu.memory_space<hbm>> -> memref<1x1x14x128xi32, #tpu.memory_space<hbm>>
        %dma_start3A_391 = tpu.memref_squeeze %dma_start3A_390 : memref<1x1x14x128xi32, #tpu.memory_space<hbm>> -> memref<14x128xi32, #tpu.memory_space<hbm>>
        %dma_start3A_392 = arith.constant 0 : i32
        %dma_start3A_393 = tpu.memref_slice %arg2[%arg0, %arg1, %mul3A_24, %dma_start3A_392] : memref<2x16x392x128xi32, #tpu.memory_space<hbm>> -> memref<1x1x14x128xi32, #tpu.memory_space<hbm>>
        %dma_start3A_394 = tpu.memref_squeeze %dma_start3A_393 : memref<1x1x14x128xi32, #tpu.memory_space<hbm>> -> memref<14x128xi32, #tpu.memory_space<hbm>>
        tpu.enqueue_dma source(%dma_start3A_394 : memref<14x128xi32, #tpu.memory_space<hbm>>) target(%arg8 : memref<14x128xi32, #tpu.memory_space<vmem>>) target_semaphore(%run_scoped3A_388 : memref<!tpu.dma_semaphore, #tpu.memory_space<semaphore_mem>>)
        %dma_wait3A_395 = arith.constant 0 : i32
        %dma_wait3A_396 = tpu.memref_slice %arg2[%arg0, %arg1, %mul3A_24, %dma_wait3A_395] : memref<2x16x392x128xi32, #tpu.memory_space<hbm>> -> memref<1x1x14x128xi32, #tpu.memory_space<hbm>>
        %dma_wait3A_397 = tpu.memref_squeeze %dma_wait3A_396 : memref<1x1x14x128xi32, #tpu.memory_space<hbm>> -> memref<14x128xi32, #tpu.memory_space<hbm>>
        %dma_wait3A_398 = arith.constant 0 : i32
        %dma_wait3A_399 = tpu.memref_slice %arg2[%arg0, %arg1, %mul3A_24, %dma_wait3A_398] : memref<2x16x392x128xi32, #tpu.memory_space<hbm>> -> memref<1x1x14x128xi32, #tpu.memory_space<hbm>>
        %dma_wait3A_400 = tpu.memref_squeeze %dma_wait3A_399 : memref<1x1x14x128xi32, #tpu.memory_space<hbm>> -> memref<14x128xi32, #tpu.memory_space<hbm>>
        tpu.wait_dma2 semaphore(%run_scoped3A_388 : memref<!tpu.dma_semaphore, #tpu.memory_space<semaphore_mem>>) src(%dma_wait3A_400 : memref<14x128xi32, #tpu.memory_space<hbm>>) dst(%arg8 : memref<14x128xi32, #tpu.memory_space<vmem>>)
        tpu.yield
      }) : () -> ()
      %mul3A_25 = arith.constant 14 : i32
      %mul3A_26 = arith.muli %add3A_22, %mul3A_25 : i32
      "tpu.region"() ({
        %run_scoped3A_388 = tpu.sem_alloc : memref<!tpu.dma_semaphore, #tpu.memory_space<semaphore_mem>>
        %dma_start3A_389 = arith.constant 0 : i32
        %dma_start3A_390 = tpu.memref_slice %arg3[%arg1, %mul3A_26, %dma_start3A_389] : memref<16x392x128xi32, #tpu.memory_space<hbm>> -> memref<1x14x128xi32, #tpu.memory_space<hbm>>
        %dma_start3A_391 = tpu.memref_squeeze %dma_start3A_390 : memref<1x14x128xi32, #tpu.memory_space<hbm>> -> memref<14x128xi32, #tpu.memory_space<hbm>>
        %dma_start3A_392 = arith.constant 0 : i32
        %dma_start3A_393 = tpu.memref_slice %arg3[%arg1, %mul3A_26, %dma_start3A_392] : memref<16x392x128xi32, #tpu.memory_space<hbm>> -> memref<1x14x128xi32, #tpu.memory_space<hbm>>
        %dma_start3A_394 = tpu.memref_squeeze %dma_start3A_393 : memref<1x14x128xi32, #tpu.memory_space<hbm>> -> memref<14x128xi32, #tpu.memory_space<hbm>>
        tpu.enqueue_dma source(%dma_start3A_394 : memref<14x128xi32, #tpu.memory_space<hbm>>) target(%arg9 : memref<14x128xi32, #tpu.memory_space<vmem>>) target_semaphore(%run_scoped3A_388 : memref<!tpu.dma_semaphore, #tpu.memory_space<semaphore_mem>>)
        %dma_wait3A_395 = arith.constant 0 : i32
        %dma_wait3A_396 = tpu.memref_slice %arg3[%arg1, %mul3A_26, %dma_wait3A_395] : memref<16x392x128xi32, #tpu.memory_space<hbm>> -> memref<1x14x128xi32, #tpu.memory_space<hbm>>
        %dma_wait3A_397 = tpu.memref_squeeze %dma_wait3A_396 : memref<1x14x128xi32, #tpu.memory_space<hbm>> -> memref<14x128xi32, #tpu.memory_space<hbm>>
        %dma_wait3A_398 = arith.constant 0 : i32
        %dma_wait3A_399 = tpu.memref_slice %arg3[%arg1, %mul3A_26, %dma_wait3A_398] : memref<16x392x128xi32, #tpu.memory_space<hbm>> -> memref<1x14x128xi32, #tpu.memory_space<hbm>>
        %dma_wait3A_400 = tpu.memref_squeeze %dma_wait3A_399 : memref<1x14x128xi32, #tpu.memory_space<hbm>> -> memref<14x128xi32, #tpu.memory_space<hbm>>
        tpu.wait_dma2 semaphore(%run_scoped3A_388 : memref<!tpu.dma_semaphore, #tpu.memory_space<semaphore_mem>>) src(%dma_wait3A_400 : memref<14x128xi32, #tpu.memory_space<hbm>>) dst(%arg9 : memref<14x128xi32, #tpu.memory_space<vmem>>)
        tpu.yield
      }) : () -> ()
      %dma_start3A = arith.constant 0 : i32
      %dma_start3A_27 = arith.constant 0 : i32
      %dma_start3A_28 = arith.constant 0 : i32
      %dma_start3A_29 = arith.constant 0 : i32
      %dma_start3A_30 = tpu.memref_slice %arg7[%dma_start3A_27, %dma_start3A_28, %dma_start3A_29] : memref<6x128x32xf32, #tpu.memory_space<vmem>> -> memref<1x128x32xf32, #tpu.memory_space<vmem>>
      %dma_start3A_31 = tpu.memref_squeeze %dma_start3A_30 : memref<1x128x32xf32, #tpu.memory_space<vmem>> -> memref<128x32xf32, #tpu.memory_space<vmem>>
      %dma_start3A_32 = arith.constant 0 : i32
      %dma_start3A_33 = tpu.memref_slice %arg8[%dma_start3A, %dma_start3A_32] : memref<14x128xi32, #tpu.memory_space<vmem>> -> memref<1x128xi32, #tpu.memory_space<vmem>>
      %dma_start3A_34 = tpu.memref_squeeze %dma_start3A_33 : memref<1x128xi32, #tpu.memory_space<vmem>> -> memref<128xi32, #tpu.memory_space<vmem>>
      %dma_start3A_35 = arith.constant 0 : i32
      %dma_start3A_36 = arith.constant 0 : i32
      %dma_start3A_37 = tpu.memref_slice %arg4[%dma_start3A_35, %dma_start3A_36] : memref<100352x32xf32, #tpu.memory_space<hbm>> -> memref<100352x32xf32, #tpu.memory_space<hbm>>
      tpu.enqueue_indirect_dma source(%dma_start3A_37 : memref<100352x32xf32, #tpu.memory_space<hbm>>) target(%dma_start3A_31 : memref<128x32xf32, #tpu.memory_space<vmem>>) offsets(%dma_start3A_34 : memref<128xi32, #tpu.memory_space<vmem>>) semaphore(%arg11 : memref<!tpu.dma_semaphore, #tpu.memory_space<semaphore_mem>>)
      %dma_start3A_38 = arith.constant 1 : i32
      %dma_start3A_39 = arith.constant 1 : i32
      %dma_start3A_40 = arith.constant 0 : i32
      %dma_start3A_41 = arith.constant 0 : i32
      %dma_start3A_42 = tpu.memref_slice %arg7[%dma_start3A_39, %dma_start3A_40, %dma_start3A_41] : memref<6x128x32xf32, #tpu.memory_space<vmem>> -> memref<1x128x32xf32, #tpu.memory_space<vmem>>
      %dma_start3A_43 = tpu.memref_squeeze %dma_start3A_42 : memref<1x128x32xf32, #tpu.memory_space<vmem>> -> memref<128x32xf32, #tpu.memory_space<vmem>>
      %dma_start3A_44 = arith.constant 0 : i32
      %dma_start3A_45 = tpu.memref_slice %arg8[%dma_start3A_38, %dma_start3A_44] : memref<14x128xi32, #tpu.memory_space<vmem>> -> memref<1x128xi32, #tpu.memory_space<vmem>>
      %dma_start3A_46 = tpu.memref_squeeze %dma_start3A_45 : memref<1x128xi32, #tpu.memory_space<vmem>> -> memref<128xi32, #tpu.memory_space<vmem>>
      %dma_start3A_47 = arith.constant 0 : i32
      %dma_start3A_48 = arith.constant 0 : i32
      %dma_start3A_49 = tpu.memref_slice %arg4[%dma_start3A_47, %dma_start3A_48] : memref<100352x32xf32, #tpu.memory_space<hbm>> -> memref<100352x32xf32, #tpu.memory_space<hbm>>
      tpu.enqueue_indirect_dma source(%dma_start3A_49 : memref<100352x32xf32, #tpu.memory_space<hbm>>) target(%dma_start3A_43 : memref<128x32xf32, #tpu.memory_space<vmem>>) offsets(%dma_start3A_46 : memref<128xi32, #tpu.memory_space<vmem>>) semaphore(%arg11 : memref<!tpu.dma_semaphore, #tpu.memory_space<semaphore_mem>>)
      %dma_start3A_50 = arith.constant 2 : i32
      %dma_start3A_51 = arith.constant 2 : i32
      %dma_start3A_52 = arith.constant 0 : i32
      %dma_start3A_53 = arith.constant 0 : i32
      %dma_start3A_54 = tpu.memref_slice %arg7[%dma_start3A_51, %dma_start3A_52, %dma_start3A_53] : memref<6x128x32xf32, #tpu.memory_space<vmem>> -> memref<1x128x32xf32, #tpu.memory_space<vmem>>
      %dma_start3A_55 = tpu.memref_squeeze %dma_start3A_54 : memref<1x128x32xf32, #tpu.memory_space<vmem>> -> memref<128x32xf32, #tpu.memory_space<vmem>>
      %dma_start3A_56 = arith.constant 0 : i32
      %dma_start3A_57 = tpu.memref_slice %arg8[%dma_start3A_50, %dma_start3A_56] : memref<14x128xi32, #tpu.memory_space<vmem>> -> memref<1x128xi32, #tpu.memory_space<vmem>>
      %dma_start3A_58 = tpu.memref_squeeze %dma_start3A_57 : memref<1x128xi32, #tpu.memory_space<vmem>> -> memref<128xi32, #tpu.memory_space<vmem>>
      %dma_start3A_59 = arith.constant 0 : i32
      %dma_start3A_60 = arith.constant 0 : i32
      %dma_start3A_61 = tpu.memref_slice %arg4[%dma_start3A_59, %dma_start3A_60] : memref<100352x32xf32, #tpu.memory_space<hbm>> -> memref<100352x32xf32, #tpu.memory_space<hbm>>
      tpu.enqueue_indirect_dma source(%dma_start3A_61 : memref<100352x32xf32, #tpu.memory_space<hbm>>) target(%dma_start3A_55 : memref<128x32xf32, #tpu.memory_space<vmem>>) offsets(%dma_start3A_58 : memref<128xi32, #tpu.memory_space<vmem>>) semaphore(%arg11 : memref<!tpu.dma_semaphore, #tpu.memory_space<semaphore_mem>>)
      %dma_start3A_62 = arith.constant 3 : i32
      %dma_start3A_63 = arith.constant 3 : i32
      %dma_start3A_64 = arith.constant 0 : i32
      %dma_start3A_65 = arith.constant 0 : i32
      %dma_start3A_66 = tpu.memref_slice %arg7[%dma_start3A_63, %dma_start3A_64, %dma_start3A_65] : memref<6x128x32xf32, #tpu.memory_space<vmem>> -> memref<1x128x32xf32, #tpu.memory_space<vmem>>
      %dma_start3A_67 = tpu.memref_squeeze %dma_start3A_66 : memref<1x128x32xf32, #tpu.memory_space<vmem>> -> memref<128x32xf32, #tpu.memory_space<vmem>>
      %dma_start3A_68 = arith.constant 0 : i32
      %dma_start3A_69 = tpu.memref_slice %arg8[%dma_start3A_62, %dma_start3A_68] : memref<14x128xi32, #tpu.memory_space<vmem>> -> memref<1x128xi32, #tpu.memory_space<vmem>>
      %dma_start3A_70 = tpu.memref_squeeze %dma_start3A_69 : memref<1x128xi32, #tpu.memory_space<vmem>> -> memref<128xi32, #tpu.memory_space<vmem>>
      %dma_start3A_71 = arith.constant 0 : i32
      %dma_start3A_72 = arith.constant 0 : i32
      %dma_start3A_73 = tpu.memref_slice %arg4[%dma_start3A_71, %dma_start3A_72] : memref<100352x32xf32, #tpu.memory_space<hbm>> -> memref<100352x32xf32, #tpu.memory_space<hbm>>
      tpu.enqueue_indirect_dma source(%dma_start3A_73 : memref<100352x32xf32, #tpu.memory_space<hbm>>) target(%dma_start3A_67 : memref<128x32xf32, #tpu.memory_space<vmem>>) offsets(%dma_start3A_70 : memref<128xi32, #tpu.memory_space<vmem>>) semaphore(%arg11 : memref<!tpu.dma_semaphore, #tpu.memory_space<semaphore_mem>>)
      %dma_start3A_74 = arith.constant 4 : i32
      %dma_start3A_75 = arith.constant 4 : i32
      %dma_start3A_76 = arith.constant 0 : i32
      %dma_start3A_77 = arith.constant 0 : i32
      %dma_start3A_78 = tpu.memref_slice %arg7[%dma_start3A_75, %dma_start3A_76, %dma_start3A_77] : memref<6x128x32xf32, #tpu.memory_space<vmem>> -> memref<1x128x32xf32, #tpu.memory_space<vmem>>
      %dma_start3A_79 = tpu.memref_squeeze %dma_start3A_78 : memref<1x128x32xf32, #tpu.memory_space<vmem>> -> memref<128x32xf32, #tpu.memory_space<vmem>>
      %dma_start3A_80 = arith.constant 0 : i32
      %dma_start3A_81 = tpu.memref_slice %arg8[%dma_start3A_74, %dma_start3A_80] : memref<14x128xi32, #tpu.memory_space<vmem>> -> memref<1x128xi32, #tpu.memory_space<vmem>>
      %dma_start3A_82 = tpu.memref_squeeze %dma_start3A_81 : memref<1x128xi32, #tpu.memory_space<vmem>> -> memref<128xi32, #tpu.memory_space<vmem>>
      %dma_start3A_83 = arith.constant 0 : i32
      %dma_start3A_84 = arith.constant 0 : i32
      %dma_start3A_85 = tpu.memref_slice %arg4[%dma_start3A_83, %dma_start3A_84] : memref<100352x32xf32, #tpu.memory_space<hbm>> -> memref<100352x32xf32, #tpu.memory_space<hbm>>
      tpu.enqueue_indirect_dma source(%dma_start3A_85 : memref<100352x32xf32, #tpu.memory_space<hbm>>) target(%dma_start3A_79 : memref<128x32xf32, #tpu.memory_space<vmem>>) offsets(%dma_start3A_82 : memref<128xi32, #tpu.memory_space<vmem>>) semaphore(%arg11 : memref<!tpu.dma_semaphore, #tpu.memory_space<semaphore_mem>>)
      %dma_start3A_86 = arith.constant 5 : i32
      %dma_start3A_87 = arith.constant 5 : i32
      %dma_start3A_88 = arith.constant 0 : i32
      %dma_start3A_89 = arith.constant 0 : i32
      %dma_start3A_90 = tpu.memref_slice %arg7[%dma_start3A_87, %dma_start3A_88, %dma_start3A_89] : memref<6x128x32xf32, #tpu.memory_space<vmem>> -> memref<1x128x32xf32, #tpu.memory_space<vmem>>
      %dma_start3A_91 = tpu.memref_squeeze %dma_start3A_90 : memref<1x128x32xf32, #tpu.memory_space<vmem>> -> memref<128x32xf32, #tpu.memory_space<vmem>>
      %dma_start3A_92 = arith.constant 0 : i32
      %dma_start3A_93 = tpu.memref_slice %arg8[%dma_start3A_86, %dma_start3A_92] : memref<14x128xi32, #tpu.memory_space<vmem>> -> memref<1x128xi32, #tpu.memory_space<vmem>>
      %dma_start3A_94 = tpu.memref_squeeze %dma_start3A_93 : memref<1x128xi32, #tpu.memory_space<vmem>> -> memref<128xi32, #tpu.memory_space<vmem>>
      %dma_start3A_95 = arith.constant 0 : i32
      %dma_start3A_96 = arith.constant 0 : i32
      %dma_start3A_97 = tpu.memref_slice %arg4[%dma_start3A_95, %dma_start3A_96] : memref<100352x32xf32, #tpu.memory_space<hbm>> -> memref<100352x32xf32, #tpu.memory_space<hbm>>
      tpu.enqueue_indirect_dma source(%dma_start3A_97 : memref<100352x32xf32, #tpu.memory_space<hbm>>) target(%dma_start3A_91 : memref<128x32xf32, #tpu.memory_space<vmem>>) offsets(%dma_start3A_94 : memref<128xi32, #tpu.memory_space<vmem>>) semaphore(%arg11 : memref<!tpu.dma_semaphore, #tpu.memory_space<semaphore_mem>>)
      %dma_wait3A = arith.constant 0 : i32
      %dma_wait3A_98 = arith.constant 0 : i32
      %dma_wait3A_99 = arith.constant 0 : i32
      %dma_wait3A_100 = arith.constant 0 : i32
      %dma_wait3A_101 = tpu.memref_slice %arg7[%dma_wait3A_98, %dma_wait3A_99, %dma_wait3A_100] : memref<6x128x32xf32, #tpu.memory_space<vmem>> -> memref<1x128x32xf32, #tpu.memory_space<vmem>>
      %dma_wait3A_102 = tpu.memref_squeeze %dma_wait3A_101 : memref<1x128x32xf32, #tpu.memory_space<vmem>> -> memref<128x32xf32, #tpu.memory_space<vmem>>
      %dma_wait3A_103 = arith.constant 0 : i32
      %dma_wait3A_104 = tpu.memref_slice %arg8[%dma_wait3A, %dma_wait3A_103] : memref<14x128xi32, #tpu.memory_space<vmem>> -> memref<1x128xi32, #tpu.memory_space<vmem>>
      %dma_wait3A_105 = tpu.memref_squeeze %dma_wait3A_104 : memref<1x128xi32, #tpu.memory_space<vmem>> -> memref<128xi32, #tpu.memory_space<vmem>>
      %dma_wait3A_106 = arith.constant 0 : i32
      %dma_wait3A_107 = arith.constant 0 : i32
      %dma_wait3A_108 = tpu.memref_slice %arg4[%dma_wait3A_106, %dma_wait3A_107] : memref<100352x32xf32, #tpu.memory_space<hbm>> -> memref<100352x32xf32, #tpu.memory_space<hbm>>
      tpu.wait_indirect_dma semaphore(%arg11 : memref<!tpu.dma_semaphore, #tpu.memory_space<semaphore_mem>>) src(%dma_wait3A_108 : memref<100352x32xf32, #tpu.memory_space<hbm>>) dst(%dma_wait3A_102 : memref<128x32xf32, #tpu.memory_space<vmem>>)
      %run_scoped3A = arith.constant 0 : i32
      %run_scoped3A_109 = arith.constant 0 : i32
      "tpu.region"() ({
        %run_scoped3A_388 = tpu.sem_alloc : memref<!tpu.dma_semaphore, #tpu.memory_space<semaphore_mem>>
        %dma_start3A_389 = arith.constant 0 : i32
        %dma_start3A_390 = arith.constant 0 : i32
        %dma_start3A_391 = tpu.memref_slice %arg7[%run_scoped3A, %dma_start3A_389, %dma_start3A_390] : memref<6x128x32xf32, #tpu.memory_space<vmem>> -> memref<1x128x32xf32, #tpu.memory_space<vmem>>
        %dma_start3A_392 = tpu.memref_squeeze %dma_start3A_391 : memref<1x128x32xf32, #tpu.memory_space<vmem>> -> memref<128x32xf32, #tpu.memory_space<vmem>>
        %dma_start3A_393 = arith.constant 0 : i32
        %dma_start3A_394 = tpu.memref_slice %arg9[%run_scoped3A_109, %dma_start3A_393] : memref<14x128xi32, #tpu.memory_space<vmem>> -> memref<1x128xi32, #tpu.memory_space<vmem>>
        %dma_start3A_395 = tpu.memref_squeeze %dma_start3A_394 : memref<1x128xi32, #tpu.memory_space<vmem>> -> memref<128xi32, #tpu.memory_space<vmem>>
        %dma_start3A_396 = arith.constant 0 : i32
        %dma_start3A_397 = arith.constant 0 : i32
        %dma_start3A_398 = tpu.memref_slice %arg6[%dma_start3A_396, %dma_start3A_397] : memref<50176x32xf32, #tpu.memory_space<vmem_shared>> -> memref<50176x32xf32, #tpu.memory_space<vmem_shared>>
        tpu.enqueue_indirect_dma source(%dma_start3A_392 : memref<128x32xf32, #tpu.memory_space<vmem>>) target(%dma_start3A_398 : memref<50176x32xf32, #tpu.memory_space<vmem_shared>>) offsets(%dma_start3A_395 : memref<128xi32, #tpu.memory_space<vmem>>) semaphore(%run_scoped3A_388 : memref<!tpu.dma_semaphore, #tpu.memory_space<semaphore_mem>>) {add = true}
        %dma_wait3A_399 = arith.constant 0 : i32
        %dma_wait3A_400 = arith.constant 0 : i32
        %dma_wait3A_401 = tpu.memref_slice %arg7[%run_scoped3A, %dma_wait3A_399, %dma_wait3A_400] : memref<6x128x32xf32, #tpu.memory_space<vmem>> -> memref<1x128x32xf32, #tpu.memory_space<vmem>>
        %dma_wait3A_402 = tpu.memref_squeeze %dma_wait3A_401 : memref<1x128x32xf32, #tpu.memory_space<vmem>> -> memref<128x32xf32, #tpu.memory_space<vmem>>
        %dma_wait3A_403 = arith.constant 0 : i32
        %dma_wait3A_404 = tpu.memref_slice %arg9[%run_scoped3A_109, %dma_wait3A_403] : memref<14x128xi32, #tpu.memory_space<vmem>> -> memref<1x128xi32, #tpu.memory_space<vmem>>
        %dma_wait3A_405 = tpu.memref_squeeze %dma_wait3A_404 : memref<1x128xi32, #tpu.memory_space<vmem>> -> memref<128xi32, #tpu.memory_space<vmem>>
        %dma_wait3A_406 = arith.constant 0 : i32
        %dma_wait3A_407 = arith.constant 0 : i32
        %dma_wait3A_408 = tpu.memref_slice %arg6[%dma_wait3A_406, %dma_wait3A_407] : memref<50176x32xf32, #tpu.memory_space<vmem_shared>> -> memref<50176x32xf32, #tpu.memory_space<vmem_shared>>
        tpu.wait_indirect_dma semaphore(%run_scoped3A_388 : memref<!tpu.dma_semaphore, #tpu.memory_space<semaphore_mem>>) src(%dma_wait3A_402 : memref<128x32xf32, #tpu.memory_space<vmem>>) dst(%dma_wait3A_408 : memref<50176x32xf32, #tpu.memory_space<vmem_shared>>)
        tpu.yield
      }) : () -> ()
      %dma_start3A_110 = arith.constant 6 : i32
      %dma_start3A_111 = arith.constant 0 : i32
      %dma_start3A_112 = arith.constant 0 : i32
      %dma_start3A_113 = arith.constant 0 : i32
      %dma_start3A_114 = tpu.memref_slice %arg7[%dma_start3A_111, %dma_start3A_112, %dma_start3A_113] : memref<6x128x32xf32, #tpu.memory_space<vmem>> -> memref<1x128x32xf32, #tpu.memory_space<vmem>>
      %dma_start3A_115 = tpu.memref_squeeze %dma_start3A_114 : memref<1x128x32xf32, #tpu.memory_space<vmem>> -> memref<128x32xf32, #tpu.memory_space<vmem>>
      %dma_start3A_116 = arith.constant 0 : i32
      %dma_start3A_117 = tpu.memref_slice %arg8[%dma_start3A_110, %dma_start3A_116] : memref<14x128xi32, #tpu.memory_space<vmem>> -> memref<1x128xi32, #tpu.memory_space<vmem>>
      %dma_start3A_118 = tpu.memref_squeeze %dma_start3A_117 : memref<1x128xi32, #tpu.memory_space<vmem>> -> memref<128xi32, #tpu.memory_space<vmem>>
      %dma_start3A_119 = arith.constant 0 : i32
      %dma_start3A_120 = arith.constant 0 : i32
      %dma_start3A_121 = tpu.memref_slice %arg4[%dma_start3A_119, %dma_start3A_120] : memref<100352x32xf32, #tpu.memory_space<hbm>> -> memref<100352x32xf32, #tpu.memory_space<hbm>>
      tpu.enqueue_indirect_dma source(%dma_start3A_121 : memref<100352x32xf32, #tpu.memory_space<hbm>>) target(%dma_start3A_115 : memref<128x32xf32, #tpu.memory_space<vmem>>) offsets(%dma_start3A_118 : memref<128xi32, #tpu.memory_space<vmem>>) semaphore(%arg11 : memref<!tpu.dma_semaphore, #tpu.memory_space<semaphore_mem>>)
      %dma_wait3A_122 = arith.constant 1 : i32
      %dma_wait3A_123 = arith.constant 1 : i32
      %dma_wait3A_124 = arith.constant 0 : i32
      %dma_wait3A_125 = arith.constant 0 : i32
      %dma_wait3A_126 = tpu.memref_slice %arg7[%dma_wait3A_123, %dma_wait3A_124, %dma_wait3A_125] : memref<6x128x32xf32, #tpu.memory_space<vmem>> -> memref<1x128x32xf32, #tpu.memory_space<vmem>>
      %dma_wait3A_127 = tpu.memref_squeeze %dma_wait3A_126 : memref<1x128x32xf32, #tpu.memory_space<vmem>> -> memref<128x32xf32, #tpu.memory_space<vmem>>
      %dma_wait3A_128 = arith.constant 0 : i32
      %dma_wait3A_129 = tpu.memref_slice %arg8[%dma_wait3A_122, %dma_wait3A_128] : memref<14x128xi32, #tpu.memory_space<vmem>> -> memref<1x128xi32, #tpu.memory_space<vmem>>
      %dma_wait3A_130 = tpu.memref_squeeze %dma_wait3A_129 : memref<1x128xi32, #tpu.memory_space<vmem>> -> memref<128xi32, #tpu.memory_space<vmem>>
      %dma_wait3A_131 = arith.constant 0 : i32
      %dma_wait3A_132 = arith.constant 0 : i32
      %dma_wait3A_133 = tpu.memref_slice %arg4[%dma_wait3A_131, %dma_wait3A_132] : memref<100352x32xf32, #tpu.memory_space<hbm>> -> memref<100352x32xf32, #tpu.memory_space<hbm>>
      tpu.wait_indirect_dma semaphore(%arg11 : memref<!tpu.dma_semaphore, #tpu.memory_space<semaphore_mem>>) src(%dma_wait3A_133 : memref<100352x32xf32, #tpu.memory_space<hbm>>) dst(%dma_wait3A_127 : memref<128x32xf32, #tpu.memory_space<vmem>>)
      %run_scoped3A_134 = arith.constant 1 : i32
      %run_scoped3A_135 = arith.constant 1 : i32
      "tpu.region"() ({
        %run_scoped3A_388 = tpu.sem_alloc : memref<!tpu.dma_semaphore, #tpu.memory_space<semaphore_mem>>
        %dma_start3A_389 = arith.constant 0 : i32
        %dma_start3A_390 = arith.constant 0 : i32
        %dma_start3A_391 = tpu.memref_slice %arg7[%run_scoped3A_134, %dma_start3A_389, %dma_start3A_390] : memref<6x128x32xf32, #tpu.memory_space<vmem>> -> memref<1x128x32xf32, #tpu.memory_space<vmem>>
        %dma_start3A_392 = tpu.memref_squeeze %dma_start3A_391 : memref<1x128x32xf32, #tpu.memory_space<vmem>> -> memref<128x32xf32, #tpu.memory_space<vmem>>
        %dma_start3A_393 = arith.constant 0 : i32
        %dma_start3A_394 = tpu.memref_slice %arg9[%run_scoped3A_135, %dma_start3A_393] : memref<14x128xi32, #tpu.memory_space<vmem>> -> memref<1x128xi32, #tpu.memory_space<vmem>>
        %dma_start3A_395 = tpu.memref_squeeze %dma_start3A_394 : memref<1x128xi32, #tpu.memory_space<vmem>> -> memref<128xi32, #tpu.memory_space<vmem>>
        %dma_start3A_396 = arith.constant 0 : i32
        %dma_start3A_397 = arith.constant 0 : i32
        %dma_start3A_398 = tpu.memref_slice %arg6[%dma_start3A_396, %dma_start3A_397] : memref<50176x32xf32, #tpu.memory_space<vmem_shared>> -> memref<50176x32xf32, #tpu.memory_space<vmem_shared>>
        tpu.enqueue_indirect_dma source(%dma_start3A_392 : memref<128x32xf32, #tpu.memory_space<vmem>>) target(%dma_start3A_398 : memref<50176x32xf32, #tpu.memory_space<vmem_shared>>) offsets(%dma_start3A_395 : memref<128xi32, #tpu.memory_space<vmem>>) semaphore(%run_scoped3A_388 : memref<!tpu.dma_semaphore, #tpu.memory_space<semaphore_mem>>) {add = true}
        %dma_wait3A_399 = arith.constant 0 : i32
        %dma_wait3A_400 = arith.constant 0 : i32
        %dma_wait3A_401 = tpu.memref_slice %arg7[%run_scoped3A_134, %dma_wait3A_399, %dma_wait3A_400] : memref<6x128x32xf32, #tpu.memory_space<vmem>> -> memref<1x128x32xf32, #tpu.memory_space<vmem>>
        %dma_wait3A_402 = tpu.memref_squeeze %dma_wait3A_401 : memref<1x128x32xf32, #tpu.memory_space<vmem>> -> memref<128x32xf32, #tpu.memory_space<vmem>>
        %dma_wait3A_403 = arith.constant 0 : i32
        %dma_wait3A_404 = tpu.memref_slice %arg9[%run_scoped3A_135, %dma_wait3A_403] : memref<14x128xi32, #tpu.memory_space<vmem>> -> memref<1x128xi32, #tpu.memory_space<vmem>>
        %dma_wait3A_405 = tpu.memref_squeeze %dma_wait3A_404 : memref<1x128xi32, #tpu.memory_space<vmem>> -> memref<128xi32, #tpu.memory_space<vmem>>
        %dma_wait3A_406 = arith.constant 0 : i32
        %dma_wait3A_407 = arith.constant 0 : i32
        %dma_wait3A_408 = tpu.memref_slice %arg6[%dma_wait3A_406, %dma_wait3A_407] : memref<50176x32xf32, #tpu.memory_space<vmem_shared>> -> memref<50176x32xf32, #tpu.memory_space<vmem_shared>>
        tpu.wait_indirect_dma semaphore(%run_scoped3A_388 : memref<!tpu.dma_semaphore, #tpu.memory_space<semaphore_mem>>) src(%dma_wait3A_402 : memref<128x32xf32, #tpu.memory_space<vmem>>) dst(%dma_wait3A_408 : memref<50176x32xf32, #tpu.memory_space<vmem_shared>>)
        tpu.yield
      }) : () -> ()
      %dma_start3A_136 = arith.constant 7 : i32
      %dma_start3A_137 = arith.constant 1 : i32
      %dma_start3A_138 = arith.constant 0 : i32
      %dma_start3A_139 = arith.constant 0 : i32
      %dma_start3A_140 = tpu.memref_slice %arg7[%dma_start3A_137, %dma_start3A_138, %dma_start3A_139] : memref<6x128x32xf32, #tpu.memory_space<vmem>> -> memref<1x128x32xf32, #tpu.memory_space<vmem>>
      %dma_start3A_141 = tpu.memref_squeeze %dma_start3A_140 : memref<1x128x32xf32, #tpu.memory_space<vmem>> -> memref<128x32xf32, #tpu.memory_space<vmem>>
      %dma_start3A_142 = arith.constant 0 : i32
      %dma_start3A_143 = tpu.memref_slice %arg8[%dma_start3A_136, %dma_start3A_142] : memref<14x128xi32, #tpu.memory_space<vmem>> -> memref<1x128xi32, #tpu.memory_space<vmem>>
      %dma_start3A_144 = tpu.memref_squeeze %dma_start3A_143 : memref<1x128xi32, #tpu.memory_space<vmem>> -> memref<128xi32, #tpu.memory_space<vmem>>
      %dma_start3A_145 = arith.constant 0 : i32
      %dma_start3A_146 = arith.constant 0 : i32
      %dma_start3A_147 = tpu.memref_slice %arg4[%dma_start3A_145, %dma_start3A_146] : memref<100352x32xf32, #tpu.memory_space<hbm>> -> memref<100352x32xf32, #tpu.memory_space<hbm>>
      tpu.enqueue_indirect_dma source(%dma_start3A_147 : memref<100352x32xf32, #tpu.memory_space<hbm>>) target(%dma_start3A_141 : memref<128x32xf32, #tpu.memory_space<vmem>>) offsets(%dma_start3A_144 : memref<128xi32, #tpu.memory_space<vmem>>) semaphore(%arg11 : memref<!tpu.dma_semaphore, #tpu.memory_space<semaphore_mem>>)
      %dma_wait3A_148 = arith.constant 2 : i32
      %dma_wait3A_149 = arith.constant 2 : i32
      %dma_wait3A_150 = arith.constant 0 : i32
      %dma_wait3A_151 = arith.constant 0 : i32
      %dma_wait3A_152 = tpu.memref_slice %arg7[%dma_wait3A_149, %dma_wait3A_150, %dma_wait3A_151] : memref<6x128x32xf32, #tpu.memory_space<vmem>> -> memref<1x128x32xf32, #tpu.memory_space<vmem>>
      %dma_wait3A_153 = tpu.memref_squeeze %dma_wait3A_152 : memref<1x128x32xf32, #tpu.memory_space<vmem>> -> memref<128x32xf32, #tpu.memory_space<vmem>>
      %dma_wait3A_154 = arith.constant 0 : i32
      %dma_wait3A_155 = tpu.memref_slice %arg8[%dma_wait3A_148, %dma_wait3A_154] : memref<14x128xi32, #tpu.memory_space<vmem>> -> memref<1x128xi32, #tpu.memory_space<vmem>>
      %dma_wait3A_156 = tpu.memref_squeeze %dma_wait3A_155 : memref<1x128xi32, #tpu.memory_space<vmem>> -> memref<128xi32, #tpu.memory_space<vmem>>
      %dma_wait3A_157 = arith.constant 0 : i32
      %dma_wait3A_158 = arith.constant 0 : i32
      %dma_wait3A_159 = tpu.memref_slice %arg4[%dma_wait3A_157, %dma_wait3A_158] : memref<100352x32xf32, #tpu.memory_space<hbm>> -> memref<100352x32xf32, #tpu.memory_space<hbm>>
      tpu.wait_indirect_dma semaphore(%arg11 : memref<!tpu.dma_semaphore, #tpu.memory_space<semaphore_mem>>) src(%dma_wait3A_159 : memref<100352x32xf32, #tpu.memory_space<hbm>>) dst(%dma_wait3A_153 : memref<128x32xf32, #tpu.memory_space<vmem>>)
      %run_scoped3A_160 = arith.constant 2 : i32
      %run_scoped3A_161 = arith.constant 2 : i32
      "tpu.region"() ({
        %run_scoped3A_388 = tpu.sem_alloc : memref<!tpu.dma_semaphore, #tpu.memory_space<semaphore_mem>>
        %dma_start3A_389 = arith.constant 0 : i32
        %dma_start3A_390 = arith.constant 0 : i32
        %dma_start3A_391 = tpu.memref_slice %arg7[%run_scoped3A_160, %dma_start3A_389, %dma_start3A_390] : memref<6x128x32xf32, #tpu.memory_space<vmem>> -> memref<1x128x32xf32, #tpu.memory_space<vmem>>
        %dma_start3A_392 = tpu.memref_squeeze %dma_start3A_391 : memref<1x128x32xf32, #tpu.memory_space<vmem>> -> memref<128x32xf32, #tpu.memory_space<vmem>>
        %dma_start3A_393 = arith.constant 0 : i32
        %dma_start3A_394 = tpu.memref_slice %arg9[%run_scoped3A_161, %dma_start3A_393] : memref<14x128xi32, #tpu.memory_space<vmem>> -> memref<1x128xi32, #tpu.memory_space<vmem>>
        %dma_start3A_395 = tpu.memref_squeeze %dma_start3A_394 : memref<1x128xi32, #tpu.memory_space<vmem>> -> memref<128xi32, #tpu.memory_space<vmem>>
        %dma_start3A_396 = arith.constant 0 : i32
        %dma_start3A_397 = arith.constant 0 : i32
        %dma_start3A_398 = tpu.memref_slice %arg6[%dma_start3A_396, %dma_start3A_397] : memref<50176x32xf32, #tpu.memory_space<vmem_shared>> -> memref<50176x32xf32, #tpu.memory_space<vmem_shared>>
        tpu.enqueue_indirect_dma source(%dma_start3A_392 : memref<128x32xf32, #tpu.memory_space<vmem>>) target(%dma_start3A_398 : memref<50176x32xf32, #tpu.memory_space<vmem_shared>>) offsets(%dma_start3A_395 : memref<128xi32, #tpu.memory_space<vmem>>) semaphore(%run_scoped3A_388 : memref<!tpu.dma_semaphore, #tpu.memory_space<semaphore_mem>>) {add = true}
        %dma_wait3A_399 = arith.constant 0 : i32
        %dma_wait3A_400 = arith.constant 0 : i32
        %dma_wait3A_401 = tpu.memref_slice %arg7[%run_scoped3A_160, %dma_wait3A_399, %dma_wait3A_400] : memref<6x128x32xf32, #tpu.memory_space<vmem>> -> memref<1x128x32xf32, #tpu.memory_space<vmem>>
        %dma_wait3A_402 = tpu.memref_squeeze %dma_wait3A_401 : memref<1x128x32xf32, #tpu.memory_space<vmem>> -> memref<128x32xf32, #tpu.memory_space<vmem>>
        %dma_wait3A_403 = arith.constant 0 : i32
        %dma_wait3A_404 = tpu.memref_slice %arg9[%run_scoped3A_161, %dma_wait3A_403] : memref<14x128xi32, #tpu.memory_space<vmem>> -> memref<1x128xi32, #tpu.memory_space<vmem>>
        %dma_wait3A_405 = tpu.memref_squeeze %dma_wait3A_404 : memref<1x128xi32, #tpu.memory_space<vmem>> -> memref<128xi32, #tpu.memory_space<vmem>>
        %dma_wait3A_406 = arith.constant 0 : i32
        %dma_wait3A_407 = arith.constant 0 : i32
        %dma_wait3A_408 = tpu.memref_slice %arg6[%dma_wait3A_406, %dma_wait3A_407] : memref<50176x32xf32, #tpu.memory_space<vmem_shared>> -> memref<50176x32xf32, #tpu.memory_space<vmem_shared>>
        tpu.wait_indirect_dma semaphore(%run_scoped3A_388 : memref<!tpu.dma_semaphore, #tpu.memory_space<semaphore_mem>>) src(%dma_wait3A_402 : memref<128x32xf32, #tpu.memory_space<vmem>>) dst(%dma_wait3A_408 : memref<50176x32xf32, #tpu.memory_space<vmem_shared>>)
        tpu.yield
      }) : () -> ()
      %dma_start3A_162 = arith.constant 8 : i32
      %dma_start3A_163 = arith.constant 2 : i32
      %dma_start3A_164 = arith.constant 0 : i32
      %dma_start3A_165 = arith.constant 0 : i32
      %dma_start3A_166 = tpu.memref_slice %arg7[%dma_start3A_163, %dma_start3A_164, %dma_start3A_165] : memref<6x128x32xf32, #tpu.memory_space<vmem>> -> memref<1x128x32xf32, #tpu.memory_space<vmem>>
      %dma_start3A_167 = tpu.memref_squeeze %dma_start3A_166 : memref<1x128x32xf32, #tpu.memory_space<vmem>> -> memref<128x32xf32, #tpu.memory_space<vmem>>
      %dma_start3A_168 = arith.constant 0 : i32
      %dma_start3A_169 = tpu.memref_slice %arg8[%dma_start3A_162, %dma_start3A_168] : memref<14x128xi32, #tpu.memory_space<vmem>> -> memref<1x128xi32, #tpu.memory_space<vmem>>
      %dma_start3A_170 = tpu.memref_squeeze %dma_start3A_169 : memref<1x128xi32, #tpu.memory_space<vmem>> -> memref<128xi32, #tpu.memory_space<vmem>>
      %dma_start3A_171 = arith.constant 0 : i32
      %dma_start3A_172 = arith.constant 0 : i32
      %dma_start3A_173 = tpu.memref_slice %arg4[%dma_start3A_171, %dma_start3A_172] : memref<100352x32xf32, #tpu.memory_space<hbm>> -> memref<100352x32xf32, #tpu.memory_space<hbm>>
      tpu.enqueue_indirect_dma source(%dma_start3A_173 : memref<100352x32xf32, #tpu.memory_space<hbm>>) target(%dma_start3A_167 : memref<128x32xf32, #tpu.memory_space<vmem>>) offsets(%dma_start3A_170 : memref<128xi32, #tpu.memory_space<vmem>>) semaphore(%arg11 : memref<!tpu.dma_semaphore, #tpu.memory_space<semaphore_mem>>)
      %dma_wait3A_174 = arith.constant 3 : i32
      %dma_wait3A_175 = arith.constant 3 : i32
      %dma_wait3A_176 = arith.constant 0 : i32
      %dma_wait3A_177 = arith.constant 0 : i32
      %dma_wait3A_178 = tpu.memref_slice %arg7[%dma_wait3A_175, %dma_wait3A_176, %dma_wait3A_177] : memref<6x128x32xf32, #tpu.memory_space<vmem>> -> memref<1x128x32xf32, #tpu.memory_space<vmem>>
      %dma_wait3A_179 = tpu.memref_squeeze %dma_wait3A_178 : memref<1x128x32xf32, #tpu.memory_space<vmem>> -> memref<128x32xf32, #tpu.memory_space<vmem>>
      %dma_wait3A_180 = arith.constant 0 : i32
      %dma_wait3A_181 = tpu.memref_slice %arg8[%dma_wait3A_174, %dma_wait3A_180] : memref<14x128xi32, #tpu.memory_space<vmem>> -> memref<1x128xi32, #tpu.memory_space<vmem>>
      %dma_wait3A_182 = tpu.memref_squeeze %dma_wait3A_181 : memref<1x128xi32, #tpu.memory_space<vmem>> -> memref<128xi32, #tpu.memory_space<vmem>>
      %dma_wait3A_183 = arith.constant 0 : i32
      %dma_wait3A_184 = arith.constant 0 : i32
      %dma_wait3A_185 = tpu.memref_slice %arg4[%dma_wait3A_183, %dma_wait3A_184] : memref<100352x32xf32, #tpu.memory_space<hbm>> -> memref<100352x32xf32, #tpu.memory_space<hbm>>
      tpu.wait_indirect_dma semaphore(%arg11 : memref<!tpu.dma_semaphore, #tpu.memory_space<semaphore_mem>>) src(%dma_wait3A_185 : memref<100352x32xf32, #tpu.memory_space<hbm>>) dst(%dma_wait3A_179 : memref<128x32xf32, #tpu.memory_space<vmem>>)
      %run_scoped3A_186 = arith.constant 3 : i32
      %run_scoped3A_187 = arith.constant 3 : i32
      "tpu.region"() ({
        %run_scoped3A_388 = tpu.sem_alloc : memref<!tpu.dma_semaphore, #tpu.memory_space<semaphore_mem>>
        %dma_start3A_389 = arith.constant 0 : i32
        %dma_start3A_390 = arith.constant 0 : i32
        %dma_start3A_391 = tpu.memref_slice %arg7[%run_scoped3A_186, %dma_start3A_389, %dma_start3A_390] : memref<6x128x32xf32, #tpu.memory_space<vmem>> -> memref<1x128x32xf32, #tpu.memory_space<vmem>>
        %dma_start3A_392 = tpu.memref_squeeze %dma_start3A_391 : memref<1x128x32xf32, #tpu.memory_space<vmem>> -> memref<128x32xf32, #tpu.memory_space<vmem>>
        %dma_start3A_393 = arith.constant 0 : i32
        %dma_start3A_394 = tpu.memref_slice %arg9[%run_scoped3A_187, %dma_start3A_393] : memref<14x128xi32, #tpu.memory_space<vmem>> -> memref<1x128xi32, #tpu.memory_space<vmem>>
        %dma_start3A_395 = tpu.memref_squeeze %dma_start3A_394 : memref<1x128xi32, #tpu.memory_space<vmem>> -> memref<128xi32, #tpu.memory_space<vmem>>
        %dma_start3A_396 = arith.constant 0 : i32
        %dma_start3A_397 = arith.constant 0 : i32
        %dma_start3A_398 = tpu.memref_slice %arg6[%dma_start3A_396, %dma_start3A_397] : memref<50176x32xf32, #tpu.memory_space<vmem_shared>> -> memref<50176x32xf32, #tpu.memory_space<vmem_shared>>
        tpu.enqueue_indirect_dma source(%dma_start3A_392 : memref<128x32xf32, #tpu.memory_space<vmem>>) target(%dma_start3A_398 : memref<50176x32xf32, #tpu.memory_space<vmem_shared>>) offsets(%dma_start3A_395 : memref<128xi32, #tpu.memory_space<vmem>>) semaphore(%run_scoped3A_388 : memref<!tpu.dma_semaphore, #tpu.memory_space<semaphore_mem>>) {add = true}
        %dma_wait3A_399 = arith.constant 0 : i32
        %dma_wait3A_400 = arith.constant 0 : i32
        %dma_wait3A_401 = tpu.memref_slice %arg7[%run_scoped3A_186, %dma_wait3A_399, %dma_wait3A_400] : memref<6x128x32xf32, #tpu.memory_space<vmem>> -> memref<1x128x32xf32, #tpu.memory_space<vmem>>
        %dma_wait3A_402 = tpu.memref_squeeze %dma_wait3A_401 : memref<1x128x32xf32, #tpu.memory_space<vmem>> -> memref<128x32xf32, #tpu.memory_space<vmem>>
        %dma_wait3A_403 = arith.constant 0 : i32
        %dma_wait3A_404 = tpu.memref_slice %arg9[%run_scoped3A_187, %dma_wait3A_403] : memref<14x128xi32, #tpu.memory_space<vmem>> -> memref<1x128xi32, #tpu.memory_space<vmem>>
        %dma_wait3A_405 = tpu.memref_squeeze %dma_wait3A_404 : memref<1x128xi32, #tpu.memory_space<vmem>> -> memref<128xi32, #tpu.memory_space<vmem>>
        %dma_wait3A_406 = arith.constant 0 : i32
        %dma_wait3A_407 = arith.constant 0 : i32
        %dma_wait3A_408 = tpu.memref_slice %arg6[%dma_wait3A_406, %dma_wait3A_407] : memref<50176x32xf32, #tpu.memory_space<vmem_shared>> -> memref<50176x32xf32, #tpu.memory_space<vmem_shared>>
        tpu.wait_indirect_dma semaphore(%run_scoped3A_388 : memref<!tpu.dma_semaphore, #tpu.memory_space<semaphore_mem>>) src(%dma_wait3A_402 : memref<128x32xf32, #tpu.memory_space<vmem>>) dst(%dma_wait3A_408 : memref<50176x32xf32, #tpu.memory_space<vmem_shared>>)
        tpu.yield
      }) : () -> ()
      %dma_start3A_188 = arith.constant 9 : i32
      %dma_start3A_189 = arith.constant 3 : i32
      %dma_start3A_190 = arith.constant 0 : i32
      %dma_start3A_191 = arith.constant 0 : i32
      %dma_start3A_192 = tpu.memref_slice %arg7[%dma_start3A_189, %dma_start3A_190, %dma_start3A_191] : memref<6x128x32xf32, #tpu.memory_space<vmem>> -> memref<1x128x32xf32, #tpu.memory_space<vmem>>
      %dma_start3A_193 = tpu.memref_squeeze %dma_start3A_192 : memref<1x128x32xf32, #tpu.memory_space<vmem>> -> memref<128x32xf32, #tpu.memory_space<vmem>>
      %dma_start3A_194 = arith.constant 0 : i32
      %dma_start3A_195 = tpu.memref_slice %arg8[%dma_start3A_188, %dma_start3A_194] : memref<14x128xi32, #tpu.memory_space<vmem>> -> memref<1x128xi32, #tpu.memory_space<vmem>>
      %dma_start3A_196 = tpu.memref_squeeze %dma_start3A_195 : memref<1x128xi32, #tpu.memory_space<vmem>> -> memref<128xi32, #tpu.memory_space<vmem>>
      %dma_start3A_197 = arith.constant 0 : i32
      %dma_start3A_198 = arith.constant 0 : i32
      %dma_start3A_199 = tpu.memref_slice %arg4[%dma_start3A_197, %dma_start3A_198] : memref<100352x32xf32, #tpu.memory_space<hbm>> -> memref<100352x32xf32, #tpu.memory_space<hbm>>
      tpu.enqueue_indirect_dma source(%dma_start3A_199 : memref<100352x32xf32, #tpu.memory_space<hbm>>) target(%dma_start3A_193 : memref<128x32xf32, #tpu.memory_space<vmem>>) offsets(%dma_start3A_196 : memref<128xi32, #tpu.memory_space<vmem>>) semaphore(%arg11 : memref<!tpu.dma_semaphore, #tpu.memory_space<semaphore_mem>>)
      %dma_wait3A_200 = arith.constant 4 : i32
      %dma_wait3A_201 = arith.constant 4 : i32
      %dma_wait3A_202 = arith.constant 0 : i32
      %dma_wait3A_203 = arith.constant 0 : i32
      %dma_wait3A_204 = tpu.memref_slice %arg7[%dma_wait3A_201, %dma_wait3A_202, %dma_wait3A_203] : memref<6x128x32xf32, #tpu.memory_space<vmem>> -> memref<1x128x32xf32, #tpu.memory_space<vmem>>
      %dma_wait3A_205 = tpu.memref_squeeze %dma_wait3A_204 : memref<1x128x32xf32, #tpu.memory_space<vmem>> -> memref<128x32xf32, #tpu.memory_space<vmem>>
      %dma_wait3A_206 = arith.constant 0 : i32
      %dma_wait3A_207 = tpu.memref_slice %arg8[%dma_wait3A_200, %dma_wait3A_206] : memref<14x128xi32, #tpu.memory_space<vmem>> -> memref<1x128xi32, #tpu.memory_space<vmem>>
      %dma_wait3A_208 = tpu.memref_squeeze %dma_wait3A_207 : memref<1x128xi32, #tpu.memory_space<vmem>> -> memref<128xi32, #tpu.memory_space<vmem>>
      %dma_wait3A_209 = arith.constant 0 : i32
      %dma_wait3A_210 = arith.constant 0 : i32
      %dma_wait3A_211 = tpu.memref_slice %arg4[%dma_wait3A_209, %dma_wait3A_210] : memref<100352x32xf32, #tpu.memory_space<hbm>> -> memref<100352x32xf32, #tpu.memory_space<hbm>>
      tpu.wait_indirect_dma semaphore(%arg11 : memref<!tpu.dma_semaphore, #tpu.memory_space<semaphore_mem>>) src(%dma_wait3A_211 : memref<100352x32xf32, #tpu.memory_space<hbm>>) dst(%dma_wait3A_205 : memref<128x32xf32, #tpu.memory_space<vmem>>)
      %run_scoped3A_212 = arith.constant 4 : i32
      %run_scoped3A_213 = arith.constant 4 : i32
      "tpu.region"() ({
        %run_scoped3A_388 = tpu.sem_alloc : memref<!tpu.dma_semaphore, #tpu.memory_space<semaphore_mem>>
        %dma_start3A_389 = arith.constant 0 : i32
        %dma_start3A_390 = arith.constant 0 : i32
        %dma_start3A_391 = tpu.memref_slice %arg7[%run_scoped3A_212, %dma_start3A_389, %dma_start3A_390] : memref<6x128x32xf32, #tpu.memory_space<vmem>> -> memref<1x128x32xf32, #tpu.memory_space<vmem>>
        %dma_start3A_392 = tpu.memref_squeeze %dma_start3A_391 : memref<1x128x32xf32, #tpu.memory_space<vmem>> -> memref<128x32xf32, #tpu.memory_space<vmem>>
        %dma_start3A_393 = arith.constant 0 : i32
        %dma_start3A_394 = tpu.memref_slice %arg9[%run_scoped3A_213, %dma_start3A_393] : memref<14x128xi32, #tpu.memory_space<vmem>> -> memref<1x128xi32, #tpu.memory_space<vmem>>
        %dma_start3A_395 = tpu.memref_squeeze %dma_start3A_394 : memref<1x128xi32, #tpu.memory_space<vmem>> -> memref<128xi32, #tpu.memory_space<vmem>>
        %dma_start3A_396 = arith.constant 0 : i32
        %dma_start3A_397 = arith.constant 0 : i32
        %dma_start3A_398 = tpu.memref_slice %arg6[%dma_start3A_396, %dma_start3A_397] : memref<50176x32xf32, #tpu.memory_space<vmem_shared>> -> memref<50176x32xf32, #tpu.memory_space<vmem_shared>>
        tpu.enqueue_indirect_dma source(%dma_start3A_392 : memref<128x32xf32, #tpu.memory_space<vmem>>) target(%dma_start3A_398 : memref<50176x32xf32, #tpu.memory_space<vmem_shared>>) offsets(%dma_start3A_395 : memref<128xi32, #tpu.memory_space<vmem>>) semaphore(%run_scoped3A_388 : memref<!tpu.dma_semaphore, #tpu.memory_space<semaphore_mem>>) {add = true}
        %dma_wait3A_399 = arith.constant 0 : i32
        %dma_wait3A_400 = arith.constant 0 : i32
        %dma_wait3A_401 = tpu.memref_slice %arg7[%run_scoped3A_212, %dma_wait3A_399, %dma_wait3A_400] : memref<6x128x32xf32, #tpu.memory_space<vmem>> -> memref<1x128x32xf32, #tpu.memory_space<vmem>>
        %dma_wait3A_402 = tpu.memref_squeeze %dma_wait3A_401 : memref<1x128x32xf32, #tpu.memory_space<vmem>> -> memref<128x32xf32, #tpu.memory_space<vmem>>
        %dma_wait3A_403 = arith.constant 0 : i32
        %dma_wait3A_404 = tpu.memref_slice %arg9[%run_scoped3A_213, %dma_wait3A_403] : memref<14x128xi32, #tpu.memory_space<vmem>> -> memref<1x128xi32, #tpu.memory_space<vmem>>
        %dma_wait3A_405 = tpu.memref_squeeze %dma_wait3A_404 : memref<1x128xi32, #tpu.memory_space<vmem>> -> memref<128xi32, #tpu.memory_space<vmem>>
        %dma_wait3A_406 = arith.constant 0 : i32
        %dma_wait3A_407 = arith.constant 0 : i32
        %dma_wait3A_408 = tpu.memref_slice %arg6[%dma_wait3A_406, %dma_wait3A_407] : memref<50176x32xf32, #tpu.memory_space<vmem_shared>> -> memref<50176x32xf32, #tpu.memory_space<vmem_shared>>
        tpu.wait_indirect_dma semaphore(%run_scoped3A_388 : memref<!tpu.dma_semaphore, #tpu.memory_space<semaphore_mem>>) src(%dma_wait3A_402 : memref<128x32xf32, #tpu.memory_space<vmem>>) dst(%dma_wait3A_408 : memref<50176x32xf32, #tpu.memory_space<vmem_shared>>)
        tpu.yield
      }) : () -> ()
      %dma_start3A_214 = arith.constant 10 : i32
      %dma_start3A_215 = arith.constant 4 : i32
      %dma_start3A_216 = arith.constant 0 : i32
      %dma_start3A_217 = arith.constant 0 : i32
      %dma_start3A_218 = tpu.memref_slice %arg7[%dma_start3A_215, %dma_start3A_216, %dma_start3A_217] : memref<6x128x32xf32, #tpu.memory_space<vmem>> -> memref<1x128x32xf32, #tpu.memory_space<vmem>>
      %dma_start3A_219 = tpu.memref_squeeze %dma_start3A_218 : memref<1x128x32xf32, #tpu.memory_space<vmem>> -> memref<128x32xf32, #tpu.memory_space<vmem>>
      %dma_start3A_220 = arith.constant 0 : i32
      %dma_start3A_221 = tpu.memref_slice %arg8[%dma_start3A_214, %dma_start3A_220] : memref<14x128xi32, #tpu.memory_space<vmem>> -> memref<1x128xi32, #tpu.memory_space<vmem>>
      %dma_start3A_222 = tpu.memref_squeeze %dma_start3A_221 : memref<1x128xi32, #tpu.memory_space<vmem>> -> memref<128xi32, #tpu.memory_space<vmem>>
      %dma_start3A_223 = arith.constant 0 : i32
      %dma_start3A_224 = arith.constant 0 : i32
      %dma_start3A_225 = tpu.memref_slice %arg4[%dma_start3A_223, %dma_start3A_224] : memref<100352x32xf32, #tpu.memory_space<hbm>> -> memref<100352x32xf32, #tpu.memory_space<hbm>>
      tpu.enqueue_indirect_dma source(%dma_start3A_225 : memref<100352x32xf32, #tpu.memory_space<hbm>>) target(%dma_start3A_219 : memref<128x32xf32, #tpu.memory_space<vmem>>) offsets(%dma_start3A_222 : memref<128xi32, #tpu.memory_space<vmem>>) semaphore(%arg11 : memref<!tpu.dma_semaphore, #tpu.memory_space<semaphore_mem>>)
      %dma_wait3A_226 = arith.constant 5 : i32
      %dma_wait3A_227 = arith.constant 5 : i32
      %dma_wait3A_228 = arith.constant 0 : i32
      %dma_wait3A_229 = arith.constant 0 : i32
      %dma_wait3A_230 = tpu.memref_slice %arg7[%dma_wait3A_227, %dma_wait3A_228, %dma_wait3A_229] : memref<6x128x32xf32, #tpu.memory_space<vmem>> -> memref<1x128x32xf32, #tpu.memory_space<vmem>>
      %dma_wait3A_231 = tpu.memref_squeeze %dma_wait3A_230 : memref<1x128x32xf32, #tpu.memory_space<vmem>> -> memref<128x32xf32, #tpu.memory_space<vmem>>
      %dma_wait3A_232 = arith.constant 0 : i32
      %dma_wait3A_233 = tpu.memref_slice %arg8[%dma_wait3A_226, %dma_wait3A_232] : memref<14x128xi32, #tpu.memory_space<vmem>> -> memref<1x128xi32, #tpu.memory_space<vmem>>
      %dma_wait3A_234 = tpu.memref_squeeze %dma_wait3A_233 : memref<1x128xi32, #tpu.memory_space<vmem>> -> memref<128xi32, #tpu.memory_space<vmem>>
      %dma_wait3A_235 = arith.constant 0 : i32
      %dma_wait3A_236 = arith.constant 0 : i32
      %dma_wait3A_237 = tpu.memref_slice %arg4[%dma_wait3A_235, %dma_wait3A_236] : memref<100352x32xf32, #tpu.memory_space<hbm>> -> memref<100352x32xf32, #tpu.memory_space<hbm>>
      tpu.wait_indirect_dma semaphore(%arg11 : memref<!tpu.dma_semaphore, #tpu.memory_space<semaphore_mem>>) src(%dma_wait3A_237 : memref<100352x32xf32, #tpu.memory_space<hbm>>) dst(%dma_wait3A_231 : memref<128x32xf32, #tpu.memory_space<vmem>>)
      %run_scoped3A_238 = arith.constant 5 : i32
      %run_scoped3A_239 = arith.constant 5 : i32
      "tpu.region"() ({
        %run_scoped3A_388 = tpu.sem_alloc : memref<!tpu.dma_semaphore, #tpu.memory_space<semaphore_mem>>
        %dma_start3A_389 = arith.constant 0 : i32
        %dma_start3A_390 = arith.constant 0 : i32
        %dma_start3A_391 = tpu.memref_slice %arg7[%run_scoped3A_238, %dma_start3A_389, %dma_start3A_390] : memref<6x128x32xf32, #tpu.memory_space<vmem>> -> memref<1x128x32xf32, #tpu.memory_space<vmem>>
        %dma_start3A_392 = tpu.memref_squeeze %dma_start3A_391 : memref<1x128x32xf32, #tpu.memory_space<vmem>> -> memref<128x32xf32, #tpu.memory_space<vmem>>
        %dma_start3A_393 = arith.constant 0 : i32
        %dma_start3A_394 = tpu.memref_slice %arg9[%run_scoped3A_239, %dma_start3A_393] : memref<14x128xi32, #tpu.memory_space<vmem>> -> memref<1x128xi32, #tpu.memory_space<vmem>>
        %dma_start3A_395 = tpu.memref_squeeze %dma_start3A_394 : memref<1x128xi32, #tpu.memory_space<vmem>> -> memref<128xi32, #tpu.memory_space<vmem>>
        %dma_start3A_396 = arith.constant 0 : i32
        %dma_start3A_397 = arith.constant 0 : i32
        %dma_start3A_398 = tpu.memref_slice %arg6[%dma_start3A_396, %dma_start3A_397] : memref<50176x32xf32, #tpu.memory_space<vmem_shared>> -> memref<50176x32xf32, #tpu.memory_space<vmem_shared>>
        tpu.enqueue_indirect_dma source(%dma_start3A_392 : memref<128x32xf32, #tpu.memory_space<vmem>>) target(%dma_start3A_398 : memref<50176x32xf32, #tpu.memory_space<vmem_shared>>) offsets(%dma_start3A_395 : memref<128xi32, #tpu.memory_space<vmem>>) semaphore(%run_scoped3A_388 : memref<!tpu.dma_semaphore, #tpu.memory_space<semaphore_mem>>) {add = true}
        %dma_wait3A_399 = arith.constant 0 : i32
        %dma_wait3A_400 = arith.constant 0 : i32
        %dma_wait3A_401 = tpu.memref_slice %arg7[%run_scoped3A_238, %dma_wait3A_399, %dma_wait3A_400] : memref<6x128x32xf32, #tpu.memory_space<vmem>> -> memref<1x128x32xf32, #tpu.memory_space<vmem>>
        %dma_wait3A_402 = tpu.memref_squeeze %dma_wait3A_401 : memref<1x128x32xf32, #tpu.memory_space<vmem>> -> memref<128x32xf32, #tpu.memory_space<vmem>>
        %dma_wait3A_403 = arith.constant 0 : i32
        %dma_wait3A_404 = tpu.memref_slice %arg9[%run_scoped3A_239, %dma_wait3A_403] : memref<14x128xi32, #tpu.memory_space<vmem>> -> memref<1x128xi32, #tpu.memory_space<vmem>>
        %dma_wait3A_405 = tpu.memref_squeeze %dma_wait3A_404 : memref<1x128xi32, #tpu.memory_space<vmem>> -> memref<128xi32, #tpu.memory_space<vmem>>
        %dma_wait3A_406 = arith.constant 0 : i32
        %dma_wait3A_407 = arith.constant 0 : i32
        %dma_wait3A_408 = tpu.memref_slice %arg6[%dma_wait3A_406, %dma_wait3A_407] : memref<50176x32xf32, #tpu.memory_space<vmem_shared>> -> memref<50176x32xf32, #tpu.memory_space<vmem_shared>>
        tpu.wait_indirect_dma semaphore(%run_scoped3A_388 : memref<!tpu.dma_semaphore, #tpu.memory_space<semaphore_mem>>) src(%dma_wait3A_402 : memref<128x32xf32, #tpu.memory_space<vmem>>) dst(%dma_wait3A_408 : memref<50176x32xf32, #tpu.memory_space<vmem_shared>>)
        tpu.yield
      }) : () -> ()
      %dma_start3A_240 = arith.constant 11 : i32
      %dma_start3A_241 = arith.constant 5 : i32
      %dma_start3A_242 = arith.constant 0 : i32
      %dma_start3A_243 = arith.constant 0 : i32
      %dma_start3A_244 = tpu.memref_slice %arg7[%dma_start3A_241, %dma_start3A_242, %dma_start3A_243] : memref<6x128x32xf32, #tpu.memory_space<vmem>> -> memref<1x128x32xf32, #tpu.memory_space<vmem>>
      %dma_start3A_245 = tpu.memref_squeeze %dma_start3A_244 : memref<1x128x32xf32, #tpu.memory_space<vmem>> -> memref<128x32xf32, #tpu.memory_space<vmem>>
      %dma_start3A_246 = arith.constant 0 : i32
      %dma_start3A_247 = tpu.memref_slice %arg8[%dma_start3A_240, %dma_start3A_246] : memref<14x128xi32, #tpu.memory_space<vmem>> -> memref<1x128xi32, #tpu.memory_space<vmem>>
      %dma_start3A_248 = tpu.memref_squeeze %dma_start3A_247 : memref<1x128xi32, #tpu.memory_space<vmem>> -> memref<128xi32, #tpu.memory_space<vmem>>
      %dma_start3A_249 = arith.constant 0 : i32
      %dma_start3A_250 = arith.constant 0 : i32
      %dma_start3A_251 = tpu.memref_slice %arg4[%dma_start3A_249, %dma_start3A_250] : memref<100352x32xf32, #tpu.memory_space<hbm>> -> memref<100352x32xf32, #tpu.memory_space<hbm>>
      tpu.enqueue_indirect_dma source(%dma_start3A_251 : memref<100352x32xf32, #tpu.memory_space<hbm>>) target(%dma_start3A_245 : memref<128x32xf32, #tpu.memory_space<vmem>>) offsets(%dma_start3A_248 : memref<128xi32, #tpu.memory_space<vmem>>) semaphore(%arg11 : memref<!tpu.dma_semaphore, #tpu.memory_space<semaphore_mem>>)
      %dma_wait3A_252 = arith.constant 6 : i32
      %dma_wait3A_253 = arith.constant 0 : i32
      %dma_wait3A_254 = arith.constant 0 : i32
      %dma_wait3A_255 = arith.constant 0 : i32
      %dma_wait3A_256 = tpu.memref_slice %arg7[%dma_wait3A_253, %dma_wait3A_254, %dma_wait3A_255] : memref<6x128x32xf32, #tpu.memory_space<vmem>> -> memref<1x128x32xf32, #tpu.memory_space<vmem>>
      %dma_wait3A_257 = tpu.memref_squeeze %dma_wait3A_256 : memref<1x128x32xf32, #tpu.memory_space<vmem>> -> memref<128x32xf32, #tpu.memory_space<vmem>>
      %dma_wait3A_258 = arith.constant 0 : i32
      %dma_wait3A_259 = tpu.memref_slice %arg8[%dma_wait3A_252, %dma_wait3A_258] : memref<14x128xi32, #tpu.memory_space<vmem>> -> memref<1x128xi32, #tpu.memory_space<vmem>>
      %dma_wait3A_260 = tpu.memref_squeeze %dma_wait3A_259 : memref<1x128xi32, #tpu.memory_space<vmem>> -> memref<128xi32, #tpu.memory_space<vmem>>
      %dma_wait3A_261 = arith.constant 0 : i32
      %dma_wait3A_262 = arith.constant 0 : i32
      %dma_wait3A_263 = tpu.memref_slice %arg4[%dma_wait3A_261, %dma_wait3A_262] : memref<100352x32xf32, #tpu.memory_space<hbm>> -> memref<100352x32xf32, #tpu.memory_space<hbm>>
      tpu.wait_indirect_dma semaphore(%arg11 : memref<!tpu.dma_semaphore, #tpu.memory_space<semaphore_mem>>) src(%dma_wait3A_263 : memref<100352x32xf32, #tpu.memory_space<hbm>>) dst(%dma_wait3A_257 : memref<128x32xf32, #tpu.memory_space<vmem>>)
      %run_scoped3A_264 = arith.constant 0 : i32
      %run_scoped3A_265 = arith.constant 6 : i32
      "tpu.region"() ({
        %run_scoped3A_388 = tpu.sem_alloc : memref<!tpu.dma_semaphore, #tpu.memory_space<semaphore_mem>>
        %dma_start3A_389 = arith.constant 0 : i32
        %dma_start3A_390 = arith.constant 0 : i32
        %dma_start3A_391 = tpu.memref_slice %arg7[%run_scoped3A_264, %dma_start3A_389, %dma_start3A_390] : memref<6x128x32xf32, #tpu.memory_space<vmem>> -> memref<1x128x32xf32, #tpu.memory_space<vmem>>
        %dma_start3A_392 = tpu.memref_squeeze %dma_start3A_391 : memref<1x128x32xf32, #tpu.memory_space<vmem>> -> memref<128x32xf32, #tpu.memory_space<vmem>>
        %dma_start3A_393 = arith.constant 0 : i32
        %dma_start3A_394 = tpu.memref_slice %arg9[%run_scoped3A_265, %dma_start3A_393] : memref<14x128xi32, #tpu.memory_space<vmem>> -> memref<1x128xi32, #tpu.memory_space<vmem>>
        %dma_start3A_395 = tpu.memref_squeeze %dma_start3A_394 : memref<1x128xi32, #tpu.memory_space<vmem>> -> memref<128xi32, #tpu.memory_space<vmem>>
        %dma_start3A_396 = arith.constant 0 : i32
        %dma_start3A_397 = arith.constant 0 : i32
        %dma_start3A_398 = tpu.memref_slice %arg6[%dma_start3A_396, %dma_start3A_397] : memref<50176x32xf32, #tpu.memory_space<vmem_shared>> -> memref<50176x32xf32, #tpu.memory_space<vmem_shared>>
        tpu.enqueue_indirect_dma source(%dma_start3A_392 : memref<128x32xf32, #tpu.memory_space<vmem>>) target(%dma_start3A_398 : memref<50176x32xf32, #tpu.memory_space<vmem_shared>>) offsets(%dma_start3A_395 : memref<128xi32, #tpu.memory_space<vmem>>) semaphore(%run_scoped3A_388 : memref<!tpu.dma_semaphore, #tpu.memory_space<semaphore_mem>>) {add = true}
        %dma_wait3A_399 = arith.constant 0 : i32
        %dma_wait3A_400 = arith.constant 0 : i32
        %dma_wait3A_401 = tpu.memref_slice %arg7[%run_scoped3A_264, %dma_wait3A_399, %dma_wait3A_400] : memref<6x128x32xf32, #tpu.memory_space<vmem>> -> memref<1x128x32xf32, #tpu.memory_space<vmem>>
        %dma_wait3A_402 = tpu.memref_squeeze %dma_wait3A_401 : memref<1x128x32xf32, #tpu.memory_space<vmem>> -> memref<128x32xf32, #tpu.memory_space<vmem>>
        %dma_wait3A_403 = arith.constant 0 : i32
        %dma_wait3A_404 = tpu.memref_slice %arg9[%run_scoped3A_265, %dma_wait3A_403] : memref<14x128xi32, #tpu.memory_space<vmem>> -> memref<1x128xi32, #tpu.memory_space<vmem>>
        %dma_wait3A_405 = tpu.memref_squeeze %dma_wait3A_404 : memref<1x128xi32, #tpu.memory_space<vmem>> -> memref<128xi32, #tpu.memory_space<vmem>>
        %dma_wait3A_406 = arith.constant 0 : i32
        %dma_wait3A_407 = arith.constant 0 : i32
        %dma_wait3A_408 = tpu.memref_slice %arg6[%dma_wait3A_406, %dma_wait3A_407] : memref<50176x32xf32, #tpu.memory_space<vmem_shared>> -> memref<50176x32xf32, #tpu.memory_space<vmem_shared>>
        tpu.wait_indirect_dma semaphore(%run_scoped3A_388 : memref<!tpu.dma_semaphore, #tpu.memory_space<semaphore_mem>>) src(%dma_wait3A_402 : memref<128x32xf32, #tpu.memory_space<vmem>>) dst(%dma_wait3A_408 : memref<50176x32xf32, #tpu.memory_space<vmem_shared>>)
        tpu.yield
      }) : () -> ()
      %dma_start3A_266 = arith.constant 12 : i32
      %dma_start3A_267 = arith.constant 0 : i32
      %dma_start3A_268 = arith.constant 0 : i32
      %dma_start3A_269 = arith.constant 0 : i32
      %dma_start3A_270 = tpu.memref_slice %arg7[%dma_start3A_267, %dma_start3A_268, %dma_start3A_269] : memref<6x128x32xf32, #tpu.memory_space<vmem>> -> memref<1x128x32xf32, #tpu.memory_space<vmem>>
      %dma_start3A_271 = tpu.memref_squeeze %dma_start3A_270 : memref<1x128x32xf32, #tpu.memory_space<vmem>> -> memref<128x32xf32, #tpu.memory_space<vmem>>
      %dma_start3A_272 = arith.constant 0 : i32
      %dma_start3A_273 = tpu.memref_slice %arg8[%dma_start3A_266, %dma_start3A_272] : memref<14x128xi32, #tpu.memory_space<vmem>> -> memref<1x128xi32, #tpu.memory_space<vmem>>
      %dma_start3A_274 = tpu.memref_squeeze %dma_start3A_273 : memref<1x128xi32, #tpu.memory_space<vmem>> -> memref<128xi32, #tpu.memory_space<vmem>>
      %dma_start3A_275 = arith.constant 0 : i32
      %dma_start3A_276 = arith.constant 0 : i32
      %dma_start3A_277 = tpu.memref_slice %arg4[%dma_start3A_275, %dma_start3A_276] : memref<100352x32xf32, #tpu.memory_space<hbm>> -> memref<100352x32xf32, #tpu.memory_space<hbm>>
      tpu.enqueue_indirect_dma source(%dma_start3A_277 : memref<100352x32xf32, #tpu.memory_space<hbm>>) target(%dma_start3A_271 : memref<128x32xf32, #tpu.memory_space<vmem>>) offsets(%dma_start3A_274 : memref<128xi32, #tpu.memory_space<vmem>>) semaphore(%arg11 : memref<!tpu.dma_semaphore, #tpu.memory_space<semaphore_mem>>)
      %dma_wait3A_278 = arith.constant 7 : i32
      %dma_wait3A_279 = arith.constant 1 : i32
      %dma_wait3A_280 = arith.constant 0 : i32
      %dma_wait3A_281 = arith.constant 0 : i32
      %dma_wait3A_282 = tpu.memref_slice %arg7[%dma_wait3A_279, %dma_wait3A_280, %dma_wait3A_281] : memref<6x128x32xf32, #tpu.memory_space<vmem>> -> memref<1x128x32xf32, #tpu.memory_space<vmem>>
      %dma_wait3A_283 = tpu.memref_squeeze %dma_wait3A_282 : memref<1x128x32xf32, #tpu.memory_space<vmem>> -> memref<128x32xf32, #tpu.memory_space<vmem>>
      %dma_wait3A_284 = arith.constant 0 : i32
      %dma_wait3A_285 = tpu.memref_slice %arg8[%dma_wait3A_278, %dma_wait3A_284] : memref<14x128xi32, #tpu.memory_space<vmem>> -> memref<1x128xi32, #tpu.memory_space<vmem>>
      %dma_wait3A_286 = tpu.memref_squeeze %dma_wait3A_285 : memref<1x128xi32, #tpu.memory_space<vmem>> -> memref<128xi32, #tpu.memory_space<vmem>>
      %dma_wait3A_287 = arith.constant 0 : i32
      %dma_wait3A_288 = arith.constant 0 : i32
      %dma_wait3A_289 = tpu.memref_slice %arg4[%dma_wait3A_287, %dma_wait3A_288] : memref<100352x32xf32, #tpu.memory_space<hbm>> -> memref<100352x32xf32, #tpu.memory_space<hbm>>
      tpu.wait_indirect_dma semaphore(%arg11 : memref<!tpu.dma_semaphore, #tpu.memory_space<semaphore_mem>>) src(%dma_wait3A_289 : memref<100352x32xf32, #tpu.memory_space<hbm>>) dst(%dma_wait3A_283 : memref<128x32xf32, #tpu.memory_space<vmem>>)
      %run_scoped3A_290 = arith.constant 1 : i32
      %run_scoped3A_291 = arith.constant 7 : i32
      "tpu.region"() ({
        %run_scoped3A_388 = tpu.sem_alloc : memref<!tpu.dma_semaphore, #tpu.memory_space<semaphore_mem>>
        %dma_start3A_389 = arith.constant 0 : i32
        %dma_start3A_390 = arith.constant 0 : i32
        %dma_start3A_391 = tpu.memref_slice %arg7[%run_scoped3A_290, %dma_start3A_389, %dma_start3A_390] : memref<6x128x32xf32, #tpu.memory_space<vmem>> -> memref<1x128x32xf32, #tpu.memory_space<vmem>>
        %dma_start3A_392 = tpu.memref_squeeze %dma_start3A_391 : memref<1x128x32xf32, #tpu.memory_space<vmem>> -> memref<128x32xf32, #tpu.memory_space<vmem>>
        %dma_start3A_393 = arith.constant 0 : i32
        %dma_start3A_394 = tpu.memref_slice %arg9[%run_scoped3A_291, %dma_start3A_393] : memref<14x128xi32, #tpu.memory_space<vmem>> -> memref<1x128xi32, #tpu.memory_space<vmem>>
        %dma_start3A_395 = tpu.memref_squeeze %dma_start3A_394 : memref<1x128xi32, #tpu.memory_space<vmem>> -> memref<128xi32, #tpu.memory_space<vmem>>
        %dma_start3A_396 = arith.constant 0 : i32
        %dma_start3A_397 = arith.constant 0 : i32
        %dma_start3A_398 = tpu.memref_slice %arg6[%dma_start3A_396, %dma_start3A_397] : memref<50176x32xf32, #tpu.memory_space<vmem_shared>> -> memref<50176x32xf32, #tpu.memory_space<vmem_shared>>
        tpu.enqueue_indirect_dma source(%dma_start3A_392 : memref<128x32xf32, #tpu.memory_space<vmem>>) target(%dma_start3A_398 : memref<50176x32xf32, #tpu.memory_space<vmem_shared>>) offsets(%dma_start3A_395 : memref<128xi32, #tpu.memory_space<vmem>>) semaphore(%run_scoped3A_388 : memref<!tpu.dma_semaphore, #tpu.memory_space<semaphore_mem>>) {add = true}
        %dma_wait3A_399 = arith.constant 0 : i32
        %dma_wait3A_400 = arith.constant 0 : i32
        %dma_wait3A_401 = tpu.memref_slice %arg7[%run_scoped3A_290, %dma_wait3A_399, %dma_wait3A_400] : memref<6x128x32xf32, #tpu.memory_space<vmem>> -> memref<1x128x32xf32, #tpu.memory_space<vmem>>
        %dma_wait3A_402 = tpu.memref_squeeze %dma_wait3A_401 : memref<1x128x32xf32, #tpu.memory_space<vmem>> -> memref<128x32xf32, #tpu.memory_space<vmem>>
        %dma_wait3A_403 = arith.constant 0 : i32
        %dma_wait3A_404 = tpu.memref_slice %arg9[%run_scoped3A_291, %dma_wait3A_403] : memref<14x128xi32, #tpu.memory_space<vmem>> -> memref<1x128xi32, #tpu.memory_space<vmem>>
        %dma_wait3A_405 = tpu.memref_squeeze %dma_wait3A_404 : memref<1x128xi32, #tpu.memory_space<vmem>> -> memref<128xi32, #tpu.memory_space<vmem>>
        %dma_wait3A_406 = arith.constant 0 : i32
        %dma_wait3A_407 = arith.constant 0 : i32
        %dma_wait3A_408 = tpu.memref_slice %arg6[%dma_wait3A_406, %dma_wait3A_407] : memref<50176x32xf32, #tpu.memory_space<vmem_shared>> -> memref<50176x32xf32, #tpu.memory_space<vmem_shared>>
        tpu.wait_indirect_dma semaphore(%run_scoped3A_388 : memref<!tpu.dma_semaphore, #tpu.memory_space<semaphore_mem>>) src(%dma_wait3A_402 : memref<128x32xf32, #tpu.memory_space<vmem>>) dst(%dma_wait3A_408 : memref<50176x32xf32, #tpu.memory_space<vmem_shared>>)
        tpu.yield
      }) : () -> ()
      %dma_start3A_292 = arith.constant 13 : i32
      %dma_start3A_293 = arith.constant 1 : i32
      %dma_start3A_294 = arith.constant 0 : i32
      %dma_start3A_295 = arith.constant 0 : i32
      %dma_start3A_296 = tpu.memref_slice %arg7[%dma_start3A_293, %dma_start3A_294, %dma_start3A_295] : memref<6x128x32xf32, #tpu.memory_space<vmem>> -> memref<1x128x32xf32, #tpu.memory_space<vmem>>
      %dma_start3A_297 = tpu.memref_squeeze %dma_start3A_296 : memref<1x128x32xf32, #tpu.memory_space<vmem>> -> memref<128x32xf32, #tpu.memory_space<vmem>>
      %dma_start3A_298 = arith.constant 0 : i32
      %dma_start3A_299 = tpu.memref_slice %arg8[%dma_start3A_292, %dma_start3A_298] : memref<14x128xi32, #tpu.memory_space<vmem>> -> memref<1x128xi32, #tpu.memory_space<vmem>>
      %dma_start3A_300 = tpu.memref_squeeze %dma_start3A_299 : memref<1x128xi32, #tpu.memory_space<vmem>> -> memref<128xi32, #tpu.memory_space<vmem>>
      %dma_start3A_301 = arith.constant 0 : i32
      %dma_start3A_302 = arith.constant 0 : i32
      %dma_start3A_303 = tpu.memref_slice %arg4[%dma_start3A_301, %dma_start3A_302] : memref<100352x32xf32, #tpu.memory_space<hbm>> -> memref<100352x32xf32, #tpu.memory_space<hbm>>
      tpu.enqueue_indirect_dma source(%dma_start3A_303 : memref<100352x32xf32, #tpu.memory_space<hbm>>) target(%dma_start3A_297 : memref<128x32xf32, #tpu.memory_space<vmem>>) offsets(%dma_start3A_300 : memref<128xi32, #tpu.memory_space<vmem>>) semaphore(%arg11 : memref<!tpu.dma_semaphore, #tpu.memory_space<semaphore_mem>>)
      %dma_wait3A_304 = arith.constant 8 : i32
      %dma_wait3A_305 = arith.constant 2 : i32
      %dma_wait3A_306 = arith.constant 0 : i32
      %dma_wait3A_307 = arith.constant 0 : i32
      %dma_wait3A_308 = tpu.memref_slice %arg7[%dma_wait3A_305, %dma_wait3A_306, %dma_wait3A_307] : memref<6x128x32xf32, #tpu.memory_space<vmem>> -> memref<1x128x32xf32, #tpu.memory_space<vmem>>
      %dma_wait3A_309 = tpu.memref_squeeze %dma_wait3A_308 : memref<1x128x32xf32, #tpu.memory_space<vmem>> -> memref<128x32xf32, #tpu.memory_space<vmem>>
      %dma_wait3A_310 = arith.constant 0 : i32
      %dma_wait3A_311 = tpu.memref_slice %arg8[%dma_wait3A_304, %dma_wait3A_310] : memref<14x128xi32, #tpu.memory_space<vmem>> -> memref<1x128xi32, #tpu.memory_space<vmem>>
      %dma_wait3A_312 = tpu.memref_squeeze %dma_wait3A_311 : memref<1x128xi32, #tpu.memory_space<vmem>> -> memref<128xi32, #tpu.memory_space<vmem>>
      %dma_wait3A_313 = arith.constant 0 : i32
      %dma_wait3A_314 = arith.constant 0 : i32
      %dma_wait3A_315 = tpu.memref_slice %arg4[%dma_wait3A_313, %dma_wait3A_314] : memref<100352x32xf32, #tpu.memory_space<hbm>> -> memref<100352x32xf32, #tpu.memory_space<hbm>>
      tpu.wait_indirect_dma semaphore(%arg11 : memref<!tpu.dma_semaphore, #tpu.memory_space<semaphore_mem>>) src(%dma_wait3A_315 : memref<100352x32xf32, #tpu.memory_space<hbm>>) dst(%dma_wait3A_309 : memref<128x32xf32, #tpu.memory_space<vmem>>)
      %run_scoped3A_316 = arith.constant 2 : i32
      %run_scoped3A_317 = arith.constant 8 : i32
      "tpu.region"() ({
        %run_scoped3A_388 = tpu.sem_alloc : memref<!tpu.dma_semaphore, #tpu.memory_space<semaphore_mem>>
        %dma_start3A_389 = arith.constant 0 : i32
        %dma_start3A_390 = arith.constant 0 : i32
        %dma_start3A_391 = tpu.memref_slice %arg7[%run_scoped3A_316, %dma_start3A_389, %dma_start3A_390] : memref<6x128x32xf32, #tpu.memory_space<vmem>> -> memref<1x128x32xf32, #tpu.memory_space<vmem>>
        %dma_start3A_392 = tpu.memref_squeeze %dma_start3A_391 : memref<1x128x32xf32, #tpu.memory_space<vmem>> -> memref<128x32xf32, #tpu.memory_space<vmem>>
        %dma_start3A_393 = arith.constant 0 : i32
        %dma_start3A_394 = tpu.memref_slice %arg9[%run_scoped3A_317, %dma_start3A_393] : memref<14x128xi32, #tpu.memory_space<vmem>> -> memref<1x128xi32, #tpu.memory_space<vmem>>
        %dma_start3A_395 = tpu.memref_squeeze %dma_start3A_394 : memref<1x128xi32, #tpu.memory_space<vmem>> -> memref<128xi32, #tpu.memory_space<vmem>>
        %dma_start3A_396 = arith.constant 0 : i32
        %dma_start3A_397 = arith.constant 0 : i32
        %dma_start3A_398 = tpu.memref_slice %arg6[%dma_start3A_396, %dma_start3A_397] : memref<50176x32xf32, #tpu.memory_space<vmem_shared>> -> memref<50176x32xf32, #tpu.memory_space<vmem_shared>>
        tpu.enqueue_indirect_dma source(%dma_start3A_392 : memref<128x32xf32, #tpu.memory_space<vmem>>) target(%dma_start3A_398 : memref<50176x32xf32, #tpu.memory_space<vmem_shared>>) offsets(%dma_start3A_395 : memref<128xi32, #tpu.memory_space<vmem>>) semaphore(%run_scoped3A_388 : memref<!tpu.dma_semaphore, #tpu.memory_space<semaphore_mem>>) {add = true}
        %dma_wait3A_399 = arith.constant 0 : i32
        %dma_wait3A_400 = arith.constant 0 : i32
        %dma_wait3A_401 = tpu.memref_slice %arg7[%run_scoped3A_316, %dma_wait3A_399, %dma_wait3A_400] : memref<6x128x32xf32, #tpu.memory_space<vmem>> -> memref<1x128x32xf32, #tpu.memory_space<vmem>>
        %dma_wait3A_402 = tpu.memref_squeeze %dma_wait3A_401 : memref<1x128x32xf32, #tpu.memory_space<vmem>> -> memref<128x32xf32, #tpu.memory_space<vmem>>
        %dma_wait3A_403 = arith.constant 0 : i32
        %dma_wait3A_404 = tpu.memref_slice %arg9[%run_scoped3A_317, %dma_wait3A_403] : memref<14x128xi32, #tpu.memory_space<vmem>> -> memref<1x128xi32, #tpu.memory_space<vmem>>
        %dma_wait3A_405 = tpu.memref_squeeze %dma_wait3A_404 : memref<1x128xi32, #tpu.memory_space<vmem>> -> memref<128xi32, #tpu.memory_space<vmem>>
        %dma_wait3A_406 = arith.constant 0 : i32
        %dma_wait3A_407 = arith.constant 0 : i32
        %dma_wait3A_408 = tpu.memref_slice %arg6[%dma_wait3A_406, %dma_wait3A_407] : memref<50176x32xf32, #tpu.memory_space<vmem_shared>> -> memref<50176x32xf32, #tpu.memory_space<vmem_shared>>
        tpu.wait_indirect_dma semaphore(%run_scoped3A_388 : memref<!tpu.dma_semaphore, #tpu.memory_space<semaphore_mem>>) src(%dma_wait3A_402 : memref<128x32xf32, #tpu.memory_space<vmem>>) dst(%dma_wait3A_408 : memref<50176x32xf32, #tpu.memory_space<vmem_shared>>)
        tpu.yield
      }) : () -> ()
      %dma_wait3A_318 = arith.constant 9 : i32
      %dma_wait3A_319 = arith.constant 3 : i32
      %dma_wait3A_320 = arith.constant 0 : i32
      %dma_wait3A_321 = arith.constant 0 : i32
      %dma_wait3A_322 = tpu.memref_slice %arg7[%dma_wait3A_319, %dma_wait3A_320, %dma_wait3A_321] : memref<6x128x32xf32, #tpu.memory_space<vmem>> -> memref<1x128x32xf32, #tpu.memory_space<vmem>>
      %dma_wait3A_323 = tpu.memref_squeeze %dma_wait3A_322 : memref<1x128x32xf32, #tpu.memory_space<vmem>> -> memref<128x32xf32, #tpu.memory_space<vmem>>
      %dma_wait3A_324 = arith.constant 0 : i32
      %dma_wait3A_325 = tpu.memref_slice %arg8[%dma_wait3A_318, %dma_wait3A_324] : memref<14x128xi32, #tpu.memory_space<vmem>> -> memref<1x128xi32, #tpu.memory_space<vmem>>
      %dma_wait3A_326 = tpu.memref_squeeze %dma_wait3A_325 : memref<1x128xi32, #tpu.memory_space<vmem>> -> memref<128xi32, #tpu.memory_space<vmem>>
      %dma_wait3A_327 = arith.constant 0 : i32
      %dma_wait3A_328 = arith.constant 0 : i32
      %dma_wait3A_329 = tpu.memref_slice %arg4[%dma_wait3A_327, %dma_wait3A_328] : memref<100352x32xf32, #tpu.memory_space<hbm>> -> memref<100352x32xf32, #tpu.memory_space<hbm>>
      tpu.wait_indirect_dma semaphore(%arg11 : memref<!tpu.dma_semaphore, #tpu.memory_space<semaphore_mem>>) src(%dma_wait3A_329 : memref<100352x32xf32, #tpu.memory_space<hbm>>) dst(%dma_wait3A_323 : memref<128x32xf32, #tpu.memory_space<vmem>>)
      %run_scoped3A_330 = arith.constant 3 : i32
      %run_scoped3A_331 = arith.constant 9 : i32
      "tpu.region"() ({
        %run_scoped3A_388 = tpu.sem_alloc : memref<!tpu.dma_semaphore, #tpu.memory_space<semaphore_mem>>
        %dma_start3A_389 = arith.constant 0 : i32
        %dma_start3A_390 = arith.constant 0 : i32
        %dma_start3A_391 = tpu.memref_slice %arg7[%run_scoped3A_330, %dma_start3A_389, %dma_start3A_390] : memref<6x128x32xf32, #tpu.memory_space<vmem>> -> memref<1x128x32xf32, #tpu.memory_space<vmem>>
        %dma_start3A_392 = tpu.memref_squeeze %dma_start3A_391 : memref<1x128x32xf32, #tpu.memory_space<vmem>> -> memref<128x32xf32, #tpu.memory_space<vmem>>
        %dma_start3A_393 = arith.constant 0 : i32
        %dma_start3A_394 = tpu.memref_slice %arg9[%run_scoped3A_331, %dma_start3A_393] : memref<14x128xi32, #tpu.memory_space<vmem>> -> memref<1x128xi32, #tpu.memory_space<vmem>>
        %dma_start3A_395 = tpu.memref_squeeze %dma_start3A_394 : memref<1x128xi32, #tpu.memory_space<vmem>> -> memref<128xi32, #tpu.memory_space<vmem>>
        %dma_start3A_396 = arith.constant 0 : i32
        %dma_start3A_397 = arith.constant 0 : i32
        %dma_start3A_398 = tpu.memref_slice %arg6[%dma_start3A_396, %dma_start3A_397] : memref<50176x32xf32, #tpu.memory_space<vmem_shared>> -> memref<50176x32xf32, #tpu.memory_space<vmem_shared>>
        tpu.enqueue_indirect_dma source(%dma_start3A_392 : memref<128x32xf32, #tpu.memory_space<vmem>>) target(%dma_start3A_398 : memref<50176x32xf32, #tpu.memory_space<vmem_shared>>) offsets(%dma_start3A_395 : memref<128xi32, #tpu.memory_space<vmem>>) semaphore(%run_scoped3A_388 : memref<!tpu.dma_semaphore, #tpu.memory_space<semaphore_mem>>) {add = true}
        %dma_wait3A_399 = arith.constant 0 : i32
        %dma_wait3A_400 = arith.constant 0 : i32
        %dma_wait3A_401 = tpu.memref_slice %arg7[%run_scoped3A_330, %dma_wait3A_399, %dma_wait3A_400] : memref<6x128x32xf32, #tpu.memory_space<vmem>> -> memref<1x128x32xf32, #tpu.memory_space<vmem>>
        %dma_wait3A_402 = tpu.memref_squeeze %dma_wait3A_401 : memref<1x128x32xf32, #tpu.memory_space<vmem>> -> memref<128x32xf32, #tpu.memory_space<vmem>>
        %dma_wait3A_403 = arith.constant 0 : i32
        %dma_wait3A_404 = tpu.memref_slice %arg9[%run_scoped3A_331, %dma_wait3A_403] : memref<14x128xi32, #tpu.memory_space<vmem>> -> memref<1x128xi32, #tpu.memory_space<vmem>>
        %dma_wait3A_405 = tpu.memref_squeeze %dma_wait3A_404 : memref<1x128xi32, #tpu.memory_space<vmem>> -> memref<128xi32, #tpu.memory_space<vmem>>
        %dma_wait3A_406 = arith.constant 0 : i32
        %dma_wait3A_407 = arith.constant 0 : i32
        %dma_wait3A_408 = tpu.memref_slice %arg6[%dma_wait3A_406, %dma_wait3A_407] : memref<50176x32xf32, #tpu.memory_space<vmem_shared>> -> memref<50176x32xf32, #tpu.memory_space<vmem_shared>>
        tpu.wait_indirect_dma semaphore(%run_scoped3A_388 : memref<!tpu.dma_semaphore, #tpu.memory_space<semaphore_mem>>) src(%dma_wait3A_402 : memref<128x32xf32, #tpu.memory_space<vmem>>) dst(%dma_wait3A_408 : memref<50176x32xf32, #tpu.memory_space<vmem_shared>>)
        tpu.yield
      }) : () -> ()
      %dma_wait3A_332 = arith.constant 10 : i32
      %dma_wait3A_333 = arith.constant 4 : i32
      %dma_wait3A_334 = arith.constant 0 : i32
      %dma_wait3A_335 = arith.constant 0 : i32
      %dma_wait3A_336 = tpu.memref_slice %arg7[%dma_wait3A_333, %dma_wait3A_334, %dma_wait3A_335] : memref<6x128x32xf32, #tpu.memory_space<vmem>> -> memref<1x128x32xf32, #tpu.memory_space<vmem>>
      %dma_wait3A_337 = tpu.memref_squeeze %dma_wait3A_336 : memref<1x128x32xf32, #tpu.memory_space<vmem>> -> memref<128x32xf32, #tpu.memory_space<vmem>>
      %dma_wait3A_338 = arith.constant 0 : i32
      %dma_wait3A_339 = tpu.memref_slice %arg8[%dma_wait3A_332, %dma_wait3A_338] : memref<14x128xi32, #tpu.memory_space<vmem>> -> memref<1x128xi32, #tpu.memory_space<vmem>>
      %dma_wait3A_340 = tpu.memref_squeeze %dma_wait3A_339 : memref<1x128xi32, #tpu.memory_space<vmem>> -> memref<128xi32, #tpu.memory_space<vmem>>
      %dma_wait3A_341 = arith.constant 0 : i32
      %dma_wait3A_342 = arith.constant 0 : i32
      %dma_wait3A_343 = tpu.memref_slice %arg4[%dma_wait3A_341, %dma_wait3A_342] : memref<100352x32xf32, #tpu.memory_space<hbm>> -> memref<100352x32xf32, #tpu.memory_space<hbm>>
      tpu.wait_indirect_dma semaphore(%arg11 : memref<!tpu.dma_semaphore, #tpu.memory_space<semaphore_mem>>) src(%dma_wait3A_343 : memref<100352x32xf32, #tpu.memory_space<hbm>>) dst(%dma_wait3A_337 : memref<128x32xf32, #tpu.memory_space<vmem>>)
      %run_scoped3A_344 = arith.constant 4 : i32
      %run_scoped3A_345 = arith.constant 10 : i32
      "tpu.region"() ({
        %run_scoped3A_388 = tpu.sem_alloc : memref<!tpu.dma_semaphore, #tpu.memory_space<semaphore_mem>>
        %dma_start3A_389 = arith.constant 0 : i32
        %dma_start3A_390 = arith.constant 0 : i32
        %dma_start3A_391 = tpu.memref_slice %arg7[%run_scoped3A_344, %dma_start3A_389, %dma_start3A_390] : memref<6x128x32xf32, #tpu.memory_space<vmem>> -> memref<1x128x32xf32, #tpu.memory_space<vmem>>
        %dma_start3A_392 = tpu.memref_squeeze %dma_start3A_391 : memref<1x128x32xf32, #tpu.memory_space<vmem>> -> memref<128x32xf32, #tpu.memory_space<vmem>>
        %dma_start3A_393 = arith.constant 0 : i32
        %dma_start3A_394 = tpu.memref_slice %arg9[%run_scoped3A_345, %dma_start3A_393] : memref<14x128xi32, #tpu.memory_space<vmem>> -> memref<1x128xi32, #tpu.memory_space<vmem>>
        %dma_start3A_395 = tpu.memref_squeeze %dma_start3A_394 : memref<1x128xi32, #tpu.memory_space<vmem>> -> memref<128xi32, #tpu.memory_space<vmem>>
        %dma_start3A_396 = arith.constant 0 : i32
        %dma_start3A_397 = arith.constant 0 : i32
        %dma_start3A_398 = tpu.memref_slice %arg6[%dma_start3A_396, %dma_start3A_397] : memref<50176x32xf32, #tpu.memory_space<vmem_shared>> -> memref<50176x32xf32, #tpu.memory_space<vmem_shared>>
        tpu.enqueue_indirect_dma source(%dma_start3A_392 : memref<128x32xf32, #tpu.memory_space<vmem>>) target(%dma_start3A_398 : memref<50176x32xf32, #tpu.memory_space<vmem_shared>>) offsets(%dma_start3A_395 : memref<128xi32, #tpu.memory_space<vmem>>) semaphore(%run_scoped3A_388 : memref<!tpu.dma_semaphore, #tpu.memory_space<semaphore_mem>>) {add = true}
        %dma_wait3A_399 = arith.constant 0 : i32
        %dma_wait3A_400 = arith.constant 0 : i32
        %dma_wait3A_401 = tpu.memref_slice %arg7[%run_scoped3A_344, %dma_wait3A_399, %dma_wait3A_400] : memref<6x128x32xf32, #tpu.memory_space<vmem>> -> memref<1x128x32xf32, #tpu.memory_space<vmem>>
        %dma_wait3A_402 = tpu.memref_squeeze %dma_wait3A_401 : memref<1x128x32xf32, #tpu.memory_space<vmem>> -> memref<128x32xf32, #tpu.memory_space<vmem>>
        %dma_wait3A_403 = arith.constant 0 : i32
        %dma_wait3A_404 = tpu.memref_slice %arg9[%run_scoped3A_345, %dma_wait3A_403] : memref<14x128xi32, #tpu.memory_space<vmem>> -> memref<1x128xi32, #tpu.memory_space<vmem>>
        %dma_wait3A_405 = tpu.memref_squeeze %dma_wait3A_404 : memref<1x128xi32, #tpu.memory_space<vmem>> -> memref<128xi32, #tpu.memory_space<vmem>>
        %dma_wait3A_406 = arith.constant 0 : i32
        %dma_wait3A_407 = arith.constant 0 : i32
        %dma_wait3A_408 = tpu.memref_slice %arg6[%dma_wait3A_406, %dma_wait3A_407] : memref<50176x32xf32, #tpu.memory_space<vmem_shared>> -> memref<50176x32xf32, #tpu.memory_space<vmem_shared>>
        tpu.wait_indirect_dma semaphore(%run_scoped3A_388 : memref<!tpu.dma_semaphore, #tpu.memory_space<semaphore_mem>>) src(%dma_wait3A_402 : memref<128x32xf32, #tpu.memory_space<vmem>>) dst(%dma_wait3A_408 : memref<50176x32xf32, #tpu.memory_space<vmem_shared>>)
        tpu.yield
      }) : () -> ()
      %dma_wait3A_346 = arith.constant 11 : i32
      %dma_wait3A_347 = arith.constant 5 : i32
      %dma_wait3A_348 = arith.constant 0 : i32
      %dma_wait3A_349 = arith.constant 0 : i32
      %dma_wait3A_350 = tpu.memref_slice %arg7[%dma_wait3A_347, %dma_wait3A_348, %dma_wait3A_349] : memref<6x128x32xf32, #tpu.memory_space<vmem>> -> memref<1x128x32xf32, #tpu.memory_space<vmem>>
      %dma_wait3A_351 = tpu.memref_squeeze %dma_wait3A_350 : memref<1x128x32xf32, #tpu.memory_space<vmem>> -> memref<128x32xf32, #tpu.memory_space<vmem>>
      %dma_wait3A_352 = arith.constant 0 : i32
      %dma_wait3A_353 = tpu.memref_slice %arg8[%dma_wait3A_346, %dma_wait3A_352] : memref<14x128xi32, #tpu.memory_space<vmem>> -> memref<1x128xi32, #tpu.memory_space<vmem>>
      %dma_wait3A_354 = tpu.memref_squeeze %dma_wait3A_353 : memref<1x128xi32, #tpu.memory_space<vmem>> -> memref<128xi32, #tpu.memory_space<vmem>>
      %dma_wait3A_355 = arith.constant 0 : i32
      %dma_wait3A_356 = arith.constant 0 : i32
      %dma_wait3A_357 = tpu.memref_slice %arg4[%dma_wait3A_355, %dma_wait3A_356] : memref<100352x32xf32, #tpu.memory_space<hbm>> -> memref<100352x32xf32, #tpu.memory_space<hbm>>
      tpu.wait_indirect_dma semaphore(%arg11 : memref<!tpu.dma_semaphore, #tpu.memory_space<semaphore_mem>>) src(%dma_wait3A_357 : memref<100352x32xf32, #tpu.memory_space<hbm>>) dst(%dma_wait3A_351 : memref<128x32xf32, #tpu.memory_space<vmem>>)
      %run_scoped3A_358 = arith.constant 5 : i32
      %run_scoped3A_359 = arith.constant 11 : i32
      "tpu.region"() ({
        %run_scoped3A_388 = tpu.sem_alloc : memref<!tpu.dma_semaphore, #tpu.memory_space<semaphore_mem>>
        %dma_start3A_389 = arith.constant 0 : i32
        %dma_start3A_390 = arith.constant 0 : i32
        %dma_start3A_391 = tpu.memref_slice %arg7[%run_scoped3A_358, %dma_start3A_389, %dma_start3A_390] : memref<6x128x32xf32, #tpu.memory_space<vmem>> -> memref<1x128x32xf32, #tpu.memory_space<vmem>>
        %dma_start3A_392 = tpu.memref_squeeze %dma_start3A_391 : memref<1x128x32xf32, #tpu.memory_space<vmem>> -> memref<128x32xf32, #tpu.memory_space<vmem>>
        %dma_start3A_393 = arith.constant 0 : i32
        %dma_start3A_394 = tpu.memref_slice %arg9[%run_scoped3A_359, %dma_start3A_393] : memref<14x128xi32, #tpu.memory_space<vmem>> -> memref<1x128xi32, #tpu.memory_space<vmem>>
        %dma_start3A_395 = tpu.memref_squeeze %dma_start3A_394 : memref<1x128xi32, #tpu.memory_space<vmem>> -> memref<128xi32, #tpu.memory_space<vmem>>
        %dma_start3A_396 = arith.constant 0 : i32
        %dma_start3A_397 = arith.constant 0 : i32
        %dma_start3A_398 = tpu.memref_slice %arg6[%dma_start3A_396, %dma_start3A_397] : memref<50176x32xf32, #tpu.memory_space<vmem_shared>> -> memref<50176x32xf32, #tpu.memory_space<vmem_shared>>
        tpu.enqueue_indirect_dma source(%dma_start3A_392 : memref<128x32xf32, #tpu.memory_space<vmem>>) target(%dma_start3A_398 : memref<50176x32xf32, #tpu.memory_space<vmem_shared>>) offsets(%dma_start3A_395 : memref<128xi32, #tpu.memory_space<vmem>>) semaphore(%run_scoped3A_388 : memref<!tpu.dma_semaphore, #tpu.memory_space<semaphore_mem>>) {add = true}
        %dma_wait3A_399 = arith.constant 0 : i32
        %dma_wait3A_400 = arith.constant 0 : i32
        %dma_wait3A_401 = tpu.memref_slice %arg7[%run_scoped3A_358, %dma_wait3A_399, %dma_wait3A_400] : memref<6x128x32xf32, #tpu.memory_space<vmem>> -> memref<1x128x32xf32, #tpu.memory_space<vmem>>
        %dma_wait3A_402 = tpu.memref_squeeze %dma_wait3A_401 : memref<1x128x32xf32, #tpu.memory_space<vmem>> -> memref<128x32xf32, #tpu.memory_space<vmem>>
        %dma_wait3A_403 = arith.constant 0 : i32
        %dma_wait3A_404 = tpu.memref_slice %arg9[%run_scoped3A_359, %dma_wait3A_403] : memref<14x128xi32, #tpu.memory_space<vmem>> -> memref<1x128xi32, #tpu.memory_space<vmem>>
        %dma_wait3A_405 = tpu.memref_squeeze %dma_wait3A_404 : memref<1x128xi32, #tpu.memory_space<vmem>> -> memref<128xi32, #tpu.memory_space<vmem>>
        %dma_wait3A_406 = arith.constant 0 : i32
        %dma_wait3A_407 = arith.constant 0 : i32
        %dma_wait3A_408 = tpu.memref_slice %arg6[%dma_wait3A_406, %dma_wait3A_407] : memref<50176x32xf32, #tpu.memory_space<vmem_shared>> -> memref<50176x32xf32, #tpu.memory_space<vmem_shared>>
        tpu.wait_indirect_dma semaphore(%run_scoped3A_388 : memref<!tpu.dma_semaphore, #tpu.memory_space<semaphore_mem>>) src(%dma_wait3A_402 : memref<128x32xf32, #tpu.memory_space<vmem>>) dst(%dma_wait3A_408 : memref<50176x32xf32, #tpu.memory_space<vmem_shared>>)
        tpu.yield
      }) : () -> ()
      %dma_wait3A_360 = arith.constant 12 : i32
      %dma_wait3A_361 = arith.constant 0 : i32
      %dma_wait3A_362 = arith.constant 0 : i32
      %dma_wait3A_363 = arith.constant 0 : i32
      %dma_wait3A_364 = tpu.memref_slice %arg7[%dma_wait3A_361, %dma_wait3A_362, %dma_wait3A_363] : memref<6x128x32xf32, #tpu.memory_space<vmem>> -> memref<1x128x32xf32, #tpu.memory_space<vmem>>
      %dma_wait3A_365 = tpu.memref_squeeze %dma_wait3A_364 : memref<1x128x32xf32, #tpu.memory_space<vmem>> -> memref<128x32xf32, #tpu.memory_space<vmem>>
      %dma_wait3A_366 = arith.constant 0 : i32
      %dma_wait3A_367 = tpu.memref_slice %arg8[%dma_wait3A_360, %dma_wait3A_366] : memref<14x128xi32, #tpu.memory_space<vmem>> -> memref<1x128xi32, #tpu.memory_space<vmem>>
      %dma_wait3A_368 = tpu.memref_squeeze %dma_wait3A_367 : memref<1x128xi32, #tpu.memory_space<vmem>> -> memref<128xi32, #tpu.memory_space<vmem>>
      %dma_wait3A_369 = arith.constant 0 : i32
      %dma_wait3A_370 = arith.constant 0 : i32
      %dma_wait3A_371 = tpu.memref_slice %arg4[%dma_wait3A_369, %dma_wait3A_370] : memref<100352x32xf32, #tpu.memory_space<hbm>> -> memref<100352x32xf32, #tpu.memory_space<hbm>>
      tpu.wait_indirect_dma semaphore(%arg11 : memref<!tpu.dma_semaphore, #tpu.memory_space<semaphore_mem>>) src(%dma_wait3A_371 : memref<100352x32xf32, #tpu.memory_space<hbm>>) dst(%dma_wait3A_365 : memref<128x32xf32, #tpu.memory_space<vmem>>)
      %run_scoped3A_372 = arith.constant 0 : i32
      %run_scoped3A_373 = arith.constant 12 : i32
      "tpu.region"() ({
        %run_scoped3A_388 = tpu.sem_alloc : memref<!tpu.dma_semaphore, #tpu.memory_space<semaphore_mem>>
        %dma_start3A_389 = arith.constant 0 : i32
        %dma_start3A_390 = arith.constant 0 : i32
        %dma_start3A_391 = tpu.memref_slice %arg7[%run_scoped3A_372, %dma_start3A_389, %dma_start3A_390] : memref<6x128x32xf32, #tpu.memory_space<vmem>> -> memref<1x128x32xf32, #tpu.memory_space<vmem>>
        %dma_start3A_392 = tpu.memref_squeeze %dma_start3A_391 : memref<1x128x32xf32, #tpu.memory_space<vmem>> -> memref<128x32xf32, #tpu.memory_space<vmem>>
        %dma_start3A_393 = arith.constant 0 : i32
        %dma_start3A_394 = tpu.memref_slice %arg9[%run_scoped3A_373, %dma_start3A_393] : memref<14x128xi32, #tpu.memory_space<vmem>> -> memref<1x128xi32, #tpu.memory_space<vmem>>
        %dma_start3A_395 = tpu.memref_squeeze %dma_start3A_394 : memref<1x128xi32, #tpu.memory_space<vmem>> -> memref<128xi32, #tpu.memory_space<vmem>>
        %dma_start3A_396 = arith.constant 0 : i32
        %dma_start3A_397 = arith.constant 0 : i32
        %dma_start3A_398 = tpu.memref_slice %arg6[%dma_start3A_396, %dma_start3A_397] : memref<50176x32xf32, #tpu.memory_space<vmem_shared>> -> memref<50176x32xf32, #tpu.memory_space<vmem_shared>>
        tpu.enqueue_indirect_dma source(%dma_start3A_392 : memref<128x32xf32, #tpu.memory_space<vmem>>) target(%dma_start3A_398 : memref<50176x32xf32, #tpu.memory_space<vmem_shared>>) offsets(%dma_start3A_395 : memref<128xi32, #tpu.memory_space<vmem>>) semaphore(%run_scoped3A_388 : memref<!tpu.dma_semaphore, #tpu.memory_space<semaphore_mem>>) {add = true}
        %dma_wait3A_399 = arith.constant 0 : i32
        %dma_wait3A_400 = arith.constant 0 : i32
        %dma_wait3A_401 = tpu.memref_slice %arg7[%run_scoped3A_372, %dma_wait3A_399, %dma_wait3A_400] : memref<6x128x32xf32, #tpu.memory_space<vmem>> -> memref<1x128x32xf32, #tpu.memory_space<vmem>>
        %dma_wait3A_402 = tpu.memref_squeeze %dma_wait3A_401 : memref<1x128x32xf32, #tpu.memory_space<vmem>> -> memref<128x32xf32, #tpu.memory_space<vmem>>
        %dma_wait3A_403 = arith.constant 0 : i32
        %dma_wait3A_404 = tpu.memref_slice %arg9[%run_scoped3A_373, %dma_wait3A_403] : memref<14x128xi32, #tpu.memory_space<vmem>> -> memref<1x128xi32, #tpu.memory_space<vmem>>
        %dma_wait3A_405 = tpu.memref_squeeze %dma_wait3A_404 : memref<1x128xi32, #tpu.memory_space<vmem>> -> memref<128xi32, #tpu.memory_space<vmem>>
        %dma_wait3A_406 = arith.constant 0 : i32
        %dma_wait3A_407 = arith.constant 0 : i32
        %dma_wait3A_408 = tpu.memref_slice %arg6[%dma_wait3A_406, %dma_wait3A_407] : memref<50176x32xf32, #tpu.memory_space<vmem_shared>> -> memref<50176x32xf32, #tpu.memory_space<vmem_shared>>
        tpu.wait_indirect_dma semaphore(%run_scoped3A_388 : memref<!tpu.dma_semaphore, #tpu.memory_space<semaphore_mem>>) src(%dma_wait3A_402 : memref<128x32xf32, #tpu.memory_space<vmem>>) dst(%dma_wait3A_408 : memref<50176x32xf32, #tpu.memory_space<vmem_shared>>)
        tpu.yield
      }) : () -> ()
      %dma_wait3A_374 = arith.constant 13 : i32
      %dma_wait3A_375 = arith.constant 1 : i32
      %dma_wait3A_376 = arith.constant 0 : i32
      %dma_wait3A_377 = arith.constant 0 : i32
      %dma_wait3A_378 = tpu.memref_slice %arg7[%dma_wait3A_375, %dma_wait3A_376, %dma_wait3A_377] : memref<6x128x32xf32, #tpu.memory_space<vmem>> -> memref<1x128x32xf32, #tpu.memory_space<vmem>>
      %dma_wait3A_379 = tpu.memref_squeeze %dma_wait3A_378 : memref<1x128x32xf32, #tpu.memory_space<vmem>> -> memref<128x32xf32, #tpu.memory_space<vmem>>
      %dma_wait3A_380 = arith.constant 0 : i32
      %dma_wait3A_381 = tpu.memref_slice %arg8[%dma_wait3A_374, %dma_wait3A_380] : memref<14x128xi32, #tpu.memory_space<vmem>> -> memref<1x128xi32, #tpu.memory_space<vmem>>
      %dma_wait3A_382 = tpu.memref_squeeze %dma_wait3A_381 : memref<1x128xi32, #tpu.memory_space<vmem>> -> memref<128xi32, #tpu.memory_space<vmem>>
      %dma_wait3A_383 = arith.constant 0 : i32
      %dma_wait3A_384 = arith.constant 0 : i32
      %dma_wait3A_385 = tpu.memref_slice %arg4[%dma_wait3A_383, %dma_wait3A_384] : memref<100352x32xf32, #tpu.memory_space<hbm>> -> memref<100352x32xf32, #tpu.memory_space<hbm>>
      tpu.wait_indirect_dma semaphore(%arg11 : memref<!tpu.dma_semaphore, #tpu.memory_space<semaphore_mem>>) src(%dma_wait3A_385 : memref<100352x32xf32, #tpu.memory_space<hbm>>) dst(%dma_wait3A_379 : memref<128x32xf32, #tpu.memory_space<vmem>>)
      %run_scoped3A_386 = arith.constant 1 : i32
      %run_scoped3A_387 = arith.constant 13 : i32
      "tpu.region"() ({
        %run_scoped3A_388 = tpu.sem_alloc : memref<!tpu.dma_semaphore, #tpu.memory_space<semaphore_mem>>
        %dma_start3A_389 = arith.constant 0 : i32
        %dma_start3A_390 = arith.constant 0 : i32
        %dma_start3A_391 = tpu.memref_slice %arg7[%run_scoped3A_386, %dma_start3A_389, %dma_start3A_390] : memref<6x128x32xf32, #tpu.memory_space<vmem>> -> memref<1x128x32xf32, #tpu.memory_space<vmem>>
        %dma_start3A_392 = tpu.memref_squeeze %dma_start3A_391 : memref<1x128x32xf32, #tpu.memory_space<vmem>> -> memref<128x32xf32, #tpu.memory_space<vmem>>
        %dma_start3A_393 = arith.constant 0 : i32
        %dma_start3A_394 = tpu.memref_slice %arg9[%run_scoped3A_387, %dma_start3A_393] : memref<14x128xi32, #tpu.memory_space<vmem>> -> memref<1x128xi32, #tpu.memory_space<vmem>>
        %dma_start3A_395 = tpu.memref_squeeze %dma_start3A_394 : memref<1x128xi32, #tpu.memory_space<vmem>> -> memref<128xi32, #tpu.memory_space<vmem>>
        %dma_start3A_396 = arith.constant 0 : i32
        %dma_start3A_397 = arith.constant 0 : i32
        %dma_start3A_398 = tpu.memref_slice %arg6[%dma_start3A_396, %dma_start3A_397] : memref<50176x32xf32, #tpu.memory_space<vmem_shared>> -> memref<50176x32xf32, #tpu.memory_space<vmem_shared>>
        tpu.enqueue_indirect_dma source(%dma_start3A_392 : memref<128x32xf32, #tpu.memory_space<vmem>>) target(%dma_start3A_398 : memref<50176x32xf32, #tpu.memory_space<vmem_shared>>) offsets(%dma_start3A_395 : memref<128xi32, #tpu.memory_space<vmem>>) semaphore(%run_scoped3A_388 : memref<!tpu.dma_semaphore, #tpu.memory_space<semaphore_mem>>) {add = true}
        %dma_wait3A_399 = arith.constant 0 : i32
        %dma_wait3A_400 = arith.constant 0 : i32
        %dma_wait3A_401 = tpu.memref_slice %arg7[%run_scoped3A_386, %dma_wait3A_399, %dma_wait3A_400] : memref<6x128x32xf32, #tpu.memory_space<vmem>> -> memref<1x128x32xf32, #tpu.memory_space<vmem>>
        %dma_wait3A_402 = tpu.memref_squeeze %dma_wait3A_401 : memref<1x128x32xf32, #tpu.memory_space<vmem>> -> memref<128x32xf32, #tpu.memory_space<vmem>>
        %dma_wait3A_403 = arith.constant 0 : i32
        %dma_wait3A_404 = tpu.memref_slice %arg9[%run_scoped3A_387, %dma_wait3A_403] : memref<14x128xi32, #tpu.memory_space<vmem>> -> memref<1x128xi32, #tpu.memory_space<vmem>>
        %dma_wait3A_405 = tpu.memref_squeeze %dma_wait3A_404 : memref<1x128xi32, #tpu.memory_space<vmem>> -> memref<128xi32, #tpu.memory_space<vmem>>
        %dma_wait3A_406 = arith.constant 0 : i32
        %dma_wait3A_407 = arith.constant 0 : i32
        %dma_wait3A_408 = tpu.memref_slice %arg6[%dma_wait3A_406, %dma_wait3A_407] : memref<50176x32xf32, #tpu.memory_space<vmem_shared>> -> memref<50176x32xf32, #tpu.memory_space<vmem_shared>>
        tpu.wait_indirect_dma semaphore(%run_scoped3A_388 : memref<!tpu.dma_semaphore, #tpu.memory_space<semaphore_mem>>) src(%dma_wait3A_402 : memref<128x32xf32, #tpu.memory_space<vmem>>) dst(%dma_wait3A_408 : memref<50176x32xf32, #tpu.memory_space<vmem_shared>>)
        tpu.yield
      }) : () -> ()
    }
    %scan3A_13 = arith.constant 28 : i32
    %barrier3A_14 = arith.constant 0 : index
    tpu.barrier barrier_id(%barrier3A_14)
    %scan3A_15 = arith.constant 0 : i32
    %scan3A_16 = arith.constant 64 : i32
    %scan3A_17 = arith.addi %scan3A_15, %scan3A_16 : i32
    %scan3A_18 = arith.constant 1 : i32
    scf.for %scan3A_20 = %scan3A_15 to %scan3A_17 step %scan3A_18  : i32 {
      %mul3A = arith.constant 1 : i32
      %mul3A_21 = arith.muli %scan3A_20, %mul3A : i32
      %add3A = arith.constant 0 : i32
      %add3A_22 = arith.addi %add3A, %mul3A_21 : i32
      %mul3A_23 = arith.constant 3136 : i32
      %mul3A_24 = arith.muli %arg1, %mul3A_23 : i32
      %mul3A_25 = arith.constant 49 : i32
      %mul3A_26 = arith.muli %add3A_22, %mul3A_25 : i32
      %add3A_27 = arith.addi %mul3A_24, %mul3A_26 : i32
      "tpu.region"() ({
        %run_scoped3A = tpu.sem_alloc : memref<!tpu.dma_semaphore, #tpu.memory_space<semaphore_mem>>
        %dma_start3A = arith.constant 0 : i32
        %dma_start3A_36 = tpu.memref_slice %arg6[%add3A_27, %dma_start3A] : memref<50176x32xf32, #tpu.memory_space<vmem_shared>> -> memref<49x32xf32, #tpu.memory_space<vmem_shared>>
        %dma_start3A_37 = arith.constant 0 : i32
        %dma_start3A_38 = tpu.memref_slice %arg6[%add3A_27, %dma_start3A_37] : memref<50176x32xf32, #tpu.memory_space<vmem_shared>> -> memref<49x32xf32, #tpu.memory_space<vmem_shared>>
        tpu.enqueue_dma source(%dma_start3A_38 : memref<49x32xf32, #tpu.memory_space<vmem_shared>>) target(%arg10 : memref<49x32xf32, #tpu.memory_space<vmem>>) target_semaphore(%run_scoped3A : memref<!tpu.dma_semaphore, #tpu.memory_space<semaphore_mem>>)
        %dma_wait3A = arith.constant 0 : i32
        %dma_wait3A_39 = tpu.memref_slice %arg6[%add3A_27, %dma_wait3A] : memref<50176x32xf32, #tpu.memory_space<vmem_shared>> -> memref<49x32xf32, #tpu.memory_space<vmem_shared>>
        %dma_wait3A_40 = arith.constant 0 : i32
        %dma_wait3A_41 = tpu.memref_slice %arg6[%add3A_27, %dma_wait3A_40] : memref<50176x32xf32, #tpu.memory_space<vmem_shared>> -> memref<49x32xf32, #tpu.memory_space<vmem_shared>>
        tpu.wait_dma2 semaphore(%run_scoped3A : memref<!tpu.dma_semaphore, #tpu.memory_space<semaphore_mem>>) src(%dma_wait3A_41 : memref<49x32xf32, #tpu.memory_space<vmem_shared>>) dst(%arg10 : memref<49x32xf32, #tpu.memory_space<vmem>>)
        tpu.yield
      }) : () -> ()
      %mul3A_28 = arith.constant 50176 : i32
      %mul3A_29 = arith.muli %arg0, %mul3A_28 : i32
      %mul3A_30 = arith.constant 3136 : i32
      %mul3A_31 = arith.muli %arg1, %mul3A_30 : i32
      %add3A_32 = arith.addi %mul3A_29, %mul3A_31 : i32
      %mul3A_33 = arith.constant 49 : i32
      %mul3A_34 = arith.muli %add3A_22, %mul3A_33 : i32
      %add3A_35 = arith.addi %add3A_32, %mul3A_34 : i32
      "tpu.region"() ({
        %run_scoped3A = tpu.sem_alloc : memref<!tpu.dma_semaphore, #tpu.memory_space<semaphore_mem>>
        %dma_start3A = arith.constant 0 : i32
        %dma_start3A_36 = tpu.memref_slice %arg5[%add3A_35, %dma_start3A] : memref<100352x32xf32, #tpu.memory_space<hbm>> -> memref<49x32xf32, #tpu.memory_space<hbm>>
        %dma_start3A_37 = arith.constant 0 : i32
        %dma_start3A_38 = tpu.memref_slice %arg5[%add3A_35, %dma_start3A_37] : memref<100352x32xf32, #tpu.memory_space<hbm>> -> memref<49x32xf32, #tpu.memory_space<hbm>>
        tpu.enqueue_dma source(%arg10 : memref<49x32xf32, #tpu.memory_space<vmem>>) target(%dma_start3A_38 : memref<49x32xf32, #tpu.memory_space<hbm>>) target_semaphore(%run_scoped3A : memref<!tpu.dma_semaphore, #tpu.memory_space<semaphore_mem>>)
        %dma_wait3A = arith.constant 0 : i32
        %dma_wait3A_39 = tpu.memref_slice %arg5[%add3A_35, %dma_wait3A] : memref<100352x32xf32, #tpu.memory_space<hbm>> -> memref<49x32xf32, #tpu.memory_space<hbm>>
        %dma_wait3A_40 = arith.constant 0 : i32
        %dma_wait3A_41 = tpu.memref_slice %arg5[%add3A_35, %dma_wait3A_40] : memref<100352x32xf32, #tpu.memory_space<hbm>> -> memref<49x32xf32, #tpu.memory_space<hbm>>
        tpu.wait_dma2 semaphore(%run_scoped3A : memref<!tpu.dma_semaphore, #tpu.memory_space<semaphore_mem>>) src(%arg10 : memref<49x32xf32, #tpu.memory_space<vmem>>) dst(%dma_wait3A_41 : memref<49x32xf32, #tpu.memory_space<hbm>>)
        tpu.yield
      }) : () -> ()
    }
    %scan3A_19 = arith.constant 64 : i32
    return
  }
}

module attributes {stable_mosaic.version = 14 : i64} {
  func.func @body(%arg0: i32, %arg1: memref<2x256x128xf32, #tpu.memory_space<vmem>>, %arg2: memref<2x256x128xf32, #tpu.memory_space<vmem>>, %arg3: memref<2x256x128xf32, #tpu.memory_space<vmem>>) attributes {dimension_semantics = [#tpu.dimension_semantics<arbitrary>], iteration_bounds = array<i64: 49>, scalar_prefetch = 0 : i64, scratch_operands = 0 : i64, tpu.core_type = #tpu.core_type<tc>, window_params = [{transform_indices = @transform_0, window_bounds = array<i64: 2, 256, 128>}, {transform_indices = @transform_1, window_bounds = array<i64: 2, 256, 128>}, {transform_indices = @transform_2, window_bounds = array<i64: 2, 256, 128>}]} {
    %get3A = arith.constant 0 : index
    %get3A_0 = arith.constant 0 : index
    %get3A_1 = arith.constant 0 : index
    %get3A_2 = vector.load %arg2[%get3A, %get3A_0, %get3A_1] : memref<2x256x128xf32, #tpu.memory_space<vmem>>, vector<1x256x128xf32>
    %get3A_3 = vector.shape_cast %get3A_2 : vector<1x256x128xf32> to vector<256x128xf32>
    %max3A = arith.constant 1.000000e+00 : f32
    %max3A_4 = vector.broadcast %max3A : f32 to vector<256x128xf32>
    %max3A_5 = arith.maximumf %get3A_3, %max3A_4 : vector<256x128xf32>
    %rsqrt3A = math.rsqrt %max3A_5 : vector<256x128xf32>
    %get3A_6 = arith.constant 0 : index
    %get3A_7 = arith.constant 0 : index
    %get3A_8 = arith.constant 0 : index
    %get3A_9 = vector.load %arg1[%get3A_6, %get3A_7, %get3A_8] : memref<2x256x128xf32, #tpu.memory_space<vmem>>, vector<2x256x128xf32>
    %broadcast_in_dim3A = vector.shape_cast %rsqrt3A : vector<256x128xf32> to vector<1x256x128xf32>
    %mul3A = vector.broadcast %broadcast_in_dim3A : vector<1x256x128xf32> to vector<2x256x128xf32>
    %mul3A_10 = arith.mulf %get3A_9, %mul3A : vector<2x256x128xf32>
    %swap3A = arith.constant 0 : index
    %swap3A_11 = arith.constant 0 : index
    %swap3A_12 = arith.constant 0 : index
    %swap3A_13 = vector.load %arg3[%swap3A, %swap3A_11, %swap3A_12] : memref<2x256x128xf32, #tpu.memory_space<vmem>>, vector<2x256x128xf32>
    tpu.vector_store %arg3[%swap3A, %swap3A_11, %swap3A_12], %mul3A_10 {strides = array<i32>} : memref<2x256x128xf32, #tpu.memory_space<vmem>>, vector<2x256x128xf32>,
    return
  }
  func.func @transform_0(%arg0: i32) -> (i32, i32, i32) {
    %c0_i32 = arith.constant 0 : i32
    %c0_i32_0 = arith.constant 0 : i32
    %c0_i32_1 = arith.constant 0 : i32
    return %c0_i32, %arg0, %c0_i32_0 : i32, i32, i32
  }
  func.func @transform_1(%arg0: i32) -> (i32, i32, i32) {
    %c0_i32 = arith.constant 0 : i32
    %c0_i32_0 = arith.constant 0 : i32
    %c0_i32_1 = arith.constant 0 : i32
    return %c0_i32, %arg0, %c0_i32_0 : i32, i32, i32
  }
  func.func @transform_2(%arg0: i32) -> (i32, i32, i32) {
    %c0_i32 = arith.constant 0 : i32
    %c0_i32_0 = arith.constant 0 : i32
    %c0_i32_1 = arith.constant 0 : i32
    return %c0_i32, %arg0, %c0_i32_0 : i32, i32, i32
  }
}

module attributes {stable_mosaic.version = 14 : i64} {
  func.func @body(%arg0: i32, %arg1: memref<2x256x128xf32, #tpu.memory_space<vmem>>, %arg2: memref<2x256x128xf32, #tpu.memory_space<vmem>>, %arg3: memref<2x256x128xf32, #tpu.memory_space<vmem>>) attributes {dimension_semantics = [#tpu.dimension_semantics<arbitrary>], iteration_bounds = array<i64: 49>, scalar_prefetch = 0 : i64, scratch_operands = 0 : i64, tpu.core_type = #tpu.core_type<tc>, window_params = [{transform_indices = @transform_0, window_bounds = array<i64: 2, 256, 128>}, {transform_indices = @transform_1, window_bounds = array<i64: 2, 256, 128>}, {transform_indices = @transform_2, window_bounds = array<i64: 2, 256, 128>}]} {
    %get3A = arith.constant 0 : index
    %get3A_0 = arith.constant 0 : index
    %get3A_1 = arith.constant 0 : index
    %get3A_2 = vector.load %arg2[%get3A, %get3A_0, %get3A_1] : memref<2x256x128xf32, #tpu.memory_space<vmem>>, vector<1x256x128xf32>
    %get3A_3 = vector.shape_cast %get3A_2 : vector<1x256x128xf32> to vector<256x128xf32>
    %max3A = arith.constant 1.000000e+00 : f32
    %max3A_4 = vector.broadcast %max3A : f32 to vector<256x128xf32>
    %max3A_5 = arith.maximumf %get3A_3, %max3A_4 : vector<256x128xf32>
    %rsqrt3A = math.rsqrt %max3A_5 : vector<256x128xf32>
    %get3A_6 = arith.constant 1 : index
    %get3A_7 = arith.constant 0 : index
    %get3A_8 = arith.constant 0 : index
    %get3A_9 = vector.load %arg2[%get3A_6, %get3A_7, %get3A_8] : memref<2x256x128xf32, #tpu.memory_space<vmem>>, vector<1x256x128xf32>
    %get3A_10 = vector.shape_cast %get3A_9 : vector<1x256x128xf32> to vector<256x128xf32>
    %max3A_11 = arith.constant 1.000000e+00 : f32
    %max3A_12 = vector.broadcast %max3A_11 : f32 to vector<256x128xf32>
    %max3A_13 = arith.maximumf %get3A_10, %max3A_12 : vector<256x128xf32>
    %rsqrt3A_14 = math.rsqrt %max3A_13 : vector<256x128xf32>
    %mul3A = arith.mulf %rsqrt3A, %rsqrt3A_14 : vector<256x128xf32>
    %get3A_15 = arith.constant 0 : index
    %get3A_16 = arith.constant 0 : index
    %get3A_17 = arith.constant 0 : index
    %get3A_18 = vector.load %arg1[%get3A_15, %get3A_16, %get3A_17] : memref<2x256x128xf32, #tpu.memory_space<vmem>>, vector<2x256x128xf32>
    %broadcast_in_dim3A = vector.shape_cast %mul3A : vector<256x128xf32> to vector<1x256x128xf32>
    %mul3A_19 = vector.broadcast %broadcast_in_dim3A : vector<1x256x128xf32> to vector<2x256x128xf32>
    %mul3A_20 = arith.mulf %get3A_18, %mul3A_19 : vector<2x256x128xf32>
    %swap3A = arith.constant 0 : index
    %swap3A_21 = arith.constant 0 : index
    %swap3A_22 = arith.constant 0 : index
    %swap3A_23 = vector.load %arg3[%swap3A, %swap3A_21, %swap3A_22] : memref<2x256x128xf32, #tpu.memory_space<vmem>>, vector<2x256x128xf32>
    tpu.vector_store %arg3[%swap3A, %swap3A_21, %swap3A_22], %mul3A_20 {strides = array<i32>} : memref<2x256x128xf32, #tpu.memory_space<vmem>>, vector<2x256x128xf32>,
    return
  }
  func.func @transform_0(%arg0: i32) -> (i32, i32, i32) {
    %c0_i32 = arith.constant 0 : i32
    %c0_i32_0 = arith.constant 0 : i32
    %c0_i32_1 = arith.constant 0 : i32
    return %c0_i32, %arg0, %c0_i32_0 : i32, i32, i32
  }
  func.func @transform_1(%arg0: i32) -> (i32, i32, i32) {
    %c0_i32 = arith.constant 0 : i32
    %c0_i32_0 = arith.constant 0 : i32
    %c0_i32_1 = arith.constant 0 : i32
    return %c0_i32, %arg0, %c0_i32_0 : i32, i32, i32
  }
  func.func @transform_2(%arg0: i32) -> (i32, i32, i32) {
    %c0_i32 = arith.constant 0 : i32
    %c0_i32_0 = arith.constant 0 : i32
    %c0_i32_1 = arith.constant 0 : i32
    return %c0_i32, %arg0, %c0_i32_0 : i32, i32, i32
  }
}

module attributes {stable_mosaic.version = 14 : i64} {
  func.func @body(%arg0: i32, %arg1: memref<2x256x128xf32, #tpu.memory_space<vmem>>, %arg2: memref<2x256x128xf32, #tpu.memory_space<vmem>>, %arg3: memref<2x256x128xf32, #tpu.memory_space<vmem>>, %arg4: memref<2x256x128xf32, #tpu.memory_space<vmem>>, %arg5: memref<2x256x128xf32, #tpu.memory_space<vmem>>, %arg6: memref<2x256x128xf32, #tpu.memory_space<vmem>>) attributes {dimension_semantics = [#tpu.dimension_semantics<arbitrary>], iteration_bounds = array<i64: 49>, scalar_prefetch = 0 : i64, scratch_operands = 0 : i64, tpu.core_type = #tpu.core_type<tc>, window_params = [{transform_indices = @transform_0, window_bounds = array<i64: 2, 256, 128>}, {transform_indices = @transform_1, window_bounds = array<i64: 2, 256, 128>}, {transform_indices = @transform_2, window_bounds = array<i64: 2, 256, 128>}, {transform_indices = @transform_3, window_bounds = array<i64: 2, 256, 128>}, {transform_indices = @transform_4, window_bounds = array<i64: 2, 256, 128>}, {transform_indices = @transform_5, window_bounds = array<i64: 2, 256, 128>}]} {
    %get3A = arith.constant 1 : index
    %get3A_0 = arith.constant 0 : index
    %get3A_1 = arith.constant 0 : index
    %get3A_2 = vector.load %arg5[%get3A, %get3A_0, %get3A_1] : memref<2x256x128xf32, #tpu.memory_space<vmem>>, vector<1x256x128xf32>
    %get3A_3 = vector.shape_cast %get3A_2 : vector<1x256x128xf32> to vector<256x128xf32>
    %max3A = arith.constant 1.000000e+00 : f32
    %max3A_4 = vector.broadcast %max3A : f32 to vector<256x128xf32>
    %max3A_5 = arith.maximumf %get3A_3, %max3A_4 : vector<256x128xf32>
    %rsqrt3A = math.rsqrt %max3A_5 : vector<256x128xf32>
    %get3A_6 = arith.constant 0 : index
    %get3A_7 = arith.constant 0 : index
    %get3A_8 = arith.constant 0 : index
    %get3A_9 = vector.load %arg2[%get3A_6, %get3A_7, %get3A_8] : memref<2x256x128xf32, #tpu.memory_space<vmem>>, vector<2x256x128xf32>
    %get3A_10 = arith.constant 0 : index
    %get3A_11 = arith.constant 0 : index
    %get3A_12 = arith.constant 0 : index
    %get3A_13 = vector.load %arg3[%get3A_10, %get3A_11, %get3A_12] : memref<2x256x128xf32, #tpu.memory_space<vmem>>, vector<2x256x128xf32>
    %add3A = arith.addf %get3A_9, %get3A_13 : vector<2x256x128xf32>
    %get3A_14 = arith.constant 0 : index
    %get3A_15 = arith.constant 0 : index
    %get3A_16 = arith.constant 0 : index
    %get3A_17 = vector.load %arg4[%get3A_14, %get3A_15, %get3A_16] : memref<2x256x128xf32, #tpu.memory_space<vmem>>, vector<2x256x128xf32>
    %add3A_18 = arith.addf %add3A, %get3A_17 : vector<2x256x128xf32>
    %get3A_19 = arith.constant 0 : index
    %get3A_20 = arith.constant 0 : index
    %get3A_21 = arith.constant 0 : index
    %get3A_22 = vector.load %arg1[%get3A_19, %get3A_20, %get3A_21] : memref<2x256x128xf32, #tpu.memory_space<vmem>>, vector<2x256x128xf32>
    %broadcast_in_dim3A = vector.shape_cast %rsqrt3A : vector<256x128xf32> to vector<1x256x128xf32>
    %mul3A = vector.broadcast %broadcast_in_dim3A : vector<1x256x128xf32> to vector<2x256x128xf32>
    %mul3A_23 = arith.mulf %add3A_18, %mul3A : vector<2x256x128xf32>
    %add3A_24 = arith.addf %get3A_22, %mul3A_23 : vector<2x256x128xf32>
    %mul3A_25 = arith.constant 2.500000e-01 : f32
    %mul3A_26 = vector.broadcast %mul3A_25 : f32 to vector<2x256x128xf32>
    %mul3A_27 = arith.mulf %add3A_24, %mul3A_26 : vector<2x256x128xf32>
    %swap3A = arith.constant 0 : index
    %swap3A_28 = arith.constant 0 : index
    %swap3A_29 = arith.constant 0 : index
    %swap3A_30 = vector.load %arg6[%swap3A, %swap3A_28, %swap3A_29] : memref<2x256x128xf32, #tpu.memory_space<vmem>>, vector<2x256x128xf32>
    tpu.vector_store %arg6[%swap3A, %swap3A_28, %swap3A_29], %mul3A_27 {strides = array<i32>} : memref<2x256x128xf32, #tpu.memory_space<vmem>>, vector<2x256x128xf32>,
    return
  }
  func.func @transform_0(%arg0: i32) -> (i32, i32, i32) {
    %c0_i32 = arith.constant 0 : i32
    %c0_i32_0 = arith.constant 0 : i32
    %c0_i32_1 = arith.constant 0 : i32
    return %c0_i32, %arg0, %c0_i32_0 : i32, i32, i32
  }
  func.func @transform_1(%arg0: i32) -> (i32, i32, i32) {
    %c0_i32 = arith.constant 0 : i32
    %c0_i32_0 = arith.constant 0 : i32
    %c0_i32_1 = arith.constant 0 : i32
    return %c0_i32, %arg0, %c0_i32_0 : i32, i32, i32
  }
  func.func @transform_2(%arg0: i32) -> (i32, i32, i32) {
    %c0_i32 = arith.constant 0 : i32
    %c0_i32_0 = arith.constant 0 : i32
    %c0_i32_1 = arith.constant 0 : i32
    return %c0_i32, %arg0, %c0_i32_0 : i32, i32, i32
  }
  func.func @transform_3(%arg0: i32) -> (i32, i32, i32) {
    %c0_i32 = arith.constant 0 : i32
    %c0_i32_0 = arith.constant 0 : i32
    %c0_i32_1 = arith.constant 0 : i32
    return %c0_i32, %arg0, %c0_i32_0 : i32, i32, i32
  }
  func.func @transform_4(%arg0: i32) -> (i32, i32, i32) {
    %c0_i32 = arith.constant 0 : i32
    %c0_i32_0 = arith.constant 0 : i32
    %c0_i32_1 = arith.constant 0 : i32
    return %c0_i32, %arg0, %c0_i32_0 : i32, i32, i32
  }
  func.func @transform_5(%arg0: i32) -> (i32, i32, i32) {
    %c0_i32 = arith.constant 0 : i32
    %c0_i32_0 = arith.constant 0 : i32
    %c0_i32_1 = arith.constant 0 : i32
    return %c0_i32, %arg0, %c0_i32_0 : i32, i32, i32
  }
}

</mosaic_0001>

<sc_bundles>
// kernel: kernel.10.cloned.1.call-start
scs
__scs_entry_jumppad:
0x0: {  	(pc) =	sbr.rel $0x88, $3  }
0x1: {  	(tag) =	ssettag $0x0;
	lr =	simm.s32 $0x1  }
0x2: {  	[smem:$0x3F9E] =	sst lr;
	_ =	strace $0xD0000000  }
0x3: {  	_ = 	snop  }
0x4: {  	_ = 	snop  }
0x5: {  	_ = 	snop  }
0x6: {  	_ = 	snop  }
0x7: {  	_ = 	snop  }
__scs_overlays_trampoline_lowered:
0x8: {  	[smem:$0x3FAD] =	sst s0  }
0x9: {  	[smem:$0x3FAE] =	sst s1  }
0xa: {  	[smem:$0x3FAF] =	sst s2  }
0xb: {  	[smem:$0x3FB0] =	sst s3  }
0xc: {  	[smem:$0x3FB1] =	sst s4  }
0xd: {  	[smem:$0x3FB2] =	sst s5  }
0xe: {  	[smem:$0x3FB3] =	sst s6  }
0xf: {  	[smem:$0x3FB4] =	sst s7  }
0x10: {  	[smem:$0x3FB5] =	sst s8  }
0x11: {  	[smem:$0x3FB6] =	sst s9;
	s0 =	simm.s32 @!p0 $0x0  }
0x12: {  	s1 =	sld [smem:$0x3F9C];
	s0 =	simm.s32 @p0 $0x1  }
0x13: {  	[smem:$0x3FB7] =	sst s0;
	s0 =	simm.s32 @!p1 $0x0  }
0x14: {  	s2 =	sld [smem:$0x3F9B];
	s0 =	simm.s32 @p1 $0x1  }
0x15: {  	[smem:$0x3FB8] =	sst s0;
	s0 =	simm.s32 @!p2 $0x0  }
0x16: {  	s3 =	sld [smem:$0x3FDB];
	s0 =	simm.s32 @p2 $0x1  }
0x17: {  	s4 =	simm.s32 $0x1BF5;
	[smem:$0x3FBA] =	sst s0  }
0x18: {  	s0 =	sld [smem:$0x3F9D];
	_ =	swait.ge [sflag:s4], $0x0  }
0x19: {  	s7 =	sld [smem:$0x3F9E]  }
0x1a: {  	s8 =	sadd.s32 $0xFFFFE003, lr  }
0x1b: {  	s9 =	sadd.s32 $0xFFFFFEF7, lr;
	s5 =	simm.s32 $0xFFFFFFFF;
	p2 =	slt.u32 s8, $0xFFFFF086  }
0x1c: {  	p1 =	slt.u32 s9, $0xF7A;
	s5 =	simm.s32 @!p2 $0x0  }
0x1d: {  	s5 =	simm.s32 @p1 $0x1;
	p0 =	seq.s32 s7, s2  }
0x1e: {  	s7 =	smul.u32 @!p0 $0xF7A, s2;
	p2 =	seq.s32 @!p0 s5, $0x0  }
0x1f: {  	s9 =	smul.u32 $0xF7A, s1;
	s8 =	simm.s32 @!p0 $0x1BF5;
	p2 =	por !p2, p0  }
0x20: {  	[sflag:s8] =	ssyncset.s32 @!p0 $0xFFFFF086;
	s6 =	sadd.s32 @!p0 s3, s7;
	s7 =	simm.s32 @!p0 $0x108  }
0x21: {  	s3 =	sadd.s32 s3, s9;
	s6 =	sadd.s32 @!p0 $0x88, s6;
	s7 =	simm.s32 @p2 $0x1082  }
0x22: {  	[simem:s7], [sflag:s8] =	dma.local @!p0 [hbm:s6], $0xF7A  }
0x23: {  	s9 =	sor.u32 $0xD0000000, s2;
	s6 =	simm.s32 $0x108;
	_ =	swait.ge @!p0 [sflag:s8], $0x0  }
0x24: {  	s3 =	sadd.s32 $0x88, s3;
	s6 =	simm.s32 @!p1 $0x1082;
	[sflag:s4] =	ssyncset.s32 $0xFFFFF086  }
0x25: {  	[simem:s6], [sflag:s4] =	dma.local [hbm:s3], $0xF7A  }
0x26: {  	[smem:$0x3F9E] =	sst s1;
	(tag) =	ssettag s2;
	_ =	strace s9  }
0x27: {  	s1 =	sld [smem:$0x3FAE]  }
0x28: {  	s2 =	sld [smem:$0x3FAF]  }
0x29: {  	s4 =	sld [smem:$0x3FB1]  }
0x2a: {  	p0 =	seq.s32 s5, $0x0;
	s5 =	sld [smem:$0x3FB2]  }
0x2b: {  	s6 =	sld [smem:$0x3FB3]  }
0x2c: {  	s7 =	sld [smem:$0x3FB4]  }
0x2d: {  	s3 =	simm.s32 $0x108;
	s8 =	sld [smem:$0x3FB5]  }
0x2e: {  	s3 =	simm.s32 @!p0 $0x1082;
	s9 =	sld [smem:$0x3FB6]  }
0x2f: {  	lr =	sadd.s32 s0, s3;
	s0 =	sld [smem:$0x3FAD]  }
0x30: {  	s3 =	sld [smem:$0x3FB0]  }
0x31: {  	[smem:$0x3FB9] =	sst s10  }
0x32: {  	s10 =	sld [smem:$0x3FB7];
	_ =	sdelay $0x3  }
0x33: {  	p0 =	seq.s32 s10, $0x1;
	s10 =	sld [smem:$0x3FB9];
	_ =	sdelay $0x3  }
0x34: {  	[smem:$0x3FB9] =	sst s10  }
0x35: {  	s10 =	sld [smem:$0x3FB8];
	_ =	sdelay $0x3  }
0x36: {  	p1 =	seq.s32 s10, $0x1;
	s10 =	sld [smem:$0x3FB9];
	_ =	sdelay $0x3  }
0x37: {  	[smem:$0x3FB9] =	sst s10  }
0x38: {  	s10 =	sld [smem:$0x3FBA]  }
0x39: {  	_ = 	snop;
	(pc) =	sbr.ind lr, $3  }
0x3a: {  	_ = 	snop  }
0x3b: {  	_ = 	snop  }
0x3c: {  	p2 =	seq.s32 s10, $0x1;
	s10 =	sld [smem:$0x3FB9]  }
0x3d: {  	_ =	shalt  }
0x3e: {  	_ =	shalt  }
0x3f: {  	_ =	shalt  }
0x40: {  	_ =	shalt  }
0x41: {  	_ =	shalt  }
0x42: {  	_ =	shalt  }
0x43: {  	_ =	shalt  }
0x44: {  	_ =	shalt  }
0x45: {  	_ =	shalt  }
0x46: {  	_ =	shalt  }
0x47: {  	_ =	shalt  }
0x48: {  	_ =	shalt  }
0x49: {  	_ =	shalt  }
0x4a: {  	_ =	shalt  }
0x4b: {  	_ =	shalt  }
0x4c: {  	_ =	shalt  }
0x4d: {  	_ =	shalt  }
0x4e: {  	_ =	shalt  }
0x4f: {  	_ =	shalt  }
0x50: {  	_ =	shalt  }
0x51: {  	_ =	shalt  }
0x52: {  	_ =	shalt  }
0x53: {  	_ =	shalt  }
0x54: {  	_ =	shalt  }
0x55: {  	_ =	shalt  }
0x56: {  	_ =	shalt  }
0x57: {  	_ =	shalt  }
0x58: {  	_ =	shalt  }
0x59: {  	_ =	shalt  }
0x5a: {  	_ =	shalt  }
0x5b: {  	_ =	shalt  }
0x5c: {  	_ =	shalt  }
0x5d: {  	_ =	shalt  }
0x5e: {  	_ =	shalt  }
0x5f: {  	_ =	shalt  }
0x60: {  	_ =	shalt  }
0x61: {  	_ =	shalt  }
0x62: {  	_ =	shalt  }
0x63: {  	_ =	shalt  }
0x64: {  	_ =	shalt  }
0x65: {  	_ =	shalt  }
0x66: {  	_ =	shalt  }
0x67: {  	_ =	shalt  }
0x68: {  	_ =	shalt  }
0x69: {  	_ =	shalt  }
0x6a: {  	_ =	shalt  }
0x6b: {  	_ =	shalt  }
0x6c: {  	_ =	shalt  }
0x6d: {  	_ =	shalt  }
0x6e: {  	_ =	shalt  }
0x6f: {  	_ =	shalt  }
0x70: {  	_ =	shalt  }
0x71: {  	_ =	shalt  }
0x72: {  	_ =	shalt  }
0x73: {  	_ =	shalt  }
0x74: {  	_ =	shalt  }
0x75: {  	_ =	shalt  }
0x76: {  	_ =	shalt  }
0x77: {  	_ =	shalt  }
0x78: {  	_ =	shalt  }
0x79: {  	_ =	shalt  }
0x7a: {  	_ =	shalt  }
0x7b: {  	_ =	shalt  }
0x7c: {  	_ =	shalt  }
0x7d: {  	_ =	shalt  }
0x7e: {  	_ =	shalt  }
0x7f: {  	_ =	shalt  }
0x80: {  	_ =	shalt  }
0x81: {  	_ =	shalt  }
0x82: {  	_ =	shalt  }
0x83: {  	_ =	shalt  }
0x84: {  	_ =	shalt  }
0x85: {  	_ =	shalt  }
0x86: {  	_ =	shalt  }
0x87: {  	_ =	shalt  }
.Lfunc_end0:
.L_simem_size_0:
called_computation_lowered:
.L_overlay_start_0:
0x88: {  	s2 =	sld [smem:$0x3FD9]  }
0x89: {  	s3 =	sld [smem:$0x3FFE];
	_ =	sdelay $0x1  }
0x8a: {  	s1 =	srdreg.scid  }
0x8b: {  	s0 =	sand.u32 $0x1, s1  }
0x8c: {  	s16 =	sshll.u32 s0, $0xA;
	s2 =	sadd.s32 s3, s2  }
0x8d: {  	s2 =	sadd.s32 s2, s16  }
0x8e: {  	[smem:$0x3FC5] =	sst s2  }
0x8f: {  	_ = 	snop  }
0x90: {  	(tm) =	ssettm $0x1  }
0x91: {  	s17 =	sld [smem:$0x3FFB];
	_ =	sdelay $0x3  }
0x92: {  	_ =	strace s17  }
0x93: {  	s2 =	sld [smem:$0x3FFC];
	_ =	sdelay $0x3  }
0x94: {  	_ =	strace s2  }
0x95: {  	s2 =	sld [smem:$0x3FFD];
	_ =	sdelay $0x3  }
0x96: {  	_ =	strace s2  }
0x97: {  	_ =	strace $0x8FFFFFFF  }
0x98: {  	s18 =	sld [smem:$0x3FDB];
	_ =	sdelay $0x1  }
0x99: {  	s19 =	simm.s32 $_scs_section_size  }
0x9a: {  	s4 =	simm.s32 $_size__tile_overlayer_lowered;
	s5 =	simm.s32 $_tile_overlayer_lowered  }
0x9b: {  	s22 =	simm.s32 $0x1BFF;
	s21 =	sshll.u32 s5, $0x1;
	s2 =	sadd.s32 s19, s18  }
0x9c: {  	s6 =	simm.s32 $0x0;
	s20 =	sshll.u32 s4, $0x1;
	s4 =	sadd.s32 s21, s2  }
0x9d: {  	[timem:s6], [sflag:s22] =	dma.local [hbm:s4], s20  }
0x9e: {  	_ =	swait.ge [sflag:s22], s20  }
0x9f: {  	s3 =	ssub.s32 $0x0, s20;
	[sflag:s22] =	ssyncset.done $0x0  }
0xa0: {  	[sflag:s22] =	ssyncadd.s32 s3;
	_ =	sdelay $0x1  }
0xa1: {  	s23 =	simm.s32 $0x1B8B  }
0xa2: {  	_ =	swait.ge [sflag:s23], $0x1  }
0xa3: {  	[sflag:s23] =	ssyncset.done $0x0  }
0xa4: {  	s25 =	simm.s32 $0x1B8E;
	s24 =	sld [smem:$0x3FFE];
	[sflag:s23] =	ssyncadd.s32 $0xFFFFFFFF  }
0xa5: {  	s26 =	simm.s32 $execute0_lowered;
	[smem:$0x3FD2] =	sst s25  }
0xa6: {  	s4 =	sshll.u32 s26, $0x1;
	_ =	strace $0x80000046;
	[dreg:$0x1] =	wrdreg $0xFFFFFFFF  }
0xa7: {  	s28 =	simm.s32 $_size_execute0_lowered;
	s2 =	sadd.s32 s2, s4;
	[dreg:$0x0] =	wrdreg $0x0  }
0xa8: {  	s4 =	sshll.u32 s28, $0x1;
	[dreg:$0x2] =	wrdreg s2  }
0xa9: {  	[dreg:$0x3] =	wrdreg s4  }
0xaa: {  	[dreg:$0x4] =	wrdreg $0xC0  }
0xab: {  	_ =	task [dreg:s6], $0x5FFFF  }
0xac: {  	[dreg:$0x1] =	wrdreg $0xFFFFFFFF  }
0xad: {  	[dreg:$0x0] =	wrdreg $0x60  }
0xae: {  	[dreg:$0x2] =	wrdreg s24  }
0xaf: {  	[dreg:$0x3] =	wrdreg $0x0  }
0xb0: {  	[dreg:$0x4] =	wrdreg $0x9  }
0xb1: {  	_ =	task.clear_ibuf [dreg:s6], $0x5FFFF;
	_ =	strace $0x90000046  }
0xb2: {  	s29 =	simm.s32 $0x9;
	_ =	strace $0x80000048  }
0xb3: {  	_ =	swait.ge [sflag:s29], $0x1  }
0xb4: {  	[sflag:s29] =	ssyncadd.s32 $0xFFFFFFFF  }
0xb5: {  	_ =	strace $0x90000048  }
0xb6: {  	_ =	sfence  }
0xb7: {  	s30 =	sld [smem:$0x0];
	_ =	sdelay $0x2  }
0xb8: {  	s31 =	sshll.u32 s1, $0xD;
	s1 =	sshrl.u32 s1, $0x2  }
0xb9: {  	s3 =	sand.u32 $0x4000, s31;
	s1 =	sadd.s32 s1, s30  }
0xba: {  	s0 =	sor.u32 s3, s0;
	s1 =	sshll.u32 s1, $0x11  }
0xbb: {  	s0 =	sor.u32 s1, s0  }
0xbc: {  	s0 =	sadd.s32 $0x8F2B, s0  }
0xbd: {  	[sflag:s0] =	ssyncadd.remote.s32 $0x1  }
0xbe: {  	_ =	sfence.sel $0xFFFF  }
0xbf: {  	[dreg:$0x0] =	wrdreg $0xFFFFFFFF;
	(pc) =	sbr.abs _section_cstart, $3  }
0xc0: {  	[dreg:$0x1] =	wrdreg $0xFFFFFFFF  }
0xc1: {  	_ =	task.clear_ibuf [dreg:s6], $0x2FFFF;
	_ =	strace $0x9FFFFFFF  }
0xc2: {  	(tm) =	ssettm $0x7FFFFFFF  }
0xc3: {  	_ =	shalt  }
tec
execute0_lowered:
.L_overlay_start_1:
0x0: {  	(tag) =	ssettag $0x1  }
0x1: {  	s0 =	rddreg [dreg:$0x0]  }
0x2: {  	s1 =	srdreg.scid;
	s7 =	stileid.u32  }
0x3: {  	s2 =	rddreg [dreg:$0x1];
	s5 =	smul.u32 $0xC400, s7  }
0x4: {  	s3 =	simm.s32 $0x0;
	s28 =	simm.s32 $0x18880;
	s6 =	smul.u32 $0xC40, s7  }
0x5: {  	s29 =	simm.s32 $0x18900;
	s1 =	sand.u32 $0x1, s1;
	s7 =	smul.u32 $0x62000, s7  }
0x6: {  	s30 =	simm.s32 $0x18980;
	s31 =	simm.s32 $0x18A00;
	s4 =	smul.u32 $0xC4000, s1  }
0x7: {  	[smem:$0x7FF] =	sst s3;
	s17 =	smul.u32 $0xC400, s1;
	s1 =	ssub.s32 $0x2, s1  }
0x8: {  	s14 =	simm.s32 $0x0;
	_ =	strace $0x80000047;
	s19 =	sshrl.u32 s1, $0x1  }
0x9: {  	s20 =	sshrl.u32 s7, $0x2;
	s4 =	sadd.s32 s5, s4;
	s18 =	sadd.s32 s17, s6  }
0xa: {  	s1 =	ssub.s32 s1, s19;
	s5 =	simm.s32 $0x18B80;
	s4 =	sshrl.u32 s4, $0x3  }
0xb: {  	s1 =	smax.u32 s1, $0x1;
	s13 =	sadd.s32 s4, s0;
	s4 =	sshll.u32 s18, $0x2  }
0xc: {  	[dreg:$0x3] =	wrdreg s1;
	s0 =	sadd.s32 s4, s0;
	s4 =	sadd.s32 s20, s2  }
0xd: {  	s1 =	simm.s32 $0x18B00;
	s6 =	sadd.s32 $0x3100, s4;
	s7 =	sadd.s32 $0x6200, s4  }
0xe: {  	s8 =	sadd.s32 $0x9300, s4;
	s9 =	sadd.s32 $0xC400, s4;
	s21 =	sadd.s32 $0x7D400, s0  }
0xf: {  	s10 =	sadd.s32 $0xF500, s4;
	s22 =	sadd.s32 $0x7DA20, s0;
	[dreg:$0x4] =	wrdreg s21  }
0x10: {  	s11 =	sadd.s32 $0x12600, s4;
	s23 =	sadd.s32 $0x7E040, s0;
	[dreg:$0x5] =	wrdreg s22  }
0x11: {  	s12 =	sadd.s32 $0x15700, s4;
	s24 =	sadd.s32 $0x7E660, s0;
	[dreg:$0x6] =	wrdreg s23  }
0x12: {  	s25 =	sadd.s32 $0x7EC80, s0;
	s26 =	sadd.s32 $0x7F2A0, s0;
	[dreg:$0x7] =	wrdreg s24  }
0x13: {  	s19 =	sadd.s32 $0x7F8C0, s0;
	s20 =	sadd.s32 $0x7FEE0, s0;
	[dreg:$0x8] =	wrdreg s25  }
0x14: {  	s0 =	simm.s32 $0x18A80;
	[dreg:$0x9] =	wrdreg s26;
	s21 =	sadd.s32 $0x1B400, s13  }
0x15: {  	s22 =	simm.s32 $0x19C00;
	s23 =	simm.s32 $0x2;
	s24 =	simm.s32 $0x18800  }
0x16: {  	v0 =	vimm.f32 $0.0e+00;
	v1 =	vimm.f32 $1.000000000e+00;
	s25 =	simm.s32 $0x80;
	s26 =	simm.s32 $0x18C00;
	s13 =	simm.s32 $0x1  }
.LBB2_1:
0x17: {  	s15 =	simm.s32 $0x0  }
.LBB2_2:
0x18: {  	p0 =	sne.s32 s15, $0xC380  }
.Ltmp0:
0x19: {  	_ = 	snop;
	(pc) =	sbr.rel @p0 .LBB2_2-.Ltmp0, $4  }
0x1a: {  	_ = 	snop  }
0x1b: {  	s16 =	sshra.s32 s15, $0x2  }
0x1c: {  	[tilespmem:s16+$0x19C00] =	vst v0  }
0x1d: {  	s15 =	sadd.s32 $0x80, s15;
	[tilespmem:s16+$0x19C10] =	vst v0  }
0x1e: {  	s15 =	simm.s32 $0x80;
	s16 =	simm.s32 $0x0  }
.LBB2_4:
0x1f: {  	p0 =	sne.s32 s15, $0x3F80;
	[tilespmem:s16+$0x18C00] =	vst v1;
	s17 =	smov.u32 s15;
	s15 =	sadd.s32 $0x80, s15  }
.Ltmp1:
0x20: {  	[tilespmem:s16+$0x18C10] =	vst v1;
	(pc) =	sbr.rel @p0 .LBB2_4-.Ltmp1, $2  }
0x21: {  	_ =	sdelay $0x2  }
0x22: {  	s16 =	sshra.s32 s17, $0x2  }
0x23: {  	[tilespmem:s16+$0x18C00] =	vst v1  }
0x24: {  	[tilespmem:s16+$0x18C10] =	vst v1  }
0x25: {  	[spmem:s4] =	stream.linear.scatter [tilespmem:s22], [sflag:$0x2], $0x3100, $0x38;
	[tilespmem:$0x1CD00] =	vst v63  }
0x26: {  	_ =	swait.ge [sflag:s23], $0x3100  }
0x27: {  	[sflag:s23] =	ssyncset.done $0x0  }
0x28: {  	[sflag:s23] =	ssyncadd.s32 $0xFFFFCF00  }
0x29: {  	[spmem:s6] =	stream.linear.scatter [tilespmem:s22], [sflag:$0x2], $0x3100, $0x38;
	[tilespmem:$0x1CD00] =	vst v63  }
0x2a: {  	_ =	swait.ge [sflag:s23], $0x3100  }
0x2b: {  	[sflag:s23] =	ssyncset.done $0x0  }
0x2c: {  	[sflag:s23] =	ssyncadd.s32 $0xFFFFCF00  }
0x2d: {  	[spmem:s7] =	stream.linear.scatter [tilespmem:s22], [sflag:$0x2], $0x3100, $0x38;
	[tilespmem:$0x1CD00] =	vst v63  }
0x2e: {  	_ =	swait.ge [sflag:s23], $0x3100  }
0x2f: {  	[sflag:s23] =	ssyncset.done $0x0  }
0x30: {  	[sflag:s23] =	ssyncadd.s32 $0xFFFFCF00  }
0x31: {  	[spmem:s8] =	stream.linear.scatter [tilespmem:s22], [sflag:$0x2], $0x3100, $0x38;
	[tilespmem:$0x1CD00] =	vst v63  }
0x32: {  	_ =	swait.ge [sflag:s23], $0x3100  }
0x33: {  	[sflag:s23] =	ssyncset.done $0x0  }
0x34: {  	[sflag:s23] =	ssyncadd.s32 $0xFFFFCF00  }
0x35: {  	[spmem:s9] =	stream.linear.scatter [tilespmem:s22], [sflag:$0x2], $0x3100, $0x38;
	[tilespmem:$0x1CD00] =	vst v63  }
0x36: {  	_ =	swait.ge [sflag:s23], $0x3100  }
0x37: {  	[sflag:s23] =	ssyncset.done $0x0  }
0x38: {  	[sflag:s23] =	ssyncadd.s32 $0xFFFFCF00  }
0x39: {  	[spmem:s10] =	stream.linear.scatter [tilespmem:s22], [sflag:$0x2], $0x3100, $0x38;
	[tilespmem:$0x1CD00] =	vst v63  }
0x3a: {  	_ =	swait.ge [sflag:s23], $0x3100  }
0x3b: {  	[sflag:s23] =	ssyncset.done $0x0  }
0x3c: {  	[sflag:s23] =	ssyncadd.s32 $0xFFFFCF00  }
0x3d: {  	[spmem:s11] =	stream.linear.scatter [tilespmem:s22], [sflag:$0x2], $0x3100, $0x38;
	[tilespmem:$0x1CD00] =	vst v63  }
0x3e: {  	_ =	swait.ge [sflag:s23], $0x3100  }
0x3f: {  	[sflag:s23] =	ssyncset.done $0x0  }
0x40: {  	[sflag:s23] =	ssyncadd.s32 $0xFFFFCF00  }
0x41: {  	[spmem:s12] =	stream.linear.scatter [tilespmem:s22], [sflag:$0x2], $0x3100, $0x38;
	[tilespmem:$0x1CD00] =	vst v63  }
0x42: {  	_ =	swait.ge [sflag:s23], $0x3100  }
0x43: {  	[sflag:s23] =	ssyncset.done $0x0  }
0x44: {  	[sflag:s23] =	ssyncadd.s32 $0xFFFFCF00  }
0x45: {  	s15 =	sadd.s32 $0x0, s21;
	[bflag:$0x0] =	sbarrier.arrive $0xFFFF  }
0x46: {  	[tilespmem:s24], [sflag:$0x2] =	stream.linear.gather [hbm4b:s15+s3], $0x400, $0x38;
	[tilespmem:$0x1CD00] =	vst v63  }
0x47: {  	_ =	swait.ge [sflag:s23], $0x400  }
0x48: {  	[sflag:s23] =	ssyncset.done $0x0  }
0x49: {  	[sflag:s23] =	ssyncadd.s32 $0xFFFFFC00  }
0x4a: {  	[spmem:s2] =	stream.indirect.scatter.add.f32 [tilespmem:s26], [sflag:$0x1], $0x20, s24, s25, $0xb8;
	[tilespmem:$0x1CD00] =	vst v63  }
0x4b: {  	_ = 	snop  }
0x4c: {  	[spmem:s2] =	stream.indirect.scatter.add.f32 [tilespmem:s26], [sflag:$0x1], $0x20, s28, s25, $0xb8;
	[tilespmem:$0x1CD00] =	vst v63  }
0x4d: {  	_ = 	snop  }
0x4e: {  	[spmem:s2] =	stream.indirect.scatter.add.f32 [tilespmem:s26], [sflag:$0x1], $0x20, s29, s25, $0xb8;
	[tilespmem:$0x1CD00] =	vst v63  }
0x4f: {  	_ = 	snop  }
0x50: {  	[spmem:s2] =	stream.indirect.scatter.add.f32 [tilespmem:s26], [sflag:$0x1], $0x20, s30, s25, $0xb8;
	[tilespmem:$0x1CD00] =	vst v63  }
0x51: {  	_ = 	snop  }
0x52: {  	[spmem:s2] =	stream.indirect.scatter.add.f32 [tilespmem:s26], [sflag:$0x1], $0x20, s31, s25, $0xb8;
	[tilespmem:$0x1CD00] =	vst v63  }
0x53: {  	_ = 	snop  }
0x54: {  	[spmem:s2] =	stream.indirect.scatter.add.f32 [tilespmem:s26], [sflag:$0x1], $0x20, s0, s25, $0xb8;
	[tilespmem:$0x1CD00] =	vst v63  }
0x55: {  	_ = 	snop  }
0x56: {  	[spmem:s2] =	stream.indirect.scatter.add.f32 [tilespmem:s26], [sflag:$0x1], $0x20, s1, s25, $0xb8;
	[tilespmem:$0x1CD00] =	vst v63  }
0x57: {  	_ = 	snop  }
0x58: {  	[spmem:s2] =	stream.indirect.scatter.add.f32 [tilespmem:s26], [sflag:$0x1], $0x20, s5, s25, $0xb8;
	[tilespmem:$0x1CD00] =	vst v63  }
0x59: {  	_ =	swait.ge [sflag:s13], $0x1000  }
0x5a: {  	[sflag:s13] =	ssyncset.done $0x0  }
0x5b: {  	[sflag:s13] =	ssyncadd.s32 $0xFFFFF000  }
0x5c: {  	_ =	swait.ge [sflag:s13], $0x1000  }
0x5d: {  	[sflag:s13] =	ssyncset.done $0x0  }
0x5e: {  	[sflag:s13] =	ssyncadd.s32 $0xFFFFF000  }
0x5f: {  	_ =	swait.ge [sflag:s13], $0x1000  }
0x60: {  	[sflag:s13] =	ssyncset.done $0x0  }
0x61: {  	[sflag:s13] =	ssyncadd.s32 $0xFFFFF000  }
0x62: {  	_ =	swait.ge [sflag:s13], $0x1000  }
0x63: {  	[sflag:s13] =	ssyncset.done $0x0  }
0x64: {  	[sflag:s13] =	ssyncadd.s32 $0xFFFFF000  }
0x65: {  	_ =	swait.ge [sflag:s13], $0x1000  }
0x66: {  	[sflag:s13] =	ssyncset.done $0x0  }
0x67: {  	[sflag:s13] =	ssyncadd.s32 $0xFFFFF000  }
0x68: {  	_ =	swait.ge [sflag:s13], $0x1000  }
0x69: {  	[sflag:s13] =	ssyncset.done $0x0  }
0x6a: {  	[sflag:s13] =	ssyncadd.s32 $0xFFFFF000  }
0x6b: {  	_ =	swait.ge [sflag:s13], $0x1000  }
0x6c: {  	[sflag:s13] =	ssyncset.done $0x0  }
0x6d: {  	[sflag:s13] =	ssyncadd.s32 $0xFFFFF000  }
0x6e: {  	_ =	swait.ge [sflag:s13], $0x1000  }
0x6f: {  	s16 =	simm.s32 $0x100;
	s15 =	simm.s32 $0x80;
	[sflag:s13] =	ssyncset.done $0x0  }
.LBB2_6:
0x70: {  	s18 =	sadd.s32 s15, s21  }
0x71: {  	[sflag:s13] =	ssyncadd.s32 $0xFFFFF000;
	s15 =	smov.u32 s16;
	s17 =	sadd.s32 $0x80, s16  }
0x72: {  	[tilespmem:s24], [sflag:$0x2] =	stream.linear.gather [hbm4b:s18+s3], $0x400, $0x38;
	[tilespmem:$0x1CD00] =	vst v63  }
0x73: {  	p0 =	sne.s32 s16, $0x1800;
	_ =	swait.ge [sflag:s23], $0x400  }
0x74: {  	[sflag:s23] =	ssyncset.done $0x0  }
0x75: {  	[sflag:s23] =	ssyncadd.s32 $0xFFFFFC00  }
0x76: {  	[spmem:s2] =	stream.indirect.scatter.add.f32 [tilespmem:s26], [sflag:$0x1], $0x20, s24, s25, $0xb8;
	[tilespmem:$0x1CD00] =	vst v63  }
0x77: {  	_ = 	snop  }
0x78: {  	[spmem:s2] =	stream.indirect.scatter.add.f32 [tilespmem:s26], [sflag:$0x1], $0x20, s28, s25, $0xb8;
	[tilespmem:$0x1CD00] =	vst v63  }
0x79: {  	_ = 	snop  }
0x7a: {  	[spmem:s2] =	stream.indirect.scatter.add.f32 [tilespmem:s26], [sflag:$0x1], $0x20, s29, s25, $0xb8;
	[tilespmem:$0x1CD00] =	vst v63  }
0x7b: {  	_ = 	snop  }
0x7c: {  	[spmem:s2] =	stream.indirect.scatter.add.f32 [tilespmem:s26], [sflag:$0x1], $0x20, s30, s25, $0xb8;
	[tilespmem:$0x1CD00] =	vst v63  }
0x7d: {  	_ = 	snop  }
0x7e: {  	[spmem:s2] =	stream.indirect.scatter.add.f32 [tilespmem:s26], [sflag:$0x1], $0x20, s31, s25, $0xb8;
	[tilespmem:$0x1CD00] =	vst v63  }
0x7f: {  	_ = 	snop  }
0x80: {  	[spmem:s2] =	stream.indirect.scatter.add.f32 [tilespmem:s26], [sflag:$0x1], $0x20, s0, s25, $0xb8;
	[tilespmem:$0x1CD00] =	vst v63  }
0x81: {  	_ = 	snop  }
0x82: {  	[spmem:s2] =	stream.indirect.scatter.add.f32 [tilespmem:s26], [sflag:$0x1], $0x20, s1, s25, $0xb8;
	[tilespmem:$0x1CD00] =	vst v63  }
0x83: {  	_ = 	snop  }
0x84: {  	[spmem:s2] =	stream.indirect.scatter.add.f32 [tilespmem:s26], [sflag:$0x1], $0x20, s5, s25, $0xb8;
	[tilespmem:$0x1CD00] =	vst v63  }
0x85: {  	_ =	swait.ge [sflag:s13], $0x1000  }
0x86: {  	[sflag:s13] =	ssyncset.done $0x0  }
0x87: {  	[sflag:s13] =	ssyncadd.s32 $0xFFFFF000  }
0x88: {  	_ =	swait.ge [sflag:s13], $0x1000  }
0x89: {  	[sflag:s13] =	ssyncset.done $0x0  }
0x8a: {  	[sflag:s13] =	ssyncadd.s32 $0xFFFFF000  }
0x8b: {  	_ =	swait.ge [sflag:s13], $0x1000  }
0x8c: {  	[sflag:s13] =	ssyncset.done $0x0  }
0x8d: {  	[sflag:s13] =	ssyncadd.s32 $0xFFFFF000  }
0x8e: {  	_ =	swait.ge [sflag:s13], $0x1000  }
0x8f: {  	[sflag:s13] =	ssyncset.done $0x0  }
0x90: {  	[sflag:s13] =	ssyncadd.s32 $0xFFFFF000  }
0x91: {  	_ =	swait.ge [sflag:s13], $0x1000  }
0x92: {  	[sflag:s13] =	ssyncset.done $0x0  }
0x93: {  	[sflag:s13] =	ssyncadd.s32 $0xFFFFF000  }
0x94: {  	_ =	swait.ge [sflag:s13], $0x1000  }
0x95: {  	[sflag:s13] =	ssyncset.done $0x0  }
0x96: {  	[sflag:s13] =	ssyncadd.s32 $0xFFFFF000  }
.Ltmp2:
0x97: {  	_ =	swait.ge [sflag:s13], $0x1000;
	(pc) =	sbr.rel @p0 .LBB2_6-.Ltmp2, $4  }
0x98: {  	[sflag:s13] =	ssyncset.done $0x0  }
0x99: {  	[sflag:s13] =	ssyncadd.s32 $0xFFFFF000  }
0x9a: {  	_ =	swait.ge [sflag:s13], $0x1000  }
0x9b: {  	s16 =	smov.u32 s17;
	[sflag:s13] =	ssyncset.done $0x0  }
0x9c: {  	s15 =	sadd.s32 s15, s21;
	[sflag:s13] =	ssyncadd.s32 $0xFFFFF000  }
0x9d: {  	[tilespmem:s24], [sflag:$0x2] =	stream.linear.gather [hbm4b:s15+s3], $0x400, $0x38;
	[tilespmem:$0x1CD00] =	vst v63  }
0x9e: {  	_ =	swait.ge [sflag:s23], $0x400  }
0x9f: {  	[sflag:s23] =	ssyncset.done $0x0  }
0xa0: {  	[sflag:s23] =	ssyncadd.s32 $0xFFFFFC00  }
0xa1: {  	[spmem:s2] =	stream.indirect.scatter.add.f32 [tilespmem:s26], [sflag:$0x1], $0x20, s24, s25, $0xb8;
	[tilespmem:$0x1CD00] =	vst v63  }
0xa2: {  	_ = 	snop  }
0xa3: {  	[spmem:s2] =	stream.indirect.scatter.add.f32 [tilespmem:s26], [sflag:$0x1], $0x20, s28, s25, $0xb8;
	[tilespmem:$0x1CD00] =	vst v63  }
0xa4: {  	_ = 	snop  }
0xa5: {  	[spmem:s2] =	stream.indirect.scatter.add.f32 [tilespmem:s26], [sflag:$0x1], $0x20, s29, s25, $0xb8;
	[tilespmem:$0x1CD00] =	vst v63  }
0xa6: {  	_ = 	snop  }
0xa7: {  	[spmem:s2] =	stream.indirect.scatter.add.f32 [tilespmem:s26], [sflag:$0x1], $0x20, s30, s25, $0xb8;
	[tilespmem:$0x1CD00] =	vst v63  }
0xa8: {  	_ = 	snop  }
0xa9: {  	[spmem:s2] =	stream.indirect.scatter.add.f32 [tilespmem:s26], [sflag:$0x1], $0x20, s31, s25, $0xb8;
	[tilespmem:$0x1CD00] =	vst v63  }
0xaa: {  	_ = 	snop  }
0xab: {  	[spmem:s2] =	stream.indirect.scatter.add.f32 [tilespmem:s26], [sflag:$0x1], $0x20, s0, s25, $0xb8;
	[tilespmem:$0x1CD00] =	vst v63  }
0xac: {  	_ = 	snop  }
0xad: {  	[spmem:s2] =	stream.indirect.scatter.add.f32 [tilespmem:s26], [sflag:$0x1], $0x20, s1, s25, $0xb8;
	[tilespmem:$0x1CD00] =	vst v63  }
0xae: {  	_ = 	snop  }
0xaf: {  	[spmem:s2] =	stream.indirect.scatter.add.f32 [tilespmem:s26], [sflag:$0x1], $0x20, s5, s25, $0xb8;
	[tilespmem:$0x1CD00] =	vst v63  }
0xb0: {  	_ =	swait.ge [sflag:s13], $0x1000  }
0xb1: {  	[sflag:s13] =	ssyncset.done $0x0  }
0xb2: {  	[sflag:s13] =	ssyncadd.s32 $0xFFFFF000  }
0xb3: {  	_ =	swait.ge [sflag:s13], $0x1000  }
0xb4: {  	[sflag:s13] =	ssyncset.done $0x0  }
0xb5: {  	[sflag:s13] =	ssyncadd.s32 $0xFFFFF000  }
0xb6: {  	_ =	swait.ge [sflag:s13], $0x1000  }
0xb7: {  	[sflag:s13] =	ssyncset.done $0x0  }
0xb8: {  	[sflag:s13] =	ssyncadd.s32 $0xFFFFF000  }
0xb9: {  	_ =	swait.ge [sflag:s13], $0x1000  }
0xba: {  	[sflag:s13] =	ssyncset.done $0x0  }
0xbb: {  	[sflag:s13] =	ssyncadd.s32 $0xFFFFF000  }
0xbc: {  	_ =	swait.ge [sflag:s13], $0x1000  }
0xbd: {  	[sflag:s13] =	ssyncset.done $0x0  }
0xbe: {  	[sflag:s13] =	ssyncadd.s32 $0xFFFFF000  }
0xbf: {  	_ =	swait.ge [sflag:s13], $0x1000  }
0xc0: {  	[sflag:s13] =	ssyncset.done $0x0  }
0xc1: {  	[sflag:s13] =	ssyncadd.s32 $0xFFFFF000  }
0xc2: {  	_ =	swait.ge [sflag:s13], $0x1000  }
0xc3: {  	[sflag:s13] =	ssyncset.done $0x0  }
0xc4: {  	[sflag:s13] =	ssyncadd.s32 $0xFFFFF000  }
0xc5: {  	_ =	swait.ge [sflag:s13], $0x1000  }
0xc6: {  	[sflag:s13] =	ssyncset.done $0x0  }
0xc7: {  	[sflag:s13] =	ssyncadd.s32 $0xFFFFF000  }
0xc8: {  	[bflag:$0x0] =	sbarrier.arrive $0xFFFF  }
0xc9: {  	[tilespmem:s22], [sflag:$0x2] =	stream.linear.gather [spmem:s4], $0x3100, $0x38;
	[tilespmem:$0x1CD00] =	vst v63  }
0xca: {  	_ =	swait.ge [sflag:s23], $0x3100  }
0xcb: {  	[sflag:s23] =	ssyncset.done $0x0  }
0xcc: {  	s18 =	rddreg [dreg:$0x4];
	[sflag:s23] =	ssyncadd.s32 $0xFFFFCF00  }
0xcd: {  	[hbm4b:s18+s3] =	stream.linear.scatter [tilespmem:s22], [sflag:$0x2], $0x3100, $0x38;
	[tilespmem:$0x1CD00] =	vst v63  }
0xce: {  	_ =	swait.ge [sflag:s23], $0x3100  }
0xcf: {  	[sflag:s23] =	ssyncset.done $0x0  }
0xd0: {  	[sflag:s23] =	ssyncadd.s32 $0xFFFFCF00  }
0xd1: {  	[tilespmem:s22], [sflag:$0x2] =	stream.linear.gather [spmem:s6], $0x3100, $0x38;
	[tilespmem:$0x1CD00] =	vst v63  }
0xd2: {  	_ =	swait.ge [sflag:s23], $0x3100  }
0xd3: {  	[sflag:s23] =	ssyncset.done $0x0  }
0xd4: {  	s16 =	rddreg [dreg:$0x5];
	[sflag:s23] =	ssyncadd.s32 $0xFFFFCF00  }
0xd5: {  	[hbm4b:s16+s3] =	stream.linear.scatter [tilespmem:s22], [sflag:$0x2], $0x3100, $0x38;
	[tilespmem:$0x1CD00] =	vst v63  }
0xd6: {  	_ =	swait.ge [sflag:s23], $0x3100  }
0xd7: {  	[sflag:s23] =	ssyncset.done $0x0  }
0xd8: {  	[sflag:s23] =	ssyncadd.s32 $0xFFFFCF00  }
0xd9: {  	[tilespmem:s22], [sflag:$0x2] =	stream.linear.gather [spmem:s7], $0x3100, $0x38;
	[tilespmem:$0x1CD00] =	vst v63  }
0xda: {  	_ =	swait.ge [sflag:s23], $0x3100  }
0xdb: {  	[sflag:s23] =	ssyncset.done $0x0  }
0xdc: {  	s17 =	rddreg [dreg:$0x6];
	[sflag:s23] =	ssyncadd.s32 $0xFFFFCF00  }
0xdd: {  	[hbm4b:s17+s3] =	stream.linear.scatter [tilespmem:s22], [sflag:$0x2], $0x3100, $0x38;
	[tilespmem:$0x1CD00] =	vst v63  }
0xde: {  	_ =	swait.ge [sflag:s23], $0x3100  }
0xdf: {  	[sflag:s23] =	ssyncset.done $0x0  }
0xe0: {  	[sflag:s23] =	ssyncadd.s32 $0xFFFFCF00  }
0xe1: {  	[tilespmem:s22], [sflag:$0x2] =	stream.linear.gather [spmem:s8], $0x3100, $0x38;
	[tilespmem:$0x1CD00] =	vst v63  }
0xe2: {  	_ =	swait.ge [sflag:s23], $0x3100  }
0xe3: {  	[sflag:s23] =	ssyncset.done $0x0  }
0xe4: {  	s18 =	rddreg [dreg:$0x7];
	[sflag:s23] =	ssyncadd.s32 $0xFFFFCF00  }
0xe5: {  	[hbm4b:s18+s3] =	stream.linear.scatter [tilespmem:s22], [sflag:$0x2], $0x3100, $0x38;
	[tilespmem:$0x1CD00] =	vst v63  }
0xe6: {  	_ =	swait.ge [sflag:s23], $0x3100  }
0xe7: {  	[sflag:s23] =	ssyncset.done $0x0  }
0xe8: {  	[sflag:s23] =	ssyncadd.s32 $0xFFFFCF00  }
0xe9: {  	[tilespmem:s22], [sflag:$0x2] =	stream.linear.gather [spmem:s9], $0x3100, $0x38;
	[tilespmem:$0x1CD00] =	vst v63  }
0xea: {  	_ =	swait.ge [sflag:s23], $0x3100  }
0xeb: {  	[sflag:s23] =	ssyncset.done $0x0  }
0xec: {  	s16 =	rddreg [dreg:$0x8];
	[sflag:s23] =	ssyncadd.s32 $0xFFFFCF00  }
0xed: {  	[hbm4b:s16+s3] =	stream.linear.scatter [tilespmem:s22], [sflag:$0x2], $0x3100, $0x38;
	[tilespmem:$0x1CD00] =	vst v63  }
0xee: {  	_ =	swait.ge [sflag:s23], $0x3100  }
0xef: {  	[sflag:s23] =	ssyncset.done $0x0  }
0xf0: {  	[sflag:s23] =	ssyncadd.s32 $0xFFFFCF00  }
0xf1: {  	[tilespmem:s22], [sflag:$0x2] =	stream.linear.gather [spmem:s10], $0x3100, $0x38;
	[tilespmem:$0x1CD00] =	vst v63  }
0xf2: {  	_ =	swait.ge [sflag:s23], $0x3100  }
0xf3: {  	[sflag:s23] =	ssyncset.done $0x0  }
0xf4: {  	s17 =	rddreg [dreg:$0x9];
	[sflag:s23] =	ssyncadd.s32 $0xFFFFCF00  }
0xf5: {  	[hbm4b:s17+s3] =	stream.linear.scatter [tilespmem:s22], [sflag:$0x2], $0x3100, $0x38;
	[tilespmem:$0x1CD00] =	vst v63  }
0xf6: {  	_ =	swait.ge [sflag:s23], $0x3100  }
0xf7: {  	[sflag:s23] =	ssyncset.done $0x0  }
0xf8: {  	[sflag:s23] =	ssyncadd.s32 $0xFFFFCF00  }
0xf9: {  	[tilespmem:s22], [sflag:$0x2] =	stream.linear.gather [spmem:s11], $0x3100, $0x38;
	[tilespmem:$0x1CD00] =	vst v63  }
0xfa: {  	_ =	swait.ge [sflag:s23], $0x3100  }
0xfb: {  	[sflag:s23] =	ssyncset.done $0x0  }
0xfc: {  	[sflag:s23] =	ssyncadd.s32 $0xFFFFCF00  }
0xfd: {  	[hbm4b:s19+s3] =	stream.linear.scatter [tilespmem:s22], [sflag:$0x2], $0x3100, $0x38;
	[tilespmem:$0x1CD00] =	vst v63  }
0xfe: {  	_ =	swait.ge [sflag:s23], $0x3100  }
0xff: {  	[sflag:s23] =	ssyncset.done $0x0  }
0x100: {  	[sflag:s23] =	ssyncadd.s32 $0xFFFFCF00  }
0x101: {  	[tilespmem:s22], [sflag:$0x2] =	stream.linear.gather [spmem:s12], $0x3100, $0x38;
	[tilespmem:$0x1CD00] =	vst v63  }
0x102: {  	_ =	swait.ge [sflag:s23], $0x3100  }
0x103: {  	[sflag:s23] =	ssyncset.done $0x0  }
0x104: {  	[sflag:s23] =	ssyncadd.s32 $0xFFFFCF00  }
0x105: {  	[hbm4b:s20+s3] =	stream.linear.scatter [tilespmem:s22], [sflag:$0x2], $0x3100, $0x38;
	[tilespmem:$0x1CD00] =	vst v63  }
0x106: {  	_ =	swait.ge [sflag:s23], $0x3100  }
0x107: {  	s14 =	sadd.s32 $0x1, s14;
	s18 =	rddreg [dreg:$0x3]  }
0x108: {  	p0 =	sne.s32 s14, s18  }
.Ltmp3:
0x109: {  	_ = 	snop;
	(pc) =	sbr.rel @p0 .LBB2_1-.Ltmp3, $3  }
0x10a: {  	_ =	sdelay $0x1  }
0x10b: {  	[sflag:s23] =	ssyncset.done $0x0  }
0x10c: {  	[sflag:s23] =	ssyncadd.s32 $0xFFFFCF00  }
0x10d: {  	_ =	sfence.sel $0x180000  }
0x10e: {  	[bflag:$0x0] =	sbarrier.arrive $0xFFFF  }
0x10f: {  	_ =	strace $0x90000047  }
0x110: {  	s0 =	stileid.u32;
	[bflag:$0x2] =	sbarrier.arrive $0xFFFF  }
0x111: {  	p0 =	sne.s32 s0, $0x0;
	s0 =	rddreg [dreg:$0x2]  }
0x112: {  	s0 =	sadd.s32 @!p0 $0x100000, s0  }
0x113: {  	[sflag:s0] =	ssyncadd.tile.s32 @!p0 $0x1;
	_ =	shalt  }
.Lfunc_end2:
_tile_overlayer_lowered:
.L_overlay_start_2:
0x114: {  	(tag) =	ssettag $0x2  }
0x115: {  	s0 =	rddreg [dreg:$0x0];
	s2 =	stileid.u32  }
0x116: {  	s1 =	rddreg [dreg:$0x1];
	p0 =	sne.s32 s2, $0x0  }
0x117: {  	s3 =	rddreg [dreg:$0x2];
	[bflag:$0x3] =	sbarrier.arrive $0xFFFF;
	s2 =	simm.s32 @!p0 $0x1C02  }
0x118: {  	[timem:s3], [sflag:s2] =	dma.local @!p0 [hbm:s0], s1  }
0x119: {  	s0 =	simm.s32 @!p0 $0x2  }
0x11a: {  	_ =	swait.ge @!p0 [sflag:s0], s1  }
0x11b: {  	s1 =	ssub.s32 @!p0 $0x0, s1;
	[sflag:s0] =	ssyncset.done @!p0 $0x0  }
0x11c: {  	[sflag:s0] =	ssyncadd.s32 @!p0 s1  }
0x11d: {  	[bflag:$0x3] =	sbarrier.arrive $0xFFFF  }
0x11e: {  	_ =	shalt  }

// kernel: kernel.13.cloned.1.call-start
scs
__scs_entry_jumppad:
0x0: {  	(pc) =	sbr.rel $0x88, $3  }
0x1: {  	(tag) =	ssettag $0x0;
	lr =	simm.s32 $0x1  }
0x2: {  	[smem:$0x3F9E] =	sst lr;
	_ =	strace $0xD0000000  }
0x3: {  	_ = 	snop  }
0x4: {  	_ = 	snop  }
0x5: {  	_ = 	snop  }
0x6: {  	_ = 	snop  }
0x7: {  	_ = 	snop  }
__scs_overlays_trampoline_lowered:
0x8: {  	[smem:$0x3FAD] =	sst s0  }
0x9: {  	[smem:$0x3FAE] =	sst s1  }
0xa: {  	[smem:$0x3FAF] =	sst s2  }
0xb: {  	[smem:$0x3FB0] =	sst s3  }
0xc: {  	[smem:$0x3FB1] =	sst s4  }
0xd: {  	[smem:$0x3FB2] =	sst s5  }
0xe: {  	[smem:$0x3FB3] =	sst s6  }
0xf: {  	[smem:$0x3FB4] =	sst s7  }
0x10: {  	[smem:$0x3FB5] =	sst s8  }
0x11: {  	[smem:$0x3FB6] =	sst s9;
	s0 =	simm.s32 @!p0 $0x0  }
0x12: {  	s1 =	sld [smem:$0x3F9C];
	s0 =	simm.s32 @p0 $0x1  }
0x13: {  	[smem:$0x3FB7] =	sst s0;
	s0 =	simm.s32 @!p1 $0x0  }
0x14: {  	s2 =	sld [smem:$0x3F9B];
	s0 =	simm.s32 @p1 $0x1  }
0x15: {  	[smem:$0x3FB8] =	sst s0;
	s0 =	simm.s32 @!p2 $0x0  }
0x16: {  	s3 =	sld [smem:$0x3FDB];
	s0 =	simm.s32 @p2 $0x1  }
0x17: {  	s4 =	simm.s32 $0x1BF5;
	[smem:$0x3FBA] =	sst s0  }
0x18: {  	s0 =	sld [smem:$0x3F9D];
	_ =	swait.ge [sflag:s4], $0x0  }
0x19: {  	s7 =	sld [smem:$0x3F9E]  }
0x1a: {  	s8 =	sadd.s32 $0xFFFFE003, lr  }
0x1b: {  	s9 =	sadd.s32 $0xFFFFFEF7, lr;
	s5 =	simm.s32 $0xFFFFFFFF;
	p2 =	slt.u32 s8, $0xFFFFF086  }
0x1c: {  	p1 =	slt.u32 s9, $0xF7A;
	s5 =	simm.s32 @!p2 $0x0  }
0x1d: {  	s5 =	simm.s32 @p1 $0x1;
	p0 =	seq.s32 s7, s2  }
0x1e: {  	s7 =	smul.u32 @!p0 $0xF7A, s2;
	p2 =	seq.s32 @!p0 s5, $0x0  }
0x1f: {  	s9 =	smul.u32 $0xF7A, s1;
	s8 =	simm.s32 @!p0 $0x1BF5;
	p2 =	por !p2, p0  }
0x20: {  	[sflag:s8] =	ssyncset.s32 @!p0 $0xFFFFF086;
	s6 =	sadd.s32 @!p0 s3, s7;
	s7 =	simm.s32 @!p0 $0x108  }
0x21: {  	s3 =	sadd.s32 s3, s9;
	s6 =	sadd.s32 @!p0 $0x88, s6;
	s7 =	simm.s32 @p2 $0x1082  }
0x22: {  	[simem:s7], [sflag:s8] =	dma.local @!p0 [hbm:s6], $0xF7A  }
0x23: {  	s9 =	sor.u32 $0xD0000000, s2;
	s6 =	simm.s32 $0x108;
	_ =	swait.ge @!p0 [sflag:s8], $0x0  }
0x24: {  	s3 =	sadd.s32 $0x88, s3;
	s6 =	simm.s32 @!p1 $0x1082;
	[sflag:s4] =	ssyncset.s32 $0xFFFFF086  }
0x25: {  	[simem:s6], [sflag:s4] =	dma.local [hbm:s3], $0xF7A  }
0x26: {  	[smem:$0x3F9E] =	sst s1;
	(tag) =	ssettag s2;
	_ =	strace s9  }
0x27: {  	s1 =	sld [smem:$0x3FAE]  }
0x28: {  	s2 =	sld [smem:$0x3FAF]  }
0x29: {  	s4 =	sld [smem:$0x3FB1]  }
0x2a: {  	p0 =	seq.s32 s5, $0x0;
	s5 =	sld [smem:$0x3FB2]  }
0x2b: {  	s6 =	sld [smem:$0x3FB3]  }
0x2c: {  	s7 =	sld [smem:$0x3FB4]  }
0x2d: {  	s3 =	simm.s32 $0x108;
	s8 =	sld [smem:$0x3FB5]  }
0x2e: {  	s3 =	simm.s32 @!p0 $0x1082;
	s9 =	sld [smem:$0x3FB6]  }
0x2f: {  	lr =	sadd.s32 s0, s3;
	s0 =	sld [smem:$0x3FAD]  }
0x30: {  	s3 =	sld [smem:$0x3FB0]  }
0x31: {  	[smem:$0x3FB9] =	sst s10  }
0x32: {  	s10 =	sld [smem:$0x3FB7];
	_ =	sdelay $0x3  }
0x33: {  	p0 =	seq.s32 s10, $0x1;
	s10 =	sld [smem:$0x3FB9];
	_ =	sdelay $0x3  }
0x34: {  	[smem:$0x3FB9] =	sst s10  }
0x35: {  	s10 =	sld [smem:$0x3FB8];
	_ =	sdelay $0x3  }
0x36: {  	p1 =	seq.s32 s10, $0x1;
	s10 =	sld [smem:$0x3FB9];
	_ =	sdelay $0x3  }
0x37: {  	[smem:$0x3FB9] =	sst s10  }
0x38: {  	s10 =	sld [smem:$0x3FBA]  }
0x39: {  	_ = 	snop;
	(pc) =	sbr.ind lr, $3  }
0x3a: {  	_ = 	snop  }
0x3b: {  	_ = 	snop  }
0x3c: {  	p2 =	seq.s32 s10, $0x1;
	s10 =	sld [smem:$0x3FB9]  }
0x3d: {  	_ =	shalt  }
0x3e: {  	_ =	shalt  }
0x3f: {  	_ =	shalt  }
0x40: {  	_ =	shalt  }
0x41: {  	_ =	shalt  }
0x42: {  	_ =	shalt  }
0x43: {  	_ =	shalt  }
0x44: {  	_ =	shalt  }
0x45: {  	_ =	shalt  }
0x46: {  	_ =	shalt  }
0x47: {  	_ =	shalt  }
0x48: {  	_ =	shalt  }
0x49: {  	_ =	shalt  }
0x4a: {  	_ =	shalt  }
0x4b: {  	_ =	shalt  }
0x4c: {  	_ =	shalt  }
0x4d: {  	_ =	shalt  }
0x4e: {  	_ =	shalt  }
0x4f: {  	_ =	shalt  }
0x50: {  	_ =	shalt  }
0x51: {  	_ =	shalt  }
0x52: {  	_ =	shalt  }
0x53: {  	_ =	shalt  }
0x54: {  	_ =	shalt  }
0x55: {  	_ =	shalt  }
0x56: {  	_ =	shalt  }
0x57: {  	_ =	shalt  }
0x58: {  	_ =	shalt  }
0x59: {  	_ =	shalt  }
0x5a: {  	_ =	shalt  }
0x5b: {  	_ =	shalt  }
0x5c: {  	_ =	shalt  }
0x5d: {  	_ =	shalt  }
0x5e: {  	_ =	shalt  }
0x5f: {  	_ =	shalt  }
0x60: {  	_ =	shalt  }
0x61: {  	_ =	shalt  }
0x62: {  	_ =	shalt  }
0x63: {  	_ =	shalt  }
0x64: {  	_ =	shalt  }
0x65: {  	_ =	shalt  }
0x66: {  	_ =	shalt  }
0x67: {  	_ =	shalt  }
0x68: {  	_ =	shalt  }
0x69: {  	_ =	shalt  }
0x6a: {  	_ =	shalt  }
0x6b: {  	_ =	shalt  }
0x6c: {  	_ =	shalt  }
0x6d: {  	_ =	shalt  }
0x6e: {  	_ =	shalt  }
0x6f: {  	_ =	shalt  }
0x70: {  	_ =	shalt  }
0x71: {  	_ =	shalt  }
0x72: {  	_ =	shalt  }
0x73: {  	_ =	shalt  }
0x74: {  	_ =	shalt  }
0x75: {  	_ =	shalt  }
0x76: {  	_ =	shalt  }
0x77: {  	_ =	shalt  }
0x78: {  	_ =	shalt  }
0x79: {  	_ =	shalt  }
0x7a: {  	_ =	shalt  }
0x7b: {  	_ =	shalt  }
0x7c: {  	_ =	shalt  }
0x7d: {  	_ =	shalt  }
0x7e: {  	_ =	shalt  }
0x7f: {  	_ =	shalt  }
0x80: {  	_ =	shalt  }
0x81: {  	_ =	shalt  }
0x82: {  	_ =	shalt  }
0x83: {  	_ =	shalt  }
0x84: {  	_ =	shalt  }
0x85: {  	_ =	shalt  }
0x86: {  	_ =	shalt  }
0x87: {  	_ =	shalt  }
.Lfunc_end0:
.L_simem_size_0:
called_computation.1_lowered:
.L_overlay_start_0:
0x88: {  	s2 =	sld [smem:$0x3FD9]  }
0x89: {  	s3 =	sld [smem:$0x3FFE];
	_ =	sdelay $0x1  }
0x8a: {  	s1 =	srdreg.scid  }
0x8b: {  	s0 =	sand.u32 $0x1, s1  }
0x8c: {  	s16 =	sshll.u32 s0, $0xA;
	s2 =	sadd.s32 s3, s2  }
0x8d: {  	s2 =	sadd.s32 s2, s16  }
0x8e: {  	[smem:$0x3FC5] =	sst s2  }
0x8f: {  	_ = 	snop  }
0x90: {  	(tm) =	ssettm $0x1  }
0x91: {  	s17 =	sld [smem:$0x3FFB];
	_ =	sdelay $0x3  }
0x92: {  	_ =	strace s17  }
0x93: {  	s2 =	sld [smem:$0x3FFC];
	_ =	sdelay $0x3  }
0x94: {  	_ =	strace s2  }
0x95: {  	s2 =	sld [smem:$0x3FFD];
	_ =	sdelay $0x3  }
0x96: {  	_ =	strace s2  }
0x97: {  	_ =	strace $0x8FFFFFFF  }
0x98: {  	s18 =	sld [smem:$0x3FDB];
	_ =	sdelay $0x1  }
0x99: {  	s19 =	simm.s32 $_scs_section_size  }
0x9a: {  	s4 =	simm.s32 $_size__tile_overlayer_lowered;
	s5 =	simm.s32 $_tile_overlayer_lowered  }
0x9b: {  	s22 =	simm.s32 $0x1BFF;
	s21 =	sshll.u32 s5, $0x1;
	s2 =	sadd.s32 s19, s18  }
0x9c: {  	s6 =	simm.s32 $0x0;
	s20 =	sshll.u32 s4, $0x1;
	s4 =	sadd.s32 s21, s2  }
0x9d: {  	[timem:s6], [sflag:s22] =	dma.local [hbm:s4], s20  }
0x9e: {  	_ =	swait.ge [sflag:s22], s20  }
0x9f: {  	s3 =	ssub.s32 $0x0, s20;
	[sflag:s22] =	ssyncset.done $0x0  }
0xa0: {  	[sflag:s22] =	ssyncadd.s32 s3;
	_ =	sdelay $0x1  }
0xa1: {  	s23 =	simm.s32 $0x1B8B  }
0xa2: {  	_ =	swait.ge [sflag:s23], $0x1  }
0xa3: {  	[sflag:s23] =	ssyncset.done $0x0  }
0xa4: {  	s25 =	simm.s32 $0x1B8E;
	s24 =	sld [smem:$0x3FFE];
	[sflag:s23] =	ssyncadd.s32 $0xFFFFFFFF  }
0xa5: {  	s26 =	simm.s32 $execute0_lowered;
	[smem:$0x3FD2] =	sst s25  }
0xa6: {  	s4 =	sshll.u32 s26, $0x1;
	_ =	strace $0x80000049;
	[dreg:$0x1] =	wrdreg $0xFFFFFFFF  }
0xa7: {  	s28 =	simm.s32 $_size_execute0_lowered;
	s2 =	sadd.s32 s2, s4;
	[dreg:$0x0] =	wrdreg $0x0  }
0xa8: {  	s4 =	sshll.u32 s28, $0x1;
	[dreg:$0x2] =	wrdreg s2  }
0xa9: {  	[dreg:$0x3] =	wrdreg s4  }
0xaa: {  	[dreg:$0x4] =	wrdreg $0xC0  }
0xab: {  	_ =	task [dreg:s6], $0x5FFFF  }
0xac: {  	[dreg:$0x1] =	wrdreg $0xFFFFFFFF  }
0xad: {  	[dreg:$0x0] =	wrdreg $0x60  }
0xae: {  	[dreg:$0x2] =	wrdreg s24  }
0xaf: {  	[dreg:$0x3] =	wrdreg $0x0  }
0xb0: {  	[dreg:$0x4] =	wrdreg $0x9  }
0xb1: {  	_ =	task.clear_ibuf [dreg:s6], $0x5FFFF;
	_ =	strace $0x90000049  }
0xb2: {  	s29 =	simm.s32 $0x9;
	_ =	strace $0x8000004B  }
0xb3: {  	_ =	swait.ge [sflag:s29], $0x1  }
0xb4: {  	[sflag:s29] =	ssyncadd.s32 $0xFFFFFFFF  }
0xb5: {  	_ =	strace $0x9000004B  }
0xb6: {  	_ =	sfence  }
0xb7: {  	s30 =	sld [smem:$0x0];
	_ =	sdelay $0x2  }
0xb8: {  	s31 =	sshll.u32 s1, $0xD;
	s1 =	sshrl.u32 s1, $0x2  }
0xb9: {  	s3 =	sand.u32 $0x4000, s31;
	s1 =	sadd.s32 s1, s30  }
0xba: {  	s0 =	sor.u32 s3, s0;
	s1 =	sshll.u32 s1, $0x11  }
0xbb: {  	s0 =	sor.u32 s1, s0  }
0xbc: {  	s0 =	sadd.s32 $0x8F2B, s0  }
0xbd: {  	[sflag:s0] =	ssyncadd.remote.s32 $0x1  }
0xbe: {  	_ =	sfence.sel $0xFFFF  }
0xbf: {  	[dreg:$0x0] =	wrdreg $0xFFFFFFFF;
	(pc) =	sbr.abs _section_cstart, $3  }
0xc0: {  	[dreg:$0x1] =	wrdreg $0xFFFFFFFF  }
0xc1: {  	_ =	task.clear_ibuf [dreg:s6], $0x2FFFF;
	_ =	strace $0x9FFFFFFF  }
0xc2: {  	(tm) =	ssettm $0x7FFFFFFF  }
0xc3: {  	_ =	shalt  }
tec
execute0_lowered:
.L_overlay_start_1:
0x0: {  	(tag) =	ssettag $0x1  }
0x1: {  	s0 =	srdreg.scid  }
0x2: {  	s9 =	stileid.u32;
	s5 =	rddreg [dreg:$0x0]  }
0x3: {  	s2 =	rddreg [dreg:$0x1];
	s3 =	simm.s32 $0x0;
	s14 =	simm.s32 $0x1E880  }
0x4: {  	s15 =	simm.s32 $0x1E900;
	s16 =	simm.s32 $0x1E980;
	s17 =	simm.s32 $0x1EA00  }
0x5: {  	s18 =	simm.s32 $0x1EA80;
	s19 =	simm.s32 $0x1EB00;
	s20 =	simm.s32 $0x1EF80  }
0x6: {  	s21 =	simm.s32 $0x1EB80;
	s22 =	simm.s32 $0x1F000;
	[smem:$0x7FF] =	sst s3  }
0x7: {  	s23 =	simm.s32 $0x1EC00;
	_ =	strace $0x8000004A;
	[dreg:$0x5] =	wrdreg s14  }
0x8: {  	s24 =	simm.s32 $0x1F080;
	s28 =	simm.s32 $0x1EE80;
	[dreg:$0x6] =	wrdreg s15  }
0x9: {  	s29 =	simm.s32 $0x1F300;
	s4 =	smul.u32 $0xC400, s9;
	[dreg:$0x7] =	wrdreg s16  }
0xa: {  	s30 =	simm.s32 $0x1F380;
	s25 =	smul.u32 $0x1880, s9;
	[dreg:$0x8] =	wrdreg s17  }
0xb: {  	s31 =	simm.s32 $0x1F500;
	s8 =	smul.u32 $0x62000, s9;
	[dreg:$0x9] =	wrdreg s18  }
0xc: {  	s0 =	sand.u32 $0x1, s0;
	s10 =	smul.u32 $0x3100, s9;
	[dreg:$0xa] =	wrdreg s19  }
0xd: {  	s9 =	simm.s32 $0x2;
	s1 =	smul.u32 $0xC4000, s0;
	[dreg:$0xb] =	wrdreg s20  }
0xe: {  	s6 =	smul.u32 $0x31000, s0;
	s0 =	ssub.s32 $0x2, s0;
	[dreg:$0xc] =	wrdreg s21  }
0xf: {  	s14 =	simm.s32 $0x19800;
	s15 =	simm.s32 $0x1A800;
	[dreg:$0xd] =	wrdreg s22  }
0x10: {  	s16 =	simm.s32 $0x1B800;
	s17 =	simm.s32 $0x1C800;
	[dreg:$0xe] =	wrdreg s23  }
0x11: {  	s18 =	simm.s32 $0x1D800;
	[dreg:$0xf] =	wrdreg s24;
	s19 =	simm.s32 $0x1  }
0x12: {  	s22 =	simm.s32 $0x1ED00;
	s21 =	simm.s32 $0x1F180;
	s23 =	simm.s32 $0x1ED80  }
0x13: {  	s24 =	simm.s32 $0x1F200;
	s20 =	simm.s32 $0x0;
	s7 =	sadd.s32 s25, s5  }
0x14: {  	s26 =	sshrl.u32 s0, $0x1;
	s8 =	sshrl.u32 s8, $0x2;
	s25 =	simm.s32 $0x1EC80  }
0x15: {  	s1 =	sadd.s32 s1, s4;
	s4 =	sadd.s32 $0x141400, s5;
	s0 =	ssub.s32 s0, s26  }
0x16: {  	s12 =	sadd.s32 $0x2C00, s7;
	[dreg:$0x10] =	wrdreg s25;
	s26 =	simm.s32 $0x1F100  }
0x17: {  	s25 =	simm.s32 $0x1EE00;
	s1 =	sshrl.u32 s1, $0x3;
	[dreg:$0x4] =	wrdreg s12  }
0x18: {  	s0 =	smax.u32 s0, $0x1;
	s12 =	simm.s32 $0x80;
	[dreg:$0x11] =	wrdreg s26  }
0x19: {  	s26 =	simm.s32 $0x1F280;
	s1 =	sadd.s32 s1, s5;
	s5 =	sadd.s32 s6, s5  }
0x1a: {  	[dreg:$0x12] =	wrdreg s0;
	s6 =	sadd.s32 s8, s2;
	s8 =	simm.s32 $0x1F600  }
0x1b: {  	s0 =	simm.s32 $0x1F480;
	s11 =	sadd.s32 $0x4C400, s1;
	s13 =	sadd.s32 s10, s5  }
0x1c: {  	s10 =	simm.s32 $0x1E800;
	s1 =	simm.s32 $0x1F400;
	[dreg:$0x3] =	wrdreg s11  }
0x1d: {  	v0 =	vimm.f32 $0.0e+00;
	s7 =	sadd.s32 $0x1A3400, s13;
	s11 =	simm.s32 $0x1EF00;
	s13 =	simm.s32 $0x18800  }
.LBB2_1:
0x1e: {  	[dreg:$0x13] =	wrdreg s20;
	s5 =	simm.s32 $0x0  }
.LBB2_2:
0x1f: {  	p0 =	sne.s32 s5, $0x1800  }
.Ltmp0:
0x20: {  	_ = 	snop;
	(pc) =	sbr.rel @p0 .LBB2_2-.Ltmp0, $4  }
0x21: {  	_ = 	snop  }
0x22: {  	s20 =	sshra.s32 s5, $0x2  }
0x23: {  	[tilespmem:s20+$0x1F600] =	vst v0  }
0x24: {  	s5 =	sadd.s32 $0x80, s5;
	[tilespmem:s20+$0x1F610] =	vst v0  }
0x25: {  	s5 =	sadd.s32 $0x0, s6  }
0x26: {  	[spmem:s5] =	stream.linear.scatter [tilespmem:s8], [sflag:$0x2], $0x620, $0x38;
	[tilespmem:$0x1FC20] =	vst v63  }
0x27: {  	s5 =	simm.s32 $0x1880;
	_ =	swait.ge [sflag:s9], $0x620  }
.LBB2_4:
0x28: {  	s20 =	sshra.s32 s5, $0x2;
	[sflag:s9] =	ssyncset.done $0x0;
	p0 =	sne.s32 s5, $0x60780  }
.Ltmp1:
0x29: {  	s20 =	sadd.s32 s20, s6;
	[sflag:s9] =	ssyncadd.s32 $0xFFFFF9E0;
	(pc) =	sbr.rel @p0 .LBB2_4-.Ltmp1, $3  }
0x2a: {  	[spmem:s20] =	stream.linear.scatter [tilespmem:s8], [sflag:$0x2], $0x620, $0x38;
	[tilespmem:$0x1FC20] =	vst v63  }
0x2b: {  	s5 =	sadd.s32 $0x1880, s5;
	_ =	sdelay $0x1  }
0x2c: {  	_ =	swait.ge [sflag:s9], $0x620  }
0x2d: {  	[sflag:s9] =	ssyncset.done $0x0  }
0x2e: {  	[sflag:s9] =	ssyncadd.s32 $0xFFFFF9E0  }
0x2f: {  	[bflag:$0x0] =	sbarrier.arrive $0xFFFF  }
0x30: {  	s5 =	rddreg [dreg:$0x3]  }
0x31: {  	s5 =	sadd.s32 $0x0, s5  }
0x32: {  	[tilespmem:s10], [sflag:$0x2] =	stream.linear.gather [hbm4b:s5+s3], $0x700, $0x38;
	[tilespmem:$0x1FC20] =	vst v63  }
0x33: {  	_ =	swait.ge [sflag:s9], $0x700  }
0x34: {  	s20 =	rddreg [dreg:$0x4];
	[sflag:s9] =	ssyncset.done $0x0  }
0x35: {  	[sflag:s9] =	ssyncadd.s32 $0xFFFFF900;
	s5 =	sadd.s32 $0x0, s20  }
0x36: {  	[tilespmem:s11], [sflag:$0x2] =	stream.linear.gather [hbm4b:s5+s3], $0x700, $0x38;
	[tilespmem:$0x1FC20] =	vst v63  }
0x37: {  	_ =	swait.ge [sflag:s9], $0x700  }
0x38: {  	[sflag:s9] =	ssyncset.done $0x0  }
0x39: {  	[sflag:s9] =	ssyncadd.s32 $0xFFFFF900  }
0x3a: {  	[tilespmem:s13], [sflag:$0x1] =	stream.indirect.gather [hbm4b:s4+s12], $0x20, s10, s12, $0xb8;
	[tilespmem:$0x1FC20] =	vst v63  }
0x3b: {  	s5 =	rddreg [dreg:$0x5]  }
0x3c: {  	[tilespmem:s14], [sflag:$0x1] =	stream.indirect.gather [hbm4b:s4+s12], $0x20, s5, s12, $0xb8;
	[tilespmem:$0x1FC20] =	vst v63  }
0x3d: {  	s20 =	rddreg [dreg:$0x6]  }
0x3e: {  	[tilespmem:s15], [sflag:$0x1] =	stream.indirect.gather [hbm4b:s4+s12], $0x20, s20, s12, $0xb8;
	[tilespmem:$0x1FC20] =	vst v63  }
0x3f: {  	s5 =	rddreg [dreg:$0x7]  }
0x40: {  	[tilespmem:s16], [sflag:$0x1] =	stream.indirect.gather [hbm4b:s4+s12], $0x20, s5, s12, $0xb8;
	[tilespmem:$0x1FC20] =	vst v63  }
0x41: {  	s20 =	rddreg [dreg:$0x8]  }
0x42: {  	[tilespmem:s17], [sflag:$0x1] =	stream.indirect.gather [hbm4b:s4+s12], $0x20, s20, s12, $0xb8;
	[tilespmem:$0x1FC20] =	vst v63  }
0x43: {  	s5 =	rddreg [dreg:$0x9]  }
0x44: {  	[tilespmem:s18], [sflag:$0x1] =	stream.indirect.gather [hbm4b:s4+s12], $0x20, s5, s12, $0xb8;
	[tilespmem:$0x1FC20] =	vst v63  }
0x45: {  	_ =	swait.ge [sflag:s19], $0x1000  }
0x46: {  	[sflag:s19] =	ssyncset.done $0x0  }
0x47: {  	[sflag:s19] =	ssyncadd.s32 $0xFFFFF000  }
0x48: {  	[spmem:s2] =	stream.indirect.scatter.add.f32 [tilespmem:s13], [sflag:$0x2], $0x20, s11, s12, $0xb8;
	[tilespmem:$0x1FC20] =	vst v63  }
0x49: {  	_ =	swait.ge [sflag:s9], $0x1000  }
0x4a: {  	[sflag:s9] =	ssyncset.done $0x0  }
0x4b: {  	s20 =	rddreg [dreg:$0xa];
	[sflag:s9] =	ssyncadd.s32 $0xFFFFF000  }
0x4c: {  	[tilespmem:s13], [sflag:$0x1] =	stream.indirect.gather [hbm4b:s4+s12], $0x20, s20, s12, $0xb8;
	[tilespmem:$0x1FC20] =	vst v63  }
0x4d: {  	_ =	swait.ge [sflag:s19], $0x1000  }
0x4e: {  	[sflag:s19] =	ssyncset.done $0x0  }
0x4f: {  	s20 =	rddreg [dreg:$0xb];
	[sflag:s19] =	ssyncadd.s32 $0xFFFFF000  }
0x50: {  	[spmem:s2] =	stream.indirect.scatter.add.f32 [tilespmem:s14], [sflag:$0x2], $0x20, s20, s12, $0xb8;
	[tilespmem:$0x1FC20] =	vst v63  }
0x51: {  	_ =	swait.ge [sflag:s9], $0x1000  }
0x52: {  	[sflag:s9] =	ssyncset.done $0x0  }
0x53: {  	s20 =	rddreg [dreg:$0xc];
	[sflag:s9] =	ssyncadd.s32 $0xFFFFF000  }
0x54: {  	[tilespmem:s14], [sflag:$0x1] =	stream.indirect.gather [hbm4b:s4+s12], $0x20, s20, s12, $0xb8;
	[tilespmem:$0x1FC20] =	vst v63  }
0x55: {  	_ =	swait.ge [sflag:s19], $0x1000  }
0x56: {  	[sflag:s19] =	ssyncset.done $0x0  }
0x57: {  	s20 =	rddreg [dreg:$0xd];
	[sflag:s19] =	ssyncadd.s32 $0xFFFFF000  }
0x58: {  	[spmem:s2] =	stream.indirect.scatter.add.f32 [tilespmem:s15], [sflag:$0x2], $0x20, s20, s12, $0xb8;
	[tilespmem:$0x1FC20] =	vst v63  }
0x59: {  	_ =	swait.ge [sflag:s9], $0x1000  }
0x5a: {  	[sflag:s9] =	ssyncset.done $0x0  }
0x5b: {  	s20 =	rddreg [dreg:$0xe];
	[sflag:s9] =	ssyncadd.s32 $0xFFFFF000  }
0x5c: {  	[tilespmem:s15], [sflag:$0x1] =	stream.indirect.gather [hbm4b:s4+s12], $0x20, s20, s12, $0xb8;
	[tilespmem:$0x1FC20] =	vst v63  }
0x5d: {  	_ =	swait.ge [sflag:s19], $0x1000  }
0x5e: {  	[sflag:s19] =	ssyncset.done $0x0  }
0x5f: {  	s20 =	rddreg [dreg:$0xf];
	[sflag:s19] =	ssyncadd.s32 $0xFFFFF000  }
0x60: {  	[spmem:s2] =	stream.indirect.scatter.add.f32 [tilespmem:s16], [sflag:$0x2], $0x20, s20, s12, $0xb8;
	[tilespmem:$0x1FC20] =	vst v63  }
0x61: {  	_ =	swait.ge [sflag:s9], $0x1000  }
0x62: {  	[sflag:s9] =	ssyncset.done $0x0  }
0x63: {  	s20 =	rddreg [dreg:$0x10];
	[sflag:s9] =	ssyncadd.s32 $0xFFFFF000  }
0x64: {  	[tilespmem:s16], [sflag:$0x1] =	stream.indirect.gather [hbm4b:s4+s12], $0x20, s20, s12, $0xb8;
	[tilespmem:$0x1FC20] =	vst v63  }
0x65: {  	_ =	swait.ge [sflag:s19], $0x1000  }
0x66: {  	[sflag:s19] =	ssyncset.done $0x0  }
0x67: {  	s20 =	rddreg [dreg:$0x11];
	[sflag:s19] =	ssyncadd.s32 $0xFFFFF000  }
0x68: {  	[spmem:s2] =	stream.indirect.scatter.add.f32 [tilespmem:s17], [sflag:$0x2], $0x20, s20, s12, $0xb8;
	[tilespmem:$0x1FC20] =	vst v63  }
0x69: {  	_ =	swait.ge [sflag:s9], $0x1000  }
0x6a: {  	[sflag:s9] =	ssyncset.done $0x0  }
0x6b: {  	[sflag:s9] =	ssyncadd.s32 $0xFFFFF000  }
0x6c: {  	[tilespmem:s17], [sflag:$0x1] =	stream.indirect.gather [hbm4b:s4+s12], $0x20, s22, s12, $0xb8;
	[tilespmem:$0x1FC20] =	vst v63  }
0x6d: {  	_ =	swait.ge [sflag:s19], $0x1000  }
0x6e: {  	[sflag:s19] =	ssyncset.done $0x0  }
0x6f: {  	[sflag:s19] =	ssyncadd.s32 $0xFFFFF000  }
0x70: {  	[spmem:s2] =	stream.indirect.scatter.add.f32 [tilespmem:s18], [sflag:$0x2], $0x20, s21, s12, $0xb8;
	[tilespmem:$0x1FC20] =	vst v63  }
0x71: {  	_ =	swait.ge [sflag:s9], $0x1000  }
0x72: {  	[sflag:s9] =	ssyncset.done $0x0  }
0x73: {  	[sflag:s9] =	ssyncadd.s32 $0xFFFFF000  }
0x74: {  	[tilespmem:s18], [sflag:$0x1] =	stream.indirect.gather [hbm4b:s4+s12], $0x20, s23, s12, $0xb8;
	[tilespmem:$0x1FC20] =	vst v63  }
0x75: {  	_ =	swait.ge [sflag:s19], $0x1000  }
0x76: {  	[sflag:s19] =	ssyncset.done $0x0  }
0x77: {  	[sflag:s19] =	ssyncadd.s32 $0xFFFFF000  }
0x78: {  	[spmem:s2] =	stream.indirect.scatter.add.f32 [tilespmem:s13], [sflag:$0x2], $0x20, s24, s12, $0xb8;
	[tilespmem:$0x1FC20] =	vst v63  }
0x79: {  	_ =	swait.ge [sflag:s9], $0x1000  }
0x7a: {  	[sflag:s9] =	ssyncset.done $0x0  }
0x7b: {  	[sflag:s9] =	ssyncadd.s32 $0xFFFFF000  }
0x7c: {  	[tilespmem:s13], [sflag:$0x1] =	stream.indirect.gather [hbm4b:s4+s12], $0x20, s25, s12, $0xb8;
	[tilespmem:$0x1FC20] =	vst v63  }
0x7d: {  	_ =	swait.ge [sflag:s19], $0x1000  }
0x7e: {  	[sflag:s19] =	ssyncset.done $0x0  }
0x7f: {  	[sflag:s19] =	ssyncadd.s32 $0xFFFFF000  }
0x80: {  	[spmem:s2] =	stream.indirect.scatter.add.f32 [tilespmem:s14], [sflag:$0x2], $0x20, s26, s12, $0xb8;
	[tilespmem:$0x1FC20] =	vst v63  }
0x81: {  	_ =	swait.ge [sflag:s9], $0x1000  }
0x82: {  	[sflag:s9] =	ssyncset.done $0x0  }
0x83: {  	[sflag:s9] =	ssyncadd.s32 $0xFFFFF000  }
0x84: {  	[tilespmem:s14], [sflag:$0x1] =	stream.indirect.gather [hbm4b:s4+s12], $0x20, s28, s12, $0xb8;
	[tilespmem:$0x1FC20] =	vst v63  }
0x85: {  	_ =	swait.ge [sflag:s19], $0x1000  }
0x86: {  	[sflag:s19] =	ssyncset.done $0x0  }
0x87: {  	[sflag:s19] =	ssyncadd.s32 $0xFFFFF000  }
0x88: {  	[spmem:s2] =	stream.indirect.scatter.add.f32 [tilespmem:s15], [sflag:$0x2], $0x20, s29, s12, $0xb8;
	[tilespmem:$0x1FC20] =	vst v63  }
0x89: {  	_ =	swait.ge [sflag:s9], $0x1000  }
0x8a: {  	[sflag:s9] =	ssyncset.done $0x0  }
0x8b: {  	[sflag:s9] =	ssyncadd.s32 $0xFFFFF000  }
0x8c: {  	_ =	swait.ge [sflag:s19], $0x1000  }
0x8d: {  	[sflag:s19] =	ssyncset.done $0x0  }
0x8e: {  	[sflag:s19] =	ssyncadd.s32 $0xFFFFF000  }
0x8f: {  	[spmem:s2] =	stream.indirect.scatter.add.f32 [tilespmem:s16], [sflag:$0x2], $0x20, s30, s12, $0xb8;
	[tilespmem:$0x1FC20] =	vst v63  }
0x90: {  	_ =	swait.ge [sflag:s9], $0x1000  }
0x91: {  	[sflag:s9] =	ssyncset.done $0x0  }
0x92: {  	[sflag:s9] =	ssyncadd.s32 $0xFFFFF000  }
0x93: {  	_ =	swait.ge [sflag:s19], $0x1000  }
0x94: {  	[sflag:s19] =	ssyncset.done $0x0  }
0x95: {  	[sflag:s19] =	ssyncadd.s32 $0xFFFFF000  }
0x96: {  	[spmem:s2] =	stream.indirect.scatter.add.f32 [tilespmem:s17], [sflag:$0x2], $0x20, s1, s12, $0xb8;
	[tilespmem:$0x1FC20] =	vst v63  }
0x97: {  	_ =	swait.ge [sflag:s9], $0x1000  }
0x98: {  	[sflag:s9] =	ssyncset.done $0x0  }
0x99: {  	[sflag:s9] =	ssyncadd.s32 $0xFFFFF000  }
0x9a: {  	_ =	swait.ge [sflag:s19], $0x1000  }
0x9b: {  	[sflag:s19] =	ssyncset.done $0x0  }
0x9c: {  	[sflag:s19] =	ssyncadd.s32 $0xFFFFF000  }
0x9d: {  	[spmem:s2] =	stream.indirect.scatter.add.f32 [tilespmem:s18], [sflag:$0x2], $0x20, s0, s12, $0xb8;
	[tilespmem:$0x1FC20] =	vst v63  }
0x9e: {  	_ =	swait.ge [sflag:s9], $0x1000  }
0x9f: {  	[sflag:s9] =	ssyncset.done $0x0  }
0xa0: {  	[sflag:s9] =	ssyncadd.s32 $0xFFFFF000  }
0xa1: {  	_ =	swait.ge [sflag:s19], $0x1000  }
0xa2: {  	[sflag:s19] =	ssyncset.done $0x0  }
0xa3: {  	[sflag:s19] =	ssyncadd.s32 $0xFFFFF000  }
0xa4: {  	[spmem:s2] =	stream.indirect.scatter.add.f32 [tilespmem:s13], [sflag:$0x2], $0x20, s31, s12, $0xb8;
	[tilespmem:$0x1FC20] =	vst v63  }
0xa5: {  	_ =	swait.ge [sflag:s9], $0x1000  }
0xa6: {  	s5 =	simm.s32 $0xE0;
	s20 =	simm.s32 $0x1C0;
	[sflag:s9] =	ssyncset.done $0x0  }
0xa7: {  	s23 =	simm.s32 $0x1F180;
	s24 =	simm.s32 $0x1ED80;
	[sflag:s9] =	ssyncadd.s32 $0xFFFFF000  }
0xa8: {  	s25 =	simm.s32 $0x1F200;
	s26 =	simm.s32 $0x1F580;
	_ =	swait.ge [sflag:s19], $0x1000  }
0xa9: {  	s28 =	simm.s32 $0x1F280;
	s29 =	simm.s32 $0x1EE80;
	[sflag:s19] =	ssyncset.done $0x0  }
0xaa: {  	s30 =	simm.s32 $0x1F300;
	s1 =	simm.s32 $0x1F400;
	[sflag:s19] =	ssyncadd.s32 $0xFFFFF000  }
0xab: {  	[spmem:s2] =	stream.indirect.scatter.add.f32 [tilespmem:s14], [sflag:$0x2], $0x20, s26, s12, $0xb8;
	[tilespmem:$0x1FC20] =	vst v63  }
0xac: {  	s0 =	simm.s32 $0x1F480;
	s31 =	simm.s32 $0x1F380;
	_ =	swait.ge [sflag:s9], $0x1000  }
0xad: {  	s26 =	simm.s32 $0x1EE00;
	s21 =	rddreg [dreg:$0x3];
	[sflag:s9] =	ssyncset.done $0x0  }
.LBB2_6:
0xae: {  	[sflag:s9] =	ssyncadd.s32 $0xFFFFF000;
	s21 =	sadd.s32 s5, s21  }
0xaf: {  	[tilespmem:s10], [sflag:$0x2] =	stream.linear.gather [hbm4b:s21+s3], $0x700, $0x38;
	[tilespmem:$0x1FC20] =	vst v63  }
0xb0: {  	_ =	swait.ge [sflag:s9], $0x700  }
0xb1: {  	s21 =	rddreg [dreg:$0x4];
	[sflag:s9] =	ssyncset.done $0x0  }
0xb2: {  	[sflag:s9] =	ssyncadd.s32 $0xFFFFF900;
	s21 =	sadd.s32 s5, s21  }
0xb3: {  	[tilespmem:s11], [sflag:$0x2] =	stream.linear.gather [hbm4b:s21+s3], $0x700, $0x38;
	[tilespmem:$0x1FC20] =	vst v63  }
0xb4: {  	_ =	swait.ge [sflag:s9], $0x700  }
0xb5: {  	[sflag:s9] =	ssyncset.done $0x0  }
0xb6: {  	[sflag:s9] =	ssyncadd.s32 $0xFFFFF900  }
0xb7: {  	[tilespmem:s13], [sflag:$0x1] =	stream.indirect.gather [hbm4b:s4+s12], $0x20, s10, s12, $0xb8;
	[tilespmem:$0x1FC20] =	vst v63  }
0xb8: {  	s22 =	smov.u32 s20;
	s21 =	rddreg [dreg:$0x5]  }
0xb9: {  	[tilespmem:s14], [sflag:$0x1] =	stream.indirect.gather [hbm4b:s4+s12], $0x20, s21, s12, $0xb8;
	[tilespmem:$0x1FC20] =	vst v63  }
0xba: {  	s5 =	smov.u32 s22;
	s22 =	rddreg [dreg:$0x6]  }
0xbb: {  	[tilespmem:s15], [sflag:$0x1] =	stream.indirect.gather [hbm4b:s4+s12], $0x20, s22, s12, $0xb8;
	[tilespmem:$0x1FC20] =	vst v63  }
0xbc: {  	s21 =	rddreg [dreg:$0x7]  }
0xbd: {  	[tilespmem:s16], [sflag:$0x1] =	stream.indirect.gather [hbm4b:s4+s12], $0x20, s21, s12, $0xb8;
	[tilespmem:$0x1FC20] =	vst v63  }
0xbe: {  	s22 =	rddreg [dreg:$0x8]  }
0xbf: {  	[tilespmem:s17], [sflag:$0x1] =	stream.indirect.gather [hbm4b:s4+s12], $0x20, s22, s12, $0xb8;
	[tilespmem:$0x1FC20] =	vst v63  }
0xc0: {  	s21 =	rddreg [dreg:$0x9]  }
0xc1: {  	[tilespmem:s18], [sflag:$0x1] =	stream.indirect.gather [hbm4b:s4+s12], $0x20, s21, s12, $0xb8;
	[tilespmem:$0x1FC20] =	vst v63  }
0xc2: {  	_ =	swait.ge [sflag:s19], $0x1000  }
0xc3: {  	[sflag:s19] =	ssyncset.done $0x0  }
0xc4: {  	[sflag:s19] =	ssyncadd.s32 $0xFFFFF000  }
0xc5: {  	[spmem:s2] =	stream.indirect.scatter.add.f32 [tilespmem:s13], [sflag:$0x2], $0x20, s11, s12, $0xb8;
	[tilespmem:$0x1FC20] =	vst v63  }
0xc6: {  	_ =	swait.ge [sflag:s9], $0x1000  }
0xc7: {  	[sflag:s9] =	ssyncset.done $0x0  }
0xc8: {  	s21 =	rddreg [dreg:$0xa];
	[sflag:s9] =	ssyncadd.s32 $0xFFFFF000  }
0xc9: {  	[tilespmem:s13], [sflag:$0x1] =	stream.indirect.gather [hbm4b:s4+s12], $0x20, s21, s12, $0xb8;
	[tilespmem:$0x1FC20] =	vst v63  }
0xca: {  	_ =	swait.ge [sflag:s19], $0x1000  }
0xcb: {  	[sflag:s19] =	ssyncset.done $0x0  }
0xcc: {  	s21 =	rddreg [dreg:$0xb];
	[sflag:s19] =	ssyncadd.s32 $0xFFFFF000  }
0xcd: {  	[spmem:s2] =	stream.indirect.scatter.add.f32 [tilespmem:s14], [sflag:$0x2], $0x20, s21, s12, $0xb8;
	[tilespmem:$0x1FC20] =	vst v63  }
0xce: {  	_ =	swait.ge [sflag:s9], $0x1000  }
0xcf: {  	[sflag:s9] =	ssyncset.done $0x0  }
0xd0: {  	s21 =	rddreg [dreg:$0xc];
	[sflag:s9] =	ssyncadd.s32 $0xFFFFF000  }
0xd1: {  	[tilespmem:s14], [sflag:$0x1] =	stream.indirect.gather [hbm4b:s4+s12], $0x20, s21, s12, $0xb8;
	[tilespmem:$0x1FC20] =	vst v63  }
0xd2: {  	_ =	swait.ge [sflag:s19], $0x1000  }
0xd3: {  	[sflag:s19] =	ssyncset.done $0x0  }
0xd4: {  	s21 =	rddreg [dreg:$0xd];
	[sflag:s19] =	ssyncadd.s32 $0xFFFFF000  }
0xd5: {  	[spmem:s2] =	stream.indirect.scatter.add.f32 [tilespmem:s15], [sflag:$0x2], $0x20, s21, s12, $0xb8;
	[tilespmem:$0x1FC20] =	vst v63  }
0xd6: {  	_ =	swait.ge [sflag:s9], $0x1000  }
0xd7: {  	[sflag:s9] =	ssyncset.done $0x0  }
0xd8: {  	s21 =	rddreg [dreg:$0xe];
	[sflag:s9] =	ssyncadd.s32 $0xFFFFF000  }
0xd9: {  	[tilespmem:s15], [sflag:$0x1] =	stream.indirect.gather [hbm4b:s4+s12], $0x20, s21, s12, $0xb8;
	[tilespmem:$0x1FC20] =	vst v63  }
0xda: {  	_ =	swait.ge [sflag:s19], $0x1000  }
0xdb: {  	[sflag:s19] =	ssyncset.done $0x0  }
0xdc: {  	s21 =	rddreg [dreg:$0xf];
	[sflag:s19] =	ssyncadd.s32 $0xFFFFF000  }
0xdd: {  	[spmem:s2] =	stream.indirect.scatter.add.f32 [tilespmem:s16], [sflag:$0x2], $0x20, s21, s12, $0xb8;
	[tilespmem:$0x1FC20] =	vst v63  }
0xde: {  	_ =	swait.ge [sflag:s9], $0x1000  }
0xdf: {  	[sflag:s9] =	ssyncset.done $0x0  }
0xe0: {  	s21 =	rddreg [dreg:$0x10];
	[sflag:s9] =	ssyncadd.s32 $0xFFFFF000  }
0xe1: {  	[tilespmem:s16], [sflag:$0x1] =	stream.indirect.gather [hbm4b:s4+s12], $0x20, s21, s12, $0xb8;
	[tilespmem:$0x1FC20] =	vst v63  }
0xe2: {  	_ =	swait.ge [sflag:s19], $0x1000  }
0xe3: {  	[sflag:s19] =	ssyncset.done $0x0  }
0xe4: {  	s21 =	rddreg [dreg:$0x11];
	[sflag:s19] =	ssyncadd.s32 $0xFFFFF000  }
0xe5: {  	[spmem:s2] =	stream.indirect.scatter.add.f32 [tilespmem:s17], [sflag:$0x2], $0x20, s21, s12, $0xb8;
	[tilespmem:$0x1FC20] =	vst v63  }
0xe6: {  	_ =	swait.ge [sflag:s9], $0x1000  }
0xe7: {  	[sflag:s9] =	ssyncset.done $0x0  }
0xe8: {  	s22 =	simm.s32 $0x1ED00;
	[sflag:s9] =	ssyncadd.s32 $0xFFFFF000  }
0xe9: {  	[tilespmem:s17], [sflag:$0x1] =	stream.indirect.gather [hbm4b:s4+s12], $0x20, s22, s12, $0xb8;
	[tilespmem:$0x1FC20] =	vst v63  }
0xea: {  	_ =	swait.ge [sflag:s19], $0x1000  }
0xeb: {  	[sflag:s19] =	ssyncset.done $0x0  }
0xec: {  	[sflag:s19] =	ssyncadd.s32 $0xFFFFF000  }
0xed: {  	[spmem:s2] =	stream.indirect.scatter.add.f32 [tilespmem:s18], [sflag:$0x2], $0x20, s23, s12, $0xb8;
	[tilespmem:$0x1FC20] =	vst v63  }
0xee: {  	_ =	swait.ge [sflag:s9], $0x1000  }
0xef: {  	[sflag:s9] =	ssyncset.done $0x0  }
0xf0: {  	[sflag:s9] =	ssyncadd.s32 $0xFFFFF000  }
0xf1: {  	[tilespmem:s18], [sflag:$0x1] =	stream.indirect.gather [hbm4b:s4+s12], $0x20, s24, s12, $0xb8;
	[tilespmem:$0x1FC20] =	vst v63  }
0xf2: {  	_ =	swait.ge [sflag:s19], $0x1000  }
0xf3: {  	[sflag:s19] =	ssyncset.done $0x0  }
0xf4: {  	[sflag:s19] =	ssyncadd.s32 $0xFFFFF000  }
0xf5: {  	[spmem:s2] =	stream.indirect.scatter.add.f32 [tilespmem:s13], [sflag:$0x2], $0x20, s25, s12, $0xb8;
	[tilespmem:$0x1FC20] =	vst v63  }
0xf6: {  	_ =	swait.ge [sflag:s9], $0x1000  }
0xf7: {  	[sflag:s9] =	ssyncset.done $0x0  }
0xf8: {  	[sflag:s9] =	ssyncadd.s32 $0xFFFFF000  }
0xf9: {  	[tilespmem:s13], [sflag:$0x1] =	stream.indirect.gather [hbm4b:s4+s12], $0x20, s26, s12, $0xb8;
	[tilespmem:$0x1FC20] =	vst v63  }
0xfa: {  	_ =	swait.ge [sflag:s19], $0x1000  }
0xfb: {  	[sflag:s19] =	ssyncset.done $0x0  }
0xfc: {  	[sflag:s19] =	ssyncadd.s32 $0xFFFFF000  }
0xfd: {  	[spmem:s2] =	stream.indirect.scatter.add.f32 [tilespmem:s14], [sflag:$0x2], $0x20, s28, s12, $0xb8;
	[tilespmem:$0x1FC20] =	vst v63  }
0xfe: {  	_ =	swait.ge [sflag:s9], $0x1000  }
0xff: {  	[sflag:s9] =	ssyncset.done $0x0  }
0x100: {  	[sflag:s9] =	ssyncadd.s32 $0xFFFFF000  }
0x101: {  	[tilespmem:s14], [sflag:$0x1] =	stream.indirect.gather [hbm4b:s4+s12], $0x20, s29, s12, $0xb8;
	[tilespmem:$0x1FC20] =	vst v63  }
0x102: {  	_ =	swait.ge [sflag:s19], $0x1000  }
0x103: {  	[sflag:s19] =	ssyncset.done $0x0  }
0x104: {  	[sflag:s19] =	ssyncadd.s32 $0xFFFFF000  }
0x105: {  	[spmem:s2] =	stream.indirect.scatter.add.f32 [tilespmem:s15], [sflag:$0x2], $0x20, s30, s12, $0xb8;
	[tilespmem:$0x1FC20] =	vst v63  }
0x106: {  	_ =	swait.ge [sflag:s9], $0x1000  }
0x107: {  	[sflag:s9] =	ssyncset.done $0x0  }
0x108: {  	[sflag:s9] =	ssyncadd.s32 $0xFFFFF000  }
0x109: {  	_ =	swait.ge [sflag:s19], $0x1000  }
0x10a: {  	[sflag:s19] =	ssyncset.done $0x0  }
0x10b: {  	[sflag:s19] =	ssyncadd.s32 $0xFFFFF000  }
0x10c: {  	[spmem:s2] =	stream.indirect.scatter.add.f32 [tilespmem:s16], [sflag:$0x2], $0x20, s31, s12, $0xb8;
	[tilespmem:$0x1FC20] =	vst v63  }
0x10d: {  	_ =	swait.ge [sflag:s9], $0x1000  }
0x10e: {  	[sflag:s9] =	ssyncset.done $0x0  }
0x10f: {  	[sflag:s9] =	ssyncadd.s32 $0xFFFFF000  }
0x110: {  	_ =	swait.ge [sflag:s19], $0x1000  }
0x111: {  	[sflag:s19] =	ssyncset.done $0x0  }
0x112: {  	[sflag:s19] =	ssyncadd.s32 $0xFFFFF000  }
0x113: {  	[spmem:s2] =	stream.indirect.scatter.add.f32 [tilespmem:s17], [sflag:$0x2], $0x20, s1, s12, $0xb8;
	[tilespmem:$0x1FC20] =	vst v63  }
0x114: {  	_ =	swait.ge [sflag:s9], $0x1000  }
0x115: {  	[sflag:s9] =	ssyncset.done $0x0  }
0x116: {  	[sflag:s9] =	ssyncadd.s32 $0xFFFFF000  }
0x117: {  	_ =	swait.ge [sflag:s19], $0x1000  }
0x118: {  	[sflag:s19] =	ssyncset.done $0x0  }
0x119: {  	[sflag:s19] =	ssyncadd.s32 $0xFFFFF000  }
0x11a: {  	[spmem:s2] =	stream.indirect.scatter.add.f32 [tilespmem:s18], [sflag:$0x2], $0x20, s0, s12, $0xb8;
	[tilespmem:$0x1FC20] =	vst v63  }
0x11b: {  	_ =	swait.ge [sflag:s9], $0x1000  }
0x11c: {  	[sflag:s9] =	ssyncset.done $0x0  }
0x11d: {  	[sflag:s9] =	ssyncadd.s32 $0xFFFFF000  }
0x11e: {  	_ =	swait.ge [sflag:s19], $0x1000  }
0x11f: {  	[sflag:s19] =	ssyncset.done $0x0  }
0x120: {  	s21 =	simm.s32 $0x1F500;
	[sflag:s19] =	ssyncadd.s32 $0xFFFFF000  }
0x121: {  	[spmem:s2] =	stream.indirect.scatter.add.f32 [tilespmem:s13], [sflag:$0x2], $0x20, s21, s12, $0xb8;
	[tilespmem:$0x1FC20] =	vst v63  }
0x122: {  	_ =	swait.ge [sflag:s9], $0x1000  }
0x123: {  	[sflag:s9] =	ssyncset.done $0x0  }
0x124: {  	[sflag:s9] =	ssyncadd.s32 $0xFFFFF000  }
0x125: {  	p0 =	sne.s32 s20, $0x17A0;
	_ =	swait.ge [sflag:s19], $0x1000  }
.Ltmp2:
0x126: {  	[sflag:s19] =	ssyncset.done $0x0;
	(pc) =	sbr.rel @p0 .LBB2_6-.Ltmp2, $4  }
0x127: {  	s21 =	simm.s32 $0x1F580;
	[sflag:s19] =	ssyncadd.s32 $0xFFFFF000  }
0x128: {  	[spmem:s2] =	stream.indirect.scatter.add.f32 [tilespmem:s14], [sflag:$0x2], $0x20, s21, s12, $0xb8;
	[tilespmem:$0x1FC20] =	vst v63  }
0x129: {  	_ =	swait.ge [sflag:s9], $0x1000  }
0x12a: {  	s20 =	sadd.s32 $0xE0, s20;
	s21 =	rddreg [dreg:$0x3];
	[sflag:s9] =	ssyncset.done $0x0  }
0x12b: {  	[sflag:s9] =	ssyncadd.s32 $0xFFFFF000;
	s20 =	sadd.s32 s5, s21  }
0x12c: {  	[tilespmem:s10], [sflag:$0x2] =	stream.linear.gather [hbm4b:s20+s3], $0x700, $0x38;
	[tilespmem:$0x1FC20] =	vst v63  }
0x12d: {  	_ =	swait.ge [sflag:s9], $0x700  }
0x12e: {  	s21 =	rddreg [dreg:$0x4];
	[sflag:s9] =	ssyncset.done $0x0  }
0x12f: {  	[sflag:s9] =	ssyncadd.s32 $0xFFFFF900;
	s20 =	sadd.s32 s5, s21  }
0x130: {  	[tilespmem:s11], [sflag:$0x2] =	stream.linear.gather [hbm4b:s20+s3], $0x700, $0x38;
	[tilespmem:$0x1FC20] =	vst v63  }
0x131: {  	_ =	swait.ge [sflag:s9], $0x700  }
0x132: {  	[sflag:s9] =	ssyncset.done $0x0  }
0x133: {  	[sflag:s9] =	ssyncadd.s32 $0xFFFFF900  }
0x134: {  	[tilespmem:s13], [sflag:$0x1] =	stream.indirect.gather [hbm4b:s4+s12], $0x20, s10, s12, $0xb8;
	[tilespmem:$0x1FC20] =	vst v63  }
0x135: {  	s21 =	rddreg [dreg:$0x5]  }
0x136: {  	[tilespmem:s14], [sflag:$0x1] =	stream.indirect.gather [hbm4b:s4+s12], $0x20, s21, s12, $0xb8;
	[tilespmem:$0x1FC20] =	vst v63  }
0x137: {  	s20 =	rddreg [dreg:$0x6]  }
0x138: {  	[tilespmem:s15], [sflag:$0x1] =	stream.indirect.gather [hbm4b:s4+s12], $0x20, s20, s12, $0xb8;
	[tilespmem:$0x1FC20] =	vst v63  }
0x139: {  	s21 =	rddreg [dreg:$0x7]  }
0x13a: {  	[tilespmem:s16], [sflag:$0x1] =	stream.indirect.gather [hbm4b:s4+s12], $0x20, s21, s12, $0xb8;
	[tilespmem:$0x1FC20] =	vst v63  }
0x13b: {  	s20 =	rddreg [dreg:$0x8]  }
0x13c: {  	[tilespmem:s17], [sflag:$0x1] =	stream.indirect.gather [hbm4b:s4+s12], $0x20, s20, s12, $0xb8;
	[tilespmem:$0x1FC20] =	vst v63  }
0x13d: {  	s21 =	rddreg [dreg:$0x9]  }
0x13e: {  	[tilespmem:s18], [sflag:$0x1] =	stream.indirect.gather [hbm4b:s4+s12], $0x20, s21, s12, $0xb8;
	[tilespmem:$0x1FC20] =	vst v63  }
0x13f: {  	_ =	swait.ge [sflag:s19], $0x1000  }
0x140: {  	[sflag:s19] =	ssyncset.done $0x0  }
0x141: {  	[sflag:s19] =	ssyncadd.s32 $0xFFFFF000  }
0x142: {  	[spmem:s2] =	stream.indirect.scatter.add.f32 [tilespmem:s13], [sflag:$0x2], $0x20, s11, s12, $0xb8;
	[tilespmem:$0x1FC20] =	vst v63  }
0x143: {  	_ =	swait.ge [sflag:s9], $0x1000  }
0x144: {  	[sflag:s9] =	ssyncset.done $0x0  }
0x145: {  	s20 =	rddreg [dreg:$0xa];
	[sflag:s9] =	ssyncadd.s32 $0xFFFFF000  }
0x146: {  	[tilespmem:s13], [sflag:$0x1] =	stream.indirect.gather [hbm4b:s4+s12], $0x20, s20, s12, $0xb8;
	[tilespmem:$0x1FC20] =	vst v63  }
0x147: {  	_ =	swait.ge [sflag:s19], $0x1000  }
0x148: {  	[sflag:s19] =	ssyncset.done $0x0  }
0x149: {  	s21 =	rddreg [dreg:$0xb];
	[sflag:s19] =	ssyncadd.s32 $0xFFFFF000  }
0x14a: {  	[spmem:s2] =	stream.indirect.scatter.add.f32 [tilespmem:s14], [sflag:$0x2], $0x20, s21, s12, $0xb8;
	[tilespmem:$0x1FC20] =	vst v63  }
0x14b: {  	_ =	swait.ge [sflag:s9], $0x1000  }
0x14c: {  	[sflag:s9] =	ssyncset.done $0x0  }
0x14d: {  	s20 =	rddreg [dreg:$0xc];
	[sflag:s9] =	ssyncadd.s32 $0xFFFFF000  }
0x14e: {  	[tilespmem:s14], [sflag:$0x1] =	stream.indirect.gather [hbm4b:s4+s12], $0x20, s20, s12, $0xb8;
	[tilespmem:$0x1FC20] =	vst v63  }
0x14f: {  	_ =	swait.ge [sflag:s19], $0x1000  }
0x150: {  	[sflag:s19] =	ssyncset.done $0x0  }
0x151: {  	s21 =	rddreg [dreg:$0xd];
	[sflag:s19] =	ssyncadd.s32 $0xFFFFF000  }
0x152: {  	[spmem:s2] =	stream.indirect.scatter.add.f32 [tilespmem:s15], [sflag:$0x2], $0x20, s21, s12, $0xb8;
	[tilespmem:$0x1FC20] =	vst v63  }
0x153: {  	_ =	swait.ge [sflag:s9], $0x1000  }
0x154: {  	[sflag:s9] =	ssyncset.done $0x0  }
0x155: {  	s20 =	rddreg [dreg:$0xe];
	[sflag:s9] =	ssyncadd.s32 $0xFFFFF000  }
0x156: {  	[tilespmem:s15], [sflag:$0x1] =	stream.indirect.gather [hbm4b:s4+s12], $0x20, s20, s12, $0xb8;
	[tilespmem:$0x1FC20] =	vst v63  }
0x157: {  	_ =	swait.ge [sflag:s19], $0x1000  }
0x158: {  	[sflag:s19] =	ssyncset.done $0x0  }
0x159: {  	s21 =	rddreg [dreg:$0xf];
	[sflag:s19] =	ssyncadd.s32 $0xFFFFF000  }
0x15a: {  	[spmem:s2] =	stream.indirect.scatter.add.f32 [tilespmem:s16], [sflag:$0x2], $0x20, s21, s12, $0xb8;
	[tilespmem:$0x1FC20] =	vst v63  }
0x15b: {  	_ =	swait.ge [sflag:s9], $0x1000  }
0x15c: {  	[sflag:s9] =	ssyncset.done $0x0  }
0x15d: {  	s20 =	rddreg [dreg:$0x10];
	[sflag:s9] =	ssyncadd.s32 $0xFFFFF000  }
0x15e: {  	[tilespmem:s16], [sflag:$0x1] =	stream.indirect.gather [hbm4b:s4+s12], $0x20, s20, s12, $0xb8;
	[tilespmem:$0x1FC20] =	vst v63  }
0x15f: {  	_ =	swait.ge [sflag:s19], $0x1000  }
0x160: {  	[sflag:s19] =	ssyncset.done $0x0  }
0x161: {  	s21 =	rddreg [dreg:$0x11];
	[sflag:s19] =	ssyncadd.s32 $0xFFFFF000  }
0x162: {  	[spmem:s2] =	stream.indirect.scatter.add.f32 [tilespmem:s17], [sflag:$0x2], $0x20, s21, s12, $0xb8;
	[tilespmem:$0x1FC20] =	vst v63  }
0x163: {  	_ =	swait.ge [sflag:s9], $0x1000  }
0x164: {  	[sflag:s9] =	ssyncset.done $0x0  }
0x165: {  	[sflag:s9] =	ssyncadd.s32 $0xFFFFF000  }
0x166: {  	[tilespmem:s17], [sflag:$0x1] =	stream.indirect.gather [hbm4b:s4+s12], $0x20, s22, s12, $0xb8;
	[tilespmem:$0x1FC20] =	vst v63  }
0x167: {  	_ =	swait.ge [sflag:s19], $0x1000  }
0x168: {  	[sflag:s19] =	ssyncset.done $0x0  }
0x169: {  	[sflag:s19] =	ssyncadd.s32 $0xFFFFF000  }
0x16a: {  	[spmem:s2] =	stream.indirect.scatter.add.f32 [tilespmem:s18], [sflag:$0x2], $0x20, s23, s12, $0xb8;
	[tilespmem:$0x1FC20] =	vst v63  }
0x16b: {  	_ =	swait.ge [sflag:s9], $0x1000  }
0x16c: {  	[sflag:s9] =	ssyncset.done $0x0  }
0x16d: {  	[sflag:s9] =	ssyncadd.s32 $0xFFFFF000  }
0x16e: {  	[tilespmem:s18], [sflag:$0x1] =	stream.indirect.gather [hbm4b:s4+s12], $0x20, s24, s12, $0xb8;
	[tilespmem:$0x1FC20] =	vst v63  }
0x16f: {  	_ =	swait.ge [sflag:s19], $0x1000  }
0x170: {  	[sflag:s19] =	ssyncset.done $0x0  }
0x171: {  	[sflag:s19] =	ssyncadd.s32 $0xFFFFF000  }
0x172: {  	[spmem:s2] =	stream.indirect.scatter.add.f32 [tilespmem:s13], [sflag:$0x2], $0x20, s25, s12, $0xb8;
	[tilespmem:$0x1FC20] =	vst v63  }
0x173: {  	_ =	swait.ge [sflag:s9], $0x1000  }
0x174: {  	[sflag:s9] =	ssyncset.done $0x0  }
0x175: {  	[sflag:s9] =	ssyncadd.s32 $0xFFFFF000  }
0x176: {  	[tilespmem:s13], [sflag:$0x1] =	stream.indirect.gather [hbm4b:s4+s12], $0x20, s26, s12, $0xb8;
	[tilespmem:$0x1FC20] =	vst v63  }
0x177: {  	_ =	swait.ge [sflag:s19], $0x1000  }
0x178: {  	[sflag:s19] =	ssyncset.done $0x0  }
0x179: {  	[sflag:s19] =	ssyncadd.s32 $0xFFFFF000  }
0x17a: {  	[spmem:s2] =	stream.indirect.scatter.add.f32 [tilespmem:s14], [sflag:$0x2], $0x20, s28, s12, $0xb8;
	[tilespmem:$0x1FC20] =	vst v63  }
0x17b: {  	_ =	swait.ge [sflag:s9], $0x1000  }
0x17c: {  	[sflag:s9] =	ssyncset.done $0x0  }
0x17d: {  	[sflag:s9] =	ssyncadd.s32 $0xFFFFF000  }
0x17e: {  	[tilespmem:s14], [sflag:$0x1] =	stream.indirect.gather [hbm4b:s4+s12], $0x20, s29, s12, $0xb8;
	[tilespmem:$0x1FC20] =	vst v63  }
0x17f: {  	_ =	swait.ge [sflag:s19], $0x1000  }
0x180: {  	[sflag:s19] =	ssyncset.done $0x0  }
0x181: {  	[sflag:s19] =	ssyncadd.s32 $0xFFFFF000  }
0x182: {  	[spmem:s2] =	stream.indirect.scatter.add.f32 [tilespmem:s15], [sflag:$0x2], $0x20, s30, s12, $0xb8;
	[tilespmem:$0x1FC20] =	vst v63  }
0x183: {  	_ =	swait.ge [sflag:s9], $0x1000  }
0x184: {  	[sflag:s9] =	ssyncset.done $0x0  }
0x185: {  	[sflag:s9] =	ssyncadd.s32 $0xFFFFF000  }
0x186: {  	_ =	swait.ge [sflag:s19], $0x1000  }
0x187: {  	[sflag:s19] =	ssyncset.done $0x0  }
0x188: {  	[sflag:s19] =	ssyncadd.s32 $0xFFFFF000  }
0x189: {  	[spmem:s2] =	stream.indirect.scatter.add.f32 [tilespmem:s16], [sflag:$0x2], $0x20, s31, s12, $0xb8;
	[tilespmem:$0x1FC20] =	vst v63  }
0x18a: {  	_ =	swait.ge [sflag:s9], $0x1000  }
0x18b: {  	[sflag:s9] =	ssyncset.done $0x0  }
0x18c: {  	[sflag:s9] =	ssyncadd.s32 $0xFFFFF000  }
0x18d: {  	_ =	swait.ge [sflag:s19], $0x1000  }
0x18e: {  	[sflag:s19] =	ssyncset.done $0x0  }
0x18f: {  	[sflag:s19] =	ssyncadd.s32 $0xFFFFF000  }
0x190: {  	[spmem:s2] =	stream.indirect.scatter.add.f32 [tilespmem:s17], [sflag:$0x2], $0x20, s1, s12, $0xb8;
	[tilespmem:$0x1FC20] =	vst v63  }
0x191: {  	_ =	swait.ge [sflag:s9], $0x1000  }
0x192: {  	[sflag:s9] =	ssyncset.done $0x0  }
0x193: {  	[sflag:s9] =	ssyncadd.s32 $0xFFFFF000  }
0x194: {  	_ =	swait.ge [sflag:s19], $0x1000  }
0x195: {  	[sflag:s19] =	ssyncset.done $0x0  }
0x196: {  	[sflag:s19] =	ssyncadd.s32 $0xFFFFF000  }
0x197: {  	[spmem:s2] =	stream.indirect.scatter.add.f32 [tilespmem:s18], [sflag:$0x2], $0x20, s0, s12, $0xb8;
	[tilespmem:$0x1FC20] =	vst v63  }
0x198: {  	_ =	swait.ge [sflag:s9], $0x1000  }
0x199: {  	[sflag:s9] =	ssyncset.done $0x0  }
0x19a: {  	[sflag:s9] =	ssyncadd.s32 $0xFFFFF000  }
0x19b: {  	_ =	swait.ge [sflag:s19], $0x1000  }
0x19c: {  	[sflag:s19] =	ssyncset.done $0x0  }
0x19d: {  	s24 =	simm.s32 $0x1F500;
	[sflag:s19] =	ssyncadd.s32 $0xFFFFF000  }
0x19e: {  	[spmem:s2] =	stream.indirect.scatter.add.f32 [tilespmem:s13], [sflag:$0x2], $0x20, s24, s12, $0xb8;
	[tilespmem:$0x1FC20] =	vst v63  }
0x19f: {  	_ =	swait.ge [sflag:s9], $0x1000  }
0x1a0: {  	[sflag:s9] =	ssyncset.done $0x0  }
0x1a1: {  	[sflag:s9] =	ssyncadd.s32 $0xFFFFF000  }
0x1a2: {  	_ =	swait.ge [sflag:s19], $0x1000  }
0x1a3: {  	[sflag:s19] =	ssyncset.done $0x0  }
0x1a4: {  	s25 =	simm.s32 $0x1F580;
	[sflag:s19] =	ssyncadd.s32 $0xFFFFF000  }
0x1a5: {  	[spmem:s2] =	stream.indirect.scatter.add.f32 [tilespmem:s14], [sflag:$0x2], $0x20, s25, s12, $0xb8;
	[tilespmem:$0x1FC20] =	vst v63  }
0x1a6: {  	_ =	swait.ge [sflag:s9], $0x1000  }
0x1a7: {  	[sflag:s9] =	ssyncset.done $0x0  }
0x1a8: {  	s5 =	simm.s32 $0xC4;
	[sflag:s9] =	ssyncadd.s32 $0xFFFFF000  }
0x1a9: {  	s20 =	smov.u32 s6;
	s23 =	simm.s32 $0x1ED80;
	[bflag:$0x0] =	sbarrier.arrive $0xFFFF  }
0x1aa: {  	[tilespmem:s8], [sflag:$0x2] =	stream.linear.gather [spmem:s6], $0x620, $0x38;
	[tilespmem:$0x1FC20] =	vst v63  }
0x1ab: {  	s26 =	sadd.s32 $0x0, s7;
	s28 =	simm.s32 $0x1EE80;
	_ =	swait.ge [sflag:s9], $0x620  }
0x1ac: {  	s29 =	simm.s32 $0x1F300;
	s30 =	simm.s32 $0x1F380;
	[sflag:s9] =	ssyncset.done $0x0  }
0x1ad: {  	s31 =	simm.s32 $0x1F500;
	s1 =	simm.s32 $0x1F400;
	[sflag:s9] =	ssyncadd.s32 $0xFFFFF9E0  }
0x1ae: {  	[hbm4b:s26+s3] =	stream.linear.scatter [tilespmem:s8], [sflag:$0x2], $0x620, $0x38;
	[tilespmem:$0x1FC20] =	vst v63  }
0x1af: {  	s0 =	simm.s32 $0x1F480;
	s24 =	simm.s32 $0x1F200;
	_ =	swait.ge [sflag:s9], $0x620  }
0x1b0: {  	s25 =	simm.s32 $0x1EE00;
	s26 =	simm.s32 $0x1F280;
	[sflag:s9] =	ssyncset.done $0x0  }
.LBB2_8:
0x1b1: {  	p0 =	sne.s32 s5, $0x303C;
	[sflag:s9] =	ssyncadd.s32 $0xFFFFF9E0;
	s20 =	sadd.s32 $0x620, s20  }
0x1b2: {  	[tilespmem:s8], [sflag:$0x2] =	stream.linear.gather [spmem:s20], $0x620, $0x38;
	[tilespmem:$0x1FC20] =	vst v63  }
0x1b3: {  	s21 =	smov.u32 s5;
	s5 =	sadd.s32 $0xC4, s5;
	_ =	swait.ge [sflag:s9], $0x620  }
.Ltmp3:
0x1b4: {  	[sflag:s9] =	ssyncset.done $0x0;
	(pc) =	sbr.rel @p0 .LBB2_8-.Ltmp3, $4  }
0x1b5: {  	s21 =	sadd.s32 s21, s7;
	[sflag:s9] =	ssyncadd.s32 $0xFFFFF9E0  }
0x1b6: {  	[hbm4b:s21+s3] =	stream.linear.scatter [tilespmem:s8], [sflag:$0x2], $0x620, $0x38;
	[tilespmem:$0x1FC20] =	vst v63  }
0x1b7: {  	_ =	swait.ge [sflag:s9], $0x620  }
0x1b8: {  	[sflag:s9] =	ssyncset.done $0x0  }
0x1b9: {  	s20 =	rddreg [dreg:$0x13]  }
0x1ba: {  	s5 =	rddreg [dreg:$0x12];
	s20 =	sadd.s32 $0x1, s20  }
0x1bb: {  	p0 =	sne.s32 s20, s5  }
.Ltmp4:
0x1bc: {  	_ = 	snop;
	(pc) =	sbr.rel @p0 .LBB2_1-.Ltmp4, $2  }
0x1bd: {  	_ =	sdelay $0x2  }
0x1be: {  	[sflag:s9] =	ssyncadd.s32 $0xFFFFF9E0;
	s21 =	simm.s32 $0x1F180  }
0x1bf: {  	_ =	sfence.sel $0x180000  }
0x1c0: {  	[bflag:$0x0] =	sbarrier.arrive $0xFFFF  }
0x1c1: {  	_ =	strace $0x9000004A  }
0x1c2: {  	s0 =	stileid.u32;
	[bflag:$0x2] =	sbarrier.arrive $0xFFFF  }
0x1c3: {  	p0 =	sne.s32 s0, $0x0;
	s0 =	rddreg [dreg:$0x2]  }
0x1c4: {  	s0 =	sadd.s32 @!p0 $0x100000, s0  }
0x1c5: {  	[sflag:s0] =	ssyncadd.tile.s32 @!p0 $0x1;
	_ =	shalt  }
.Lfunc_end2:
_tile_overlayer_lowered:
.L_overlay_start_2:
0x1c6: {  	(tag) =	ssettag $0x2  }
0x1c7: {  	s0 =	rddreg [dreg:$0x0];
	s2 =	stileid.u32  }
0x1c8: {  	s1 =	rddreg [dreg:$0x1];
	p0 =	sne.s32 s2, $0x0  }
0x1c9: {  	s3 =	rddreg [dreg:$0x2];
	[bflag:$0x3] =	sbarrier.arrive $0xFFFF;
	s2 =	simm.s32 @!p0 $0x1C02  }
0x1ca: {  	[timem:s3], [sflag:s2] =	dma.local @!p0 [hbm:s0], s1  }
0x1cb: {  	s0 =	simm.s32 @!p0 $0x2  }
0x1cc: {  	_ =	swait.ge @!p0 [sflag:s0], s1  }
0x1cd: {  	s1 =	ssub.s32 @!p0 $0x0, s1;
	[sflag:s0] =	ssyncset.done @!p0 $0x0  }
0x1ce: {  	[sflag:s0] =	ssyncadd.s32 @!p0 s1  }
0x1cf: {  	[bflag:$0x3] =	sbarrier.arrive $0xFFFF  }
0x1d0: {  	_ =	shalt  }

// kernel: kernel.16.cloned.1.call-start
scs
__scs_entry_jumppad:
0x0: {  	(pc) =	sbr.rel $0x88, $3  }
0x1: {  	(tag) =	ssettag $0x0;
	lr =	simm.s32 $0x1  }
0x2: {  	[smem:$0x3F9E] =	sst lr;
	_ =	strace $0xD0000000  }
0x3: {  	_ = 	snop  }
0x4: {  	_ = 	snop  }
0x5: {  	_ = 	snop  }
0x6: {  	_ = 	snop  }
0x7: {  	_ = 	snop  }
__scs_overlays_trampoline_lowered:
0x8: {  	[smem:$0x3FAD] =	sst s0  }
0x9: {  	[smem:$0x3FAE] =	sst s1  }
0xa: {  	[smem:$0x3FAF] =	sst s2  }
0xb: {  	[smem:$0x3FB0] =	sst s3  }
0xc: {  	[smem:$0x3FB1] =	sst s4  }
0xd: {  	[smem:$0x3FB2] =	sst s5  }
0xe: {  	[smem:$0x3FB3] =	sst s6  }
0xf: {  	[smem:$0x3FB4] =	sst s7  }
0x10: {  	[smem:$0x3FB5] =	sst s8  }
0x11: {  	[smem:$0x3FB6] =	sst s9;
	s0 =	simm.s32 @!p0 $0x0  }
0x12: {  	s1 =	sld [smem:$0x3F9C];
	s0 =	simm.s32 @p0 $0x1  }
0x13: {  	[smem:$0x3FB7] =	sst s0;
	s0 =	simm.s32 @!p1 $0x0  }
0x14: {  	s2 =	sld [smem:$0x3F9B];
	s0 =	simm.s32 @p1 $0x1  }
0x15: {  	[smem:$0x3FB8] =	sst s0;
	s0 =	simm.s32 @!p2 $0x0  }
0x16: {  	s3 =	sld [smem:$0x3FDB];
	s0 =	simm.s32 @p2 $0x1  }
0x17: {  	s4 =	simm.s32 $0x1BF5;
	[smem:$0x3FBA] =	sst s0  }
0x18: {  	s0 =	sld [smem:$0x3F9D];
	_ =	swait.ge [sflag:s4], $0x0  }
0x19: {  	s7 =	sld [smem:$0x3F9E]  }
0x1a: {  	s8 =	sadd.s32 $0xFFFFE003, lr  }
0x1b: {  	s9 =	sadd.s32 $0xFFFFFEF7, lr;
	s5 =	simm.s32 $0xFFFFFFFF;
	p2 =	slt.u32 s8, $0xFFFFF086  }
0x1c: {  	p1 =	slt.u32 s9, $0xF7A;
	s5 =	simm.s32 @!p2 $0x0  }
0x1d: {  	s5 =	simm.s32 @p1 $0x1;
	p0 =	seq.s32 s7, s2  }
0x1e: {  	s7 =	smul.u32 @!p0 $0xF7A, s2;
	p2 =	seq.s32 @!p0 s5, $0x0  }
0x1f: {  	s9 =	smul.u32 $0xF7A, s1;
	s8 =	simm.s32 @!p0 $0x1BF5;
	p2 =	por !p2, p0  }
0x20: {  	[sflag:s8] =	ssyncset.s32 @!p0 $0xFFFFF086;
	s6 =	sadd.s32 @!p0 s3, s7;
	s7 =	simm.s32 @!p0 $0x108  }
0x21: {  	s3 =	sadd.s32 s3, s9;
	s6 =	sadd.s32 @!p0 $0x88, s6;
	s7 =	simm.s32 @p2 $0x1082  }
0x22: {  	[simem:s7], [sflag:s8] =	dma.local @!p0 [hbm:s6], $0xF7A  }
0x23: {  	s9 =	sor.u32 $0xD0000000, s2;
	s6 =	simm.s32 $0x108;
	_ =	swait.ge @!p0 [sflag:s8], $0x0  }
0x24: {  	s3 =	sadd.s32 $0x88, s3;
	s6 =	simm.s32 @!p1 $0x1082;
	[sflag:s4] =	ssyncset.s32 $0xFFFFF086  }
0x25: {  	[simem:s6], [sflag:s4] =	dma.local [hbm:s3], $0xF7A  }
0x26: {  	[smem:$0x3F9E] =	sst s1;
	(tag) =	ssettag s2;
	_ =	strace s9  }
0x27: {  	s1 =	sld [smem:$0x3FAE]  }
0x28: {  	s2 =	sld [smem:$0x3FAF]  }
0x29: {  	s4 =	sld [smem:$0x3FB1]  }
0x2a: {  	p0 =	seq.s32 s5, $0x0;
	s5 =	sld [smem:$0x3FB2]  }
0x2b: {  	s6 =	sld [smem:$0x3FB3]  }
0x2c: {  	s7 =	sld [smem:$0x3FB4]  }
0x2d: {  	s3 =	simm.s32 $0x108;
	s8 =	sld [smem:$0x3FB5]  }
0x2e: {  	s3 =	simm.s32 @!p0 $0x1082;
	s9 =	sld [smem:$0x3FB6]  }
0x2f: {  	lr =	sadd.s32 s0, s3;
	s0 =	sld [smem:$0x3FAD]  }
0x30: {  	s3 =	sld [smem:$0x3FB0]  }
0x31: {  	[smem:$0x3FB9] =	sst s10  }
0x32: {  	s10 =	sld [smem:$0x3FB7];
	_ =	sdelay $0x3  }
0x33: {  	p0 =	seq.s32 s10, $0x1;
	s10 =	sld [smem:$0x3FB9];
	_ =	sdelay $0x3  }
0x34: {  	[smem:$0x3FB9] =	sst s10  }
0x35: {  	s10 =	sld [smem:$0x3FB8];
	_ =	sdelay $0x3  }
0x36: {  	p1 =	seq.s32 s10, $0x1;
	s10 =	sld [smem:$0x3FB9];
	_ =	sdelay $0x3  }
0x37: {  	[smem:$0x3FB9] =	sst s10  }
0x38: {  	s10 =	sld [smem:$0x3FBA]  }
0x39: {  	_ = 	snop;
	(pc) =	sbr.ind lr, $3  }
0x3a: {  	_ = 	snop  }
0x3b: {  	_ = 	snop  }
0x3c: {  	p2 =	seq.s32 s10, $0x1;
	s10 =	sld [smem:$0x3FB9]  }
0x3d: {  	_ =	shalt  }
0x3e: {  	_ =	shalt  }
0x3f: {  	_ =	shalt  }
0x40: {  	_ =	shalt  }
0x41: {  	_ =	shalt  }
0x42: {  	_ =	shalt  }
0x43: {  	_ =	shalt  }
0x44: {  	_ =	shalt  }
0x45: {  	_ =	shalt  }
0x46: {  	_ =	shalt  }
0x47: {  	_ =	shalt  }
0x48: {  	_ =	shalt  }
0x49: {  	_ =	shalt  }
0x4a: {  	_ =	shalt  }
0x4b: {  	_ =	shalt  }
0x4c: {  	_ =	shalt  }
0x4d: {  	_ =	shalt  }
0x4e: {  	_ =	shalt  }
0x4f: {  	_ =	shalt  }
0x50: {  	_ =	shalt  }
0x51: {  	_ =	shalt  }
0x52: {  	_ =	shalt  }
0x53: {  	_ =	shalt  }
0x54: {  	_ =	shalt  }
0x55: {  	_ =	shalt  }
0x56: {  	_ =	shalt  }
0x57: {  	_ =	shalt  }
0x58: {  	_ =	shalt  }
0x59: {  	_ =	shalt  }
0x5a: {  	_ =	shalt  }
0x5b: {  	_ =	shalt  }
0x5c: {  	_ =	shalt  }
0x5d: {  	_ =	shalt  }
0x5e: {  	_ =	shalt  }
0x5f: {  	_ =	shalt  }
0x60: {  	_ =	shalt  }
0x61: {  	_ =	shalt  }
0x62: {  	_ =	shalt  }
0x63: {  	_ =	shalt  }
0x64: {  	_ =	shalt  }
0x65: {  	_ =	shalt  }
0x66: {  	_ =	shalt  }
0x67: {  	_ =	shalt  }
0x68: {  	_ =	shalt  }
0x69: {  	_ =	shalt  }
0x6a: {  	_ =	shalt  }
0x6b: {  	_ =	shalt  }
0x6c: {  	_ =	shalt  }
0x6d: {  	_ =	shalt  }
0x6e: {  	_ =	shalt  }
0x6f: {  	_ =	shalt  }
0x70: {  	_ =	shalt  }
0x71: {  	_ =	shalt  }
0x72: {  	_ =	shalt  }
0x73: {  	_ =	shalt  }
0x74: {  	_ =	shalt  }
0x75: {  	_ =	shalt  }
0x76: {  	_ =	shalt  }
0x77: {  	_ =	shalt  }
0x78: {  	_ =	shalt  }
0x79: {  	_ =	shalt  }
0x7a: {  	_ =	shalt  }
0x7b: {  	_ =	shalt  }
0x7c: {  	_ =	shalt  }
0x7d: {  	_ =	shalt  }
0x7e: {  	_ =	shalt  }
0x7f: {  	_ =	shalt  }
0x80: {  	_ =	shalt  }
0x81: {  	_ =	shalt  }
0x82: {  	_ =	shalt  }
0x83: {  	_ =	shalt  }
0x84: {  	_ =	shalt  }
0x85: {  	_ =	shalt  }
0x86: {  	_ =	shalt  }
0x87: {  	_ =	shalt  }
.Lfunc_end0:
.L_simem_size_0:
called_computation.2_lowered:
.L_overlay_start_0:
0x88: {  	s2 =	sld [smem:$0x3FD9]  }
0x89: {  	s3 =	sld [smem:$0x3FFE];
	_ =	sdelay $0x1  }
0x8a: {  	s1 =	srdreg.scid  }
0x8b: {  	s0 =	sand.u32 $0x1, s1  }
0x8c: {  	s16 =	sshll.u32 s0, $0xA;
	s2 =	sadd.s32 s3, s2  }
0x8d: {  	s2 =	sadd.s32 s2, s16  }
0x8e: {  	[smem:$0x3FC5] =	sst s2  }
0x8f: {  	_ = 	snop  }
0x90: {  	(tm) =	ssettm $0x1  }
0x91: {  	s17 =	sld [smem:$0x3FFB];
	_ =	sdelay $0x3  }
0x92: {  	_ =	strace s17  }
0x93: {  	s2 =	sld [smem:$0x3FFC];
	_ =	sdelay $0x3  }
0x94: {  	_ =	strace s2  }
0x95: {  	s2 =	sld [smem:$0x3FFD];
	_ =	sdelay $0x3  }
0x96: {  	_ =	strace s2  }
0x97: {  	_ =	strace $0x8FFFFFFF  }
0x98: {  	s18 =	sld [smem:$0x3FDB];
	_ =	sdelay $0x1  }
0x99: {  	s19 =	simm.s32 $_scs_section_size  }
0x9a: {  	s4 =	simm.s32 $_size__tile_overlayer_lowered;
	s5 =	simm.s32 $_tile_overlayer_lowered  }
0x9b: {  	s22 =	simm.s32 $0x1BFF;
	s21 =	sshll.u32 s5, $0x1;
	s2 =	sadd.s32 s19, s18  }
0x9c: {  	s6 =	simm.s32 $0x0;
	s20 =	sshll.u32 s4, $0x1;
	s4 =	sadd.s32 s21, s2  }
0x9d: {  	[timem:s6], [sflag:s22] =	dma.local [hbm:s4], s20  }
0x9e: {  	_ =	swait.ge [sflag:s22], s20  }
0x9f: {  	s3 =	ssub.s32 $0x0, s20;
	[sflag:s22] =	ssyncset.done $0x0  }
0xa0: {  	[sflag:s22] =	ssyncadd.s32 s3;
	_ =	sdelay $0x1  }
0xa1: {  	s23 =	simm.s32 $0x1B8B  }
0xa2: {  	_ =	swait.ge [sflag:s23], $0x1  }
0xa3: {  	[sflag:s23] =	ssyncset.done $0x0  }
0xa4: {  	s25 =	simm.s32 $0x1B8E;
	s24 =	sld [smem:$0x3FFE];
	[sflag:s23] =	ssyncadd.s32 $0xFFFFFFFF  }
0xa5: {  	s26 =	simm.s32 $execute0_lowered;
	[smem:$0x3FD2] =	sst s25  }
0xa6: {  	s4 =	sshll.u32 s26, $0x1;
	_ =	strace $0x8000004C;
	[dreg:$0x1] =	wrdreg $0xFFFFFFFF  }
0xa7: {  	s28 =	simm.s32 $_size_execute0_lowered;
	s2 =	sadd.s32 s2, s4;
	[dreg:$0x0] =	wrdreg $0x0  }
0xa8: {  	s4 =	sshll.u32 s28, $0x1;
	[dreg:$0x2] =	wrdreg s2  }
0xa9: {  	[dreg:$0x3] =	wrdreg s4  }
0xaa: {  	[dreg:$0x4] =	wrdreg $0xC0  }
0xab: {  	_ =	task [dreg:s6], $0x5FFFF  }
0xac: {  	[dreg:$0x1] =	wrdreg $0xFFFFFFFF  }
0xad: {  	[dreg:$0x0] =	wrdreg $0x60  }
0xae: {  	[dreg:$0x2] =	wrdreg s24  }
0xaf: {  	[dreg:$0x3] =	wrdreg $0x0  }
0xb0: {  	[dreg:$0x4] =	wrdreg $0x9  }
0xb1: {  	_ =	task.clear_ibuf [dreg:s6], $0x5FFFF;
	_ =	strace $0x9000004C  }
0xb2: {  	s29 =	simm.s32 $0x9;
	_ =	strace $0x8000004E  }
0xb3: {  	_ =	swait.ge [sflag:s29], $0x1  }
0xb4: {  	[sflag:s29] =	ssyncadd.s32 $0xFFFFFFFF  }
0xb5: {  	_ =	strace $0x9000004E  }
0xb6: {  	_ =	sfence  }
0xb7: {  	s30 =	sld [smem:$0x0];
	_ =	sdelay $0x2  }
0xb8: {  	s31 =	sshll.u32 s1, $0xD;
	s1 =	sshrl.u32 s1, $0x2  }
0xb9: {  	s3 =	sand.u32 $0x4000, s31;
	s1 =	sadd.s32 s1, s30  }
0xba: {  	s0 =	sor.u32 s3, s0;
	s1 =	sshll.u32 s1, $0x11  }
0xbb: {  	s0 =	sor.u32 s1, s0  }
0xbc: {  	s0 =	sadd.s32 $0x8F2B, s0  }
0xbd: {  	[sflag:s0] =	ssyncadd.remote.s32 $0x1  }
0xbe: {  	_ =	sfence.sel $0xFFFF  }
0xbf: {  	[dreg:$0x0] =	wrdreg $0xFFFFFFFF;
	(pc) =	sbr.abs _section_cstart, $3  }
0xc0: {  	[dreg:$0x1] =	wrdreg $0xFFFFFFFF  }
0xc1: {  	_ =	task.clear_ibuf [dreg:s6], $0x2FFFF;
	_ =	strace $0x9FFFFFFF  }
0xc2: {  	(tm) =	ssettm $0x7FFFFFFF  }
0xc3: {  	_ =	shalt  }
tec
execute0_lowered:
.L_overlay_start_1:
0x0: {  	(tag) =	ssettag $0x1  }
0x1: {  	s0 =	srdreg.scid  }
0x2: {  	s9 =	stileid.u32;
	s5 =	rddreg [dreg:$0x0]  }
0x3: {  	s2 =	rddreg [dreg:$0x1];
	s3 =	simm.s32 $0x0;
	s14 =	simm.s32 $0x1E880  }
0x4: {  	s15 =	simm.s32 $0x1E900;
	s16 =	simm.s32 $0x1E980;
	s17 =	simm.s32 $0x1EA00  }
0x5: {  	s18 =	simm.s32 $0x1EA80;
	s19 =	simm.s32 $0x1EB00;
	s20 =	simm.s32 $0x1EF80  }
0x6: {  	s21 =	simm.s32 $0x1EB80;
	s22 =	simm.s32 $0x1F000;
	[smem:$0x7FF] =	sst s3  }
0x7: {  	s23 =	simm.s32 $0x1EC00;
	_ =	strace $0x8000004D;
	[dreg:$0x5] =	wrdreg s14  }
0x8: {  	s24 =	simm.s32 $0x1F080;
	s28 =	simm.s32 $0x1EE80;
	[dreg:$0x6] =	wrdreg s15  }
0x9: {  	s29 =	simm.s32 $0x1F300;
	s4 =	smul.u32 $0xC400, s9;
	[dreg:$0x7] =	wrdreg s16  }
0xa: {  	s30 =	simm.s32 $0x1F380;
	s25 =	smul.u32 $0x1880, s9;
	[dreg:$0x8] =	wrdreg s17  }
0xb: {  	s31 =	simm.s32 $0x1F500;
	s8 =	smul.u32 $0x62000, s9;
	[dreg:$0x9] =	wrdreg s18  }
0xc: {  	s0 =	sand.u32 $0x1, s0;
	s10 =	smul.u32 $0x3100, s9;
	[dreg:$0xa] =	wrdreg s19  }
0xd: {  	s9 =	simm.s32 $0x2;
	s1 =	smul.u32 $0xC4000, s0;
	[dreg:$0xb] =	wrdreg s20  }
0xe: {  	s6 =	smul.u32 $0x31000, s0;
	s0 =	ssub.s32 $0x2, s0;
	[dreg:$0xc] =	wrdreg s21  }
0xf: {  	s14 =	simm.s32 $0x19800;
	s15 =	simm.s32 $0x1A800;
	[dreg:$0xd] =	wrdreg s22  }
0x10: {  	s16 =	simm.s32 $0x1B800;
	s17 =	simm.s32 $0x1C800;
	[dreg:$0xe] =	wrdreg s23  }
0x11: {  	s18 =	simm.s32 $0x1D800;
	[dreg:$0xf] =	wrdreg s24;
	s19 =	simm.s32 $0x1  }
0x12: {  	s22 =	simm.s32 $0x1ED00;
	s21 =	simm.s32 $0x1F180;
	s23 =	simm.s32 $0x1ED80  }
0x13: {  	s24 =	simm.s32 $0x1F200;
	s20 =	simm.s32 $0x0;
	s7 =	sadd.s32 s25, s5  }
0x14: {  	s26 =	sshrl.u32 s0, $0x1;
	s8 =	sshrl.u32 s8, $0x2;
	s25 =	simm.s32 $0x1EC80  }
0x15: {  	s1 =	sadd.s32 s1, s4;
	s4 =	sadd.s32 $0x141400, s5;
	s0 =	ssub.s32 s0, s26  }
0x16: {  	s12 =	sadd.s32 $0x2C00, s7;
	[dreg:$0x10] =	wrdreg s25;
	s26 =	simm.s32 $0x1F100  }
0x17: {  	s25 =	simm.s32 $0x1EE00;
	s1 =	sshrl.u32 s1, $0x3;
	[dreg:$0x4] =	wrdreg s12  }
0x18: {  	s0 =	smax.u32 s0, $0x1;
	s12 =	simm.s32 $0x80;
	[dreg:$0x11] =	wrdreg s26  }
0x19: {  	s26 =	simm.s32 $0x1F280;
	s1 =	sadd.s32 s1, s5;
	s5 =	sadd.s32 s6, s5  }
0x1a: {  	[dreg:$0x12] =	wrdreg s0;
	s6 =	sadd.s32 s8, s2;
	s8 =	simm.s32 $0x1F600  }
0x1b: {  	s0 =	simm.s32 $0x1F480;
	s11 =	sadd.s32 $0x4C400, s1;
	s13 =	sadd.s32 s10, s5  }
0x1c: {  	s10 =	simm.s32 $0x1E800;
	s1 =	simm.s32 $0x1F400;
	[dreg:$0x3] =	wrdreg s11  }
0x1d: {  	v0 =	vimm.f32 $0.0e+00;
	s7 =	sadd.s32 $0x205400, s13;
	s11 =	simm.s32 $0x1EF00;
	s13 =	simm.s32 $0x18800  }
.LBB2_1:
0x1e: {  	[dreg:$0x13] =	wrdreg s20;
	s5 =	simm.s32 $0x0  }
.LBB2_2:
0x1f: {  	p0 =	sne.s32 s5, $0x1800  }
.Ltmp0:
0x20: {  	_ = 	snop;
	(pc) =	sbr.rel @p0 .LBB2_2-.Ltmp0, $4  }
0x21: {  	_ = 	snop  }
0x22: {  	s20 =	sshra.s32 s5, $0x2  }
0x23: {  	[tilespmem:s20+$0x1F600] =	vst v0  }
0x24: {  	s5 =	sadd.s32 $0x80, s5;
	[tilespmem:s20+$0x1F610] =	vst v0  }
0x25: {  	s5 =	sadd.s32 $0x0, s6  }
0x26: {  	[spmem:s5] =	stream.linear.scatter [tilespmem:s8], [sflag:$0x2], $0x620, $0x38;
	[tilespmem:$0x1FC20] =	vst v63  }
0x27: {  	s5 =	simm.s32 $0x1880;
	_ =	swait.ge [sflag:s9], $0x620  }
.LBB2_4:
0x28: {  	s20 =	sshra.s32 s5, $0x2;
	[sflag:s9] =	ssyncset.done $0x0;
	p0 =	sne.s32 s5, $0x60780  }
.Ltmp1:
0x29: {  	s20 =	sadd.s32 s20, s6;
	[sflag:s9] =	ssyncadd.s32 $0xFFFFF9E0;
	(pc) =	sbr.rel @p0 .LBB2_4-.Ltmp1, $3  }
0x2a: {  	[spmem:s20] =	stream.linear.scatter [tilespmem:s8], [sflag:$0x2], $0x620, $0x38;
	[tilespmem:$0x1FC20] =	vst v63  }
0x2b: {  	s5 =	sadd.s32 $0x1880, s5;
	_ =	sdelay $0x1  }
0x2c: {  	_ =	swait.ge [sflag:s9], $0x620  }
0x2d: {  	[sflag:s9] =	ssyncset.done $0x0  }
0x2e: {  	[sflag:s9] =	ssyncadd.s32 $0xFFFFF9E0  }
0x2f: {  	[bflag:$0x0] =	sbarrier.arrive $0xFFFF  }
0x30: {  	s5 =	rddreg [dreg:$0x3]  }
0x31: {  	s5 =	sadd.s32 $0x0, s5  }
0x32: {  	[tilespmem:s10], [sflag:$0x2] =	stream.linear.gather [hbm4b:s5+s3], $0x700, $0x38;
	[tilespmem:$0x1FC20] =	vst v63  }
0x33: {  	_ =	swait.ge [sflag:s9], $0x700  }
0x34: {  	s20 =	rddreg [dreg:$0x4];
	[sflag:s9] =	ssyncset.done $0x0  }
0x35: {  	[sflag:s9] =	ssyncadd.s32 $0xFFFFF900;
	s5 =	sadd.s32 $0x0, s20  }
0x36: {  	[tilespmem:s11], [sflag:$0x2] =	stream.linear.gather [hbm4b:s5+s3], $0x700, $0x38;
	[tilespmem:$0x1FC20] =	vst v63  }
0x37: {  	_ =	swait.ge [sflag:s9], $0x700  }
0x38: {  	[sflag:s9] =	ssyncset.done $0x0  }
0x39: {  	[sflag:s9] =	ssyncadd.s32 $0xFFFFF900  }
0x3a: {  	[tilespmem:s13], [sflag:$0x1] =	stream.indirect.gather [hbm4b:s4+s12], $0x20, s10, s12, $0xb8;
	[tilespmem:$0x1FC20] =	vst v63  }
0x3b: {  	s5 =	rddreg [dreg:$0x5]  }
0x3c: {  	[tilespmem:s14], [sflag:$0x1] =	stream.indirect.gather [hbm4b:s4+s12], $0x20, s5, s12, $0xb8;
	[tilespmem:$0x1FC20] =	vst v63  }
0x3d: {  	s20 =	rddreg [dreg:$0x6]  }
0x3e: {  	[tilespmem:s15], [sflag:$0x1] =	stream.indirect.gather [hbm4b:s4+s12], $0x20, s20, s12, $0xb8;
	[tilespmem:$0x1FC20] =	vst v63  }
0x3f: {  	s5 =	rddreg [dreg:$0x7]  }
0x40: {  	[tilespmem:s16], [sflag:$0x1] =	stream.indirect.gather [hbm4b:s4+s12], $0x20, s5, s12, $0xb8;
	[tilespmem:$0x1FC20] =	vst v63  }
0x41: {  	s20 =	rddreg [dreg:$0x8]  }
0x42: {  	[tilespmem:s17], [sflag:$0x1] =	stream.indirect.gather [hbm4b:s4+s12], $0x20, s20, s12, $0xb8;
	[tilespmem:$0x1FC20] =	vst v63  }
0x43: {  	s5 =	rddreg [dreg:$0x9]  }
0x44: {  	[tilespmem:s18], [sflag:$0x1] =	stream.indirect.gather [hbm4b:s4+s12], $0x20, s5, s12, $0xb8;
	[tilespmem:$0x1FC20] =	vst v63  }
0x45: {  	_ =	swait.ge [sflag:s19], $0x1000  }
0x46: {  	[sflag:s19] =	ssyncset.done $0x0  }
0x47: {  	[sflag:s19] =	ssyncadd.s32 $0xFFFFF000  }
0x48: {  	[spmem:s2] =	stream.indirect.scatter.add.f32 [tilespmem:s13], [sflag:$0x2], $0x20, s11, s12, $0xb8;
	[tilespmem:$0x1FC20] =	vst v63  }
0x49: {  	_ =	swait.ge [sflag:s9], $0x1000  }
0x4a: {  	[sflag:s9] =	ssyncset.done $0x0  }
0x4b: {  	s20 =	rddreg [dreg:$0xa];
	[sflag:s9] =	ssyncadd.s32 $0xFFFFF000  }
0x4c: {  	[tilespmem:s13], [sflag:$0x1] =	stream.indirect.gather [hbm4b:s4+s12], $0x20, s20, s12, $0xb8;
	[tilespmem:$0x1FC20] =	vst v63  }
0x4d: {  	_ =	swait.ge [sflag:s19], $0x1000  }
0x4e: {  	[sflag:s19] =	ssyncset.done $0x0  }
0x4f: {  	s20 =	rddreg [dreg:$0xb];
	[sflag:s19] =	ssyncadd.s32 $0xFFFFF000  }
0x50: {  	[spmem:s2] =	stream.indirect.scatter.add.f32 [tilespmem:s14], [sflag:$0x2], $0x20, s20, s12, $0xb8;
	[tilespmem:$0x1FC20] =	vst v63  }
0x51: {  	_ =	swait.ge [sflag:s9], $0x1000  }
0x52: {  	[sflag:s9] =	ssyncset.done $0x0  }
0x53: {  	s20 =	rddreg [dreg:$0xc];
	[sflag:s9] =	ssyncadd.s32 $0xFFFFF000  }
0x54: {  	[tilespmem:s14], [sflag:$0x1] =	stream.indirect.gather [hbm4b:s4+s12], $0x20, s20, s12, $0xb8;
	[tilespmem:$0x1FC20] =	vst v63  }
0x55: {  	_ =	swait.ge [sflag:s19], $0x1000  }
0x56: {  	[sflag:s19] =	ssyncset.done $0x0  }
0x57: {  	s20 =	rddreg [dreg:$0xd];
	[sflag:s19] =	ssyncadd.s32 $0xFFFFF000  }
0x58: {  	[spmem:s2] =	stream.indirect.scatter.add.f32 [tilespmem:s15], [sflag:$0x2], $0x20, s20, s12, $0xb8;
	[tilespmem:$0x1FC20] =	vst v63  }
0x59: {  	_ =	swait.ge [sflag:s9], $0x1000  }
0x5a: {  	[sflag:s9] =	ssyncset.done $0x0  }
0x5b: {  	s20 =	rddreg [dreg:$0xe];
	[sflag:s9] =	ssyncadd.s32 $0xFFFFF000  }
0x5c: {  	[tilespmem:s15], [sflag:$0x1] =	stream.indirect.gather [hbm4b:s4+s12], $0x20, s20, s12, $0xb8;
	[tilespmem:$0x1FC20] =	vst v63  }
0x5d: {  	_ =	swait.ge [sflag:s19], $0x1000  }
0x5e: {  	[sflag:s19] =	ssyncset.done $0x0  }
0x5f: {  	s20 =	rddreg [dreg:$0xf];
	[sflag:s19] =	ssyncadd.s32 $0xFFFFF000  }
0x60: {  	[spmem:s2] =	stream.indirect.scatter.add.f32 [tilespmem:s16], [sflag:$0x2], $0x20, s20, s12, $0xb8;
	[tilespmem:$0x1FC20] =	vst v63  }
0x61: {  	_ =	swait.ge [sflag:s9], $0x1000  }
0x62: {  	[sflag:s9] =	ssyncset.done $0x0  }
0x63: {  	s20 =	rddreg [dreg:$0x10];
	[sflag:s9] =	ssyncadd.s32 $0xFFFFF000  }
0x64: {  	[tilespmem:s16], [sflag:$0x1] =	stream.indirect.gather [hbm4b:s4+s12], $0x20, s20, s12, $0xb8;
	[tilespmem:$0x1FC20] =	vst v63  }
0x65: {  	_ =	swait.ge [sflag:s19], $0x1000  }
0x66: {  	[sflag:s19] =	ssyncset.done $0x0  }
0x67: {  	s20 =	rddreg [dreg:$0x11];
	[sflag:s19] =	ssyncadd.s32 $0xFFFFF000  }
0x68: {  	[spmem:s2] =	stream.indirect.scatter.add.f32 [tilespmem:s17], [sflag:$0x2], $0x20, s20, s12, $0xb8;
	[tilespmem:$0x1FC20] =	vst v63  }
0x69: {  	_ =	swait.ge [sflag:s9], $0x1000  }
0x6a: {  	[sflag:s9] =	ssyncset.done $0x0  }
0x6b: {  	[sflag:s9] =	ssyncadd.s32 $0xFFFFF000  }
0x6c: {  	[tilespmem:s17], [sflag:$0x1] =	stream.indirect.gather [hbm4b:s4+s12], $0x20, s22, s12, $0xb8;
	[tilespmem:$0x1FC20] =	vst v63  }
0x6d: {  	_ =	swait.ge [sflag:s19], $0x1000  }
0x6e: {  	[sflag:s19] =	ssyncset.done $0x0  }
0x6f: {  	[sflag:s19] =	ssyncadd.s32 $0xFFFFF000  }
0x70: {  	[spmem:s2] =	stream.indirect.scatter.add.f32 [tilespmem:s18], [sflag:$0x2], $0x20, s21, s12, $0xb8;
	[tilespmem:$0x1FC20] =	vst v63  }
0x71: {  	_ =	swait.ge [sflag:s9], $0x1000  }
0x72: {  	[sflag:s9] =	ssyncset.done $0x0  }
0x73: {  	[sflag:s9] =	ssyncadd.s32 $0xFFFFF000  }
0x74: {  	[tilespmem:s18], [sflag:$0x1] =	stream.indirect.gather [hbm4b:s4+s12], $0x20, s23, s12, $0xb8;
	[tilespmem:$0x1FC20] =	vst v63  }
0x75: {  	_ =	swait.ge [sflag:s19], $0x1000  }
0x76: {  	[sflag:s19] =	ssyncset.done $0x0  }
0x77: {  	[sflag:s19] =	ssyncadd.s32 $0xFFFFF000  }
0x78: {  	[spmem:s2] =	stream.indirect.scatter.add.f32 [tilespmem:s13], [sflag:$0x2], $0x20, s24, s12, $0xb8;
	[tilespmem:$0x1FC20] =	vst v63  }
0x79: {  	_ =	swait.ge [sflag:s9], $0x1000  }
0x7a: {  	[sflag:s9] =	ssyncset.done $0x0  }
0x7b: {  	[sflag:s9] =	ssyncadd.s32 $0xFFFFF000  }
0x7c: {  	[tilespmem:s13], [sflag:$0x1] =	stream.indirect.gather [hbm4b:s4+s12], $0x20, s25, s12, $0xb8;
	[tilespmem:$0x1FC20] =	vst v63  }
0x7d: {  	_ =	swait.ge [sflag:s19], $0x1000  }
0x7e: {  	[sflag:s19] =	ssyncset.done $0x0  }
0x7f: {  	[sflag:s19] =	ssyncadd.s32 $0xFFFFF000  }
0x80: {  	[spmem:s2] =	stream.indirect.scatter.add.f32 [tilespmem:s14], [sflag:$0x2], $0x20, s26, s12, $0xb8;
	[tilespmem:$0x1FC20] =	vst v63  }
0x81: {  	_ =	swait.ge [sflag:s9], $0x1000  }
0x82: {  	[sflag:s9] =	ssyncset.done $0x0  }
0x83: {  	[sflag:s9] =	ssyncadd.s32 $0xFFFFF000  }
0x84: {  	[tilespmem:s14], [sflag:$0x1] =	stream.indirect.gather [hbm4b:s4+s12], $0x20, s28, s12, $0xb8;
	[tilespmem:$0x1FC20] =	vst v63  }
0x85: {  	_ =	swait.ge [sflag:s19], $0x1000  }
0x86: {  	[sflag:s19] =	ssyncset.done $0x0  }
0x87: {  	[sflag:s19] =	ssyncadd.s32 $0xFFFFF000  }
0x88: {  	[spmem:s2] =	stream.indirect.scatter.add.f32 [tilespmem:s15], [sflag:$0x2], $0x20, s29, s12, $0xb8;
	[tilespmem:$0x1FC20] =	vst v63  }
0x89: {  	_ =	swait.ge [sflag:s9], $0x1000  }
0x8a: {  	[sflag:s9] =	ssyncset.done $0x0  }
0x8b: {  	[sflag:s9] =	ssyncadd.s32 $0xFFFFF000  }
0x8c: {  	_ =	swait.ge [sflag:s19], $0x1000  }
0x8d: {  	[sflag:s19] =	ssyncset.done $0x0  }
0x8e: {  	[sflag:s19] =	ssyncadd.s32 $0xFFFFF000  }
0x8f: {  	[spmem:s2] =	stream.indirect.scatter.add.f32 [tilespmem:s16], [sflag:$0x2], $0x20, s30, s12, $0xb8;
	[tilespmem:$0x1FC20] =	vst v63  }
0x90: {  	_ =	swait.ge [sflag:s9], $0x1000  }
0x91: {  	[sflag:s9] =	ssyncset.done $0x0  }
0x92: {  	[sflag:s9] =	ssyncadd.s32 $0xFFFFF000  }
0x93: {  	_ =	swait.ge [sflag:s19], $0x1000  }
0x94: {  	[sflag:s19] =	ssyncset.done $0x0  }
0x95: {  	[sflag:s19] =	ssyncadd.s32 $0xFFFFF000  }
0x96: {  	[spmem:s2] =	stream.indirect.scatter.add.f32 [tilespmem:s17], [sflag:$0x2], $0x20, s1, s12, $0xb8;
	[tilespmem:$0x1FC20] =	vst v63  }
0x97: {  	_ =	swait.ge [sflag:s9], $0x1000  }
0x98: {  	[sflag:s9] =	ssyncset.done $0x0  }
0x99: {  	[sflag:s9] =	ssyncadd.s32 $0xFFFFF000  }
0x9a: {  	_ =	swait.ge [sflag:s19], $0x1000  }
0x9b: {  	[sflag:s19] =	ssyncset.done $0x0  }
0x9c: {  	[sflag:s19] =	ssyncadd.s32 $0xFFFFF000  }
0x9d: {  	[spmem:s2] =	stream.indirect.scatter.add.f32 [tilespmem:s18], [sflag:$0x2], $0x20, s0, s12, $0xb8;
	[tilespmem:$0x1FC20] =	vst v63  }
0x9e: {  	_ =	swait.ge [sflag:s9], $0x1000  }
0x9f: {  	[sflag:s9] =	ssyncset.done $0x0  }
0xa0: {  	[sflag:s9] =	ssyncadd.s32 $0xFFFFF000  }
0xa1: {  	_ =	swait.ge [sflag:s19], $0x1000  }
0xa2: {  	[sflag:s19] =	ssyncset.done $0x0  }
0xa3: {  	[sflag:s19] =	ssyncadd.s32 $0xFFFFF000  }
0xa4: {  	[spmem:s2] =	stream.indirect.scatter.add.f32 [tilespmem:s13], [sflag:$0x2], $0x20, s31, s12, $0xb8;
	[tilespmem:$0x1FC20] =	vst v63  }
0xa5: {  	_ =	swait.ge [sflag:s9], $0x1000  }
0xa6: {  	s5 =	simm.s32 $0xE0;
	s20 =	simm.s32 $0x1C0;
	[sflag:s9] =	ssyncset.done $0x0  }
0xa7: {  	s23 =	simm.s32 $0x1F180;
	s24 =	simm.s32 $0x1ED80;
	[sflag:s9] =	ssyncadd.s32 $0xFFFFF000  }
0xa8: {  	s25 =	simm.s32 $0x1F200;
	s26 =	simm.s32 $0x1F580;
	_ =	swait.ge [sflag:s19], $0x1000  }
0xa9: {  	s28 =	simm.s32 $0x1F280;
	s29 =	simm.s32 $0x1EE80;
	[sflag:s19] =	ssyncset.done $0x0  }
0xaa: {  	s30 =	simm.s32 $0x1F300;
	s1 =	simm.s32 $0x1F400;
	[sflag:s19] =	ssyncadd.s32 $0xFFFFF000  }
0xab: {  	[spmem:s2] =	stream.indirect.scatter.add.f32 [tilespmem:s14], [sflag:$0x2], $0x20, s26, s12, $0xb8;
	[tilespmem:$0x1FC20] =	vst v63  }
0xac: {  	s0 =	simm.s32 $0x1F480;
	s31 =	simm.s32 $0x1F380;
	_ =	swait.ge [sflag:s9], $0x1000  }
0xad: {  	s26 =	simm.s32 $0x1EE00;
	s21 =	rddreg [dreg:$0x3];
	[sflag:s9] =	ssyncset.done $0x0  }
.LBB2_6:
0xae: {  	[sflag:s9] =	ssyncadd.s32 $0xFFFFF000;
	s21 =	sadd.s32 s5, s21  }
0xaf: {  	[tilespmem:s10], [sflag:$0x2] =	stream.linear.gather [hbm4b:s21+s3], $0x700, $0x38;
	[tilespmem:$0x1FC20] =	vst v63  }
0xb0: {  	_ =	swait.ge [sflag:s9], $0x700  }
0xb1: {  	s21 =	rddreg [dreg:$0x4];
	[sflag:s9] =	ssyncset.done $0x0  }
0xb2: {  	[sflag:s9] =	ssyncadd.s32 $0xFFFFF900;
	s21 =	sadd.s32 s5, s21  }
0xb3: {  	[tilespmem:s11], [sflag:$0x2] =	stream.linear.gather [hbm4b:s21+s3], $0x700, $0x38;
	[tilespmem:$0x1FC20] =	vst v63  }
0xb4: {  	_ =	swait.ge [sflag:s9], $0x700  }
0xb5: {  	[sflag:s9] =	ssyncset.done $0x0  }
0xb6: {  	[sflag:s9] =	ssyncadd.s32 $0xFFFFF900  }
0xb7: {  	[tilespmem:s13], [sflag:$0x1] =	stream.indirect.gather [hbm4b:s4+s12], $0x20, s10, s12, $0xb8;
	[tilespmem:$0x1FC20] =	vst v63  }
0xb8: {  	s22 =	smov.u32 s20;
	s21 =	rddreg [dreg:$0x5]  }
0xb9: {  	[tilespmem:s14], [sflag:$0x1] =	stream.indirect.gather [hbm4b:s4+s12], $0x20, s21, s12, $0xb8;
	[tilespmem:$0x1FC20] =	vst v63  }
0xba: {  	s5 =	smov.u32 s22;
	s22 =	rddreg [dreg:$0x6]  }
0xbb: {  	[tilespmem:s15], [sflag:$0x1] =	stream.indirect.gather [hbm4b:s4+s12], $0x20, s22, s12, $0xb8;
	[tilespmem:$0x1FC20] =	vst v63  }
0xbc: {  	s21 =	rddreg [dreg:$0x7]  }
0xbd: {  	[tilespmem:s16], [sflag:$0x1] =	stream.indirect.gather [hbm4b:s4+s12], $0x20, s21, s12, $0xb8;
	[tilespmem:$0x1FC20] =	vst v63  }
0xbe: {  	s22 =	rddreg [dreg:$0x8]  }
0xbf: {  	[tilespmem:s17], [sflag:$0x1] =	stream.indirect.gather [hbm4b:s4+s12], $0x20, s22, s12, $0xb8;
	[tilespmem:$0x1FC20] =	vst v63  }
0xc0: {  	s21 =	rddreg [dreg:$0x9]  }
0xc1: {  	[tilespmem:s18], [sflag:$0x1] =	stream.indirect.gather [hbm4b:s4+s12], $0x20, s21, s12, $0xb8;
	[tilespmem:$0x1FC20] =	vst v63  }
0xc2: {  	_ =	swait.ge [sflag:s19], $0x1000  }
0xc3: {  	[sflag:s19] =	ssyncset.done $0x0  }
0xc4: {  	[sflag:s19] =	ssyncadd.s32 $0xFFFFF000  }
0xc5: {  	[spmem:s2] =	stream.indirect.scatter.add.f32 [tilespmem:s13], [sflag:$0x2], $0x20, s11, s12, $0xb8;
	[tilespmem:$0x1FC20] =	vst v63  }
0xc6: {  	_ =	swait.ge [sflag:s9], $0x1000  }
0xc7: {  	[sflag:s9] =	ssyncset.done $0x0  }
0xc8: {  	s21 =	rddreg [dreg:$0xa];
	[sflag:s9] =	ssyncadd.s32 $0xFFFFF000  }
0xc9: {  	[tilespmem:s13], [sflag:$0x1] =	stream.indirect.gather [hbm4b:s4+s12], $0x20, s21, s12, $0xb8;
	[tilespmem:$0x1FC20] =	vst v63  }
0xca: {  	_ =	swait.ge [sflag:s19], $0x1000  }
0xcb: {  	[sflag:s19] =	ssyncset.done $0x0  }
0xcc: {  	s21 =	rddreg [dreg:$0xb];
	[sflag:s19] =	ssyncadd.s32 $0xFFFFF000  }
0xcd: {  	[spmem:s2] =	stream.indirect.scatter.add.f32 [tilespmem:s14], [sflag:$0x2], $0x20, s21, s12, $0xb8;
	[tilespmem:$0x1FC20] =	vst v63  }
0xce: {  	_ =	swait.ge [sflag:s9], $0x1000  }
0xcf: {  	[sflag:s9] =	ssyncset.done $0x0  }
0xd0: {  	s21 =	rddreg [dreg:$0xc];
	[sflag:s9] =	ssyncadd.s32 $0xFFFFF000  }
0xd1: {  	[tilespmem:s14], [sflag:$0x1] =	stream.indirect.gather [hbm4b:s4+s12], $0x20, s21, s12, $0xb8;
	[tilespmem:$0x1FC20] =	vst v63  }
0xd2: {  	_ =	swait.ge [sflag:s19], $0x1000  }
0xd3: {  	[sflag:s19] =	ssyncset.done $0x0  }
0xd4: {  	s21 =	rddreg [dreg:$0xd];
	[sflag:s19] =	ssyncadd.s32 $0xFFFFF000  }
0xd5: {  	[spmem:s2] =	stream.indirect.scatter.add.f32 [tilespmem:s15], [sflag:$0x2], $0x20, s21, s12, $0xb8;
	[tilespmem:$0x1FC20] =	vst v63  }
0xd6: {  	_ =	swait.ge [sflag:s9], $0x1000  }
0xd7: {  	[sflag:s9] =	ssyncset.done $0x0  }
0xd8: {  	s21 =	rddreg [dreg:$0xe];
	[sflag:s9] =	ssyncadd.s32 $0xFFFFF000  }
0xd9: {  	[tilespmem:s15], [sflag:$0x1] =	stream.indirect.gather [hbm4b:s4+s12], $0x20, s21, s12, $0xb8;
	[tilespmem:$0x1FC20] =	vst v63  }
0xda: {  	_ =	swait.ge [sflag:s19], $0x1000  }
0xdb: {  	[sflag:s19] =	ssyncset.done $0x0  }
0xdc: {  	s21 =	rddreg [dreg:$0xf];
	[sflag:s19] =	ssyncadd.s32 $0xFFFFF000  }
0xdd: {  	[spmem:s2] =	stream.indirect.scatter.add.f32 [tilespmem:s16], [sflag:$0x2], $0x20, s21, s12, $0xb8;
	[tilespmem:$0x1FC20] =	vst v63  }
0xde: {  	_ =	swait.ge [sflag:s9], $0x1000  }
0xdf: {  	[sflag:s9] =	ssyncset.done $0x0  }
0xe0: {  	s21 =	rddreg [dreg:$0x10];
	[sflag:s9] =	ssyncadd.s32 $0xFFFFF000  }
0xe1: {  	[tilespmem:s16], [sflag:$0x1] =	stream.indirect.gather [hbm4b:s4+s12], $0x20, s21, s12, $0xb8;
	[tilespmem:$0x1FC20] =	vst v63  }
0xe2: {  	_ =	swait.ge [sflag:s19], $0x1000  }
0xe3: {  	[sflag:s19] =	ssyncset.done $0x0  }
0xe4: {  	s21 =	rddreg [dreg:$0x11];
	[sflag:s19] =	ssyncadd.s32 $0xFFFFF000  }
0xe5: {  	[spmem:s2] =	stream.indirect.scatter.add.f32 [tilespmem:s17], [sflag:$0x2], $0x20, s21, s12, $0xb8;
	[tilespmem:$0x1FC20] =	vst v63  }
0xe6: {  	_ =	swait.ge [sflag:s9], $0x1000  }
0xe7: {  	[sflag:s9] =	ssyncset.done $0x0  }
0xe8: {  	s22 =	simm.s32 $0x1ED00;
	[sflag:s9] =	ssyncadd.s32 $0xFFFFF000  }
0xe9: {  	[tilespmem:s17], [sflag:$0x1] =	stream.indirect.gather [hbm4b:s4+s12], $0x20, s22, s12, $0xb8;
	[tilespmem:$0x1FC20] =	vst v63  }
0xea: {  	_ =	swait.ge [sflag:s19], $0x1000  }
0xeb: {  	[sflag:s19] =	ssyncset.done $0x0  }
0xec: {  	[sflag:s19] =	ssyncadd.s32 $0xFFFFF000  }
0xed: {  	[spmem:s2] =	stream.indirect.scatter.add.f32 [tilespmem:s18], [sflag:$0x2], $0x20, s23, s12, $0xb8;
	[tilespmem:$0x1FC20] =	vst v63  }
0xee: {  	_ =	swait.ge [sflag:s9], $0x1000  }
0xef: {  	[sflag:s9] =	ssyncset.done $0x0  }
0xf0: {  	[sflag:s9] =	ssyncadd.s32 $0xFFFFF000  }
0xf1: {  	[tilespmem:s18], [sflag:$0x1] =	stream.indirect.gather [hbm4b:s4+s12], $0x20, s24, s12, $0xb8;
	[tilespmem:$0x1FC20] =	vst v63  }
0xf2: {  	_ =	swait.ge [sflag:s19], $0x1000  }
0xf3: {  	[sflag:s19] =	ssyncset.done $0x0  }
0xf4: {  	[sflag:s19] =	ssyncadd.s32 $0xFFFFF000  }
0xf5: {  	[spmem:s2] =	stream.indirect.scatter.add.f32 [tilespmem:s13], [sflag:$0x2], $0x20, s25, s12, $0xb8;
	[tilespmem:$0x1FC20] =	vst v63  }
0xf6: {  	_ =	swait.ge [sflag:s9], $0x1000  }
0xf7: {  	[sflag:s9] =	ssyncset.done $0x0  }
0xf8: {  	[sflag:s9] =	ssyncadd.s32 $0xFFFFF000  }
0xf9: {  	[tilespmem:s13], [sflag:$0x1] =	stream.indirect.gather [hbm4b:s4+s12], $0x20, s26, s12, $0xb8;
	[tilespmem:$0x1FC20] =	vst v63  }
0xfa: {  	_ =	swait.ge [sflag:s19], $0x1000  }
0xfb: {  	[sflag:s19] =	ssyncset.done $0x0  }
0xfc: {  	[sflag:s19] =	ssyncadd.s32 $0xFFFFF000  }
0xfd: {  	[spmem:s2] =	stream.indirect.scatter.add.f32 [tilespmem:s14], [sflag:$0x2], $0x20, s28, s12, $0xb8;
	[tilespmem:$0x1FC20] =	vst v63  }
0xfe: {  	_ =	swait.ge [sflag:s9], $0x1000  }
0xff: {  	[sflag:s9] =	ssyncset.done $0x0  }
0x100: {  	[sflag:s9] =	ssyncadd.s32 $0xFFFFF000  }
0x101: {  	[tilespmem:s14], [sflag:$0x1] =	stream.indirect.gather [hbm4b:s4+s12], $0x20, s29, s12, $0xb8;
	[tilespmem:$0x1FC20] =	vst v63  }
0x102: {  	_ =	swait.ge [sflag:s19], $0x1000  }
0x103: {  	[sflag:s19] =	ssyncset.done $0x0  }
0x104: {  	[sflag:s19] =	ssyncadd.s32 $0xFFFFF000  }
0x105: {  	[spmem:s2] =	stream.indirect.scatter.add.f32 [tilespmem:s15], [sflag:$0x2], $0x20, s30, s12, $0xb8;
	[tilespmem:$0x1FC20] =	vst v63  }
0x106: {  	_ =	swait.ge [sflag:s9], $0x1000  }
0x107: {  	[sflag:s9] =	ssyncset.done $0x0  }
0x108: {  	[sflag:s9] =	ssyncadd.s32 $0xFFFFF000  }
0x109: {  	_ =	swait.ge [sflag:s19], $0x1000  }
0x10a: {  	[sflag:s19] =	ssyncset.done $0x0  }
0x10b: {  	[sflag:s19] =	ssyncadd.s32 $0xFFFFF000  }
0x10c: {  	[spmem:s2] =	stream.indirect.scatter.add.f32 [tilespmem:s16], [sflag:$0x2], $0x20, s31, s12, $0xb8;
	[tilespmem:$0x1FC20] =	vst v63  }
0x10d: {  	_ =	swait.ge [sflag:s9], $0x1000  }
0x10e: {  	[sflag:s9] =	ssyncset.done $0x0  }
0x10f: {  	[sflag:s9] =	ssyncadd.s32 $0xFFFFF000  }
0x110: {  	_ =	swait.ge [sflag:s19], $0x1000  }
0x111: {  	[sflag:s19] =	ssyncset.done $0x0  }
0x112: {  	[sflag:s19] =	ssyncadd.s32 $0xFFFFF000  }
0x113: {  	[spmem:s2] =	stream.indirect.scatter.add.f32 [tilespmem:s17], [sflag:$0x2], $0x20, s1, s12, $0xb8;
	[tilespmem:$0x1FC20] =	vst v63  }
0x114: {  	_ =	swait.ge [sflag:s9], $0x1000  }
0x115: {  	[sflag:s9] =	ssyncset.done $0x0  }
0x116: {  	[sflag:s9] =	ssyncadd.s32 $0xFFFFF000  }
0x117: {  	_ =	swait.ge [sflag:s19], $0x1000  }
0x118: {  	[sflag:s19] =	ssyncset.done $0x0  }
0x119: {  	[sflag:s19] =	ssyncadd.s32 $0xFFFFF000  }
0x11a: {  	[spmem:s2] =	stream.indirect.scatter.add.f32 [tilespmem:s18], [sflag:$0x2], $0x20, s0, s12, $0xb8;
	[tilespmem:$0x1FC20] =	vst v63  }
0x11b: {  	_ =	swait.ge [sflag:s9], $0x1000  }
0x11c: {  	[sflag:s9] =	ssyncset.done $0x0  }
0x11d: {  	[sflag:s9] =	ssyncadd.s32 $0xFFFFF000  }
0x11e: {  	_ =	swait.ge [sflag:s19], $0x1000  }
0x11f: {  	[sflag:s19] =	ssyncset.done $0x0  }
0x120: {  	s21 =	simm.s32 $0x1F500;
	[sflag:s19] =	ssyncadd.s32 $0xFFFFF000  }
0x121: {  	[spmem:s2] =	stream.indirect.scatter.add.f32 [tilespmem:s13], [sflag:$0x2], $0x20, s21, s12, $0xb8;
	[tilespmem:$0x1FC20] =	vst v63  }
0x122: {  	_ =	swait.ge [sflag:s9], $0x1000  }
0x123: {  	[sflag:s9] =	ssyncset.done $0x0  }
0x124: {  	[sflag:s9] =	ssyncadd.s32 $0xFFFFF000  }
0x125: {  	p0 =	sne.s32 s20, $0x17A0;
	_ =	swait.ge [sflag:s19], $0x1000  }
.Ltmp2:
0x126: {  	[sflag:s19] =	ssyncset.done $0x0;
	(pc) =	sbr.rel @p0 .LBB2_6-.Ltmp2, $4  }
0x127: {  	s21 =	simm.s32 $0x1F580;
	[sflag:s19] =	ssyncadd.s32 $0xFFFFF000  }
0x128: {  	[spmem:s2] =	stream.indirect.scatter.add.f32 [tilespmem:s14], [sflag:$0x2], $0x20, s21, s12, $0xb8;
	[tilespmem:$0x1FC20] =	vst v63  }
0x129: {  	_ =	swait.ge [sflag:s9], $0x1000  }
0x12a: {  	s20 =	sadd.s32 $0xE0, s20;
	s21 =	rddreg [dreg:$0x3];
	[sflag:s9] =	ssyncset.done $0x0  }
0x12b: {  	[sflag:s9] =	ssyncadd.s32 $0xFFFFF000;
	s20 =	sadd.s32 s5, s21  }
0x12c: {  	[tilespmem:s10], [sflag:$0x2] =	stream.linear.gather [hbm4b:s20+s3], $0x700, $0x38;
	[tilespmem:$0x1FC20] =	vst v63  }
0x12d: {  	_ =	swait.ge [sflag:s9], $0x700  }
0x12e: {  	s21 =	rddreg [dreg:$0x4];
	[sflag:s9] =	ssyncset.done $0x0  }
0x12f: {  	[sflag:s9] =	ssyncadd.s32 $0xFFFFF900;
	s20 =	sadd.s32 s5, s21  }
0x130: {  	[tilespmem:s11], [sflag:$0x2] =	stream.linear.gather [hbm4b:s20+s3], $0x700, $0x38;
	[tilespmem:$0x1FC20] =	vst v63  }
0x131: {  	_ =	swait.ge [sflag:s9], $0x700  }
0x132: {  	[sflag:s9] =	ssyncset.done $0x0  }
0x133: {  	[sflag:s9] =	ssyncadd.s32 $0xFFFFF900  }
0x134: {  	[tilespmem:s13], [sflag:$0x1] =	stream.indirect.gather [hbm4b:s4+s12], $0x20, s10, s12, $0xb8;
	[tilespmem:$0x1FC20] =	vst v63  }
0x135: {  	s21 =	rddreg [dreg:$0x5]  }
0x136: {  	[tilespmem:s14], [sflag:$0x1] =	stream.indirect.gather [hbm4b:s4+s12], $0x20, s21, s12, $0xb8;
	[tilespmem:$0x1FC20] =	vst v63  }
0x137: {  	s20 =	rddreg [dreg:$0x6]  }
0x138: {  	[tilespmem:s15], [sflag:$0x1] =	stream.indirect.gather [hbm4b:s4+s12], $0x20, s20, s12, $0xb8;
	[tilespmem:$0x1FC20] =	vst v63  }
0x139: {  	s21 =	rddreg [dreg:$0x7]  }
0x13a: {  	[tilespmem:s16], [sflag:$0x1] =	stream.indirect.gather [hbm4b:s4+s12], $0x20, s21, s12, $0xb8;
	[tilespmem:$0x1FC20] =	vst v63  }
0x13b: {  	s20 =	rddreg [dreg:$0x8]  }
0x13c: {  	[tilespmem:s17], [sflag:$0x1] =	stream.indirect.gather [hbm4b:s4+s12], $0x20, s20, s12, $0xb8;
	[tilespmem:$0x1FC20] =	vst v63  }
0x13d: {  	s21 =	rddreg [dreg:$0x9]  }
0x13e: {  	[tilespmem:s18], [sflag:$0x1] =	stream.indirect.gather [hbm4b:s4+s12], $0x20, s21, s12, $0xb8;
	[tilespmem:$0x1FC20] =	vst v63  }
0x13f: {  	_ =	swait.ge [sflag:s19], $0x1000  }
0x140: {  	[sflag:s19] =	ssyncset.done $0x0  }
0x141: {  	[sflag:s19] =	ssyncadd.s32 $0xFFFFF000  }
0x142: {  	[spmem:s2] =	stream.indirect.scatter.add.f32 [tilespmem:s13], [sflag:$0x2], $0x20, s11, s12, $0xb8;
	[tilespmem:$0x1FC20] =	vst v63  }
0x143: {  	_ =	swait.ge [sflag:s9], $0x1000  }
0x144: {  	[sflag:s9] =	ssyncset.done $0x0  }
0x145: {  	s20 =	rddreg [dreg:$0xa];
	[sflag:s9] =	ssyncadd.s32 $0xFFFFF000  }
0x146: {  	[tilespmem:s13], [sflag:$0x1] =	stream.indirect.gather [hbm4b:s4+s12], $0x20, s20, s12, $0xb8;
	[tilespmem:$0x1FC20] =	vst v63  }
0x147: {  	_ =	swait.ge [sflag:s19], $0x1000  }
0x148: {  	[sflag:s19] =	ssyncset.done $0x0  }
0x149: {  	s21 =	rddreg [dreg:$0xb];
	[sflag:s19] =	ssyncadd.s32 $0xFFFFF000  }
0x14a: {  	[spmem:s2] =	stream.indirect.scatter.add.f32 [tilespmem:s14], [sflag:$0x2], $0x20, s21, s12, $0xb8;
	[tilespmem:$0x1FC20] =	vst v63  }
0x14b: {  	_ =	swait.ge [sflag:s9], $0x1000  }
0x14c: {  	[sflag:s9] =	ssyncset.done $0x0  }
0x14d: {  	s20 =	rddreg [dreg:$0xc];
	[sflag:s9] =	ssyncadd.s32 $0xFFFFF000  }
0x14e: {  	[tilespmem:s14], [sflag:$0x1] =	stream.indirect.gather [hbm4b:s4+s12], $0x20, s20, s12, $0xb8;
	[tilespmem:$0x1FC20] =	vst v63  }
0x14f: {  	_ =	swait.ge [sflag:s19], $0x1000  }
0x150: {  	[sflag:s19] =	ssyncset.done $0x0  }
0x151: {  	s21 =	rddreg [dreg:$0xd];
	[sflag:s19] =	ssyncadd.s32 $0xFFFFF000  }
0x152: {  	[spmem:s2] =	stream.indirect.scatter.add.f32 [tilespmem:s15], [sflag:$0x2], $0x20, s21, s12, $0xb8;
	[tilespmem:$0x1FC20] =	vst v63  }
0x153: {  	_ =	swait.ge [sflag:s9], $0x1000  }
0x154: {  	[sflag:s9] =	ssyncset.done $0x0  }
0x155: {  	s20 =	rddreg [dreg:$0xe];
	[sflag:s9] =	ssyncadd.s32 $0xFFFFF000  }
0x156: {  	[tilespmem:s15], [sflag:$0x1] =	stream.indirect.gather [hbm4b:s4+s12], $0x20, s20, s12, $0xb8;
	[tilespmem:$0x1FC20] =	vst v63  }
0x157: {  	_ =	swait.ge [sflag:s19], $0x1000  }
0x158: {  	[sflag:s19] =	ssyncset.done $0x0  }
0x159: {  	s21 =	rddreg [dreg:$0xf];
	[sflag:s19] =	ssyncadd.s32 $0xFFFFF000  }
0x15a: {  	[spmem:s2] =	stream.indirect.scatter.add.f32 [tilespmem:s16], [sflag:$0x2], $0x20, s21, s12, $0xb8;
	[tilespmem:$0x1FC20] =	vst v63  }
0x15b: {  	_ =	swait.ge [sflag:s9], $0x1000  }
0x15c: {  	[sflag:s9] =	ssyncset.done $0x0  }
0x15d: {  	s20 =	rddreg [dreg:$0x10];
	[sflag:s9] =	ssyncadd.s32 $0xFFFFF000  }
0x15e: {  	[tilespmem:s16], [sflag:$0x1] =	stream.indirect.gather [hbm4b:s4+s12], $0x20, s20, s12, $0xb8;
	[tilespmem:$0x1FC20] =	vst v63  }
0x15f: {  	_ =	swait.ge [sflag:s19], $0x1000  }
0x160: {  	[sflag:s19] =	ssyncset.done $0x0  }
0x161: {  	s21 =	rddreg [dreg:$0x11];
	[sflag:s19] =	ssyncadd.s32 $0xFFFFF000  }
0x162: {  	[spmem:s2] =	stream.indirect.scatter.add.f32 [tilespmem:s17], [sflag:$0x2], $0x20, s21, s12, $0xb8;
	[tilespmem:$0x1FC20] =	vst v63  }
0x163: {  	_ =	swait.ge [sflag:s9], $0x1000  }
0x164: {  	[sflag:s9] =	ssyncset.done $0x0  }
0x165: {  	[sflag:s9] =	ssyncadd.s32 $0xFFFFF000  }
0x166: {  	[tilespmem:s17], [sflag:$0x1] =	stream.indirect.gather [hbm4b:s4+s12], $0x20, s22, s12, $0xb8;
	[tilespmem:$0x1FC20] =	vst v63  }
0x167: {  	_ =	swait.ge [sflag:s19], $0x1000  }
0x168: {  	[sflag:s19] =	ssyncset.done $0x0  }
0x169: {  	[sflag:s19] =	ssyncadd.s32 $0xFFFFF000  }
0x16a: {  	[spmem:s2] =	stream.indirect.scatter.add.f32 [tilespmem:s18], [sflag:$0x2], $0x20, s23, s12, $0xb8;
	[tilespmem:$0x1FC20] =	vst v63  }
0x16b: {  	_ =	swait.ge [sflag:s9], $0x1000  }
0x16c: {  	[sflag:s9] =	ssyncset.done $0x0  }
0x16d: {  	[sflag:s9] =	ssyncadd.s32 $0xFFFFF000  }
0x16e: {  	[tilespmem:s18], [sflag:$0x1] =	stream.indirect.gather [hbm4b:s4+s12], $0x20, s24, s12, $0xb8;
	[tilespmem:$0x1FC20] =	vst v63  }
0x16f: {  	_ =	swait.ge [sflag:s19], $0x1000  }
0x170: {  	[sflag:s19] =	ssyncset.done $0x0  }
0x171: {  	[sflag:s19] =	ssyncadd.s32 $0xFFFFF000  }
0x172: {  	[spmem:s2] =	stream.indirect.scatter.add.f32 [tilespmem:s13], [sflag:$0x2], $0x20, s25, s12, $0xb8;
	[tilespmem:$0x1FC20] =	vst v63  }
0x173: {  	_ =	swait.ge [sflag:s9], $0x1000  }
0x174: {  	[sflag:s9] =	ssyncset.done $0x0  }
0x175: {  	[sflag:s9] =	ssyncadd.s32 $0xFFFFF000  }
0x176: {  	[tilespmem:s13], [sflag:$0x1] =	stream.indirect.gather [hbm4b:s4+s12], $0x20, s26, s12, $0xb8;
	[tilespmem:$0x1FC20] =	vst v63  }
0x177: {  	_ =	swait.ge [sflag:s19], $0x1000  }
0x178: {  	[sflag:s19] =	ssyncset.done $0x0  }
0x179: {  	[sflag:s19] =	ssyncadd.s32 $0xFFFFF000  }
0x17a: {  	[spmem:s2] =	stream.indirect.scatter.add.f32 [tilespmem:s14], [sflag:$0x2], $0x20, s28, s12, $0xb8;
	[tilespmem:$0x1FC20] =	vst v63  }
0x17b: {  	_ =	swait.ge [sflag:s9], $0x1000  }
0x17c: {  	[sflag:s9] =	ssyncset.done $0x0  }
0x17d: {  	[sflag:s9] =	ssyncadd.s32 $0xFFFFF000  }
0x17e: {  	[tilespmem:s14], [sflag:$0x1] =	stream.indirect.gather [hbm4b:s4+s12], $0x20, s29, s12, $0xb8;
	[tilespmem:$0x1FC20] =	vst v63  }
0x17f: {  	_ =	swait.ge [sflag:s19], $0x1000  }
0x180: {  	[sflag:s19] =	ssyncset.done $0x0  }
0x181: {  	[sflag:s19] =	ssyncadd.s32 $0xFFFFF000  }
0x182: {  	[spmem:s2] =	stream.indirect.scatter.add.f32 [tilespmem:s15], [sflag:$0x2], $0x20, s30, s12, $0xb8;
	[tilespmem:$0x1FC20] =	vst v63  }
0x183: {  	_ =	swait.ge [sflag:s9], $0x1000  }
0x184: {  	[sflag:s9] =	ssyncset.done $0x0  }
0x185: {  	[sflag:s9] =	ssyncadd.s32 $0xFFFFF000  }
0x186: {  	_ =	swait.ge [sflag:s19], $0x1000  }
0x187: {  	[sflag:s19] =	ssyncset.done $0x0  }
0x188: {  	[sflag:s19] =	ssyncadd.s32 $0xFFFFF000  }
0x189: {  	[spmem:s2] =	stream.indirect.scatter.add.f32 [tilespmem:s16], [sflag:$0x2], $0x20, s31, s12, $0xb8;
	[tilespmem:$0x1FC20] =	vst v63  }
0x18a: {  	_ =	swait.ge [sflag:s9], $0x1000  }
0x18b: {  	[sflag:s9] =	ssyncset.done $0x0  }
0x18c: {  	[sflag:s9] =	ssyncadd.s32 $0xFFFFF000  }
0x18d: {  	_ =	swait.ge [sflag:s19], $0x1000  }
0x18e: {  	[sflag:s19] =	ssyncset.done $0x0  }
0x18f: {  	[sflag:s19] =	ssyncadd.s32 $0xFFFFF000  }
0x190: {  	[spmem:s2] =	stream.indirect.scatter.add.f32 [tilespmem:s17], [sflag:$0x2], $0x20, s1, s12, $0xb8;
	[tilespmem:$0x1FC20] =	vst v63  }
0x191: {  	_ =	swait.ge [sflag:s9], $0x1000  }
0x192: {  	[sflag:s9] =	ssyncset.done $0x0  }
0x193: {  	[sflag:s9] =	ssyncadd.s32 $0xFFFFF000  }
0x194: {  	_ =	swait.ge [sflag:s19], $0x1000  }
0x195: {  	[sflag:s19] =	ssyncset.done $0x0  }
0x196: {  	[sflag:s19] =	ssyncadd.s32 $0xFFFFF000  }
0x197: {  	[spmem:s2] =	stream.indirect.scatter.add.f32 [tilespmem:s18], [sflag:$0x2], $0x20, s0, s12, $0xb8;
	[tilespmem:$0x1FC20] =	vst v63  }
0x198: {  	_ =	swait.ge [sflag:s9], $0x1000  }
0x199: {  	[sflag:s9] =	ssyncset.done $0x0  }
0x19a: {  	[sflag:s9] =	ssyncadd.s32 $0xFFFFF000  }
0x19b: {  	_ =	swait.ge [sflag:s19], $0x1000  }
0x19c: {  	[sflag:s19] =	ssyncset.done $0x0  }
0x19d: {  	s24 =	simm.s32 $0x1F500;
	[sflag:s19] =	ssyncadd.s32 $0xFFFFF000  }
0x19e: {  	[spmem:s2] =	stream.indirect.scatter.add.f32 [tilespmem:s13], [sflag:$0x2], $0x20, s24, s12, $0xb8;
	[tilespmem:$0x1FC20] =	vst v63  }
0x19f: {  	_ =	swait.ge [sflag:s9], $0x1000  }
0x1a0: {  	[sflag:s9] =	ssyncset.done $0x0  }
0x1a1: {  	[sflag:s9] =	ssyncadd.s32 $0xFFFFF000  }
0x1a2: {  	_ =	swait.ge [sflag:s19], $0x1000  }
0x1a3: {  	[sflag:s19] =	ssyncset.done $0x0  }
0x1a4: {  	s25 =	simm.s32 $0x1F580;
	[sflag:s19] =	ssyncadd.s32 $0xFFFFF000  }
0x1a5: {  	[spmem:s2] =	stream.indirect.scatter.add.f32 [tilespmem:s14], [sflag:$0x2], $0x20, s25, s12, $0xb8;
	[tilespmem:$0x1FC20] =	vst v63  }
0x1a6: {  	_ =	swait.ge [sflag:s9], $0x1000  }
0x1a7: {  	[sflag:s9] =	ssyncset.done $0x0  }
0x1a8: {  	s5 =	simm.s32 $0xC4;
	[sflag:s9] =	ssyncadd.s32 $0xFFFFF000  }
0x1a9: {  	s20 =	smov.u32 s6;
	s23 =	simm.s32 $0x1ED80;
	[bflag:$0x0] =	sbarrier.arrive $0xFFFF  }
0x1aa: {  	[tilespmem:s8], [sflag:$0x2] =	stream.linear.gather [spmem:s6], $0x620, $0x38;
	[tilespmem:$0x1FC20] =	vst v63  }
0x1ab: {  	s26 =	sadd.s32 $0x0, s7;
	s28 =	simm.s32 $0x1EE80;
	_ =	swait.ge [sflag:s9], $0x620  }
0x1ac: {  	s29 =	simm.s32 $0x1F300;
	s30 =	simm.s32 $0x1F380;
	[sflag:s9] =	ssyncset.done $0x0  }
0x1ad: {  	s31 =	simm.s32 $0x1F500;
	s1 =	simm.s32 $0x1F400;
	[sflag:s9] =	ssyncadd.s32 $0xFFFFF9E0  }
0x1ae: {  	[hbm4b:s26+s3] =	stream.linear.scatter [tilespmem:s8], [sflag:$0x2], $0x620, $0x38;
	[tilespmem:$0x1FC20] =	vst v63  }
0x1af: {  	s0 =	simm.s32 $0x1F480;
	s24 =	simm.s32 $0x1F200;
	_ =	swait.ge [sflag:s9], $0x620  }
0x1b0: {  	s25 =	simm.s32 $0x1EE00;
	s26 =	simm.s32 $0x1F280;
	[sflag:s9] =	ssyncset.done $0x0  }
.LBB2_8:
0x1b1: {  	p0 =	sne.s32 s5, $0x303C;
	[sflag:s9] =	ssyncadd.s32 $0xFFFFF9E0;
	s20 =	sadd.s32 $0x620, s20  }
0x1b2: {  	[tilespmem:s8], [sflag:$0x2] =	stream.linear.gather [spmem:s20], $0x620, $0x38;
	[tilespmem:$0x1FC20] =	vst v63  }
0x1b3: {  	s21 =	smov.u32 s5;
	s5 =	sadd.s32 $0xC4, s5;
	_ =	swait.ge [sflag:s9], $0x620  }
.Ltmp3:
0x1b4: {  	[sflag:s9] =	ssyncset.done $0x0;
	(pc) =	sbr.rel @p0 .LBB2_8-.Ltmp3, $4  }
0x1b5: {  	s21 =	sadd.s32 s21, s7;
	[sflag:s9] =	ssyncadd.s32 $0xFFFFF9E0  }
0x1b6: {  	[hbm4b:s21+s3] =	stream.linear.scatter [tilespmem:s8], [sflag:$0x2], $0x620, $0x38;
	[tilespmem:$0x1FC20] =	vst v63  }
0x1b7: {  	_ =	swait.ge [sflag:s9], $0x620  }
0x1b8: {  	[sflag:s9] =	ssyncset.done $0x0  }
0x1b9: {  	s20 =	rddreg [dreg:$0x13]  }
0x1ba: {  	s5 =	rddreg [dreg:$0x12];
	s20 =	sadd.s32 $0x1, s20  }
0x1bb: {  	p0 =	sne.s32 s20, s5  }
.Ltmp4:
0x1bc: {  	_ = 	snop;
	(pc) =	sbr.rel @p0 .LBB2_1-.Ltmp4, $2  }
0x1bd: {  	_ =	sdelay $0x2  }
0x1be: {  	[sflag:s9] =	ssyncadd.s32 $0xFFFFF9E0;
	s21 =	simm.s32 $0x1F180  }
0x1bf: {  	_ =	sfence.sel $0x180000  }
0x1c0: {  	[bflag:$0x0] =	sbarrier.arrive $0xFFFF  }
0x1c1: {  	_ =	strace $0x9000004D  }
0x1c2: {  	s0 =	stileid.u32;
	[bflag:$0x2] =	sbarrier.arrive $0xFFFF  }
0x1c3: {  	p0 =	sne.s32 s0, $0x0;
	s0 =	rddreg [dreg:$0x2]  }
0x1c4: {  	s0 =	sadd.s32 @!p0 $0x100000, s0  }
0x1c5: {  	[sflag:s0] =	ssyncadd.tile.s32 @!p0 $0x1;
	_ =	shalt  }
.Lfunc_end2:
_tile_overlayer_lowered:
.L_overlay_start_2:
0x1c6: {  	(tag) =	ssettag $0x2  }
0x1c7: {  	s0 =	rddreg [dreg:$0x0];
	s2 =	stileid.u32  }
0x1c8: {  	s1 =	rddreg [dreg:$0x1];
	p0 =	sne.s32 s2, $0x0  }
0x1c9: {  	s3 =	rddreg [dreg:$0x2];
	[bflag:$0x3] =	sbarrier.arrive $0xFFFF;
	s2 =	simm.s32 @!p0 $0x1C02  }
0x1ca: {  	[timem:s3], [sflag:s2] =	dma.local @!p0 [hbm:s0], s1  }
0x1cb: {  	s0 =	simm.s32 @!p0 $0x2  }
0x1cc: {  	_ =	swait.ge @!p0 [sflag:s0], s1  }
0x1cd: {  	s1 =	ssub.s32 @!p0 $0x0, s1;
	[sflag:s0] =	ssyncset.done @!p0 $0x0  }
0x1ce: {  	[sflag:s0] =	ssyncadd.s32 @!p0 s1  }
0x1cf: {  	[bflag:$0x3] =	sbarrier.arrive $0xFFFF  }
0x1d0: {  	_ =	shalt  }

// kernel: kernel.19.cloned.1.call-start
scs
__scs_entry_jumppad:
0x0: {  	(pc) =	sbr.rel $0x88, $3  }
0x1: {  	(tag) =	ssettag $0x0;
	lr =	simm.s32 $0x1  }
0x2: {  	[smem:$0x3F9E] =	sst lr;
	_ =	strace $0xD0000000  }
0x3: {  	_ = 	snop  }
0x4: {  	_ = 	snop  }
0x5: {  	_ = 	snop  }
0x6: {  	_ = 	snop  }
0x7: {  	_ = 	snop  }
__scs_overlays_trampoline_lowered:
0x8: {  	[smem:$0x3FAD] =	sst s0  }
0x9: {  	[smem:$0x3FAE] =	sst s1  }
0xa: {  	[smem:$0x3FAF] =	sst s2  }
0xb: {  	[smem:$0x3FB0] =	sst s3  }
0xc: {  	[smem:$0x3FB1] =	sst s4  }
0xd: {  	[smem:$0x3FB2] =	sst s5  }
0xe: {  	[smem:$0x3FB3] =	sst s6  }
0xf: {  	[smem:$0x3FB4] =	sst s7  }
0x10: {  	[smem:$0x3FB5] =	sst s8  }
0x11: {  	[smem:$0x3FB6] =	sst s9;
	s0 =	simm.s32 @!p0 $0x0  }
0x12: {  	s1 =	sld [smem:$0x3F9C];
	s0 =	simm.s32 @p0 $0x1  }
0x13: {  	[smem:$0x3FB7] =	sst s0;
	s0 =	simm.s32 @!p1 $0x0  }
0x14: {  	s2 =	sld [smem:$0x3F9B];
	s0 =	simm.s32 @p1 $0x1  }
0x15: {  	[smem:$0x3FB8] =	sst s0;
	s0 =	simm.s32 @!p2 $0x0  }
0x16: {  	s3 =	sld [smem:$0x3FDB];
	s0 =	simm.s32 @p2 $0x1  }
0x17: {  	s4 =	simm.s32 $0x1BF5;
	[smem:$0x3FBA] =	sst s0  }
0x18: {  	s0 =	sld [smem:$0x3F9D];
	_ =	swait.ge [sflag:s4], $0x0  }
0x19: {  	s7 =	sld [smem:$0x3F9E]  }
0x1a: {  	s8 =	sadd.s32 $0xFFFFE003, lr  }
0x1b: {  	s9 =	sadd.s32 $0xFFFFFEF7, lr;
	s5 =	simm.s32 $0xFFFFFFFF;
	p2 =	slt.u32 s8, $0xFFFFF086  }
0x1c: {  	p1 =	slt.u32 s9, $0xF7A;
	s5 =	simm.s32 @!p2 $0x0  }
0x1d: {  	s5 =	simm.s32 @p1 $0x1;
	p0 =	seq.s32 s7, s2  }
0x1e: {  	s7 =	smul.u32 @!p0 $0xF7A, s2;
	p2 =	seq.s32 @!p0 s5, $0x0  }
0x1f: {  	s9 =	smul.u32 $0xF7A, s1;
	s8 =	simm.s32 @!p0 $0x1BF5;
	p2 =	por !p2, p0  }
0x20: {  	[sflag:s8] =	ssyncset.s32 @!p0 $0xFFFFF086;
	s6 =	sadd.s32 @!p0 s3, s7;
	s7 =	simm.s32 @!p0 $0x108  }
0x21: {  	s3 =	sadd.s32 s3, s9;
	s6 =	sadd.s32 @!p0 $0x88, s6;
	s7 =	simm.s32 @p2 $0x1082  }
0x22: {  	[simem:s7], [sflag:s8] =	dma.local @!p0 [hbm:s6], $0xF7A  }
0x23: {  	s9 =	sor.u32 $0xD0000000, s2;
	s6 =	simm.s32 $0x108;
	_ =	swait.ge @!p0 [sflag:s8], $0x0  }
0x24: {  	s3 =	sadd.s32 $0x88, s3;
	s6 =	simm.s32 @!p1 $0x1082;
	[sflag:s4] =	ssyncset.s32 $0xFFFFF086  }
0x25: {  	[simem:s6], [sflag:s4] =	dma.local [hbm:s3], $0xF7A  }
0x26: {  	[smem:$0x3F9E] =	sst s1;
	(tag) =	ssettag s2;
	_ =	strace s9  }
0x27: {  	s1 =	sld [smem:$0x3FAE]  }
0x28: {  	s2 =	sld [smem:$0x3FAF]  }
0x29: {  	s4 =	sld [smem:$0x3FB1]  }
0x2a: {  	p0 =	seq.s32 s5, $0x0;
	s5 =	sld [smem:$0x3FB2]  }
0x2b: {  	s6 =	sld [smem:$0x3FB3]  }
0x2c: {  	s7 =	sld [smem:$0x3FB4]  }
0x2d: {  	s3 =	simm.s32 $0x108;
	s8 =	sld [smem:$0x3FB5]  }
0x2e: {  	s3 =	simm.s32 @!p0 $0x1082;
	s9 =	sld [smem:$0x3FB6]  }
0x2f: {  	lr =	sadd.s32 s0, s3;
	s0 =	sld [smem:$0x3FAD]  }
0x30: {  	s3 =	sld [smem:$0x3FB0]  }
0x31: {  	[smem:$0x3FB9] =	sst s10  }
0x32: {  	s10 =	sld [smem:$0x3FB7];
	_ =	sdelay $0x3  }
0x33: {  	p0 =	seq.s32 s10, $0x1;
	s10 =	sld [smem:$0x3FB9];
	_ =	sdelay $0x3  }
0x34: {  	[smem:$0x3FB9] =	sst s10  }
0x35: {  	s10 =	sld [smem:$0x3FB8];
	_ =	sdelay $0x3  }
0x36: {  	p1 =	seq.s32 s10, $0x1;
	s10 =	sld [smem:$0x3FB9];
	_ =	sdelay $0x3  }
0x37: {  	[smem:$0x3FB9] =	sst s10  }
0x38: {  	s10 =	sld [smem:$0x3FBA]  }
0x39: {  	_ = 	snop;
	(pc) =	sbr.ind lr, $3  }
0x3a: {  	_ = 	snop  }
0x3b: {  	_ = 	snop  }
0x3c: {  	p2 =	seq.s32 s10, $0x1;
	s10 =	sld [smem:$0x3FB9]  }
0x3d: {  	_ =	shalt  }
0x3e: {  	_ =	shalt  }
0x3f: {  	_ =	shalt  }
0x40: {  	_ =	shalt  }
0x41: {  	_ =	shalt  }
0x42: {  	_ =	shalt  }
0x43: {  	_ =	shalt  }
0x44: {  	_ =	shalt  }
0x45: {  	_ =	shalt  }
0x46: {  	_ =	shalt  }
0x47: {  	_ =	shalt  }
0x48: {  	_ =	shalt  }
0x49: {  	_ =	shalt  }
0x4a: {  	_ =	shalt  }
0x4b: {  	_ =	shalt  }
0x4c: {  	_ =	shalt  }
0x4d: {  	_ =	shalt  }
0x4e: {  	_ =	shalt  }
0x4f: {  	_ =	shalt  }
0x50: {  	_ =	shalt  }
0x51: {  	_ =	shalt  }
0x52: {  	_ =	shalt  }
0x53: {  	_ =	shalt  }
0x54: {  	_ =	shalt  }
0x55: {  	_ =	shalt  }
0x56: {  	_ =	shalt  }
0x57: {  	_ =	shalt  }
0x58: {  	_ =	shalt  }
0x59: {  	_ =	shalt  }
0x5a: {  	_ =	shalt  }
0x5b: {  	_ =	shalt  }
0x5c: {  	_ =	shalt  }
0x5d: {  	_ =	shalt  }
0x5e: {  	_ =	shalt  }
0x5f: {  	_ =	shalt  }
0x60: {  	_ =	shalt  }
0x61: {  	_ =	shalt  }
0x62: {  	_ =	shalt  }
0x63: {  	_ =	shalt  }
0x64: {  	_ =	shalt  }
0x65: {  	_ =	shalt  }
0x66: {  	_ =	shalt  }
0x67: {  	_ =	shalt  }
0x68: {  	_ =	shalt  }
0x69: {  	_ =	shalt  }
0x6a: {  	_ =	shalt  }
0x6b: {  	_ =	shalt  }
0x6c: {  	_ =	shalt  }
0x6d: {  	_ =	shalt  }
0x6e: {  	_ =	shalt  }
0x6f: {  	_ =	shalt  }
0x70: {  	_ =	shalt  }
0x71: {  	_ =	shalt  }
0x72: {  	_ =	shalt  }
0x73: {  	_ =	shalt  }
0x74: {  	_ =	shalt  }
0x75: {  	_ =	shalt  }
0x76: {  	_ =	shalt  }
0x77: {  	_ =	shalt  }
0x78: {  	_ =	shalt  }
0x79: {  	_ =	shalt  }
0x7a: {  	_ =	shalt  }
0x7b: {  	_ =	shalt  }
0x7c: {  	_ =	shalt  }
0x7d: {  	_ =	shalt  }
0x7e: {  	_ =	shalt  }
0x7f: {  	_ =	shalt  }
0x80: {  	_ =	shalt  }
0x81: {  	_ =	shalt  }
0x82: {  	_ =	shalt  }
0x83: {  	_ =	shalt  }
0x84: {  	_ =	shalt  }
0x85: {  	_ =	shalt  }
0x86: {  	_ =	shalt  }
0x87: {  	_ =	shalt  }
.Lfunc_end0:
.L_simem_size_0:
called_computation.3_lowered:
.L_overlay_start_0:
0x88: {  	s2 =	sld [smem:$0x3FD9]  }
0x89: {  	s3 =	sld [smem:$0x3FFE];
	_ =	sdelay $0x1  }
0x8a: {  	s1 =	srdreg.scid  }
0x8b: {  	s0 =	sand.u32 $0x1, s1  }
0x8c: {  	s16 =	sshll.u32 s0, $0xA;
	s2 =	sadd.s32 s3, s2  }
0x8d: {  	s2 =	sadd.s32 s2, s16  }
0x8e: {  	[smem:$0x3FC5] =	sst s2  }
0x8f: {  	_ = 	snop  }
0x90: {  	(tm) =	ssettm $0x1  }
0x91: {  	s17 =	sld [smem:$0x3FFB];
	_ =	sdelay $0x3  }
0x92: {  	_ =	strace s17  }
0x93: {  	s2 =	sld [smem:$0x3FFC];
	_ =	sdelay $0x3  }
0x94: {  	_ =	strace s2  }
0x95: {  	s2 =	sld [smem:$0x3FFD];
	_ =	sdelay $0x3  }
0x96: {  	_ =	strace s2  }
0x97: {  	_ =	strace $0x8FFFFFFF  }
0x98: {  	s18 =	sld [smem:$0x3FDB];
	_ =	sdelay $0x1  }
0x99: {  	s19 =	simm.s32 $_scs_section_size  }
0x9a: {  	s4 =	simm.s32 $_size__tile_overlayer_lowered;
	s5 =	simm.s32 $_tile_overlayer_lowered  }
0x9b: {  	s22 =	simm.s32 $0x1BFF;
	s21 =	sshll.u32 s5, $0x1;
	s2 =	sadd.s32 s19, s18  }
0x9c: {  	s6 =	simm.s32 $0x0;
	s20 =	sshll.u32 s4, $0x1;
	s4 =	sadd.s32 s21, s2  }
0x9d: {  	[timem:s6], [sflag:s22] =	dma.local [hbm:s4], s20  }
0x9e: {  	_ =	swait.ge [sflag:s22], s20  }
0x9f: {  	s3 =	ssub.s32 $0x0, s20;
	[sflag:s22] =	ssyncset.done $0x0  }
0xa0: {  	[sflag:s22] =	ssyncadd.s32 s3;
	_ =	sdelay $0x1  }
0xa1: {  	s23 =	simm.s32 $0x1B8B  }
0xa2: {  	_ =	swait.ge [sflag:s23], $0x1  }
0xa3: {  	[sflag:s23] =	ssyncset.done $0x0  }
0xa4: {  	s25 =	simm.s32 $0x1B8E;
	s24 =	sld [smem:$0x3FFE];
	[sflag:s23] =	ssyncadd.s32 $0xFFFFFFFF  }
0xa5: {  	s26 =	simm.s32 $execute0_lowered;
	[smem:$0x3FD2] =	sst s25  }
0xa6: {  	s4 =	sshll.u32 s26, $0x1;
	_ =	strace $0x8000004F;
	[dreg:$0x1] =	wrdreg $0xFFFFFFFF  }
0xa7: {  	s28 =	simm.s32 $_size_execute0_lowered;
	s2 =	sadd.s32 s2, s4;
	[dreg:$0x0] =	wrdreg $0x0  }
0xa8: {  	s4 =	sshll.u32 s28, $0x1;
	[dreg:$0x2] =	wrdreg s2  }
0xa9: {  	[dreg:$0x3] =	wrdreg s4  }
0xaa: {  	[dreg:$0x4] =	wrdreg $0xC0  }
0xab: {  	_ =	task [dreg:s6], $0x5FFFF  }
0xac: {  	[dreg:$0x1] =	wrdreg $0xFFFFFFFF  }
0xad: {  	[dreg:$0x0] =	wrdreg $0x60  }
0xae: {  	[dreg:$0x2] =	wrdreg s24  }
0xaf: {  	[dreg:$0x3] =	wrdreg $0x0  }
0xb0: {  	[dreg:$0x4] =	wrdreg $0x9  }
0xb1: {  	_ =	task.clear_ibuf [dreg:s6], $0x5FFFF;
	_ =	strace $0x9000004F  }
0xb2: {  	s29 =	simm.s32 $0x9;
	_ =	strace $0x80000051  }
0xb3: {  	_ =	swait.ge [sflag:s29], $0x1  }
0xb4: {  	[sflag:s29] =	ssyncadd.s32 $0xFFFFFFFF  }
0xb5: {  	_ =	strace $0x90000051  }
0xb6: {  	_ =	sfence  }
0xb7: {  	s30 =	sld [smem:$0x0];
	_ =	sdelay $0x2  }
0xb8: {  	s31 =	sshll.u32 s1, $0xD;
	s1 =	sshrl.u32 s1, $0x2  }
0xb9: {  	s3 =	sand.u32 $0x4000, s31;
	s1 =	sadd.s32 s1, s30  }
0xba: {  	s0 =	sor.u32 s3, s0;
	s1 =	sshll.u32 s1, $0x11  }
0xbb: {  	s0 =	sor.u32 s1, s0  }
0xbc: {  	s0 =	sadd.s32 $0x8F2B, s0  }
0xbd: {  	[sflag:s0] =	ssyncadd.remote.s32 $0x1  }
0xbe: {  	_ =	sfence.sel $0xFFFF  }
0xbf: {  	[dreg:$0x0] =	wrdreg $0xFFFFFFFF;
	(pc) =	sbr.abs _section_cstart, $3  }
0xc0: {  	[dreg:$0x1] =	wrdreg $0xFFFFFFFF  }
0xc1: {  	_ =	task.clear_ibuf [dreg:s6], $0x2FFFF;
	_ =	strace $0x9FFFFFFF  }
0xc2: {  	(tm) =	ssettm $0x7FFFFFFF  }
0xc3: {  	_ =	shalt  }
tec
execute0_lowered:
.L_overlay_start_1:
0x0: {  	(tag) =	ssettag $0x1  }
0x1: {  	s0 =	srdreg.scid  }
0x2: {  	s9 =	stileid.u32;
	s5 =	rddreg [dreg:$0x0]  }
0x3: {  	s2 =	rddreg [dreg:$0x1];
	s3 =	simm.s32 $0x0;
	s14 =	simm.s32 $0x1E880  }
0x4: {  	s15 =	simm.s32 $0x1E900;
	s16 =	simm.s32 $0x1E980;
	s17 =	simm.s32 $0x1EA00  }
0x5: {  	s18 =	simm.s32 $0x1EA80;
	s19 =	simm.s32 $0x1EB00;
	s20 =	simm.s32 $0x1EF80  }
0x6: {  	s21 =	simm.s32 $0x1EB80;
	s22 =	simm.s32 $0x1F000;
	[smem:$0x7FF] =	sst s3  }
0x7: {  	s23 =	simm.s32 $0x1EC00;
	_ =	strace $0x80000050;
	[dreg:$0x5] =	wrdreg s14  }
0x8: {  	s24 =	simm.s32 $0x1F080;
	s28 =	simm.s32 $0x1EE80;
	[dreg:$0x6] =	wrdreg s15  }
0x9: {  	s29 =	simm.s32 $0x1F300;
	s4 =	smul.u32 $0xC400, s9;
	[dreg:$0x7] =	wrdreg s16  }
0xa: {  	s30 =	simm.s32 $0x1F380;
	s25 =	smul.u32 $0x1880, s9;
	[dreg:$0x8] =	wrdreg s17  }
0xb: {  	s31 =	simm.s32 $0x1F500;
	s8 =	smul.u32 $0x62000, s9;
	[dreg:$0x9] =	wrdreg s18  }
0xc: {  	s0 =	sand.u32 $0x1, s0;
	s10 =	smul.u32 $0x3100, s9;
	[dreg:$0xa] =	wrdreg s19  }
0xd: {  	s9 =	simm.s32 $0x2;
	s1 =	smul.u32 $0xC4000, s0;
	[dreg:$0xb] =	wrdreg s20  }
0xe: {  	s6 =	smul.u32 $0x31000, s0;
	s0 =	ssub.s32 $0x2, s0;
	[dreg:$0xc] =	wrdreg s21  }
0xf: {  	s14 =	simm.s32 $0x19800;
	s15 =	simm.s32 $0x1A800;
	[dreg:$0xd] =	wrdreg s22  }
0x10: {  	s16 =	simm.s32 $0x1B800;
	s17 =	simm.s32 $0x1C800;
	[dreg:$0xe] =	wrdreg s23  }
0x11: {  	s18 =	simm.s32 $0x1D800;
	[dreg:$0xf] =	wrdreg s24;
	s19 =	simm.s32 $0x1  }
0x12: {  	s22 =	simm.s32 $0x1ED00;
	s21 =	simm.s32 $0x1F180;
	s23 =	simm.s32 $0x1ED80  }
0x13: {  	s24 =	simm.s32 $0x1F200;
	s20 =	simm.s32 $0x0;
	s7 =	sadd.s32 s25, s5  }
0x14: {  	s26 =	sshrl.u32 s0, $0x1;
	s8 =	sshrl.u32 s8, $0x2;
	s25 =	simm.s32 $0x1EC80  }
0x15: {  	s1 =	sadd.s32 s1, s4;
	s4 =	sadd.s32 $0x141400, s5;
	s0 =	ssub.s32 s0, s26  }
0x16: {  	s12 =	sadd.s32 $0x2C00, s7;
	[dreg:$0x10] =	wrdreg s25;
	s26 =	simm.s32 $0x1F100  }
0x17: {  	s25 =	simm.s32 $0x1EE00;
	s1 =	sshrl.u32 s1, $0x3;
	[dreg:$0x4] =	wrdreg s12  }
0x18: {  	s0 =	smax.u32 s0, $0x1;
	s12 =	simm.s32 $0x80;
	[dreg:$0x11] =	wrdreg s26  }
0x19: {  	s26 =	simm.s32 $0x1F280;
	s1 =	sadd.s32 s1, s5;
	s5 =	sadd.s32 s6, s5  }
0x1a: {  	[dreg:$0x12] =	wrdreg s0;
	s6 =	sadd.s32 s8, s2;
	s8 =	simm.s32 $0x1F600  }
0x1b: {  	s0 =	simm.s32 $0x1F480;
	s11 =	sadd.s32 $0x4C400, s1;
	s13 =	sadd.s32 s10, s5  }
0x1c: {  	s10 =	simm.s32 $0x1E800;
	s1 =	simm.s32 $0x1F400;
	[dreg:$0x3] =	wrdreg s11  }
0x1d: {  	v0 =	vimm.f32 $0.0e+00;
	s7 =	sadd.s32 $0x267400, s13;
	s11 =	simm.s32 $0x1EF00;
	s13 =	simm.s32 $0x18800  }
.LBB2_1:
0x1e: {  	[dreg:$0x13] =	wrdreg s20;
	s5 =	simm.s32 $0x0  }
.LBB2_2:
0x1f: {  	p0 =	sne.s32 s5, $0x1800  }
.Ltmp0:
0x20: {  	_ = 	snop;
	(pc) =	sbr.rel @p0 .LBB2_2-.Ltmp0, $4  }
0x21: {  	_ = 	snop  }
0x22: {  	s20 =	sshra.s32 s5, $0x2  }
0x23: {  	[tilespmem:s20+$0x1F600] =	vst v0  }
0x24: {  	s5 =	sadd.s32 $0x80, s5;
	[tilespmem:s20+$0x1F610] =	vst v0  }
0x25: {  	s5 =	sadd.s32 $0x0, s6  }
0x26: {  	[spmem:s5] =	stream.linear.scatter [tilespmem:s8], [sflag:$0x2], $0x620, $0x38;
	[tilespmem:$0x1FC20] =	vst v63  }
0x27: {  	s5 =	simm.s32 $0x1880;
	_ =	swait.ge [sflag:s9], $0x620  }
.LBB2_4:
0x28: {  	s20 =	sshra.s32 s5, $0x2;
	[sflag:s9] =	ssyncset.done $0x0;
	p0 =	sne.s32 s5, $0x60780  }
.Ltmp1:
0x29: {  	s20 =	sadd.s32 s20, s6;
	[sflag:s9] =	ssyncadd.s32 $0xFFFFF9E0;
	(pc) =	sbr.rel @p0 .LBB2_4-.Ltmp1, $3  }
0x2a: {  	[spmem:s20] =	stream.linear.scatter [tilespmem:s8], [sflag:$0x2], $0x620, $0x38;
	[tilespmem:$0x1FC20] =	vst v63  }
0x2b: {  	s5 =	sadd.s32 $0x1880, s5;
	_ =	sdelay $0x1  }
0x2c: {  	_ =	swait.ge [sflag:s9], $0x620  }
0x2d: {  	[sflag:s9] =	ssyncset.done $0x0  }
0x2e: {  	[sflag:s9] =	ssyncadd.s32 $0xFFFFF9E0  }
0x2f: {  	[bflag:$0x0] =	sbarrier.arrive $0xFFFF  }
0x30: {  	s5 =	rddreg [dreg:$0x3]  }
0x31: {  	s5 =	sadd.s32 $0x0, s5  }
0x32: {  	[tilespmem:s10], [sflag:$0x2] =	stream.linear.gather [hbm4b:s5+s3], $0x700, $0x38;
	[tilespmem:$0x1FC20] =	vst v63  }
0x33: {  	_ =	swait.ge [sflag:s9], $0x700  }
0x34: {  	s20 =	rddreg [dreg:$0x4];
	[sflag:s9] =	ssyncset.done $0x0  }
0x35: {  	[sflag:s9] =	ssyncadd.s32 $0xFFFFF900;
	s5 =	sadd.s32 $0x0, s20  }
0x36: {  	[tilespmem:s11], [sflag:$0x2] =	stream.linear.gather [hbm4b:s5+s3], $0x700, $0x38;
	[tilespmem:$0x1FC20] =	vst v63  }
0x37: {  	_ =	swait.ge [sflag:s9], $0x700  }
0x38: {  	[sflag:s9] =	ssyncset.done $0x0  }
0x39: {  	[sflag:s9] =	ssyncadd.s32 $0xFFFFF900  }
0x3a: {  	[tilespmem:s13], [sflag:$0x1] =	stream.indirect.gather [hbm4b:s4+s12], $0x20, s10, s12, $0xb8;
	[tilespmem:$0x1FC20] =	vst v63  }
0x3b: {  	s5 =	rddreg [dreg:$0x5]  }
0x3c: {  	[tilespmem:s14], [sflag:$0x1] =	stream.indirect.gather [hbm4b:s4+s12], $0x20, s5, s12, $0xb8;
	[tilespmem:$0x1FC20] =	vst v63  }
0x3d: {  	s20 =	rddreg [dreg:$0x6]  }
0x3e: {  	[tilespmem:s15], [sflag:$0x1] =	stream.indirect.gather [hbm4b:s4+s12], $0x20, s20, s12, $0xb8;
	[tilespmem:$0x1FC20] =	vst v63  }
0x3f: {  	s5 =	rddreg [dreg:$0x7]  }
0x40: {  	[tilespmem:s16], [sflag:$0x1] =	stream.indirect.gather [hbm4b:s4+s12], $0x20, s5, s12, $0xb8;
	[tilespmem:$0x1FC20] =	vst v63  }
0x41: {  	s20 =	rddreg [dreg:$0x8]  }
0x42: {  	[tilespmem:s17], [sflag:$0x1] =	stream.indirect.gather [hbm4b:s4+s12], $0x20, s20, s12, $0xb8;
	[tilespmem:$0x1FC20] =	vst v63  }
0x43: {  	s5 =	rddreg [dreg:$0x9]  }
0x44: {  	[tilespmem:s18], [sflag:$0x1] =	stream.indirect.gather [hbm4b:s4+s12], $0x20, s5, s12, $0xb8;
	[tilespmem:$0x1FC20] =	vst v63  }
0x45: {  	_ =	swait.ge [sflag:s19], $0x1000  }
0x46: {  	[sflag:s19] =	ssyncset.done $0x0  }
0x47: {  	[sflag:s19] =	ssyncadd.s32 $0xFFFFF000  }
0x48: {  	[spmem:s2] =	stream.indirect.scatter.add.f32 [tilespmem:s13], [sflag:$0x2], $0x20, s11, s12, $0xb8;
	[tilespmem:$0x1FC20] =	vst v63  }
0x49: {  	_ =	swait.ge [sflag:s9], $0x1000  }
0x4a: {  	[sflag:s9] =	ssyncset.done $0x0  }
0x4b: {  	s20 =	rddreg [dreg:$0xa];
	[sflag:s9] =	ssyncadd.s32 $0xFFFFF000  }
0x4c: {  	[tilespmem:s13], [sflag:$0x1] =	stream.indirect.gather [hbm4b:s4+s12], $0x20, s20, s12, $0xb8;
	[tilespmem:$0x1FC20] =	vst v63  }
0x4d: {  	_ =	swait.ge [sflag:s19], $0x1000  }
0x4e: {  	[sflag:s19] =	ssyncset.done $0x0  }
0x4f: {  	s20 =	rddreg [dreg:$0xb];
	[sflag:s19] =	ssyncadd.s32 $0xFFFFF000  }
0x50: {  	[spmem:s2] =	stream.indirect.scatter.add.f32 [tilespmem:s14], [sflag:$0x2], $0x20, s20, s12, $0xb8;
	[tilespmem:$0x1FC20] =	vst v63  }
0x51: {  	_ =	swait.ge [sflag:s9], $0x1000  }
0x52: {  	[sflag:s9] =	ssyncset.done $0x0  }
0x53: {  	s20 =	rddreg [dreg:$0xc];
	[sflag:s9] =	ssyncadd.s32 $0xFFFFF000  }
0x54: {  	[tilespmem:s14], [sflag:$0x1] =	stream.indirect.gather [hbm4b:s4+s12], $0x20, s20, s12, $0xb8;
	[tilespmem:$0x1FC20] =	vst v63  }
0x55: {  	_ =	swait.ge [sflag:s19], $0x1000  }
0x56: {  	[sflag:s19] =	ssyncset.done $0x0  }
0x57: {  	s20 =	rddreg [dreg:$0xd];
	[sflag:s19] =	ssyncadd.s32 $0xFFFFF000  }
0x58: {  	[spmem:s2] =	stream.indirect.scatter.add.f32 [tilespmem:s15], [sflag:$0x2], $0x20, s20, s12, $0xb8;
	[tilespmem:$0x1FC20] =	vst v63  }
0x59: {  	_ =	swait.ge [sflag:s9], $0x1000  }
0x5a: {  	[sflag:s9] =	ssyncset.done $0x0  }
0x5b: {  	s20 =	rddreg [dreg:$0xe];
	[sflag:s9] =	ssyncadd.s32 $0xFFFFF000  }
0x5c: {  	[tilespmem:s15], [sflag:$0x1] =	stream.indirect.gather [hbm4b:s4+s12], $0x20, s20, s12, $0xb8;
	[tilespmem:$0x1FC20] =	vst v63  }
0x5d: {  	_ =	swait.ge [sflag:s19], $0x1000  }
0x5e: {  	[sflag:s19] =	ssyncset.done $0x0  }
0x5f: {  	s20 =	rddreg [dreg:$0xf];
	[sflag:s19] =	ssyncadd.s32 $0xFFFFF000  }
0x60: {  	[spmem:s2] =	stream.indirect.scatter.add.f32 [tilespmem:s16], [sflag:$0x2], $0x20, s20, s12, $0xb8;
	[tilespmem:$0x1FC20] =	vst v63  }
0x61: {  	_ =	swait.ge [sflag:s9], $0x1000  }
0x62: {  	[sflag:s9] =	ssyncset.done $0x0  }
0x63: {  	s20 =	rddreg [dreg:$0x10];
	[sflag:s9] =	ssyncadd.s32 $0xFFFFF000  }
0x64: {  	[tilespmem:s16], [sflag:$0x1] =	stream.indirect.gather [hbm4b:s4+s12], $0x20, s20, s12, $0xb8;
	[tilespmem:$0x1FC20] =	vst v63  }
0x65: {  	_ =	swait.ge [sflag:s19], $0x1000  }
0x66: {  	[sflag:s19] =	ssyncset.done $0x0  }
0x67: {  	s20 =	rddreg [dreg:$0x11];
	[sflag:s19] =	ssyncadd.s32 $0xFFFFF000  }
0x68: {  	[spmem:s2] =	stream.indirect.scatter.add.f32 [tilespmem:s17], [sflag:$0x2], $0x20, s20, s12, $0xb8;
	[tilespmem:$0x1FC20] =	vst v63  }
0x69: {  	_ =	swait.ge [sflag:s9], $0x1000  }
0x6a: {  	[sflag:s9] =	ssyncset.done $0x0  }
0x6b: {  	[sflag:s9] =	ssyncadd.s32 $0xFFFFF000  }
0x6c: {  	[tilespmem:s17], [sflag:$0x1] =	stream.indirect.gather [hbm4b:s4+s12], $0x20, s22, s12, $0xb8;
	[tilespmem:$0x1FC20] =	vst v63  }
0x6d: {  	_ =	swait.ge [sflag:s19], $0x1000  }
0x6e: {  	[sflag:s19] =	ssyncset.done $0x0  }
0x6f: {  	[sflag:s19] =	ssyncadd.s32 $0xFFFFF000  }
0x70: {  	[spmem:s2] =	stream.indirect.scatter.add.f32 [tilespmem:s18], [sflag:$0x2], $0x20, s21, s12, $0xb8;
	[tilespmem:$0x1FC20] =	vst v63  }
0x71: {  	_ =	swait.ge [sflag:s9], $0x1000  }
0x72: {  	[sflag:s9] =	ssyncset.done $0x0  }
0x73: {  	[sflag:s9] =	ssyncadd.s32 $0xFFFFF000  }
0x74: {  	[tilespmem:s18], [sflag:$0x1] =	stream.indirect.gather [hbm4b:s4+s12], $0x20, s23, s12, $0xb8;
	[tilespmem:$0x1FC20] =	vst v63  }
0x75: {  	_ =	swait.ge [sflag:s19], $0x1000  }
0x76: {  	[sflag:s19] =	ssyncset.done $0x0  }
0x77: {  	[sflag:s19] =	ssyncadd.s32 $0xFFFFF000  }
0x78: {  	[spmem:s2] =	stream.indirect.scatter.add.f32 [tilespmem:s13], [sflag:$0x2], $0x20, s24, s12, $0xb8;
	[tilespmem:$0x1FC20] =	vst v63  }
0x79: {  	_ =	swait.ge [sflag:s9], $0x1000  }
0x7a: {  	[sflag:s9] =	ssyncset.done $0x0  }
0x7b: {  	[sflag:s9] =	ssyncadd.s32 $0xFFFFF000  }
0x7c: {  	[tilespmem:s13], [sflag:$0x1] =	stream.indirect.gather [hbm4b:s4+s12], $0x20, s25, s12, $0xb8;
	[tilespmem:$0x1FC20] =	vst v63  }
0x7d: {  	_ =	swait.ge [sflag:s19], $0x1000  }
0x7e: {  	[sflag:s19] =	ssyncset.done $0x0  }
0x7f: {  	[sflag:s19] =	ssyncadd.s32 $0xFFFFF000  }
0x80: {  	[spmem:s2] =	stream.indirect.scatter.add.f32 [tilespmem:s14], [sflag:$0x2], $0x20, s26, s12, $0xb8;
	[tilespmem:$0x1FC20] =	vst v63  }
0x81: {  	_ =	swait.ge [sflag:s9], $0x1000  }
0x82: {  	[sflag:s9] =	ssyncset.done $0x0  }
0x83: {  	[sflag:s9] =	ssyncadd.s32 $0xFFFFF000  }
0x84: {  	[tilespmem:s14], [sflag:$0x1] =	stream.indirect.gather [hbm4b:s4+s12], $0x20, s28, s12, $0xb8;
	[tilespmem:$0x1FC20] =	vst v63  }
0x85: {  	_ =	swait.ge [sflag:s19], $0x1000  }
0x86: {  	[sflag:s19] =	ssyncset.done $0x0  }
0x87: {  	[sflag:s19] =	ssyncadd.s32 $0xFFFFF000  }
0x88: {  	[spmem:s2] =	stream.indirect.scatter.add.f32 [tilespmem:s15], [sflag:$0x2], $0x20, s29, s12, $0xb8;
	[tilespmem:$0x1FC20] =	vst v63  }
0x89: {  	_ =	swait.ge [sflag:s9], $0x1000  }
0x8a: {  	[sflag:s9] =	ssyncset.done $0x0  }
0x8b: {  	[sflag:s9] =	ssyncadd.s32 $0xFFFFF000  }
0x8c: {  	_ =	swait.ge [sflag:s19], $0x1000  }
0x8d: {  	[sflag:s19] =	ssyncset.done $0x0  }
0x8e: {  	[sflag:s19] =	ssyncadd.s32 $0xFFFFF000  }
0x8f: {  	[spmem:s2] =	stream.indirect.scatter.add.f32 [tilespmem:s16], [sflag:$0x2], $0x20, s30, s12, $0xb8;
	[tilespmem:$0x1FC20] =	vst v63  }
0x90: {  	_ =	swait.ge [sflag:s9], $0x1000  }
0x91: {  	[sflag:s9] =	ssyncset.done $0x0  }
0x92: {  	[sflag:s9] =	ssyncadd.s32 $0xFFFFF000  }
0x93: {  	_ =	swait.ge [sflag:s19], $0x1000  }
0x94: {  	[sflag:s19] =	ssyncset.done $0x0  }
0x95: {  	[sflag:s19] =	ssyncadd.s32 $0xFFFFF000  }
0x96: {  	[spmem:s2] =	stream.indirect.scatter.add.f32 [tilespmem:s17], [sflag:$0x2], $0x20, s1, s12, $0xb8;
	[tilespmem:$0x1FC20] =	vst v63  }
0x97: {  	_ =	swait.ge [sflag:s9], $0x1000  }
0x98: {  	[sflag:s9] =	ssyncset.done $0x0  }
0x99: {  	[sflag:s9] =	ssyncadd.s32 $0xFFFFF000  }
0x9a: {  	_ =	swait.ge [sflag:s19], $0x1000  }
0x9b: {  	[sflag:s19] =	ssyncset.done $0x0  }
0x9c: {  	[sflag:s19] =	ssyncadd.s32 $0xFFFFF000  }
0x9d: {  	[spmem:s2] =	stream.indirect.scatter.add.f32 [tilespmem:s18], [sflag:$0x2], $0x20, s0, s12, $0xb8;
	[tilespmem:$0x1FC20] =	vst v63  }
0x9e: {  	_ =	swait.ge [sflag:s9], $0x1000  }
0x9f: {  	[sflag:s9] =	ssyncset.done $0x0  }
0xa0: {  	[sflag:s9] =	ssyncadd.s32 $0xFFFFF000  }
0xa1: {  	_ =	swait.ge [sflag:s19], $0x1000  }
0xa2: {  	[sflag:s19] =	ssyncset.done $0x0  }
0xa3: {  	[sflag:s19] =	ssyncadd.s32 $0xFFFFF000  }
0xa4: {  	[spmem:s2] =	stream.indirect.scatter.add.f32 [tilespmem:s13], [sflag:$0x2], $0x20, s31, s12, $0xb8;
	[tilespmem:$0x1FC20] =	vst v63  }
0xa5: {  	_ =	swait.ge [sflag:s9], $0x1000  }
0xa6: {  	s5 =	simm.s32 $0xE0;
	s20 =	simm.s32 $0x1C0;
	[sflag:s9] =	ssyncset.done $0x0  }
0xa7: {  	s23 =	simm.s32 $0x1F180;
	s24 =	simm.s32 $0x1ED80;
	[sflag:s9] =	ssyncadd.s32 $0xFFFFF000  }
0xa8: {  	s25 =	simm.s32 $0x1F200;
	s26 =	simm.s32 $0x1F580;
	_ =	swait.ge [sflag:s19], $0x1000  }
0xa9: {  	s28 =	simm.s32 $0x1F280;
	s29 =	simm.s32 $0x1EE80;
	[sflag:s19] =	ssyncset.done $0x0  }
0xaa: {  	s30 =	simm.s32 $0x1F300;
	s1 =	simm.s32 $0x1F400;
	[sflag:s19] =	ssyncadd.s32 $0xFFFFF000  }
0xab: {  	[spmem:s2] =	stream.indirect.scatter.add.f32 [tilespmem:s14], [sflag:$0x2], $0x20, s26, s12, $0xb8;
	[tilespmem:$0x1FC20] =	vst v63  }
0xac: {  	s0 =	simm.s32 $0x1F480;
	s31 =	simm.s32 $0x1F380;
	_ =	swait.ge [sflag:s9], $0x1000  }
0xad: {  	s26 =	simm.s32 $0x1EE00;
	s21 =	rddreg [dreg:$0x3];
	[sflag:s9] =	ssyncset.done $0x0  }
.LBB2_6:
0xae: {  	[sflag:s9] =	ssyncadd.s32 $0xFFFFF000;
	s21 =	sadd.s32 s5, s21  }
0xaf: {  	[tilespmem:s10], [sflag:$0x2] =	stream.linear.gather [hbm4b:s21+s3], $0x700, $0x38;
	[tilespmem:$0x1FC20] =	vst v63  }
0xb0: {  	_ =	swait.ge [sflag:s9], $0x700  }
0xb1: {  	s21 =	rddreg [dreg:$0x4];
	[sflag:s9] =	ssyncset.done $0x0  }
0xb2: {  	[sflag:s9] =	ssyncadd.s32 $0xFFFFF900;
	s21 =	sadd.s32 s5, s21  }
0xb3: {  	[tilespmem:s11], [sflag:$0x2] =	stream.linear.gather [hbm4b:s21+s3], $0x700, $0x38;
	[tilespmem:$0x1FC20] =	vst v63  }
0xb4: {  	_ =	swait.ge [sflag:s9], $0x700  }
0xb5: {  	[sflag:s9] =	ssyncset.done $0x0  }
0xb6: {  	[sflag:s9] =	ssyncadd.s32 $0xFFFFF900  }
0xb7: {  	[tilespmem:s13], [sflag:$0x1] =	stream.indirect.gather [hbm4b:s4+s12], $0x20, s10, s12, $0xb8;
	[tilespmem:$0x1FC20] =	vst v63  }
0xb8: {  	s22 =	smov.u32 s20;
	s21 =	rddreg [dreg:$0x5]  }
0xb9: {  	[tilespmem:s14], [sflag:$0x1] =	stream.indirect.gather [hbm4b:s4+s12], $0x20, s21, s12, $0xb8;
	[tilespmem:$0x1FC20] =	vst v63  }
0xba: {  	s5 =	smov.u32 s22;
	s22 =	rddreg [dreg:$0x6]  }
0xbb: {  	[tilespmem:s15], [sflag:$0x1] =	stream.indirect.gather [hbm4b:s4+s12], $0x20, s22, s12, $0xb8;
	[tilespmem:$0x1FC20] =	vst v63  }
0xbc: {  	s21 =	rddreg [dreg:$0x7]  }
0xbd: {  	[tilespmem:s16], [sflag:$0x1] =	stream.indirect.gather [hbm4b:s4+s12], $0x20, s21, s12, $0xb8;
	[tilespmem:$0x1FC20] =	vst v63  }
0xbe: {  	s22 =	rddreg [dreg:$0x8]  }
0xbf: {  	[tilespmem:s17], [sflag:$0x1] =	stream.indirect.gather [hbm4b:s4+s12], $0x20, s22, s12, $0xb8;
	[tilespmem:$0x1FC20] =	vst v63  }
0xc0: {  	s21 =	rddreg [dreg:$0x9]  }
0xc1: {  	[tilespmem:s18], [sflag:$0x1] =	stream.indirect.gather [hbm4b:s4+s12], $0x20, s21, s12, $0xb8;
	[tilespmem:$0x1FC20] =	vst v63  }
0xc2: {  	_ =	swait.ge [sflag:s19], $0x1000  }
0xc3: {  	[sflag:s19] =	ssyncset.done $0x0  }
0xc4: {  	[sflag:s19] =	ssyncadd.s32 $0xFFFFF000  }
0xc5: {  	[spmem:s2] =	stream.indirect.scatter.add.f32 [tilespmem:s13], [sflag:$0x2], $0x20, s11, s12, $0xb8;
	[tilespmem:$0x1FC20] =	vst v63  }
0xc6: {  	_ =	swait.ge [sflag:s9], $0x1000  }
0xc7: {  	[sflag:s9] =	ssyncset.done $0x0  }
0xc8: {  	s21 =	rddreg [dreg:$0xa];
	[sflag:s9] =	ssyncadd.s32 $0xFFFFF000  }
0xc9: {  	[tilespmem:s13], [sflag:$0x1] =	stream.indirect.gather [hbm4b:s4+s12], $0x20, s21, s12, $0xb8;
	[tilespmem:$0x1FC20] =	vst v63  }
0xca: {  	_ =	swait.ge [sflag:s19], $0x1000  }
0xcb: {  	[sflag:s19] =	ssyncset.done $0x0  }
0xcc: {  	s21 =	rddreg [dreg:$0xb];
	[sflag:s19] =	ssyncadd.s32 $0xFFFFF000  }
0xcd: {  	[spmem:s2] =	stream.indirect.scatter.add.f32 [tilespmem:s14], [sflag:$0x2], $0x20, s21, s12, $0xb8;
	[tilespmem:$0x1FC20] =	vst v63  }
0xce: {  	_ =	swait.ge [sflag:s9], $0x1000  }
0xcf: {  	[sflag:s9] =	ssyncset.done $0x0  }
0xd0: {  	s21 =	rddreg [dreg:$0xc];
	[sflag:s9] =	ssyncadd.s32 $0xFFFFF000  }
0xd1: {  	[tilespmem:s14], [sflag:$0x1] =	stream.indirect.gather [hbm4b:s4+s12], $0x20, s21, s12, $0xb8;
	[tilespmem:$0x1FC20] =	vst v63  }
0xd2: {  	_ =	swait.ge [sflag:s19], $0x1000  }
0xd3: {  	[sflag:s19] =	ssyncset.done $0x0  }
0xd4: {  	s21 =	rddreg [dreg:$0xd];
	[sflag:s19] =	ssyncadd.s32 $0xFFFFF000  }
0xd5: {  	[spmem:s2] =	stream.indirect.scatter.add.f32 [tilespmem:s15], [sflag:$0x2], $0x20, s21, s12, $0xb8;
	[tilespmem:$0x1FC20] =	vst v63  }
0xd6: {  	_ =	swait.ge [sflag:s9], $0x1000  }
0xd7: {  	[sflag:s9] =	ssyncset.done $0x0  }
0xd8: {  	s21 =	rddreg [dreg:$0xe];
	[sflag:s9] =	ssyncadd.s32 $0xFFFFF000  }
0xd9: {  	[tilespmem:s15], [sflag:$0x1] =	stream.indirect.gather [hbm4b:s4+s12], $0x20, s21, s12, $0xb8;
	[tilespmem:$0x1FC20] =	vst v63  }
0xda: {  	_ =	swait.ge [sflag:s19], $0x1000  }
0xdb: {  	[sflag:s19] =	ssyncset.done $0x0  }
0xdc: {  	s21 =	rddreg [dreg:$0xf];
	[sflag:s19] =	ssyncadd.s32 $0xFFFFF000  }
0xdd: {  	[spmem:s2] =	stream.indirect.scatter.add.f32 [tilespmem:s16], [sflag:$0x2], $0x20, s21, s12, $0xb8;
	[tilespmem:$0x1FC20] =	vst v63  }
0xde: {  	_ =	swait.ge [sflag:s9], $0x1000  }
0xdf: {  	[sflag:s9] =	ssyncset.done $0x0  }
0xe0: {  	s21 =	rddreg [dreg:$0x10];
	[sflag:s9] =	ssyncadd.s32 $0xFFFFF000  }
0xe1: {  	[tilespmem:s16], [sflag:$0x1] =	stream.indirect.gather [hbm4b:s4+s12], $0x20, s21, s12, $0xb8;
	[tilespmem:$0x1FC20] =	vst v63  }
0xe2: {  	_ =	swait.ge [sflag:s19], $0x1000  }
0xe3: {  	[sflag:s19] =	ssyncset.done $0x0  }
0xe4: {  	s21 =	rddreg [dreg:$0x11];
	[sflag:s19] =	ssyncadd.s32 $0xFFFFF000  }
0xe5: {  	[spmem:s2] =	stream.indirect.scatter.add.f32 [tilespmem:s17], [sflag:$0x2], $0x20, s21, s12, $0xb8;
	[tilespmem:$0x1FC20] =	vst v63  }
0xe6: {  	_ =	swait.ge [sflag:s9], $0x1000  }
0xe7: {  	[sflag:s9] =	ssyncset.done $0x0  }
0xe8: {  	s22 =	simm.s32 $0x1ED00;
	[sflag:s9] =	ssyncadd.s32 $0xFFFFF000  }
0xe9: {  	[tilespmem:s17], [sflag:$0x1] =	stream.indirect.gather [hbm4b:s4+s12], $0x20, s22, s12, $0xb8;
	[tilespmem:$0x1FC20] =	vst v63  }
0xea: {  	_ =	swait.ge [sflag:s19], $0x1000  }
0xeb: {  	[sflag:s19] =	ssyncset.done $0x0  }
0xec: {  	[sflag:s19] =	ssyncadd.s32 $0xFFFFF000  }
0xed: {  	[spmem:s2] =	stream.indirect.scatter.add.f32 [tilespmem:s18], [sflag:$0x2], $0x20, s23, s12, $0xb8;
	[tilespmem:$0x1FC20] =	vst v63  }
0xee: {  	_ =	swait.ge [sflag:s9], $0x1000  }
0xef: {  	[sflag:s9] =	ssyncset.done $0x0  }
0xf0: {  	[sflag:s9] =	ssyncadd.s32 $0xFFFFF000  }
0xf1: {  	[tilespmem:s18], [sflag:$0x1] =	stream.indirect.gather [hbm4b:s4+s12], $0x20, s24, s12, $0xb8;
	[tilespmem:$0x1FC20] =	vst v63  }
0xf2: {  	_ =	swait.ge [sflag:s19], $0x1000  }
0xf3: {  	[sflag:s19] =	ssyncset.done $0x0  }
0xf4: {  	[sflag:s19] =	ssyncadd.s32 $0xFFFFF000  }
0xf5: {  	[spmem:s2] =	stream.indirect.scatter.add.f32 [tilespmem:s13], [sflag:$0x2], $0x20, s25, s12, $0xb8;
	[tilespmem:$0x1FC20] =	vst v63  }
0xf6: {  	_ =	swait.ge [sflag:s9], $0x1000  }
0xf7: {  	[sflag:s9] =	ssyncset.done $0x0  }
0xf8: {  	[sflag:s9] =	ssyncadd.s32 $0xFFFFF000  }
0xf9: {  	[tilespmem:s13], [sflag:$0x1] =	stream.indirect.gather [hbm4b:s4+s12], $0x20, s26, s12, $0xb8;
	[tilespmem:$0x1FC20] =	vst v63  }
0xfa: {  	_ =	swait.ge [sflag:s19], $0x1000  }
0xfb: {  	[sflag:s19] =	ssyncset.done $0x0  }
0xfc: {  	[sflag:s19] =	ssyncadd.s32 $0xFFFFF000  }
0xfd: {  	[spmem:s2] =	stream.indirect.scatter.add.f32 [tilespmem:s14], [sflag:$0x2], $0x20, s28, s12, $0xb8;
	[tilespmem:$0x1FC20] =	vst v63  }
0xfe: {  	_ =	swait.ge [sflag:s9], $0x1000  }
0xff: {  	[sflag:s9] =	ssyncset.done $0x0  }
0x100: {  	[sflag:s9] =	ssyncadd.s32 $0xFFFFF000  }
0x101: {  	[tilespmem:s14], [sflag:$0x1] =	stream.indirect.gather [hbm4b:s4+s12], $0x20, s29, s12, $0xb8;
	[tilespmem:$0x1FC20] =	vst v63  }
0x102: {  	_ =	swait.ge [sflag:s19], $0x1000  }
0x103: {  	[sflag:s19] =	ssyncset.done $0x0  }
0x104: {  	[sflag:s19] =	ssyncadd.s32 $0xFFFFF000  }
0x105: {  	[spmem:s2] =	stream.indirect.scatter.add.f32 [tilespmem:s15], [sflag:$0x2], $0x20, s30, s12, $0xb8;
	[tilespmem:$0x1FC20] =	vst v63  }
0x106: {  	_ =	swait.ge [sflag:s9], $0x1000  }
0x107: {  	[sflag:s9] =	ssyncset.done $0x0  }
0x108: {  	[sflag:s9] =	ssyncadd.s32 $0xFFFFF000  }
0x109: {  	_ =	swait.ge [sflag:s19], $0x1000  }
0x10a: {  	[sflag:s19] =	ssyncset.done $0x0  }
0x10b: {  	[sflag:s19] =	ssyncadd.s32 $0xFFFFF000  }
0x10c: {  	[spmem:s2] =	stream.indirect.scatter.add.f32 [tilespmem:s16], [sflag:$0x2], $0x20, s31, s12, $0xb8;
	[tilespmem:$0x1FC20] =	vst v63  }
0x10d: {  	_ =	swait.ge [sflag:s9], $0x1000  }
0x10e: {  	[sflag:s9] =	ssyncset.done $0x0  }
0x10f: {  	[sflag:s9] =	ssyncadd.s32 $0xFFFFF000  }
0x110: {  	_ =	swait.ge [sflag:s19], $0x1000  }
0x111: {  	[sflag:s19] =	ssyncset.done $0x0  }
0x112: {  	[sflag:s19] =	ssyncadd.s32 $0xFFFFF000  }
0x113: {  	[spmem:s2] =	stream.indirect.scatter.add.f32 [tilespmem:s17], [sflag:$0x2], $0x20, s1, s12, $0xb8;
	[tilespmem:$0x1FC20] =	vst v63  }
0x114: {  	_ =	swait.ge [sflag:s9], $0x1000  }
0x115: {  	[sflag:s9] =	ssyncset.done $0x0  }
0x116: {  	[sflag:s9] =	ssyncadd.s32 $0xFFFFF000  }
0x117: {  	_ =	swait.ge [sflag:s19], $0x1000  }
0x118: {  	[sflag:s19] =	ssyncset.done $0x0  }
0x119: {  	[sflag:s19] =	ssyncadd.s32 $0xFFFFF000  }
0x11a: {  	[spmem:s2] =	stream.indirect.scatter.add.f32 [tilespmem:s18], [sflag:$0x2], $0x20, s0, s12, $0xb8;
	[tilespmem:$0x1FC20] =	vst v63  }
0x11b: {  	_ =	swait.ge [sflag:s9], $0x1000  }
0x11c: {  	[sflag:s9] =	ssyncset.done $0x0  }
0x11d: {  	[sflag:s9] =	ssyncadd.s32 $0xFFFFF000  }
0x11e: {  	_ =	swait.ge [sflag:s19], $0x1000  }
0x11f: {  	[sflag:s19] =	ssyncset.done $0x0  }
0x120: {  	s21 =	simm.s32 $0x1F500;
	[sflag:s19] =	ssyncadd.s32 $0xFFFFF000  }
0x121: {  	[spmem:s2] =	stream.indirect.scatter.add.f32 [tilespmem:s13], [sflag:$0x2], $0x20, s21, s12, $0xb8;
	[tilespmem:$0x1FC20] =	vst v63  }
0x122: {  	_ =	swait.ge [sflag:s9], $0x1000  }
0x123: {  	[sflag:s9] =	ssyncset.done $0x0  }
0x124: {  	[sflag:s9] =	ssyncadd.s32 $0xFFFFF000  }
0x125: {  	p0 =	sne.s32 s20, $0x17A0;
	_ =	swait.ge [sflag:s19], $0x1000  }
.Ltmp2:
0x126: {  	[sflag:s19] =	ssyncset.done $0x0;
	(pc) =	sbr.rel @p0 .LBB2_6-.Ltmp2, $4  }
0x127: {  	s21 =	simm.s32 $0x1F580;
	[sflag:s19] =	ssyncadd.s32 $0xFFFFF000  }
0x128: {  	[spmem:s2] =	stream.indirect.scatter.add.f32 [tilespmem:s14], [sflag:$0x2], $0x20, s21, s12, $0xb8;
	[tilespmem:$0x1FC20] =	vst v63  }
0x129: {  	_ =	swait.ge [sflag:s9], $0x1000  }
0x12a: {  	s20 =	sadd.s32 $0xE0, s20;
	s21 =	rddreg [dreg:$0x3];
	[sflag:s9] =	ssyncset.done $0x0  }
0x12b: {  	[sflag:s9] =	ssyncadd.s32 $0xFFFFF000;
	s20 =	sadd.s32 s5, s21  }
0x12c: {  	[tilespmem:s10], [sflag:$0x2] =	stream.linear.gather [hbm4b:s20+s3], $0x700, $0x38;
	[tilespmem:$0x1FC20] =	vst v63  }
0x12d: {  	_ =	swait.ge [sflag:s9], $0x700  }
0x12e: {  	s21 =	rddreg [dreg:$0x4];
	[sflag:s9] =	ssyncset.done $0x0  }
0x12f: {  	[sflag:s9] =	ssyncadd.s32 $0xFFFFF900;
	s20 =	sadd.s32 s5, s21  }
0x130: {  	[tilespmem:s11], [sflag:$0x2] =	stream.linear.gather [hbm4b:s20+s3], $0x700, $0x38;
	[tilespmem:$0x1FC20] =	vst v63  }
0x131: {  	_ =	swait.ge [sflag:s9], $0x700  }
0x132: {  	[sflag:s9] =	ssyncset.done $0x0  }
0x133: {  	[sflag:s9] =	ssyncadd.s32 $0xFFFFF900  }
0x134: {  	[tilespmem:s13], [sflag:$0x1] =	stream.indirect.gather [hbm4b:s4+s12], $0x20, s10, s12, $0xb8;
	[tilespmem:$0x1FC20] =	vst v63  }
0x135: {  	s21 =	rddreg [dreg:$0x5]  }
0x136: {  	[tilespmem:s14], [sflag:$0x1] =	stream.indirect.gather [hbm4b:s4+s12], $0x20, s21, s12, $0xb8;
	[tilespmem:$0x1FC20] =	vst v63  }
0x137: {  	s20 =	rddreg [dreg:$0x6]  }
0x138: {  	[tilespmem:s15], [sflag:$0x1] =	stream.indirect.gather [hbm4b:s4+s12], $0x20, s20, s12, $0xb8;
	[tilespmem:$0x1FC20] =	vst v63  }
0x139: {  	s21 =	rddreg [dreg:$0x7]  }
0x13a: {  	[tilespmem:s16], [sflag:$0x1] =	stream.indirect.gather [hbm4b:s4+s12], $0x20, s21, s12, $0xb8;
	[tilespmem:$0x1FC20] =	vst v63  }
0x13b: {  	s20 =	rddreg [dreg:$0x8]  }
0x13c: {  	[tilespmem:s17], [sflag:$0x1] =	stream.indirect.gather [hbm4b:s4+s12], $0x20, s20, s12, $0xb8;
	[tilespmem:$0x1FC20] =	vst v63  }
0x13d: {  	s21 =	rddreg [dreg:$0x9]  }
0x13e: {  	[tilespmem:s18], [sflag:$0x1] =	stream.indirect.gather [hbm4b:s4+s12], $0x20, s21, s12, $0xb8;
	[tilespmem:$0x1FC20] =	vst v63  }
0x13f: {  	_ =	swait.ge [sflag:s19], $0x1000  }
0x140: {  	[sflag:s19] =	ssyncset.done $0x0  }
0x141: {  	[sflag:s19] =	ssyncadd.s32 $0xFFFFF000  }
0x142: {  	[spmem:s2] =	stream.indirect.scatter.add.f32 [tilespmem:s13], [sflag:$0x2], $0x20, s11, s12, $0xb8;
	[tilespmem:$0x1FC20] =	vst v63  }
0x143: {  	_ =	swait.ge [sflag:s9], $0x1000  }
0x144: {  	[sflag:s9] =	ssyncset.done $0x0  }
0x145: {  	s20 =	rddreg [dreg:$0xa];
	[sflag:s9] =	ssyncadd.s32 $0xFFFFF000  }
0x146: {  	[tilespmem:s13], [sflag:$0x1] =	stream.indirect.gather [hbm4b:s4+s12], $0x20, s20, s12, $0xb8;
	[tilespmem:$0x1FC20] =	vst v63  }
0x147: {  	_ =	swait.ge [sflag:s19], $0x1000  }
0x148: {  	[sflag:s19] =	ssyncset.done $0x0  }
0x149: {  	s21 =	rddreg [dreg:$0xb];
	[sflag:s19] =	ssyncadd.s32 $0xFFFFF000  }
0x14a: {  	[spmem:s2] =	stream.indirect.scatter.add.f32 [tilespmem:s14], [sflag:$0x2], $0x20, s21, s12, $0xb8;
	[tilespmem:$0x1FC20] =	vst v63  }
0x14b: {  	_ =	swait.ge [sflag:s9], $0x1000  }
0x14c: {  	[sflag:s9] =	ssyncset.done $0x0  }
0x14d: {  	s20 =	rddreg [dreg:$0xc];
	[sflag:s9] =	ssyncadd.s32 $0xFFFFF000  }
0x14e: {  	[tilespmem:s14], [sflag:$0x1] =	stream.indirect.gather [hbm4b:s4+s12], $0x20, s20, s12, $0xb8;
	[tilespmem:$0x1FC20] =	vst v63  }
0x14f: {  	_ =	swait.ge [sflag:s19], $0x1000  }
0x150: {  	[sflag:s19] =	ssyncset.done $0x0  }
0x151: {  	s21 =	rddreg [dreg:$0xd];
	[sflag:s19] =	ssyncadd.s32 $0xFFFFF000  }
0x152: {  	[spmem:s2] =	stream.indirect.scatter.add.f32 [tilespmem:s15], [sflag:$0x2], $0x20, s21, s12, $0xb8;
	[tilespmem:$0x1FC20] =	vst v63  }
0x153: {  	_ =	swait.ge [sflag:s9], $0x1000  }
0x154: {  	[sflag:s9] =	ssyncset.done $0x0  }
0x155: {  	s20 =	rddreg [dreg:$0xe];
	[sflag:s9] =	ssyncadd.s32 $0xFFFFF000  }
0x156: {  	[tilespmem:s15], [sflag:$0x1] =	stream.indirect.gather [hbm4b:s4+s12], $0x20, s20, s12, $0xb8;
	[tilespmem:$0x1FC20] =	vst v63  }
0x157: {  	_ =	swait.ge [sflag:s19], $0x1000  }
0x158: {  	[sflag:s19] =	ssyncset.done $0x0  }
0x159: {  	s21 =	rddreg [dreg:$0xf];
	[sflag:s19] =	ssyncadd.s32 $0xFFFFF000  }
0x15a: {  	[spmem:s2] =	stream.indirect.scatter.add.f32 [tilespmem:s16], [sflag:$0x2], $0x20, s21, s12, $0xb8;
	[tilespmem:$0x1FC20] =	vst v63  }
0x15b: {  	_ =	swait.ge [sflag:s9], $0x1000  }
0x15c: {  	[sflag:s9] =	ssyncset.done $0x0  }
0x15d: {  	s20 =	rddreg [dreg:$0x10];
	[sflag:s9] =	ssyncadd.s32 $0xFFFFF000  }
0x15e: {  	[tilespmem:s16], [sflag:$0x1] =	stream.indirect.gather [hbm4b:s4+s12], $0x20, s20, s12, $0xb8;
	[tilespmem:$0x1FC20] =	vst v63  }
0x15f: {  	_ =	swait.ge [sflag:s19], $0x1000  }
0x160: {  	[sflag:s19] =	ssyncset.done $0x0  }
0x161: {  	s21 =	rddreg [dreg:$0x11];
	[sflag:s19] =	ssyncadd.s32 $0xFFFFF000  }
0x162: {  	[spmem:s2] =	stream.indirect.scatter.add.f32 [tilespmem:s17], [sflag:$0x2], $0x20, s21, s12, $0xb8;
	[tilespmem:$0x1FC20] =	vst v63  }
0x163: {  	_ =	swait.ge [sflag:s9], $0x1000  }
0x164: {  	[sflag:s9] =	ssyncset.done $0x0  }
0x165: {  	[sflag:s9] =	ssyncadd.s32 $0xFFFFF000  }
0x166: {  	[tilespmem:s17], [sflag:$0x1] =	stream.indirect.gather [hbm4b:s4+s12], $0x20, s22, s12, $0xb8;
	[tilespmem:$0x1FC20] =	vst v63  }
0x167: {  	_ =	swait.ge [sflag:s19], $0x1000  }
0x168: {  	[sflag:s19] =	ssyncset.done $0x0  }
0x169: {  	[sflag:s19] =	ssyncadd.s32 $0xFFFFF000  }
0x16a: {  	[spmem:s2] =	stream.indirect.scatter.add.f32 [tilespmem:s18], [sflag:$0x2], $0x20, s23, s12, $0xb8;
	[tilespmem:$0x1FC20] =	vst v63  }
0x16b: {  	_ =	swait.ge [sflag:s9], $0x1000  }
0x16c: {  	[sflag:s9] =	ssyncset.done $0x0  }
0x16d: {  	[sflag:s9] =	ssyncadd.s32 $0xFFFFF000  }
0x16e: {  	[tilespmem:s18], [sflag:$0x1] =	stream.indirect.gather [hbm4b:s4+s12], $0x20, s24, s12, $0xb8;
	[tilespmem:$0x1FC20] =	vst v63  }
0x16f: {  	_ =	swait.ge [sflag:s19], $0x1000  }
0x170: {  	[sflag:s19] =	ssyncset.done $0x0  }
0x171: {  	[sflag:s19] =	ssyncadd.s32 $0xFFFFF000  }
0x172: {  	[spmem:s2] =	stream.indirect.scatter.add.f32 [tilespmem:s13], [sflag:$0x2], $0x20, s25, s12, $0xb8;
	[tilespmem:$0x1FC20] =	vst v63  }
0x173: {  	_ =	swait.ge [sflag:s9], $0x1000  }
0x174: {  	[sflag:s9] =	ssyncset.done $0x0  }
0x175: {  	[sflag:s9] =	ssyncadd.s32 $0xFFFFF000  }
0x176: {  	[tilespmem:s13], [sflag:$0x1] =	stream.indirect.gather [hbm4b:s4+s12], $0x20, s26, s12, $0xb8;
	[tilespmem:$0x1FC20] =	vst v63  }
0x177: {  	_ =	swait.ge [sflag:s19], $0x1000  }
0x178: {  	[sflag:s19] =	ssyncset.done $0x0  }
0x179: {  	[sflag:s19] =	ssyncadd.s32 $0xFFFFF000  }
0x17a: {  	[spmem:s2] =	stream.indirect.scatter.add.f32 [tilespmem:s14], [sflag:$0x2], $0x20, s28, s12, $0xb8;
	[tilespmem:$0x1FC20] =	vst v63  }
0x17b: {  	_ =	swait.ge [sflag:s9], $0x1000  }
0x17c: {  	[sflag:s9] =	ssyncset.done $0x0  }
0x17d: {  	[sflag:s9] =	ssyncadd.s32 $0xFFFFF000  }
0x17e: {  	[tilespmem:s14], [sflag:$0x1] =	stream.indirect.gather [hbm4b:s4+s12], $0x20, s29, s12, $0xb8;
	[tilespmem:$0x1FC20] =	vst v63  }
0x17f: {  	_ =	swait.ge [sflag:s19], $0x1000  }
0x180: {  	[sflag:s19] =	ssyncset.done $0x0  }
0x181: {  	[sflag:s19] =	ssyncadd.s32 $0xFFFFF000  }
0x182: {  	[spmem:s2] =	stream.indirect.scatter.add.f32 [tilespmem:s15], [sflag:$0x2], $0x20, s30, s12, $0xb8;
	[tilespmem:$0x1FC20] =	vst v63  }
0x183: {  	_ =	swait.ge [sflag:s9], $0x1000  }
0x184: {  	[sflag:s9] =	ssyncset.done $0x0  }
0x185: {  	[sflag:s9] =	ssyncadd.s32 $0xFFFFF000  }
0x186: {  	_ =	swait.ge [sflag:s19], $0x1000  }
0x187: {  	[sflag:s19] =	ssyncset.done $0x0  }
0x188: {  	[sflag:s19] =	ssyncadd.s32 $0xFFFFF000  }
0x189: {  	[spmem:s2] =	stream.indirect.scatter.add.f32 [tilespmem:s16], [sflag:$0x2], $0x20, s31, s12, $0xb8;
	[tilespmem:$0x1FC20] =	vst v63  }
0x18a: {  	_ =	swait.ge [sflag:s9], $0x1000  }
0x18b: {  	[sflag:s9] =	ssyncset.done $0x0  }
0x18c: {  	[sflag:s9] =	ssyncadd.s32 $0xFFFFF000  }
0x18d: {  	_ =	swait.ge [sflag:s19], $0x1000  }
0x18e: {  	[sflag:s19] =	ssyncset.done $0x0  }
0x18f: {  	[sflag:s19] =	ssyncadd.s32 $0xFFFFF000  }
0x190: {  	[spmem:s2] =	stream.indirect.scatter.add.f32 [tilespmem:s17], [sflag:$0x2], $0x20, s1, s12, $0xb8;
	[tilespmem:$0x1FC20] =	vst v63  }
0x191: {  	_ =	swait.ge [sflag:s9], $0x1000  }
0x192: {  	[sflag:s9] =	ssyncset.done $0x0  }
0x193: {  	[sflag:s9] =	ssyncadd.s32 $0xFFFFF000  }
0x194: {  	_ =	swait.ge [sflag:s19], $0x1000  }
0x195: {  	[sflag:s19] =	ssyncset.done $0x0  }
0x196: {  	[sflag:s19] =	ssyncadd.s32 $0xFFFFF000  }
0x197: {  	[spmem:s2] =	stream.indirect.scatter.add.f32 [tilespmem:s18], [sflag:$0x2], $0x20, s0, s12, $0xb8;
	[tilespmem:$0x1FC20] =	vst v63  }
0x198: {  	_ =	swait.ge [sflag:s9], $0x1000  }
0x199: {  	[sflag:s9] =	ssyncset.done $0x0  }
0x19a: {  	[sflag:s9] =	ssyncadd.s32 $0xFFFFF000  }
0x19b: {  	_ =	swait.ge [sflag:s19], $0x1000  }
0x19c: {  	[sflag:s19] =	ssyncset.done $0x0  }
0x19d: {  	s24 =	simm.s32 $0x1F500;
	[sflag:s19] =	ssyncadd.s32 $0xFFFFF000  }
0x19e: {  	[spmem:s2] =	stream.indirect.scatter.add.f32 [tilespmem:s13], [sflag:$0x2], $0x20, s24, s12, $0xb8;
	[tilespmem:$0x1FC20] =	vst v63  }
0x19f: {  	_ =	swait.ge [sflag:s9], $0x1000  }
0x1a0: {  	[sflag:s9] =	ssyncset.done $0x0  }
0x1a1: {  	[sflag:s9] =	ssyncadd.s32 $0xFFFFF000  }
0x1a2: {  	_ =	swait.ge [sflag:s19], $0x1000  }
0x1a3: {  	[sflag:s19] =	ssyncset.done $0x0  }
0x1a4: {  	s25 =	simm.s32 $0x1F580;
	[sflag:s19] =	ssyncadd.s32 $0xFFFFF000  }
0x1a5: {  	[spmem:s2] =	stream.indirect.scatter.add.f32 [tilespmem:s14], [sflag:$0x2], $0x20, s25, s12, $0xb8;
	[tilespmem:$0x1FC20] =	vst v63  }
0x1a6: {  	_ =	swait.ge [sflag:s9], $0x1000  }
0x1a7: {  	[sflag:s9] =	ssyncset.done $0x0  }
0x1a8: {  	s5 =	simm.s32 $0xC4;
	[sflag:s9] =	ssyncadd.s32 $0xFFFFF000  }
0x1a9: {  	s20 =	smov.u32 s6;
	s23 =	simm.s32 $0x1ED80;
	[bflag:$0x0] =	sbarrier.arrive $0xFFFF  }
0x1aa: {  	[tilespmem:s8], [sflag:$0x2] =	stream.linear.gather [spmem:s6], $0x620, $0x38;
	[tilespmem:$0x1FC20] =	vst v63  }
0x1ab: {  	s26 =	sadd.s32 $0x0, s7;
	s28 =	simm.s32 $0x1EE80;
	_ =	swait.ge [sflag:s9], $0x620  }
0x1ac: {  	s29 =	simm.s32 $0x1F300;
	s30 =	simm.s32 $0x1F380;
	[sflag:s9] =	ssyncset.done $0x0  }
0x1ad: {  	s31 =	simm.s32 $0x1F500;
	s1 =	simm.s32 $0x1F400;
	[sflag:s9] =	ssyncadd.s32 $0xFFFFF9E0  }
0x1ae: {  	[hbm4b:s26+s3] =	stream.linear.scatter [tilespmem:s8], [sflag:$0x2], $0x620, $0x38;
	[tilespmem:$0x1FC20] =	vst v63  }
0x1af: {  	s0 =	simm.s32 $0x1F480;
	s24 =	simm.s32 $0x1F200;
	_ =	swait.ge [sflag:s9], $0x620  }
0x1b0: {  	s25 =	simm.s32 $0x1EE00;
	s26 =	simm.s32 $0x1F280;
	[sflag:s9] =	ssyncset.done $0x0  }
.LBB2_8:
0x1b1: {  	p0 =	sne.s32 s5, $0x303C;
	[sflag:s9] =	ssyncadd.s32 $0xFFFFF9E0;
	s20 =	sadd.s32 $0x620, s20  }
0x1b2: {  	[tilespmem:s8], [sflag:$0x2] =	stream.linear.gather [spmem:s20], $0x620, $0x38;
	[tilespmem:$0x1FC20] =	vst v63  }
0x1b3: {  	s21 =	smov.u32 s5;
	s5 =	sadd.s32 $0xC4, s5;
	_ =	swait.ge [sflag:s9], $0x620  }
.Ltmp3:
0x1b4: {  	[sflag:s9] =	ssyncset.done $0x0;
	(pc) =	sbr.rel @p0 .LBB2_8-.Ltmp3, $4  }
0x1b5: {  	s21 =	sadd.s32 s21, s7;
	[sflag:s9] =	ssyncadd.s32 $0xFFFFF9E0  }
0x1b6: {  	[hbm4b:s21+s3] =	stream.linear.scatter [tilespmem:s8], [sflag:$0x2], $0x620, $0x38;
	[tilespmem:$0x1FC20] =	vst v63  }
0x1b7: {  	_ =	swait.ge [sflag:s9], $0x620  }
0x1b8: {  	[sflag:s9] =	ssyncset.done $0x0  }
0x1b9: {  	s20 =	rddreg [dreg:$0x13]  }
0x1ba: {  	s5 =	rddreg [dreg:$0x12];
	s20 =	sadd.s32 $0x1, s20  }
0x1bb: {  	p0 =	sne.s32 s20, s5  }
.Ltmp4:
0x1bc: {  	_ = 	snop;
	(pc) =	sbr.rel @p0 .LBB2_1-.Ltmp4, $2  }
0x1bd: {  	_ =	sdelay $0x2  }
0x1be: {  	[sflag:s9] =	ssyncadd.s32 $0xFFFFF9E0;
	s21 =	simm.s32 $0x1F180  }
0x1bf: {  	_ =	sfence.sel $0x180000  }
0x1c0: {  	[bflag:$0x0] =	sbarrier.arrive $0xFFFF  }
0x1c1: {  	_ =	strace $0x90000050  }
0x1c2: {  	s0 =	stileid.u32;
	[bflag:$0x2] =	sbarrier.arrive $0xFFFF  }
0x1c3: {  	p0 =	sne.s32 s0, $0x0;
	s0 =	rddreg [dreg:$0x2]  }
0x1c4: {  	s0 =	sadd.s32 @!p0 $0x100000, s0  }
0x1c5: {  	[sflag:s0] =	ssyncadd.tile.s32 @!p0 $0x1;
	_ =	shalt  }
.Lfunc_end2:
_tile_overlayer_lowered:
.L_overlay_start_2:
0x1c6: {  	(tag) =	ssettag $0x2  }
0x1c7: {  	s0 =	rddreg [dreg:$0x0];
	s2 =	stileid.u32  }
0x1c8: {  	s1 =	rddreg [dreg:$0x1];
	p0 =	sne.s32 s2, $0x0  }
0x1c9: {  	s3 =	rddreg [dreg:$0x2];
	[bflag:$0x3] =	sbarrier.arrive $0xFFFF;
	s2 =	simm.s32 @!p0 $0x1C02  }
0x1ca: {  	[timem:s3], [sflag:s2] =	dma.local @!p0 [hbm:s0], s1  }
0x1cb: {  	s0 =	simm.s32 @!p0 $0x2  }
0x1cc: {  	_ =	swait.ge @!p0 [sflag:s0], s1  }
0x1cd: {  	s1 =	ssub.s32 @!p0 $0x0, s1;
	[sflag:s0] =	ssyncset.done @!p0 $0x0  }
0x1ce: {  	[sflag:s0] =	ssyncadd.s32 @!p0 s1  }
0x1cf: {  	[bflag:$0x3] =	sbarrier.arrive $0xFFFF  }
0x1d0: {  	_ =	shalt  }

</sc_bundles>
